<compile_context>
chip_gen: v7x
topology: tpu7x:2x2x1
jax: 0.10.2.dev20260603
libtpu: 0.0.44.dev20260713+nightly
codegen_flags: <defaults>
</compile_context>

<pallas_src>
import functools
import math

import jax
import jax.numpy as jnp
from jax import lax
from jax.experimental import pallas as pl
from jax.experimental.pallas import tpu as pltpu
from jax.experimental.pallas import tpu_sc as plsc

D_MODEL = 64
SCALE = math.sqrt(D_MODEL)

SEQ = 200
G0 = 104
NBUF = 4


@functools.lru_cache(maxsize=None)
def _build(NB):
    info = plsc.get_sparse_core_info()
    NW = info.num_cores * info.num_subcores
    b_per_w = NB // NW
    n_groups = b_per_w // NBUF

    mesh = plsc.VectorSubcoreMesh(core_axis_name="c", subcore_axis_name="s")

    @functools.partial(
        pl.kernel,
        mesh=mesh,
        compiler_params=pltpu.CompilerParams(use_tc_tiling_on_sc=False),
        out_type=jax.ShapeDtypeStruct((NB, SEQ, D_MODEL), jnp.float32),
        scratch_types=[
            pltpu.VMEM((b_per_w * SEQ,), jnp.int32),
            pltpu.VMEM((NBUF, 1, SEQ, D_MODEL), jnp.float32),
            pltpu.SemaphoreType.DMA,
            pltpu.SemaphoreType.DMA,
            pltpu.SemaphoreType.DMA,
            pltpu.SemaphoreType.DMA,
            pltpu.SemaphoreType.DMA,
            pltpu.SemaphoreType.DMA,
            pltpu.SemaphoreType.DMA,
            pltpu.SemaphoreType.DMA,
        ],
    )
    def emb_kernel(idx_hbm, table_hbm, out_hbm, idx_v, rows_v, *sems):
        gsem = sems[:NBUF]
        osem = sems[NBUF:]
        cid = lax.axis_index("c")
        sid = lax.axis_index("s")
        wid = sid * info.num_cores + cid
        bat_base = wid * b_per_w

        pltpu.sync_copy(
            idx_hbm.at[pl.ds(bat_base * SEQ, b_per_w * SEQ)], idx_v)

        def fire_gather(ci, s):
            for o, g in ((0, G0), (G0, SEQ - G0)):
                pltpu.async_copy(
                    table_hbm.at[idx_v.at[pl.ds(ci * SEQ + o, g)]],
                    rows_v.at[s, 0, pl.ds(o, g)],
                    gsem[s],
                )

        def wait_gather(s):
            pltpu.make_async_copy(
                table_hbm.at[pl.ds(0, SEQ)], rows_v.at[s], gsem[s]).wait()

        def out_slice(ci):
            return out_hbm.at[pl.ds(bat_base + ci, 1)]

        def wait_out(ci, s):
            pltpu.make_async_copy(
                rows_v.at[s], out_slice(ci), osem[s]).wait()

        for b in range(NBUF - 1):
            fire_gather(b, b)

        def group_body(g, carry):
            for b in range(NBUF):
                ci = g * NBUF + b
                wait_gather(b)

                def scale_row(r, carry2):
                    for d in range(D_MODEL // 16):
                        sl = pl.ds(d * 16, 16)
                        rows_v[b, 0, r, sl] = rows_v[b, 0, r, sl] * SCALE
                    return carry2

                lax.fori_loop(0, SEQ, scale_row, 0, unroll=8)

                pltpu.async_copy(rows_v.at[b], out_slice(ci), osem[b])

                s2 = (b + NBUF - 1) % NBUF
                @pl.when(ci >= 1)
                def _():
                    wait_out(ci - 1, s2)

                @pl.when(ci + NBUF - 1 < b_per_w)
                def _():
                    fire_gather(ci + NBUF - 1, s2)
            return carry

        lax.fori_loop(0, n_groups, group_body, 0)
        wait_out(b_per_w - 1, (b_per_w - 1) % NBUF)

    return emb_kernel


def kernel(x, pretrained_vector):
    NB, S = x.shape
    idx = x.reshape(NB * S).astype(jnp.int32)
    return _build(NB)(idx, pretrained_vector)

# --- scband reference (transcript-rebuilt; emitter-appended) ---
"""Pipeline reference for scband-word-embedding-12352325944213 (READ-ONLY COPY).

The authoritative reference and input builder live on the scoring server;
editing this copy changes nothing except your own understanding.
"""

import jax, jax.numpy as jnp
import numpy as np
import math

VOCAB = 1000000
D_MODEL = 64

def setup_inputs(seed: int = 0) -> dict:
    key = jax.random.key(seed)
    k1, k2 = jax.random.split(key)
    x = jax.random.randint(k1, (4096, 200), 0, VOCAB, dtype=jnp.int64 if jax.config.jax_enable_x64 else jnp.int32)
    pretrained_vector = jax.random.normal(k2, (VOCAB, D_MODEL), dtype=jnp.float32)
    return {"x": x, "pretrained_vector": pretrained_vector}

def reference(x, pretrained_vector):
    # WordEmbedding.forward: embedding lookup scaled by sqrt(d_model)
    emb = jnp.take(pretrained_vector, x, axis=0)
    return emb * math.sqrt(D_MODEL)

if __name__ == "__main__":
    import jax
    _d = setup_inputs()
    print(jax.jit(kernel)(*tuple(_d.values())))

</pallas_src>

<mosaic_0001>
#map = affine_map<(d0, d1) -> (0)>
#map1 = affine_map<(d0, d1) -> (0, 0)>
#map2 = affine_map<(d0, d1) -> (0, 0, 0)>
module attributes {stable_mosaic.version = 14 : i64} {
  func.func @emb_kernel(%arg0: i32, %arg1: i32, %arg2: memref<819200xi32, #tpu.memory_space<hbm>>, %arg3: memref<1000000x64xf32, #tpu.memory_space<hbm>>, %arg4: memref<4096x200x64xf32, #tpu.memory_space<hbm>>, %arg5: memref<25600xi32, #tpu.memory_space<vmem>>, %arg6: memref<4x1x200x64xf32, #tpu.memory_space<vmem>>, %arg7: memref<!tpu.dma_semaphore, #tpu.memory_space<semaphore_mem>>, %arg8: memref<!tpu.dma_semaphore, #tpu.memory_space<semaphore_mem>>, %arg9: memref<!tpu.dma_semaphore, #tpu.memory_space<semaphore_mem>>, %arg10: memref<!tpu.dma_semaphore, #tpu.memory_space<semaphore_mem>>, %arg11: memref<!tpu.dma_semaphore, #tpu.memory_space<semaphore_mem>>, %arg12: memref<!tpu.dma_semaphore, #tpu.memory_space<semaphore_mem>>, %arg13: memref<!tpu.dma_semaphore, #tpu.memory_space<semaphore_mem>>, %arg14: memref<!tpu.dma_semaphore, #tpu.memory_space<semaphore_mem>>) attributes {dimension_semantics = [#tpu.dimension_semantics<core_parallel>, #tpu.dimension_semantics<subcore_parallel>], iteration_bounds = array<i64: 2, 16>, scalar_prefetch = 0 : i64, scratch_operands = 10 : i64, tpu.core_type = #tpu.core_type<sc_vector_subcore>, window_params = [{transform_indices = #map}, {transform_indices = #map1}, {transform_indices = #map2}]} {
    %mul3A = arith.constant 2 : i32
    %mul3A_0 = arith.muli %arg1, %mul3A : i32
    %add3A = arith.addi %mul3A_0, %arg0 : i32
    %mul3A_1 = arith.constant 128 : i32
    %mul3A_2 = arith.muli %add3A, %mul3A_1 : i32
    %mul3A_3 = arith.constant 200 : i32
    %mul3A_4 = arith.muli %mul3A_2, %mul3A_3 : i32
    "tpu.region"() ({
      %run_scoped3A = tpu.sem_alloc : memref<!tpu.dma_semaphore, #tpu.memory_space<semaphore_mem>>
      %dma_start3A_93 = tpu.memref_slice %arg2[%mul3A_4] : memref<819200xi32, #tpu.memory_space<hbm>> -> memref<25600xi32, #tpu.memory_space<hbm>>
      %dma_start3A_94 = tpu.memref_slice %arg2[%mul3A_4] : memref<819200xi32, #tpu.memory_space<hbm>> -> memref<25600xi32, #tpu.memory_space<hbm>>
      tpu.enqueue_dma source(%dma_start3A_94 : memref<25600xi32, #tpu.memory_space<hbm>>) target(%arg5 : memref<25600xi32, #tpu.memory_space<vmem>>) target_semaphore(%run_scoped3A : memref<!tpu.dma_semaphore, #tpu.memory_space<semaphore_mem>>)
      %dma_wait3A_95 = tpu.memref_slice %arg2[%mul3A_4] : memref<819200xi32, #tpu.memory_space<hbm>> -> memref<25600xi32, #tpu.memory_space<hbm>>
      %dma_wait3A_96 = tpu.memref_slice %arg2[%mul3A_4] : memref<819200xi32, #tpu.memory_space<hbm>> -> memref<25600xi32, #tpu.memory_space<hbm>>
      tpu.wait_dma2 semaphore(%run_scoped3A : memref<!tpu.dma_semaphore, #tpu.memory_space<semaphore_mem>>) src(%dma_wait3A_96 : memref<25600xi32, #tpu.memory_space<hbm>>) dst(%arg5 : memref<25600xi32, #tpu.memory_space<vmem>>)
      tpu.yield
    }) : () -> ()
    %dma_start3A = arith.constant 0 : i32
    %dma_start3A_5 = arith.constant 0 : i32
    %dma_start3A_6 = arith.constant 0 : i32
    %dma_start3A_7 = arith.constant 0 : i32
    %dma_start3A_8 = tpu.memref_slice %arg6[%dma_start3A, %dma_start3A_5, %dma_start3A_6, %dma_start3A_7] : memref<4x1x200x64xf32, #tpu.memory_space<vmem>> -> memref<1x1x104x64xf32, #tpu.memory_space<vmem>>
    %dma_start3A_9 = tpu.memref_squeeze %dma_start3A_8 : memref<1x1x104x64xf32, #tpu.memory_space<vmem>> -> memref<104x64xf32, #tpu.memory_space<vmem>>
    %dma_start3A_10 = arith.constant 0 : i32
    %dma_start3A_11 = tpu.memref_slice %arg5[%dma_start3A_10] : memref<25600xi32, #tpu.memory_space<vmem>> -> memref<104xi32, #tpu.memory_space<vmem>>
    %dma_start3A_12 = arith.constant 0 : i32
    %dma_start3A_13 = arith.constant 0 : i32
    %dma_start3A_14 = tpu.memref_slice %arg3[%dma_start3A_12, %dma_start3A_13] : memref<1000000x64xf32, #tpu.memory_space<hbm>> -> memref<1000000x64xf32, #tpu.memory_space<hbm>>
    tpu.enqueue_indirect_dma source(%dma_start3A_14 : memref<1000000x64xf32, #tpu.memory_space<hbm>>) target(%dma_start3A_9 : memref<104x64xf32, #tpu.memory_space<vmem>>) offsets(%dma_start3A_11 : memref<104xi32, #tpu.memory_space<vmem>>) semaphore(%arg7 : memref<!tpu.dma_semaphore, #tpu.memory_space<semaphore_mem>>)
    %dma_start3A_15 = arith.constant 0 : i32
    %dma_start3A_16 = arith.constant 0 : i32
    %dma_start3A_17 = arith.constant 104 : i32
    %dma_start3A_18 = arith.constant 0 : i32
    %dma_start3A_19 = tpu.memref_slice %arg6[%dma_start3A_15, %dma_start3A_16, %dma_start3A_17, %dma_start3A_18] : memref<4x1x200x64xf32, #tpu.memory_space<vmem>> -> memref<1x1x96x64xf32, #tpu.memory_space<vmem>>
    %dma_start3A_20 = tpu.memref_squeeze %dma_start3A_19 : memref<1x1x96x64xf32, #tpu.memory_space<vmem>> -> memref<96x64xf32, #tpu.memory_space<vmem>>
    %dma_start3A_21 = arith.constant 104 : i32
    %dma_start3A_22 = tpu.memref_slice %arg5[%dma_start3A_21] : memref<25600xi32, #tpu.memory_space<vmem>> -> memref<96xi32, #tpu.memory_space<vmem>>
    %dma_start3A_23 = arith.constant 0 : i32
    %dma_start3A_24 = arith.constant 0 : i32
    %dma_start3A_25 = tpu.memref_slice %arg3[%dma_start3A_23, %dma_start3A_24] : memref<1000000x64xf32, #tpu.memory_space<hbm>> -> memref<1000000x64xf32, #tpu.memory_space<hbm>>
    tpu.enqueue_indirect_dma source(%dma_start3A_25 : memref<1000000x64xf32, #tpu.memory_space<hbm>>) target(%dma_start3A_20 : memref<96x64xf32, #tpu.memory_space<vmem>>) offsets(%dma_start3A_22 : memref<96xi32, #tpu.memory_space<vmem>>) semaphore(%arg7 : memref<!tpu.dma_semaphore, #tpu.memory_space<semaphore_mem>>)
    %dma_start3A_26 = arith.constant 1 : i32
    %dma_start3A_27 = arith.constant 0 : i32
    %dma_start3A_28 = arith.constant 0 : i32
    %dma_start3A_29 = arith.constant 0 : i32
    %dma_start3A_30 = tpu.memref_slice %arg6[%dma_start3A_26, %dma_start3A_27, %dma_start3A_28, %dma_start3A_29] : memref<4x1x200x64xf32, #tpu.memory_space<vmem>> -> memref<1x1x104x64xf32, #tpu.memory_space<vmem>>
    %dma_start3A_31 = tpu.memref_squeeze %dma_start3A_30 : memref<1x1x104x64xf32, #tpu.memory_space<vmem>> -> memref<104x64xf32, #tpu.memory_space<vmem>>
    %dma_start3A_32 = arith.constant 200 : i32
    %dma_start3A_33 = tpu.memref_slice %arg5[%dma_start3A_32] : memref<25600xi32, #tpu.memory_space<vmem>> -> memref<104xi32, #tpu.memory_space<vmem>>
    %dma_start3A_34 = arith.constant 0 : i32
    %dma_start3A_35 = arith.constant 0 : i32
    %dma_start3A_36 = tpu.memref_slice %arg3[%dma_start3A_34, %dma_start3A_35] : memref<1000000x64xf32, #tpu.memory_space<hbm>> -> memref<1000000x64xf32, #tpu.memory_space<hbm>>
    tpu.enqueue_indirect_dma source(%dma_start3A_36 : memref<1000000x64xf32, #tpu.memory_space<hbm>>) target(%dma_start3A_31 : memref<104x64xf32, #tpu.memory_space<vmem>>) offsets(%dma_start3A_33 : memref<104xi32, #tpu.memory_space<vmem>>) semaphore(%arg8 : memref<!tpu.dma_semaphore, #tpu.memory_space<semaphore_mem>>)
    %dma_start3A_37 = arith.constant 1 : i32
    %dma_start3A_38 = arith.constant 0 : i32
    %dma_start3A_39 = arith.constant 104 : i32
    %dma_start3A_40 = arith.constant 0 : i32
    %dma_start3A_41 = tpu.memref_slice %arg6[%dma_start3A_37, %dma_start3A_38, %dma_start3A_39, %dma_start3A_40] : memref<4x1x200x64xf32, #tpu.memory_space<vmem>> -> memref<1x1x96x64xf32, #tpu.memory_space<vmem>>
    %dma_start3A_42 = tpu.memref_squeeze %dma_start3A_41 : memref<1x1x96x64xf32, #tpu.memory_space<vmem>> -> memref<96x64xf32, #tpu.memory_space<vmem>>
    %dma_start3A_43 = arith.constant 304 : i32
    %dma_start3A_44 = tpu.memref_slice %arg5[%dma_start3A_43] : memref<25600xi32, #tpu.memory_space<vmem>> -> memref<96xi32, #tpu.memory_space<vmem>>
    %dma_start3A_45 = arith.constant 0 : i32
    %dma_start3A_46 = arith.constant 0 : i32
    %dma_start3A_47 = tpu.memref_slice %arg3[%dma_start3A_45, %dma_start3A_46] : memref<1000000x64xf32, #tpu.memory_space<hbm>> -> memref<1000000x64xf32, #tpu.memory_space<hbm>>
    tpu.enqueue_indirect_dma source(%dma_start3A_47 : memref<1000000x64xf32, #tpu.memory_space<hbm>>) target(%dma_start3A_42 : memref<96x64xf32, #tpu.memory_space<vmem>>) offsets(%dma_start3A_44 : memref<96xi32, #tpu.memory_space<vmem>>) semaphore(%arg8 : memref<!tpu.dma_semaphore, #tpu.memory_space<semaphore_mem>>)
    %dma_start3A_48 = arith.constant 2 : i32
    %dma_start3A_49 = arith.constant 0 : i32
    %dma_start3A_50 = arith.constant 0 : i32
    %dma_start3A_51 = arith.constant 0 : i32
    %dma_start3A_52 = tpu.memref_slice %arg6[%dma_start3A_48, %dma_start3A_49, %dma_start3A_50, %dma_start3A_51] : memref<4x1x200x64xf32, #tpu.memory_space<vmem>> -> memref<1x1x104x64xf32, #tpu.memory_space<vmem>>
    %dma_start3A_53 = tpu.memref_squeeze %dma_start3A_52 : memref<1x1x104x64xf32, #tpu.memory_space<vmem>> -> memref<104x64xf32, #tpu.memory_space<vmem>>
    %dma_start3A_54 = arith.constant 400 : i32
    %dma_start3A_55 = tpu.memref_slice %arg5[%dma_start3A_54] : memref<25600xi32, #tpu.memory_space<vmem>> -> memref<104xi32, #tpu.memory_space<vmem>>
    %dma_start3A_56 = arith.constant 0 : i32
    %dma_start3A_57 = arith.constant 0 : i32
    %dma_start3A_58 = tpu.memref_slice %arg3[%dma_start3A_56, %dma_start3A_57] : memref<1000000x64xf32, #tpu.memory_space<hbm>> -> memref<1000000x64xf32, #tpu.memory_space<hbm>>
    tpu.enqueue_indirect_dma source(%dma_start3A_58 : memref<1000000x64xf32, #tpu.memory_space<hbm>>) target(%dma_start3A_53 : memref<104x64xf32, #tpu.memory_space<vmem>>) offsets(%dma_start3A_55 : memref<104xi32, #tpu.memory_space<vmem>>) semaphore(%arg9 : memref<!tpu.dma_semaphore, #tpu.memory_space<semaphore_mem>>)
    %dma_start3A_59 = arith.constant 2 : i32
    %dma_start3A_60 = arith.constant 0 : i32
    %dma_start3A_61 = arith.constant 104 : i32
    %dma_start3A_62 = arith.constant 0 : i32
    %dma_start3A_63 = tpu.memref_slice %arg6[%dma_start3A_59, %dma_start3A_60, %dma_start3A_61, %dma_start3A_62] : memref<4x1x200x64xf32, #tpu.memory_space<vmem>> -> memref<1x1x96x64xf32, #tpu.memory_space<vmem>>
    %dma_start3A_64 = tpu.memref_squeeze %dma_start3A_63 : memref<1x1x96x64xf32, #tpu.memory_space<vmem>> -> memref<96x64xf32, #tpu.memory_space<vmem>>
    %dma_start3A_65 = arith.constant 504 : i32
    %dma_start3A_66 = tpu.memref_slice %arg5[%dma_start3A_65] : memref<25600xi32, #tpu.memory_space<vmem>> -> memref<96xi32, #tpu.memory_space<vmem>>
    %dma_start3A_67 = arith.constant 0 : i32
    %dma_start3A_68 = arith.constant 0 : i32
    %dma_start3A_69 = tpu.memref_slice %arg3[%dma_start3A_67, %dma_start3A_68] : memref<1000000x64xf32, #tpu.memory_space<hbm>> -> memref<1000000x64xf32, #tpu.memory_space<hbm>>
    tpu.enqueue_indirect_dma source(%dma_start3A_69 : memref<1000000x64xf32, #tpu.memory_space<hbm>>) target(%dma_start3A_64 : memref<96x64xf32, #tpu.memory_space<vmem>>) offsets(%dma_start3A_66 : memref<96xi32, #tpu.memory_space<vmem>>) semaphore(%arg9 : memref<!tpu.dma_semaphore, #tpu.memory_space<semaphore_mem>>)
    %scan3A = arith.constant 0 : i32
    %scan3A_70 = arith.constant 0 : i32
    %scan3A_71 = arith.constant 32 : i32
    %scan3A_72 = arith.addi %scan3A_70, %scan3A_71 : i32
    %scan3A_73 = arith.constant 1 : i32
    scf.for %scan3A_93 = %scan3A_70 to %scan3A_72 step %scan3A_73  : i32 {
      %mul3A_94 = arith.constant 4 : i32
      %mul3A_95 = arith.muli %scan3A_93, %mul3A_94 : i32
      %add3A_96 = arith.constant 0 : i32
      %add3A_97 = arith.addi %mul3A_95, %add3A_96 : i32
      %dma_wait3A_98 = arith.constant 0 : i32
      %dma_wait3A_99 = arith.constant 0 : i32
      %dma_wait3A_100 = arith.constant 0 : i32
      %dma_wait3A_101 = arith.constant 0 : i32
      %dma_wait3A_102 = tpu.memref_slice %arg6[%dma_wait3A_98, %dma_wait3A_99, %dma_wait3A_100, %dma_wait3A_101] : memref<4x1x200x64xf32, #tpu.memory_space<vmem>> -> memref<1x1x200x64xf32, #tpu.memory_space<vmem>>
      %dma_wait3A_103 = tpu.memref_squeeze %dma_wait3A_102 : memref<1x1x200x64xf32, #tpu.memory_space<vmem>> -> memref<1x200x64xf32, #tpu.memory_space<vmem>>
      %dma_wait3A_104 = arith.constant 0 : i32
      %dma_wait3A_105 = arith.constant 0 : i32
      %dma_wait3A_106 = tpu.memref_slice %arg3[%dma_wait3A_104, %dma_wait3A_105] : memref<1000000x64xf32, #tpu.memory_space<hbm>> -> memref<200x64xf32, #tpu.memory_space<hbm>>
      %dma_wait3A_107 = arith.constant 0 : i32
      %dma_wait3A_108 = arith.constant 0 : i32
      %dma_wait3A_109 = arith.constant 0 : i32
      %dma_wait3A_110 = tpu.memref_slice %arg6[%dma_wait3A_98, %dma_wait3A_107, %dma_wait3A_108, %dma_wait3A_109] : memref<4x1x200x64xf32, #tpu.memory_space<vmem>> -> memref<1x1x200x64xf32, #tpu.memory_space<vmem>>
      %dma_wait3A_111 = tpu.memref_squeeze %dma_wait3A_110 : memref<1x1x200x64xf32, #tpu.memory_space<vmem>> -> memref<1x200x64xf32, #tpu.memory_space<vmem>>
      %dma_wait3A_112 = arith.constant 0 : i32
      %dma_wait3A_113 = arith.constant 0 : i32
      %dma_wait3A_114 = tpu.memref_slice %arg3[%dma_wait3A_112, %dma_wait3A_113] : memref<1000000x64xf32, #tpu.memory_space<hbm>> -> memref<200x64xf32, #tpu.memory_space<hbm>>
      tpu.wait_dma2 semaphore(%arg7 : memref<!tpu.dma_semaphore, #tpu.memory_space<semaphore_mem>>) src(%dma_wait3A_114 : memref<200x64xf32, #tpu.memory_space<hbm>>) dst(%dma_wait3A_111 : memref<1x200x64xf32, #tpu.memory_space<vmem>>)
      %scan3A_115 = arith.constant 0 : i32
      %scan3A_116 = arith.constant 0 : i32
      %scan3A_117 = arith.constant 200 : i32
      %scan3A_118 = arith.addi %scan3A_116, %scan3A_117 : i32
      %scan3A_119 = arith.constant 8 : i32
      scf.for %scan3A_325 = %scan3A_116 to %scan3A_118 step %scan3A_119  : i32 {
        %get3A = arith.constant 0 : i32
        %get3A_326 = arith.constant 0 : i32
        %get3A_327 = arith.index_cast %get3A : i32 to index
        %get3A_328 = arith.index_cast %get3A_326 : i32 to index
        %get3A_329 = arith.index_cast %scan3A_325 : i32 to index
        %get3A_330 = arith.constant 0 : index
        %get3A_331 = tpu.vector_load %arg6[%get3A_327, %get3A_328, %get3A_329, %get3A_330] {strides = array<i32>} : memref<4x1x200x64xf32, #tpu.memory_space<vmem>>, vector<1x1x1x16xf32>,
        %get3A_332 = vector.shape_cast %get3A_331 : vector<1x1x1x16xf32> to vector<16xf32>
        %mul3A_333 = arith.constant 8.000000e+00 : f32
        %mul3A_334 = vector.broadcast %mul3A_333 : f32 to vector<16xf32>
        %mul3A_335 = arith.mulf %get3A_332, %mul3A_334 : vector<16xf32>
        %swap3A = arith.constant 0 : i32
        %swap3A_336 = arith.constant 0 : i32
        %swap3A_337 = arith.index_cast %swap3A : i32 to index
        %swap3A_338 = arith.index_cast %swap3A_336 : i32 to index
        %swap3A_339 = arith.index_cast %scan3A_325 : i32 to index
        %swap3A_340 = arith.constant 0 : index
        %swap3A_341 = tpu.vector_load %arg6[%swap3A_337, %swap3A_338, %swap3A_339, %swap3A_340] {strides = array<i32>} : memref<4x1x200x64xf32, #tpu.memory_space<vmem>>, vector<1x1x1x16xf32>,
        %swap3A_342 = vector.shape_cast %swap3A_341 : vector<1x1x1x16xf32> to vector<16xf32>
        %swap3A_343 = vector.shape_cast %mul3A_335 : vector<16xf32> to vector<1x1x1x16xf32>
        tpu.vector_store %arg6[%swap3A_337, %swap3A_338, %swap3A_339, %swap3A_340], %swap3A_343 {strides = array<i32>} : memref<4x1x200x64xf32, #tpu.memory_space<vmem>>, vector<1x1x1x16xf32>,
        %get3A_344 = arith.constant 0 : i32
        %get3A_345 = arith.constant 0 : i32
        %get3A_346 = arith.index_cast %get3A_344 : i32 to index
        %get3A_347 = arith.index_cast %get3A_345 : i32 to index
        %get3A_348 = arith.index_cast %scan3A_325 : i32 to index
        %get3A_349 = arith.constant 16 : index
        %get3A_350 = tpu.vector_load %arg6[%get3A_346, %get3A_347, %get3A_348, %get3A_349] {strides = array<i32>} : memref<4x1x200x64xf32, #tpu.memory_space<vmem>>, vector<1x1x1x16xf32>,
        %get3A_351 = vector.shape_cast %get3A_350 : vector<1x1x1x16xf32> to vector<16xf32>
        %mul3A_352 = arith.constant 8.000000e+00 : f32
        %mul3A_353 = vector.broadcast %mul3A_352 : f32 to vector<16xf32>
        %mul3A_354 = arith.mulf %get3A_351, %mul3A_353 : vector<16xf32>
        %swap3A_355 = arith.constant 0 : i32
        %swap3A_356 = arith.constant 0 : i32
        %swap3A_357 = arith.index_cast %swap3A_355 : i32 to index
        %swap3A_358 = arith.index_cast %swap3A_356 : i32 to index
        %swap3A_359 = arith.index_cast %scan3A_325 : i32 to index
        %swap3A_360 = arith.constant 16 : index
        %swap3A_361 = tpu.vector_load %arg6[%swap3A_357, %swap3A_358, %swap3A_359, %swap3A_360] {strides = array<i32>} : memref<4x1x200x64xf32, #tpu.memory_space<vmem>>, vector<1x1x1x16xf32>,
        %swap3A_362 = vector.shape_cast %swap3A_361 : vector<1x1x1x16xf32> to vector<16xf32>
        %swap3A_363 = vector.shape_cast %mul3A_354 : vector<16xf32> to vector<1x1x1x16xf32>
        tpu.vector_store %arg6[%swap3A_357, %swap3A_358, %swap3A_359, %swap3A_360], %swap3A_363 {strides = array<i32>} : memref<4x1x200x64xf32, #tpu.memory_space<vmem>>, vector<1x1x1x16xf32>,
        %get3A_364 = arith.constant 0 : i32
        %get3A_365 = arith.constant 0 : i32
        %get3A_366 = arith.index_cast %get3A_364 : i32 to index
        %get3A_367 = arith.index_cast %get3A_365 : i32 to index
        %get3A_368 = arith.index_cast %scan3A_325 : i32 to index
        %get3A_369 = arith.constant 32 : index
        %get3A_370 = tpu.vector_load %arg6[%get3A_366, %get3A_367, %get3A_368, %get3A_369] {strides = array<i32>} : memref<4x1x200x64xf32, #tpu.memory_space<vmem>>, vector<1x1x1x16xf32>,
        %get3A_371 = vector.shape_cast %get3A_370 : vector<1x1x1x16xf32> to vector<16xf32>
        %mul3A_372 = arith.constant 8.000000e+00 : f32
        %mul3A_373 = vector.broadcast %mul3A_372 : f32 to vector<16xf32>
        %mul3A_374 = arith.mulf %get3A_371, %mul3A_373 : vector<16xf32>
        %swap3A_375 = arith.constant 0 : i32
        %swap3A_376 = arith.constant 0 : i32
        %swap3A_377 = arith.index_cast %swap3A_375 : i32 to index
        %swap3A_378 = arith.index_cast %swap3A_376 : i32 to index
        %swap3A_379 = arith.index_cast %scan3A_325 : i32 to index
        %swap3A_380 = arith.constant 32 : index
        %swap3A_381 = tpu.vector_load %arg6[%swap3A_377, %swap3A_378, %swap3A_379, %swap3A_380] {strides = array<i32>} : memref<4x1x200x64xf32, #tpu.memory_space<vmem>>, vector<1x1x1x16xf32>,
        %swap3A_382 = vector.shape_cast %swap3A_381 : vector<1x1x1x16xf32> to vector<16xf32>
        %swap3A_383 = vector.shape_cast %mul3A_374 : vector<16xf32> to vector<1x1x1x16xf32>
        tpu.vector_store %arg6[%swap3A_377, %swap3A_378, %swap3A_379, %swap3A_380], %swap3A_383 {strides = array<i32>} : memref<4x1x200x64xf32, #tpu.memory_space<vmem>>, vector<1x1x1x16xf32>,
        %get3A_384 = arith.constant 0 : i32
        %get3A_385 = arith.constant 0 : i32
        %get3A_386 = arith.index_cast %get3A_384 : i32 to index
        %get3A_387 = arith.index_cast %get3A_385 : i32 to index
        %get3A_388 = arith.index_cast %scan3A_325 : i32 to index
        %get3A_389 = arith.constant 48 : index
        %get3A_390 = tpu.vector_load %arg6[%get3A_386, %get3A_387, %get3A_388, %get3A_389] {strides = array<i32>} : memref<4x1x200x64xf32, #tpu.memory_space<vmem>>, vector<1x1x1x16xf32>,
        %get3A_391 = vector.shape_cast %get3A_390 : vector<1x1x1x16xf32> to vector<16xf32>
        %mul3A_392 = arith.constant 8.000000e+00 : f32
        %mul3A_393 = vector.broadcast %mul3A_392 : f32 to vector<16xf32>
        %mul3A_394 = arith.mulf %get3A_391, %mul3A_393 : vector<16xf32>
        %swap3A_395 = arith.constant 0 : i32
        %swap3A_396 = arith.constant 0 : i32
        %swap3A_397 = arith.index_cast %swap3A_395 : i32 to index
        %swap3A_398 = arith.index_cast %swap3A_396 : i32 to index
        %swap3A_399 = arith.index_cast %scan3A_325 : i32 to index
        %swap3A_400 = arith.constant 48 : index
        %swap3A_401 = tpu.vector_load %arg6[%swap3A_397, %swap3A_398, %swap3A_399, %swap3A_400] {strides = array<i32>} : memref<4x1x200x64xf32, #tpu.memory_space<vmem>>, vector<1x1x1x16xf32>,
        %swap3A_402 = vector.shape_cast %swap3A_401 : vector<1x1x1x16xf32> to vector<16xf32>
        %swap3A_403 = vector.shape_cast %mul3A_394 : vector<16xf32> to vector<1x1x1x16xf32>
        tpu.vector_store %arg6[%swap3A_397, %swap3A_398, %swap3A_399, %swap3A_400], %swap3A_403 {strides = array<i32>} : memref<4x1x200x64xf32, #tpu.memory_space<vmem>>, vector<1x1x1x16xf32>,
        %scan3A_404 = arith.constant 1 : i32
        %scan3A_405 = arith.addi %scan3A_325, %scan3A_404 : i32
        %get3A_406 = arith.constant 0 : i32
        %get3A_407 = arith.constant 0 : i32
        %get3A_408 = arith.index_cast %get3A_406 : i32 to index
        %get3A_409 = arith.index_cast %get3A_407 : i32 to index
        %get3A_410 = arith.index_cast %scan3A_405 : i32 to index
        %get3A_411 = arith.constant 0 : index
        %get3A_412 = tpu.vector_load %arg6[%get3A_408, %get3A_409, %get3A_410, %get3A_411] {strides = array<i32>} : memref<4x1x200x64xf32, #tpu.memory_space<vmem>>, vector<1x1x1x16xf32>,
        %get3A_413 = vector.shape_cast %get3A_412 : vector<1x1x1x16xf32> to vector<16xf32>
        %mul3A_414 = arith.constant 8.000000e+00 : f32
        %mul3A_415 = vector.broadcast %mul3A_414 : f32 to vector<16xf32>
        %mul3A_416 = arith.mulf %get3A_413, %mul3A_415 : vector<16xf32>
        %swap3A_417 = arith.constant 0 : i32
        %swap3A_418 = arith.constant 0 : i32
        %swap3A_419 = arith.index_cast %swap3A_417 : i32 to index
        %swap3A_420 = arith.index_cast %swap3A_418 : i32 to index
        %swap3A_421 = arith.index_cast %scan3A_405 : i32 to index
        %swap3A_422 = arith.constant 0 : index
        %swap3A_423 = tpu.vector_load %arg6[%swap3A_419, %swap3A_420, %swap3A_421, %swap3A_422] {strides = array<i32>} : memref<4x1x200x64xf32, #tpu.memory_space<vmem>>, vector<1x1x1x16xf32>,
        %swap3A_424 = vector.shape_cast %swap3A_423 : vector<1x1x1x16xf32> to vector<16xf32>
        %swap3A_425 = vector.shape_cast %mul3A_416 : vector<16xf32> to vector<1x1x1x16xf32>
        tpu.vector_store %arg6[%swap3A_419, %swap3A_420, %swap3A_421, %swap3A_422], %swap3A_425 {strides = array<i32>} : memref<4x1x200x64xf32, #tpu.memory_space<vmem>>, vector<1x1x1x16xf32>,
        %get3A_426 = arith.constant 0 : i32
        %get3A_427 = arith.constant 0 : i32
        %get3A_428 = arith.index_cast %get3A_426 : i32 to index
        %get3A_429 = arith.index_cast %get3A_427 : i32 to index
        %get3A_430 = arith.index_cast %scan3A_405 : i32 to index
        %get3A_431 = arith.constant 16 : index
        %get3A_432 = tpu.vector_load %arg6[%get3A_428, %get3A_429, %get3A_430, %get3A_431] {strides = array<i32>} : memref<4x1x200x64xf32, #tpu.memory_space<vmem>>, vector<1x1x1x16xf32>,
        %get3A_433 = vector.shape_cast %get3A_432 : vector<1x1x1x16xf32> to vector<16xf32>
        %mul3A_434 = arith.constant 8.000000e+00 : f32
        %mul3A_435 = vector.broadcast %mul3A_434 : f32 to vector<16xf32>
        %mul3A_436 = arith.mulf %get3A_433, %mul3A_435 : vector<16xf32>
        %swap3A_437 = arith.constant 0 : i32
        %swap3A_438 = arith.constant 0 : i32
        %swap3A_439 = arith.index_cast %swap3A_437 : i32 to index
        %swap3A_440 = arith.index_cast %swap3A_438 : i32 to index
        %swap3A_441 = arith.index_cast %scan3A_405 : i32 to index
        %swap3A_442 = arith.constant 16 : index
        %swap3A_443 = tpu.vector_load %arg6[%swap3A_439, %swap3A_440, %swap3A_441, %swap3A_442] {strides = array<i32>} : memref<4x1x200x64xf32, #tpu.memory_space<vmem>>, vector<1x1x1x16xf32>,
        %swap3A_444 = vector.shape_cast %swap3A_443 : vector<1x1x1x16xf32> to vector<16xf32>
        %swap3A_445 = vector.shape_cast %mul3A_436 : vector<16xf32> to vector<1x1x1x16xf32>
        tpu.vector_store %arg6[%swap3A_439, %swap3A_440, %swap3A_441, %swap3A_442], %swap3A_445 {strides = array<i32>} : memref<4x1x200x64xf32, #tpu.memory_space<vmem>>, vector<1x1x1x16xf32>,
        %get3A_446 = arith.constant 0 : i32
        %get3A_447 = arith.constant 0 : i32
        %get3A_448 = arith.index_cast %get3A_446 : i32 to index
        %get3A_449 = arith.index_cast %get3A_447 : i32 to index
        %get3A_450 = arith.index_cast %scan3A_405 : i32 to index
        %get3A_451 = arith.constant 32 : index
        %get3A_452 = tpu.vector_load %arg6[%get3A_448, %get3A_449, %get3A_450, %get3A_451] {strides = array<i32>} : memref<4x1x200x64xf32, #tpu.memory_space<vmem>>, vector<1x1x1x16xf32>,
        %get3A_453 = vector.shape_cast %get3A_452 : vector<1x1x1x16xf32> to vector<16xf32>
        %mul3A_454 = arith.constant 8.000000e+00 : f32
        %mul3A_455 = vector.broadcast %mul3A_454 : f32 to vector<16xf32>
        %mul3A_456 = arith.mulf %get3A_453, %mul3A_455 : vector<16xf32>
        %swap3A_457 = arith.constant 0 : i32
        %swap3A_458 = arith.constant 0 : i32
        %swap3A_459 = arith.index_cast %swap3A_457 : i32 to index
        %swap3A_460 = arith.index_cast %swap3A_458 : i32 to index
        %swap3A_461 = arith.index_cast %scan3A_405 : i32 to index
        %swap3A_462 = arith.constant 32 : index
        %swap3A_463 = tpu.vector_load %arg6[%swap3A_459, %swap3A_460, %swap3A_461, %swap3A_462] {strides = array<i32>} : memref<4x1x200x64xf32, #tpu.memory_space<vmem>>, vector<1x1x1x16xf32>,
        %swap3A_464 = vector.shape_cast %swap3A_463 : vector<1x1x1x16xf32> to vector<16xf32>
        %swap3A_465 = vector.shape_cast %mul3A_456 : vector<16xf32> to vector<1x1x1x16xf32>
        tpu.vector_store %arg6[%swap3A_459, %swap3A_460, %swap3A_461, %swap3A_462], %swap3A_465 {strides = array<i32>} : memref<4x1x200x64xf32, #tpu.memory_space<vmem>>, vector<1x1x1x16xf32>,
        %get3A_466 = arith.constant 0 : i32
        %get3A_467 = arith.constant 0 : i32
        %get3A_468 = arith.index_cast %get3A_466 : i32 to index
        %get3A_469 = arith.index_cast %get3A_467 : i32 to index
        %get3A_470 = arith.index_cast %scan3A_405 : i32 to index
        %get3A_471 = arith.constant 48 : index
        %get3A_472 = tpu.vector_load %arg6[%get3A_468, %get3A_469, %get3A_470, %get3A_471] {strides = array<i32>} : memref<4x1x200x64xf32, #tpu.memory_space<vmem>>, vector<1x1x1x16xf32>,
        %get3A_473 = vector.shape_cast %get3A_472 : vector<1x1x1x16xf32> to vector<16xf32>
        %mul3A_474 = arith.constant 8.000000e+00 : f32
        %mul3A_475 = vector.broadcast %mul3A_474 : f32 to vector<16xf32>
        %mul3A_476 = arith.mulf %get3A_473, %mul3A_475 : vector<16xf32>
        %swap3A_477 = arith.constant 0 : i32
        %swap3A_478 = arith.constant 0 : i32
        %swap3A_479 = arith.index_cast %swap3A_477 : i32 to index
        %swap3A_480 = arith.index_cast %swap3A_478 : i32 to index
        %swap3A_481 = arith.index_cast %scan3A_405 : i32 to index
        %swap3A_482 = arith.constant 48 : index
        %swap3A_483 = tpu.vector_load %arg6[%swap3A_479, %swap3A_480, %swap3A_481, %swap3A_482] {strides = array<i32>} : memref<4x1x200x64xf32, #tpu.memory_space<vmem>>, vector<1x1x1x16xf32>,
        %swap3A_484 = vector.shape_cast %swap3A_483 : vector<1x1x1x16xf32> to vector<16xf32>
        %swap3A_485 = vector.shape_cast %mul3A_476 : vector<16xf32> to vector<1x1x1x16xf32>
        tpu.vector_store %arg6[%swap3A_479, %swap3A_480, %swap3A_481, %swap3A_482], %swap3A_485 {strides = array<i32>} : memref<4x1x200x64xf32, #tpu.memory_space<vmem>>, vector<1x1x1x16xf32>,
        %scan3A_486 = arith.constant 2 : i32
        %scan3A_487 = arith.addi %scan3A_325, %scan3A_486 : i32
        %get3A_488 = arith.constant 0 : i32
        %get3A_489 = arith.constant 0 : i32
        %get3A_490 = arith.index_cast %get3A_488 : i32 to index
        %get3A_491 = arith.index_cast %get3A_489 : i32 to index
        %get3A_492 = arith.index_cast %scan3A_487 : i32 to index
        %get3A_493 = arith.constant 0 : index
        %get3A_494 = tpu.vector_load %arg6[%get3A_490, %get3A_491, %get3A_492, %get3A_493] {strides = array<i32>} : memref<4x1x200x64xf32, #tpu.memory_space<vmem>>, vector<1x1x1x16xf32>,
        %get3A_495 = vector.shape_cast %get3A_494 : vector<1x1x1x16xf32> to vector<16xf32>
        %mul3A_496 = arith.constant 8.000000e+00 : f32
        %mul3A_497 = vector.broadcast %mul3A_496 : f32 to vector<16xf32>
        %mul3A_498 = arith.mulf %get3A_495, %mul3A_497 : vector<16xf32>
        %swap3A_499 = arith.constant 0 : i32
        %swap3A_500 = arith.constant 0 : i32
        %swap3A_501 = arith.index_cast %swap3A_499 : i32 to index
        %swap3A_502 = arith.index_cast %swap3A_500 : i32 to index
        %swap3A_503 = arith.index_cast %scan3A_487 : i32 to index
        %swap3A_504 = arith.constant 0 : index
        %swap3A_505 = tpu.vector_load %arg6[%swap3A_501, %swap3A_502, %swap3A_503, %swap3A_504] {strides = array<i32>} : memref<4x1x200x64xf32, #tpu.memory_space<vmem>>, vector<1x1x1x16xf32>,
        %swap3A_506 = vector.shape_cast %swap3A_505 : vector<1x1x1x16xf32> to vector<16xf32>
        %swap3A_507 = vector.shape_cast %mul3A_498 : vector<16xf32> to vector<1x1x1x16xf32>
        tpu.vector_store %arg6[%swap3A_501, %swap3A_502, %swap3A_503, %swap3A_504], %swap3A_507 {strides = array<i32>} : memref<4x1x200x64xf32, #tpu.memory_space<vmem>>, vector<1x1x1x16xf32>,
        %get3A_508 = arith.constant 0 : i32
        %get3A_509 = arith.constant 0 : i32
        %get3A_510 = arith.index_cast %get3A_508 : i32 to index
        %get3A_511 = arith.index_cast %get3A_509 : i32 to index
        %get3A_512 = arith.index_cast %scan3A_487 : i32 to index
        %get3A_513 = arith.constant 16 : index
        %get3A_514 = tpu.vector_load %arg6[%get3A_510, %get3A_511, %get3A_512, %get3A_513] {strides = array<i32>} : memref<4x1x200x64xf32, #tpu.memory_space<vmem>>, vector<1x1x1x16xf32>,
        %get3A_515 = vector.shape_cast %get3A_514 : vector<1x1x1x16xf32> to vector<16xf32>
        %mul3A_516 = arith.constant 8.000000e+00 : f32
        %mul3A_517 = vector.broadcast %mul3A_516 : f32 to vector<16xf32>
        %mul3A_518 = arith.mulf %get3A_515, %mul3A_517 : vector<16xf32>
        %swap3A_519 = arith.constant 0 : i32
        %swap3A_520 = arith.constant 0 : i32
        %swap3A_521 = arith.index_cast %swap3A_519 : i32 to index
        %swap3A_522 = arith.index_cast %swap3A_520 : i32 to index
        %swap3A_523 = arith.index_cast %scan3A_487 : i32 to index
        %swap3A_524 = arith.constant 16 : index
        %swap3A_525 = tpu.vector_load %arg6[%swap3A_521, %swap3A_522, %swap3A_523, %swap3A_524] {strides = array<i32>} : memref<4x1x200x64xf32, #tpu.memory_space<vmem>>, vector<1x1x1x16xf32>,
        %swap3A_526 = vector.shape_cast %swap3A_525 : vector<1x1x1x16xf32> to vector<16xf32>
        %swap3A_527 = vector.shape_cast %mul3A_518 : vector<16xf32> to vector<1x1x1x16xf32>
        tpu.vector_store %arg6[%swap3A_521, %swap3A_522, %swap3A_523, %swap3A_524], %swap3A_527 {strides = array<i32>} : memref<4x1x200x64xf32, #tpu.memory_space<vmem>>, vector<1x1x1x16xf32>,
        %get3A_528 = arith.constant 0 : i32
        %get3A_529 = arith.constant 0 : i32
        %get3A_530 = arith.index_cast %get3A_528 : i32 to index
        %get3A_531 = arith.index_cast %get3A_529 : i32 to index
        %get3A_532 = arith.index_cast %scan3A_487 : i32 to index
        %get3A_533 = arith.constant 32 : index
        %get3A_534 = tpu.vector_load %arg6[%get3A_530, %get3A_531, %get3A_532, %get3A_533] {strides = array<i32>} : memref<4x1x200x64xf32, #tpu.memory_space<vmem>>, vector<1x1x1x16xf32>,
        %get3A_535 = vector.shape_cast %get3A_534 : vector<1x1x1x16xf32> to vector<16xf32>
        %mul3A_536 = arith.constant 8.000000e+00 : f32
        %mul3A_537 = vector.broadcast %mul3A_536 : f32 to vector<16xf32>
        %mul3A_538 = arith.mulf %get3A_535, %mul3A_537 : vector<16xf32>
        %swap3A_539 = arith.constant 0 : i32
        %swap3A_540 = arith.constant 0 : i32
        %swap3A_541 = arith.index_cast %swap3A_539 : i32 to index
        %swap3A_542 = arith.index_cast %swap3A_540 : i32 to index
        %swap3A_543 = arith.index_cast %scan3A_487 : i32 to index
        %swap3A_544 = arith.constant 32 : index
        %swap3A_545 = tpu.vector_load %arg6[%swap3A_541, %swap3A_542, %swap3A_543, %swap3A_544] {strides = array<i32>} : memref<4x1x200x64xf32, #tpu.memory_space<vmem>>, vector<1x1x1x16xf32>,
        %swap3A_546 = vector.shape_cast %swap3A_545 : vector<1x1x1x16xf32> to vector<16xf32>
        %swap3A_547 = vector.shape_cast %mul3A_538 : vector<16xf32> to vector<1x1x1x16xf32>
        tpu.vector_store %arg6[%swap3A_541, %swap3A_542, %swap3A_543, %swap3A_544], %swap3A_547 {strides = array<i32>} : memref<4x1x200x64xf32, #tpu.memory_space<vmem>>, vector<1x1x1x16xf32>,
        %get3A_548 = arith.constant 0 : i32
        %get3A_549 = arith.constant 0 : i32
        %get3A_550 = arith.index_cast %get3A_548 : i32 to index
        %get3A_551 = arith.index_cast %get3A_549 : i32 to index
        %get3A_552 = arith.index_cast %scan3A_487 : i32 to index
        %get3A_553 = arith.constant 48 : index
        %get3A_554 = tpu.vector_load %arg6[%get3A_550, %get3A_551, %get3A_552, %get3A_553] {strides = array<i32>} : memref<4x1x200x64xf32, #tpu.memory_space<vmem>>, vector<1x1x1x16xf32>,
        %get3A_555 = vector.shape_cast %get3A_554 : vector<1x1x1x16xf32> to vector<16xf32>
        %mul3A_556 = arith.constant 8.000000e+00 : f32
        %mul3A_557 = vector.broadcast %mul3A_556 : f32 to vector<16xf32>
        %mul3A_558 = arith.mulf %get3A_555, %mul3A_557 : vector<16xf32>
        %swap3A_559 = arith.constant 0 : i32
        %swap3A_560 = arith.constant 0 : i32
        %swap3A_561 = arith.index_cast %swap3A_559 : i32 to index
        %swap3A_562 = arith.index_cast %swap3A_560 : i32 to index
        %swap3A_563 = arith.index_cast %scan3A_487 : i32 to index
        %swap3A_564 = arith.constant 48 : index
        %swap3A_565 = tpu.vector_load %arg6[%swap3A_561, %swap3A_562, %swap3A_563, %swap3A_564] {strides = array<i32>} : memref<4x1x200x64xf32, #tpu.memory_space<vmem>>, vector<1x1x1x16xf32>,
        %swap3A_566 = vector.shape_cast %swap3A_565 : vector<1x1x1x16xf32> to vector<16xf32>
        %swap3A_567 = vector.shape_cast %mul3A_558 : vector<16xf32> to vector<1x1x1x16xf32>
        tpu.vector_store %arg6[%swap3A_561, %swap3A_562, %swap3A_563, %swap3A_564], %swap3A_567 {strides = array<i32>} : memref<4x1x200x64xf32, #tpu.memory_space<vmem>>, vector<1x1x1x16xf32>,
        %scan3A_568 = arith.constant 3 : i32
        %scan3A_569 = arith.addi %scan3A_325, %scan3A_568 : i32
        %get3A_570 = arith.constant 0 : i32
        %get3A_571 = arith.constant 0 : i32
        %get3A_572 = arith.index_cast %get3A_570 : i32 to index
        %get3A_573 = arith.index_cast %get3A_571 : i32 to index
        %get3A_574 = arith.index_cast %scan3A_569 : i32 to index
        %get3A_575 = arith.constant 0 : index
        %get3A_576 = tpu.vector_load %arg6[%get3A_572, %get3A_573, %get3A_574, %get3A_575] {strides = array<i32>} : memref<4x1x200x64xf32, #tpu.memory_space<vmem>>, vector<1x1x1x16xf32>,
        %get3A_577 = vector.shape_cast %get3A_576 : vector<1x1x1x16xf32> to vector<16xf32>
        %mul3A_578 = arith.constant 8.000000e+00 : f32
        %mul3A_579 = vector.broadcast %mul3A_578 : f32 to vector<16xf32>
        %mul3A_580 = arith.mulf %get3A_577, %mul3A_579 : vector<16xf32>
        %swap3A_581 = arith.constant 0 : i32
        %swap3A_582 = arith.constant 0 : i32
        %swap3A_583 = arith.index_cast %swap3A_581 : i32 to index
        %swap3A_584 = arith.index_cast %swap3A_582 : i32 to index
        %swap3A_585 = arith.index_cast %scan3A_569 : i32 to index
        %swap3A_586 = arith.constant 0 : index
        %swap3A_587 = tpu.vector_load %arg6[%swap3A_583, %swap3A_584, %swap3A_585, %swap3A_586] {strides = array<i32>} : memref<4x1x200x64xf32, #tpu.memory_space<vmem>>, vector<1x1x1x16xf32>,
        %swap3A_588 = vector.shape_cast %swap3A_587 : vector<1x1x1x16xf32> to vector<16xf32>
        %swap3A_589 = vector.shape_cast %mul3A_580 : vector<16xf32> to vector<1x1x1x16xf32>
        tpu.vector_store %arg6[%swap3A_583, %swap3A_584, %swap3A_585, %swap3A_586], %swap3A_589 {strides = array<i32>} : memref<4x1x200x64xf32, #tpu.memory_space<vmem>>, vector<1x1x1x16xf32>,
        %get3A_590 = arith.constant 0 : i32
        %get3A_591 = arith.constant 0 : i32
        %get3A_592 = arith.index_cast %get3A_590 : i32 to index
        %get3A_593 = arith.index_cast %get3A_591 : i32 to index
        %get3A_594 = arith.index_cast %scan3A_569 : i32 to index
        %get3A_595 = arith.constant 16 : index
        %get3A_596 = tpu.vector_load %arg6[%get3A_592, %get3A_593, %get3A_594, %get3A_595] {strides = array<i32>} : memref<4x1x200x64xf32, #tpu.memory_space<vmem>>, vector<1x1x1x16xf32>,
        %get3A_597 = vector.shape_cast %get3A_596 : vector<1x1x1x16xf32> to vector<16xf32>
        %mul3A_598 = arith.constant 8.000000e+00 : f32
        %mul3A_599 = vector.broadcast %mul3A_598 : f32 to vector<16xf32>
        %mul3A_600 = arith.mulf %get3A_597, %mul3A_599 : vector<16xf32>
        %swap3A_601 = arith.constant 0 : i32
        %swap3A_602 = arith.constant 0 : i32
        %swap3A_603 = arith.index_cast %swap3A_601 : i32 to index
        %swap3A_604 = arith.index_cast %swap3A_602 : i32 to index
        %swap3A_605 = arith.index_cast %scan3A_569 : i32 to index
        %swap3A_606 = arith.constant 16 : index
        %swap3A_607 = tpu.vector_load %arg6[%swap3A_603, %swap3A_604, %swap3A_605, %swap3A_606] {strides = array<i32>} : memref<4x1x200x64xf32, #tpu.memory_space<vmem>>, vector<1x1x1x16xf32>,
        %swap3A_608 = vector.shape_cast %swap3A_607 : vector<1x1x1x16xf32> to vector<16xf32>
        %swap3A_609 = vector.shape_cast %mul3A_600 : vector<16xf32> to vector<1x1x1x16xf32>
        tpu.vector_store %arg6[%swap3A_603, %swap3A_604, %swap3A_605, %swap3A_606], %swap3A_609 {strides = array<i32>} : memref<4x1x200x64xf32, #tpu.memory_space<vmem>>, vector<1x1x1x16xf32>,
        %get3A_610 = arith.constant 0 : i32
        %get3A_611 = arith.constant 0 : i32
        %get3A_612 = arith.index_cast %get3A_610 : i32 to index
        %get3A_613 = arith.index_cast %get3A_611 : i32 to index
        %get3A_614 = arith.index_cast %scan3A_569 : i32 to index
        %get3A_615 = arith.constant 32 : index
        %get3A_616 = tpu.vector_load %arg6[%get3A_612, %get3A_613, %get3A_614, %get3A_615] {strides = array<i32>} : memref<4x1x200x64xf32, #tpu.memory_space<vmem>>, vector<1x1x1x16xf32>,
        %get3A_617 = vector.shape_cast %get3A_616 : vector<1x1x1x16xf32> to vector<16xf32>
        %mul3A_618 = arith.constant 8.000000e+00 : f32
        %mul3A_619 = vector.broadcast %mul3A_618 : f32 to vector<16xf32>
        %mul3A_620 = arith.mulf %get3A_617, %mul3A_619 : vector<16xf32>
        %swap3A_621 = arith.constant 0 : i32
        %swap3A_622 = arith.constant 0 : i32
        %swap3A_623 = arith.index_cast %swap3A_621 : i32 to index
        %swap3A_624 = arith.index_cast %swap3A_622 : i32 to index
        %swap3A_625 = arith.index_cast %scan3A_569 : i32 to index
        %swap3A_626 = arith.constant 32 : index
        %swap3A_627 = tpu.vector_load %arg6[%swap3A_623, %swap3A_624, %swap3A_625, %swap3A_626] {strides = array<i32>} : memref<4x1x200x64xf32, #tpu.memory_space<vmem>>, vector<1x1x1x16xf32>,
        %swap3A_628 = vector.shape_cast %swap3A_627 : vector<1x1x1x16xf32> to vector<16xf32>
        %swap3A_629 = vector.shape_cast %mul3A_620 : vector<16xf32> to vector<1x1x1x16xf32>
        tpu.vector_store %arg6[%swap3A_623, %swap3A_624, %swap3A_625, %swap3A_626], %swap3A_629 {strides = array<i32>} : memref<4x1x200x64xf32, #tpu.memory_space<vmem>>, vector<1x1x1x16xf32>,
        %get3A_630 = arith.constant 0 : i32
        %get3A_631 = arith.constant 0 : i32
        %get3A_632 = arith.index_cast %get3A_630 : i32 to index
        %get3A_633 = arith.index_cast %get3A_631 : i32 to index
        %get3A_634 = arith.index_cast %scan3A_569 : i32 to index
        %get3A_635 = arith.constant 48 : index
        %get3A_636 = tpu.vector_load %arg6[%get3A_632, %get3A_633, %get3A_634, %get3A_635] {strides = array<i32>} : memref<4x1x200x64xf32, #tpu.memory_space<vmem>>, vector<1x1x1x16xf32>,
        %get3A_637 = vector.shape_cast %get3A_636 : vector<1x1x1x16xf32> to vector<16xf32>
        %mul3A_638 = arith.constant 8.000000e+00 : f32
        %mul3A_639 = vector.broadcast %mul3A_638 : f32 to vector<16xf32>
        %mul3A_640 = arith.mulf %get3A_637, %mul3A_639 : vector<16xf32>
        %swap3A_641 = arith.constant 0 : i32
        %swap3A_642 = arith.constant 0 : i32
        %swap3A_643 = arith.index_cast %swap3A_641 : i32 to index
        %swap3A_644 = arith.index_cast %swap3A_642 : i32 to index
        %swap3A_645 = arith.index_cast %scan3A_569 : i32 to index
        %swap3A_646 = arith.constant 48 : index
        %swap3A_647 = tpu.vector_load %arg6[%swap3A_643, %swap3A_644, %swap3A_645, %swap3A_646] {strides = array<i32>} : memref<4x1x200x64xf32, #tpu.memory_space<vmem>>, vector<1x1x1x16xf32>,
        %swap3A_648 = vector.shape_cast %swap3A_647 : vector<1x1x1x16xf32> to vector<16xf32>
        %swap3A_649 = vector.shape_cast %mul3A_640 : vector<16xf32> to vector<1x1x1x16xf32>
        tpu.vector_store %arg6[%swap3A_643, %swap3A_644, %swap3A_645, %swap3A_646], %swap3A_649 {strides = array<i32>} : memref<4x1x200x64xf32, #tpu.memory_space<vmem>>, vector<1x1x1x16xf32>,
        %scan3A_650 = arith.constant 4 : i32
        %scan3A_651 = arith.addi %scan3A_325, %scan3A_650 : i32
        %get3A_652 = arith.constant 0 : i32
        %get3A_653 = arith.constant 0 : i32
        %get3A_654 = arith.index_cast %get3A_652 : i32 to index
        %get3A_655 = arith.index_cast %get3A_653 : i32 to index
        %get3A_656 = arith.index_cast %scan3A_651 : i32 to index
        %get3A_657 = arith.constant 0 : index
        %get3A_658 = tpu.vector_load %arg6[%get3A_654, %get3A_655, %get3A_656, %get3A_657] {strides = array<i32>} : memref<4x1x200x64xf32, #tpu.memory_space<vmem>>, vector<1x1x1x16xf32>,
        %get3A_659 = vector.shape_cast %get3A_658 : vector<1x1x1x16xf32> to vector<16xf32>
        %mul3A_660 = arith.constant 8.000000e+00 : f32
        %mul3A_661 = vector.broadcast %mul3A_660 : f32 to vector<16xf32>
        %mul3A_662 = arith.mulf %get3A_659, %mul3A_661 : vector<16xf32>
        %swap3A_663 = arith.constant 0 : i32
        %swap3A_664 = arith.constant 0 : i32
        %swap3A_665 = arith.index_cast %swap3A_663 : i32 to index
        %swap3A_666 = arith.index_cast %swap3A_664 : i32 to index
        %swap3A_667 = arith.index_cast %scan3A_651 : i32 to index
        %swap3A_668 = arith.constant 0 : index
        %swap3A_669 = tpu.vector_load %arg6[%swap3A_665, %swap3A_666, %swap3A_667, %swap3A_668] {strides = array<i32>} : memref<4x1x200x64xf32, #tpu.memory_space<vmem>>, vector<1x1x1x16xf32>,
        %swap3A_670 = vector.shape_cast %swap3A_669 : vector<1x1x1x16xf32> to vector<16xf32>
        %swap3A_671 = vector.shape_cast %mul3A_662 : vector<16xf32> to vector<1x1x1x16xf32>
        tpu.vector_store %arg6[%swap3A_665, %swap3A_666, %swap3A_667, %swap3A_668], %swap3A_671 {strides = array<i32>} : memref<4x1x200x64xf32, #tpu.memory_space<vmem>>, vector<1x1x1x16xf32>,
        %get3A_672 = arith.constant 0 : i32
        %get3A_673 = arith.constant 0 : i32
        %get3A_674 = arith.index_cast %get3A_672 : i32 to index
        %get3A_675 = arith.index_cast %get3A_673 : i32 to index
        %get3A_676 = arith.index_cast %scan3A_651 : i32 to index
        %get3A_677 = arith.constant 16 : index
        %get3A_678 = tpu.vector_load %arg6[%get3A_674, %get3A_675, %get3A_676, %get3A_677] {strides = array<i32>} : memref<4x1x200x64xf32, #tpu.memory_space<vmem>>, vector<1x1x1x16xf32>,
        %get3A_679 = vector.shape_cast %get3A_678 : vector<1x1x1x16xf32> to vector<16xf32>
        %mul3A_680 = arith.constant 8.000000e+00 : f32
        %mul3A_681 = vector.broadcast %mul3A_680 : f32 to vector<16xf32>
        %mul3A_682 = arith.mulf %get3A_679, %mul3A_681 : vector<16xf32>
        %swap3A_683 = arith.constant 0 : i32
        %swap3A_684 = arith.constant 0 : i32
        %swap3A_685 = arith.index_cast %swap3A_683 : i32 to index
        %swap3A_686 = arith.index_cast %swap3A_684 : i32 to index
        %swap3A_687 = arith.index_cast %scan3A_651 : i32 to index
        %swap3A_688 = arith.constant 16 : index
        %swap3A_689 = tpu.vector_load %arg6[%swap3A_685, %swap3A_686, %swap3A_687, %swap3A_688] {strides = array<i32>} : memref<4x1x200x64xf32, #tpu.memory_space<vmem>>, vector<1x1x1x16xf32>,
        %swap3A_690 = vector.shape_cast %swap3A_689 : vector<1x1x1x16xf32> to vector<16xf32>
        %swap3A_691 = vector.shape_cast %mul3A_682 : vector<16xf32> to vector<1x1x1x16xf32>
        tpu.vector_store %arg6[%swap3A_685, %swap3A_686, %swap3A_687, %swap3A_688], %swap3A_691 {strides = array<i32>} : memref<4x1x200x64xf32, #tpu.memory_space<vmem>>, vector<1x1x1x16xf32>,
        %get3A_692 = arith.constant 0 : i32
        %get3A_693 = arith.constant 0 : i32
        %get3A_694 = arith.index_cast %get3A_692 : i32 to index
        %get3A_695 = arith.index_cast %get3A_693 : i32 to index
        %get3A_696 = arith.index_cast %scan3A_651 : i32 to index
        %get3A_697 = arith.constant 32 : index
        %get3A_698 = tpu.vector_load %arg6[%get3A_694, %get3A_695, %get3A_696, %get3A_697] {strides = array<i32>} : memref<4x1x200x64xf32, #tpu.memory_space<vmem>>, vector<1x1x1x16xf32>,
        %get3A_699 = vector.shape_cast %get3A_698 : vector<1x1x1x16xf32> to vector<16xf32>
        %mul3A_700 = arith.constant 8.000000e+00 : f32
        %mul3A_701 = vector.broadcast %mul3A_700 : f32 to vector<16xf32>
        %mul3A_702 = arith.mulf %get3A_699, %mul3A_701 : vector<16xf32>
        %swap3A_703 = arith.constant 0 : i32
        %swap3A_704 = arith.constant 0 : i32
        %swap3A_705 = arith.index_cast %swap3A_703 : i32 to index
        %swap3A_706 = arith.index_cast %swap3A_704 : i32 to index
        %swap3A_707 = arith.index_cast %scan3A_651 : i32 to index
        %swap3A_708 = arith.constant 32 : index
        %swap3A_709 = tpu.vector_load %arg6[%swap3A_705, %swap3A_706, %swap3A_707, %swap3A_708] {strides = array<i32>} : memref<4x1x200x64xf32, #tpu.memory_space<vmem>>, vector<1x1x1x16xf32>,
        %swap3A_710 = vector.shape_cast %swap3A_709 : vector<1x1x1x16xf32> to vector<16xf32>
        %swap3A_711 = vector.shape_cast %mul3A_702 : vector<16xf32> to vector<1x1x1x16xf32>
        tpu.vector_store %arg6[%swap3A_705, %swap3A_706, %swap3A_707, %swap3A_708], %swap3A_711 {strides = array<i32>} : memref<4x1x200x64xf32, #tpu.memory_space<vmem>>, vector<1x1x1x16xf32>,
        %get3A_712 = arith.constant 0 : i32
        %get3A_713 = arith.constant 0 : i32
        %get3A_714 = arith.index_cast %get3A_712 : i32 to index
        %get3A_715 = arith.index_cast %get3A_713 : i32 to index
        %get3A_716 = arith.index_cast %scan3A_651 : i32 to index
        %get3A_717 = arith.constant 48 : index
        %get3A_718 = tpu.vector_load %arg6[%get3A_714, %get3A_715, %get3A_716, %get3A_717] {strides = array<i32>} : memref<4x1x200x64xf32, #tpu.memory_space<vmem>>, vector<1x1x1x16xf32>,
        %get3A_719 = vector.shape_cast %get3A_718 : vector<1x1x1x16xf32> to vector<16xf32>
        %mul3A_720 = arith.constant 8.000000e+00 : f32
        %mul3A_721 = vector.broadcast %mul3A_720 : f32 to vector<16xf32>
        %mul3A_722 = arith.mulf %get3A_719, %mul3A_721 : vector<16xf32>
        %swap3A_723 = arith.constant 0 : i32
        %swap3A_724 = arith.constant 0 : i32
        %swap3A_725 = arith.index_cast %swap3A_723 : i32 to index
        %swap3A_726 = arith.index_cast %swap3A_724 : i32 to index
        %swap3A_727 = arith.index_cast %scan3A_651 : i32 to index
        %swap3A_728 = arith.constant 48 : index
        %swap3A_729 = tpu.vector_load %arg6[%swap3A_725, %swap3A_726, %swap3A_727, %swap3A_728] {strides = array<i32>} : memref<4x1x200x64xf32, #tpu.memory_space<vmem>>, vector<1x1x1x16xf32>,
        %swap3A_730 = vector.shape_cast %swap3A_729 : vector<1x1x1x16xf32> to vector<16xf32>
        %swap3A_731 = vector.shape_cast %mul3A_722 : vector<16xf32> to vector<1x1x1x16xf32>
        tpu.vector_store %arg6[%swap3A_725, %swap3A_726, %swap3A_727, %swap3A_728], %swap3A_731 {strides = array<i32>} : memref<4x1x200x64xf32, #tpu.memory_space<vmem>>, vector<1x1x1x16xf32>,
        %scan3A_732 = arith.constant 5 : i32
        %scan3A_733 = arith.addi %scan3A_325, %scan3A_732 : i32
        %get3A_734 = arith.constant 0 : i32
        %get3A_735 = arith.constant 0 : i32
        %get3A_736 = arith.index_cast %get3A_734 : i32 to index
        %get3A_737 = arith.index_cast %get3A_735 : i32 to index
        %get3A_738 = arith.index_cast %scan3A_733 : i32 to index
        %get3A_739 = arith.constant 0 : index
        %get3A_740 = tpu.vector_load %arg6[%get3A_736, %get3A_737, %get3A_738, %get3A_739] {strides = array<i32>} : memref<4x1x200x64xf32, #tpu.memory_space<vmem>>, vector<1x1x1x16xf32>,
        %get3A_741 = vector.shape_cast %get3A_740 : vector<1x1x1x16xf32> to vector<16xf32>
        %mul3A_742 = arith.constant 8.000000e+00 : f32
        %mul3A_743 = vector.broadcast %mul3A_742 : f32 to vector<16xf32>
        %mul3A_744 = arith.mulf %get3A_741, %mul3A_743 : vector<16xf32>
        %swap3A_745 = arith.constant 0 : i32
        %swap3A_746 = arith.constant 0 : i32
        %swap3A_747 = arith.index_cast %swap3A_745 : i32 to index
        %swap3A_748 = arith.index_cast %swap3A_746 : i32 to index
        %swap3A_749 = arith.index_cast %scan3A_733 : i32 to index
        %swap3A_750 = arith.constant 0 : index
        %swap3A_751 = tpu.vector_load %arg6[%swap3A_747, %swap3A_748, %swap3A_749, %swap3A_750] {strides = array<i32>} : memref<4x1x200x64xf32, #tpu.memory_space<vmem>>, vector<1x1x1x16xf32>,
        %swap3A_752 = vector.shape_cast %swap3A_751 : vector<1x1x1x16xf32> to vector<16xf32>
        %swap3A_753 = vector.shape_cast %mul3A_744 : vector<16xf32> to vector<1x1x1x16xf32>
        tpu.vector_store %arg6[%swap3A_747, %swap3A_748, %swap3A_749, %swap3A_750], %swap3A_753 {strides = array<i32>} : memref<4x1x200x64xf32, #tpu.memory_space<vmem>>, vector<1x1x1x16xf32>,
        %get3A_754 = arith.constant 0 : i32
        %get3A_755 = arith.constant 0 : i32
        %get3A_756 = arith.index_cast %get3A_754 : i32 to index
        %get3A_757 = arith.index_cast %get3A_755 : i32 to index
        %get3A_758 = arith.index_cast %scan3A_733 : i32 to index
        %get3A_759 = arith.constant 16 : index
        %get3A_760 = tpu.vector_load %arg6[%get3A_756, %get3A_757, %get3A_758, %get3A_759] {strides = array<i32>} : memref<4x1x200x64xf32, #tpu.memory_space<vmem>>, vector<1x1x1x16xf32>,
        %get3A_761 = vector.shape_cast %get3A_760 : vector<1x1x1x16xf32> to vector<16xf32>
        %mul3A_762 = arith.constant 8.000000e+00 : f32
        %mul3A_763 = vector.broadcast %mul3A_762 : f32 to vector<16xf32>
        %mul3A_764 = arith.mulf %get3A_761, %mul3A_763 : vector<16xf32>
        %swap3A_765 = arith.constant 0 : i32
        %swap3A_766 = arith.constant 0 : i32
        %swap3A_767 = arith.index_cast %swap3A_765 : i32 to index
        %swap3A_768 = arith.index_cast %swap3A_766 : i32 to index
        %swap3A_769 = arith.index_cast %scan3A_733 : i32 to index
        %swap3A_770 = arith.constant 16 : index
        %swap3A_771 = tpu.vector_load %arg6[%swap3A_767, %swap3A_768, %swap3A_769, %swap3A_770] {strides = array<i32>} : memref<4x1x200x64xf32, #tpu.memory_space<vmem>>, vector<1x1x1x16xf32>,
        %swap3A_772 = vector.shape_cast %swap3A_771 : vector<1x1x1x16xf32> to vector<16xf32>
        %swap3A_773 = vector.shape_cast %mul3A_764 : vector<16xf32> to vector<1x1x1x16xf32>
        tpu.vector_store %arg6[%swap3A_767, %swap3A_768, %swap3A_769, %swap3A_770], %swap3A_773 {strides = array<i32>} : memref<4x1x200x64xf32, #tpu.memory_space<vmem>>, vector<1x1x1x16xf32>,
        %get3A_774 = arith.constant 0 : i32
        %get3A_775 = arith.constant 0 : i32
        %get3A_776 = arith.index_cast %get3A_774 : i32 to index
        %get3A_777 = arith.index_cast %get3A_775 : i32 to index
        %get3A_778 = arith.index_cast %scan3A_733 : i32 to index
        %get3A_779 = arith.constant 32 : index
        %get3A_780 = tpu.vector_load %arg6[%get3A_776, %get3A_777, %get3A_778, %get3A_779] {strides = array<i32>} : memref<4x1x200x64xf32, #tpu.memory_space<vmem>>, vector<1x1x1x16xf32>,
        %get3A_781 = vector.shape_cast %get3A_780 : vector<1x1x1x16xf32> to vector<16xf32>
        %mul3A_782 = arith.constant 8.000000e+00 : f32
        %mul3A_783 = vector.broadcast %mul3A_782 : f32 to vector<16xf32>
        %mul3A_784 = arith.mulf %get3A_781, %mul3A_783 : vector<16xf32>
        %swap3A_785 = arith.constant 0 : i32
        %swap3A_786 = arith.constant 0 : i32
        %swap3A_787 = arith.index_cast %swap3A_785 : i32 to index
        %swap3A_788 = arith.index_cast %swap3A_786 : i32 to index
        %swap3A_789 = arith.index_cast %scan3A_733 : i32 to index
        %swap3A_790 = arith.constant 32 : index
        %swap3A_791 = tpu.vector_load %arg6[%swap3A_787, %swap3A_788, %swap3A_789, %swap3A_790] {strides = array<i32>} : memref<4x1x200x64xf32, #tpu.memory_space<vmem>>, vector<1x1x1x16xf32>,
        %swap3A_792 = vector.shape_cast %swap3A_791 : vector<1x1x1x16xf32> to vector<16xf32>
        %swap3A_793 = vector.shape_cast %mul3A_784 : vector<16xf32> to vector<1x1x1x16xf32>
        tpu.vector_store %arg6[%swap3A_787, %swap3A_788, %swap3A_789, %swap3A_790], %swap3A_793 {strides = array<i32>} : memref<4x1x200x64xf32, #tpu.memory_space<vmem>>, vector<1x1x1x16xf32>,
        %get3A_794 = arith.constant 0 : i32
        %get3A_795 = arith.constant 0 : i32
        %get3A_796 = arith.index_cast %get3A_794 : i32 to index
        %get3A_797 = arith.index_cast %get3A_795 : i32 to index
        %get3A_798 = arith.index_cast %scan3A_733 : i32 to index
        %get3A_799 = arith.constant 48 : index
        %get3A_800 = tpu.vector_load %arg6[%get3A_796, %get3A_797, %get3A_798, %get3A_799] {strides = array<i32>} : memref<4x1x200x64xf32, #tpu.memory_space<vmem>>, vector<1x1x1x16xf32>,
        %get3A_801 = vector.shape_cast %get3A_800 : vector<1x1x1x16xf32> to vector<16xf32>
        %mul3A_802 = arith.constant 8.000000e+00 : f32
        %mul3A_803 = vector.broadcast %mul3A_802 : f32 to vector<16xf32>
        %mul3A_804 = arith.mulf %get3A_801, %mul3A_803 : vector<16xf32>
        %swap3A_805 = arith.constant 0 : i32
        %swap3A_806 = arith.constant 0 : i32
        %swap3A_807 = arith.index_cast %swap3A_805 : i32 to index
        %swap3A_808 = arith.index_cast %swap3A_806 : i32 to index
        %swap3A_809 = arith.index_cast %scan3A_733 : i32 to index
        %swap3A_810 = arith.constant 48 : index
        %swap3A_811 = tpu.vector_load %arg6[%swap3A_807, %swap3A_808, %swap3A_809, %swap3A_810] {strides = array<i32>} : memref<4x1x200x64xf32, #tpu.memory_space<vmem>>, vector<1x1x1x16xf32>,
        %swap3A_812 = vector.shape_cast %swap3A_811 : vector<1x1x1x16xf32> to vector<16xf32>
        %swap3A_813 = vector.shape_cast %mul3A_804 : vector<16xf32> to vector<1x1x1x16xf32>
        tpu.vector_store %arg6[%swap3A_807, %swap3A_808, %swap3A_809, %swap3A_810], %swap3A_813 {strides = array<i32>} : memref<4x1x200x64xf32, #tpu.memory_space<vmem>>, vector<1x1x1x16xf32>,
        %scan3A_814 = arith.constant 6 : i32
        %scan3A_815 = arith.addi %scan3A_325, %scan3A_814 : i32
        %get3A_816 = arith.constant 0 : i32
        %get3A_817 = arith.constant 0 : i32
        %get3A_818 = arith.index_cast %get3A_816 : i32 to index
        %get3A_819 = arith.index_cast %get3A_817 : i32 to index
        %get3A_820 = arith.index_cast %scan3A_815 : i32 to index
        %get3A_821 = arith.constant 0 : index
        %get3A_822 = tpu.vector_load %arg6[%get3A_818, %get3A_819, %get3A_820, %get3A_821] {strides = array<i32>} : memref<4x1x200x64xf32, #tpu.memory_space<vmem>>, vector<1x1x1x16xf32>,
        %get3A_823 = vector.shape_cast %get3A_822 : vector<1x1x1x16xf32> to vector<16xf32>
        %mul3A_824 = arith.constant 8.000000e+00 : f32
        %mul3A_825 = vector.broadcast %mul3A_824 : f32 to vector<16xf32>
        %mul3A_826 = arith.mulf %get3A_823, %mul3A_825 : vector<16xf32>
        %swap3A_827 = arith.constant 0 : i32
        %swap3A_828 = arith.constant 0 : i32
        %swap3A_829 = arith.index_cast %swap3A_827 : i32 to index
        %swap3A_830 = arith.index_cast %swap3A_828 : i32 to index
        %swap3A_831 = arith.index_cast %scan3A_815 : i32 to index
        %swap3A_832 = arith.constant 0 : index
        %swap3A_833 = tpu.vector_load %arg6[%swap3A_829, %swap3A_830, %swap3A_831, %swap3A_832] {strides = array<i32>} : memref<4x1x200x64xf32, #tpu.memory_space<vmem>>, vector<1x1x1x16xf32>,
        %swap3A_834 = vector.shape_cast %swap3A_833 : vector<1x1x1x16xf32> to vector<16xf32>
        %swap3A_835 = vector.shape_cast %mul3A_826 : vector<16xf32> to vector<1x1x1x16xf32>
        tpu.vector_store %arg6[%swap3A_829, %swap3A_830, %swap3A_831, %swap3A_832], %swap3A_835 {strides = array<i32>} : memref<4x1x200x64xf32, #tpu.memory_space<vmem>>, vector<1x1x1x16xf32>,
        %get3A_836 = arith.constant 0 : i32
        %get3A_837 = arith.constant 0 : i32
        %get3A_838 = arith.index_cast %get3A_836 : i32 to index
        %get3A_839 = arith.index_cast %get3A_837 : i32 to index
        %get3A_840 = arith.index_cast %scan3A_815 : i32 to index
        %get3A_841 = arith.constant 16 : index
        %get3A_842 = tpu.vector_load %arg6[%get3A_838, %get3A_839, %get3A_840, %get3A_841] {strides = array<i32>} : memref<4x1x200x64xf32, #tpu.memory_space<vmem>>, vector<1x1x1x16xf32>,
        %get3A_843 = vector.shape_cast %get3A_842 : vector<1x1x1x16xf32> to vector<16xf32>
        %mul3A_844 = arith.constant 8.000000e+00 : f32
        %mul3A_845 = vector.broadcast %mul3A_844 : f32 to vector<16xf32>
        %mul3A_846 = arith.mulf %get3A_843, %mul3A_845 : vector<16xf32>
        %swap3A_847 = arith.constant 0 : i32
        %swap3A_848 = arith.constant 0 : i32
        %swap3A_849 = arith.index_cast %swap3A_847 : i32 to index
        %swap3A_850 = arith.index_cast %swap3A_848 : i32 to index
        %swap3A_851 = arith.index_cast %scan3A_815 : i32 to index
        %swap3A_852 = arith.constant 16 : index
        %swap3A_853 = tpu.vector_load %arg6[%swap3A_849, %swap3A_850, %swap3A_851, %swap3A_852] {strides = array<i32>} : memref<4x1x200x64xf32, #tpu.memory_space<vmem>>, vector<1x1x1x16xf32>,
        %swap3A_854 = vector.shape_cast %swap3A_853 : vector<1x1x1x16xf32> to vector<16xf32>
        %swap3A_855 = vector.shape_cast %mul3A_846 : vector<16xf32> to vector<1x1x1x16xf32>
        tpu.vector_store %arg6[%swap3A_849, %swap3A_850, %swap3A_851, %swap3A_852], %swap3A_855 {strides = array<i32>} : memref<4x1x200x64xf32, #tpu.memory_space<vmem>>, vector<1x1x1x16xf32>,
        %get3A_856 = arith.constant 0 : i32
        %get3A_857 = arith.constant 0 : i32
        %get3A_858 = arith.index_cast %get3A_856 : i32 to index
        %get3A_859 = arith.index_cast %get3A_857 : i32 to index
        %get3A_860 = arith.index_cast %scan3A_815 : i32 to index
        %get3A_861 = arith.constant 32 : index
        %get3A_862 = tpu.vector_load %arg6[%get3A_858, %get3A_859, %get3A_860, %get3A_861] {strides = array<i32>} : memref<4x1x200x64xf32, #tpu.memory_space<vmem>>, vector<1x1x1x16xf32>,
        %get3A_863 = vector.shape_cast %get3A_862 : vector<1x1x1x16xf32> to vector<16xf32>
        %mul3A_864 = arith.constant 8.000000e+00 : f32
        %mul3A_865 = vector.broadcast %mul3A_864 : f32 to vector<16xf32>
        %mul3A_866 = arith.mulf %get3A_863, %mul3A_865 : vector<16xf32>
        %swap3A_867 = arith.constant 0 : i32
        %swap3A_868 = arith.constant 0 : i32
        %swap3A_869 = arith.index_cast %swap3A_867 : i32 to index
        %swap3A_870 = arith.index_cast %swap3A_868 : i32 to index
        %swap3A_871 = arith.index_cast %scan3A_815 : i32 to index
        %swap3A_872 = arith.constant 32 : index
        %swap3A_873 = tpu.vector_load %arg6[%swap3A_869, %swap3A_870, %swap3A_871, %swap3A_872] {strides = array<i32>} : memref<4x1x200x64xf32, #tpu.memory_space<vmem>>, vector<1x1x1x16xf32>,
        %swap3A_874 = vector.shape_cast %swap3A_873 : vector<1x1x1x16xf32> to vector<16xf32>
        %swap3A_875 = vector.shape_cast %mul3A_866 : vector<16xf32> to vector<1x1x1x16xf32>
        tpu.vector_store %arg6[%swap3A_869, %swap3A_870, %swap3A_871, %swap3A_872], %swap3A_875 {strides = array<i32>} : memref<4x1x200x64xf32, #tpu.memory_space<vmem>>, vector<1x1x1x16xf32>,
        %get3A_876 = arith.constant 0 : i32
        %get3A_877 = arith.constant 0 : i32
        %get3A_878 = arith.index_cast %get3A_876 : i32 to index
        %get3A_879 = arith.index_cast %get3A_877 : i32 to index
        %get3A_880 = arith.index_cast %scan3A_815 : i32 to index
        %get3A_881 = arith.constant 48 : index
        %get3A_882 = tpu.vector_load %arg6[%get3A_878, %get3A_879, %get3A_880, %get3A_881] {strides = array<i32>} : memref<4x1x200x64xf32, #tpu.memory_space<vmem>>, vector<1x1x1x16xf32>,
        %get3A_883 = vector.shape_cast %get3A_882 : vector<1x1x1x16xf32> to vector<16xf32>
        %mul3A_884 = arith.constant 8.000000e+00 : f32
        %mul3A_885 = vector.broadcast %mul3A_884 : f32 to vector<16xf32>
        %mul3A_886 = arith.mulf %get3A_883, %mul3A_885 : vector<16xf32>
        %swap3A_887 = arith.constant 0 : i32
        %swap3A_888 = arith.constant 0 : i32
        %swap3A_889 = arith.index_cast %swap3A_887 : i32 to index
        %swap3A_890 = arith.index_cast %swap3A_888 : i32 to index
        %swap3A_891 = arith.index_cast %scan3A_815 : i32 to index
        %swap3A_892 = arith.constant 48 : index
        %swap3A_893 = tpu.vector_load %arg6[%swap3A_889, %swap3A_890, %swap3A_891, %swap3A_892] {strides = array<i32>} : memref<4x1x200x64xf32, #tpu.memory_space<vmem>>, vector<1x1x1x16xf32>,
        %swap3A_894 = vector.shape_cast %swap3A_893 : vector<1x1x1x16xf32> to vector<16xf32>
        %swap3A_895 = vector.shape_cast %mul3A_886 : vector<16xf32> to vector<1x1x1x16xf32>
        tpu.vector_store %arg6[%swap3A_889, %swap3A_890, %swap3A_891, %swap3A_892], %swap3A_895 {strides = array<i32>} : memref<4x1x200x64xf32, #tpu.memory_space<vmem>>, vector<1x1x1x16xf32>,
        %scan3A_896 = arith.constant 7 : i32
        %scan3A_897 = arith.addi %scan3A_325, %scan3A_896 : i32
        %get3A_898 = arith.constant 0 : i32
        %get3A_899 = arith.constant 0 : i32
        %get3A_900 = arith.index_cast %get3A_898 : i32 to index
        %get3A_901 = arith.index_cast %get3A_899 : i32 to index
        %get3A_902 = arith.index_cast %scan3A_897 : i32 to index
        %get3A_903 = arith.constant 0 : index
        %get3A_904 = tpu.vector_load %arg6[%get3A_900, %get3A_901, %get3A_902, %get3A_903] {strides = array<i32>} : memref<4x1x200x64xf32, #tpu.memory_space<vmem>>, vector<1x1x1x16xf32>,
        %get3A_905 = vector.shape_cast %get3A_904 : vector<1x1x1x16xf32> to vector<16xf32>
        %mul3A_906 = arith.constant 8.000000e+00 : f32
        %mul3A_907 = vector.broadcast %mul3A_906 : f32 to vector<16xf32>
        %mul3A_908 = arith.mulf %get3A_905, %mul3A_907 : vector<16xf32>
        %swap3A_909 = arith.constant 0 : i32
        %swap3A_910 = arith.constant 0 : i32
        %swap3A_911 = arith.index_cast %swap3A_909 : i32 to index
        %swap3A_912 = arith.index_cast %swap3A_910 : i32 to index
        %swap3A_913 = arith.index_cast %scan3A_897 : i32 to index
        %swap3A_914 = arith.constant 0 : index
        %swap3A_915 = tpu.vector_load %arg6[%swap3A_911, %swap3A_912, %swap3A_913, %swap3A_914] {strides = array<i32>} : memref<4x1x200x64xf32, #tpu.memory_space<vmem>>, vector<1x1x1x16xf32>,
        %swap3A_916 = vector.shape_cast %swap3A_915 : vector<1x1x1x16xf32> to vector<16xf32>
        %swap3A_917 = vector.shape_cast %mul3A_908 : vector<16xf32> to vector<1x1x1x16xf32>
        tpu.vector_store %arg6[%swap3A_911, %swap3A_912, %swap3A_913, %swap3A_914], %swap3A_917 {strides = array<i32>} : memref<4x1x200x64xf32, #tpu.memory_space<vmem>>, vector<1x1x1x16xf32>,
        %get3A_918 = arith.constant 0 : i32
        %get3A_919 = arith.constant 0 : i32
        %get3A_920 = arith.index_cast %get3A_918 : i32 to index
        %get3A_921 = arith.index_cast %get3A_919 : i32 to index
        %get3A_922 = arith.index_cast %scan3A_897 : i32 to index
        %get3A_923 = arith.constant 16 : index
        %get3A_924 = tpu.vector_load %arg6[%get3A_920, %get3A_921, %get3A_922, %get3A_923] {strides = array<i32>} : memref<4x1x200x64xf32, #tpu.memory_space<vmem>>, vector<1x1x1x16xf32>,
        %get3A_925 = vector.shape_cast %get3A_924 : vector<1x1x1x16xf32> to vector<16xf32>
        %mul3A_926 = arith.constant 8.000000e+00 : f32
        %mul3A_927 = vector.broadcast %mul3A_926 : f32 to vector<16xf32>
        %mul3A_928 = arith.mulf %get3A_925, %mul3A_927 : vector<16xf32>
        %swap3A_929 = arith.constant 0 : i32
        %swap3A_930 = arith.constant 0 : i32
        %swap3A_931 = arith.index_cast %swap3A_929 : i32 to index
        %swap3A_932 = arith.index_cast %swap3A_930 : i32 to index
        %swap3A_933 = arith.index_cast %scan3A_897 : i32 to index
        %swap3A_934 = arith.constant 16 : index
        %swap3A_935 = tpu.vector_load %arg6[%swap3A_931, %swap3A_932, %swap3A_933, %swap3A_934] {strides = array<i32>} : memref<4x1x200x64xf32, #tpu.memory_space<vmem>>, vector<1x1x1x16xf32>,
        %swap3A_936 = vector.shape_cast %swap3A_935 : vector<1x1x1x16xf32> to vector<16xf32>
        %swap3A_937 = vector.shape_cast %mul3A_928 : vector<16xf32> to vector<1x1x1x16xf32>
        tpu.vector_store %arg6[%swap3A_931, %swap3A_932, %swap3A_933, %swap3A_934], %swap3A_937 {strides = array<i32>} : memref<4x1x200x64xf32, #tpu.memory_space<vmem>>, vector<1x1x1x16xf32>,
        %get3A_938 = arith.constant 0 : i32
        %get3A_939 = arith.constant 0 : i32
        %get3A_940 = arith.index_cast %get3A_938 : i32 to index
        %get3A_941 = arith.index_cast %get3A_939 : i32 to index
        %get3A_942 = arith.index_cast %scan3A_897 : i32 to index
        %get3A_943 = arith.constant 32 : index
        %get3A_944 = tpu.vector_load %arg6[%get3A_940, %get3A_941, %get3A_942, %get3A_943] {strides = array<i32>} : memref<4x1x200x64xf32, #tpu.memory_space<vmem>>, vector<1x1x1x16xf32>,
        %get3A_945 = vector.shape_cast %get3A_944 : vector<1x1x1x16xf32> to vector<16xf32>
        %mul3A_946 = arith.constant 8.000000e+00 : f32
        %mul3A_947 = vector.broadcast %mul3A_946 : f32 to vector<16xf32>
        %mul3A_948 = arith.mulf %get3A_945, %mul3A_947 : vector<16xf32>
        %swap3A_949 = arith.constant 0 : i32
        %swap3A_950 = arith.constant 0 : i32
        %swap3A_951 = arith.index_cast %swap3A_949 : i32 to index
        %swap3A_952 = arith.index_cast %swap3A_950 : i32 to index
        %swap3A_953 = arith.index_cast %scan3A_897 : i32 to index
        %swap3A_954 = arith.constant 32 : index
        %swap3A_955 = tpu.vector_load %arg6[%swap3A_951, %swap3A_952, %swap3A_953, %swap3A_954] {strides = array<i32>} : memref<4x1x200x64xf32, #tpu.memory_space<vmem>>, vector<1x1x1x16xf32>,
        %swap3A_956 = vector.shape_cast %swap3A_955 : vector<1x1x1x16xf32> to vector<16xf32>
        %swap3A_957 = vector.shape_cast %mul3A_948 : vector<16xf32> to vector<1x1x1x16xf32>
        tpu.vector_store %arg6[%swap3A_951, %swap3A_952, %swap3A_953, %swap3A_954], %swap3A_957 {strides = array<i32>} : memref<4x1x200x64xf32, #tpu.memory_space<vmem>>, vector<1x1x1x16xf32>,
        %get3A_958 = arith.constant 0 : i32
        %get3A_959 = arith.constant 0 : i32
        %get3A_960 = arith.index_cast %get3A_958 : i32 to index
        %get3A_961 = arith.index_cast %get3A_959 : i32 to index
        %get3A_962 = arith.index_cast %scan3A_897 : i32 to index
        %get3A_963 = arith.constant 48 : index
        %get3A_964 = tpu.vector_load %arg6[%get3A_960, %get3A_961, %get3A_962, %get3A_963] {strides = array<i32>} : memref<4x1x200x64xf32, #tpu.memory_space<vmem>>, vector<1x1x1x16xf32>,
        %get3A_965 = vector.shape_cast %get3A_964 : vector<1x1x1x16xf32> to vector<16xf32>
        %mul3A_966 = arith.constant 8.000000e+00 : f32
        %mul3A_967 = vector.broadcast %mul3A_966 : f32 to vector<16xf32>
        %mul3A_968 = arith.mulf %get3A_965, %mul3A_967 : vector<16xf32>
        %swap3A_969 = arith.constant 0 : i32
        %swap3A_970 = arith.constant 0 : i32
        %swap3A_971 = arith.index_cast %swap3A_969 : i32 to index
        %swap3A_972 = arith.index_cast %swap3A_970 : i32 to index
        %swap3A_973 = arith.index_cast %scan3A_897 : i32 to index
        %swap3A_974 = arith.constant 48 : index
        %swap3A_975 = tpu.vector_load %arg6[%swap3A_971, %swap3A_972, %swap3A_973, %swap3A_974] {strides = array<i32>} : memref<4x1x200x64xf32, #tpu.memory_space<vmem>>, vector<1x1x1x16xf32>,
        %swap3A_976 = vector.shape_cast %swap3A_975 : vector<1x1x1x16xf32> to vector<16xf32>
        %swap3A_977 = vector.shape_cast %mul3A_968 : vector<16xf32> to vector<1x1x1x16xf32>
        tpu.vector_store %arg6[%swap3A_971, %swap3A_972, %swap3A_973, %swap3A_974], %swap3A_977 {strides = array<i32>} : memref<4x1x200x64xf32, #tpu.memory_space<vmem>>, vector<1x1x1x16xf32>,
      }
      %scan3A_120 = arith.constant 200 : i32
      %add3A_121 = arith.addi %mul3A_2, %add3A_97 : i32
      %dma_start3A_122 = arith.constant 0 : i32
      %dma_start3A_123 = arith.constant 0 : i32
      %dma_start3A_124 = arith.constant 0 : i32
      %dma_start3A_125 = arith.constant 0 : i32
      %dma_start3A_126 = tpu.memref_slice %arg6[%dma_start3A_122, %dma_start3A_123, %dma_start3A_124, %dma_start3A_125] : memref<4x1x200x64xf32, #tpu.memory_space<vmem>> -> memref<1x1x200x64xf32, #tpu.memory_space<vmem>>
      %dma_start3A_127 = tpu.memref_squeeze %dma_start3A_126 : memref<1x1x200x64xf32, #tpu.memory_space<vmem>> -> memref<1x200x64xf32, #tpu.memory_space<vmem>>
      %dma_start3A_128 = arith.constant 0 : i32
      %dma_start3A_129 = arith.constant 0 : i32
      %dma_start3A_130 = tpu.memref_slice %arg4[%add3A_121, %dma_start3A_128, %dma_start3A_129] : memref<4096x200x64xf32, #tpu.memory_space<hbm>> -> memref<1x200x64xf32, #tpu.memory_space<hbm>>
      %dma_start3A_131 = arith.constant 0 : i32
      %dma_start3A_132 = arith.constant 0 : i32
      %dma_start3A_133 = tpu.memref_slice %arg4[%add3A_121, %dma_start3A_131, %dma_start3A_132] : memref<4096x200x64xf32, #tpu.memory_space<hbm>> -> memref<1x200x64xf32, #tpu.memory_space<hbm>>
      %dma_start3A_134 = arith.constant 0 : i32
      %dma_start3A_135 = arith.constant 0 : i32
      %dma_start3A_136 = arith.constant 0 : i32
      %dma_start3A_137 = tpu.memref_slice %arg6[%dma_start3A_122, %dma_start3A_134, %dma_start3A_135, %dma_start3A_136] : memref<4x1x200x64xf32, #tpu.memory_space<vmem>> -> memref<1x1x200x64xf32, #tpu.memory_space<vmem>>
      %dma_start3A_138 = tpu.memref_squeeze %dma_start3A_137 : memref<1x1x200x64xf32, #tpu.memory_space<vmem>> -> memref<1x200x64xf32, #tpu.memory_space<vmem>>
      tpu.enqueue_dma source(%dma_start3A_138 : memref<1x200x64xf32, #tpu.memory_space<vmem>>) target(%dma_start3A_133 : memref<1x200x64xf32, #tpu.memory_space<hbm>>) target_semaphore(%arg11 : memref<!tpu.dma_semaphore, #tpu.memory_space<semaphore_mem>>)
      %ge3A = arith.constant 1 : i32
      %ge3A_139 = arith.cmpi sge, %add3A_97, %ge3A : i32
      %convert_element_type3A = arith.extui %ge3A_139 : i1 to i32
      %cond3A = arith.constant 0 : i32
      %cond3A_140 = arith.cmpi ne, %convert_element_type3A, %cond3A : i32
      scf.if %cond3A_140 {
        %sub3A_325 = arith.constant 1 : i32
        %sub3A_326 = arith.subi %add3A_97, %sub3A_325 : i32
        %add3A_327 = arith.addi %mul3A_2, %sub3A_326 : i32
        %dma_wait3A_328 = arith.constant 3 : i32
        %dma_wait3A_329 = arith.constant 0 : i32
        %dma_wait3A_330 = arith.constant 0 : i32
        %dma_wait3A_331 = arith.constant 0 : i32
        %dma_wait3A_332 = tpu.memref_slice %arg6[%dma_wait3A_328, %dma_wait3A_329, %dma_wait3A_330, %dma_wait3A_331] : memref<4x1x200x64xf32, #tpu.memory_space<vmem>> -> memref<1x1x200x64xf32, #tpu.memory_space<vmem>>
        %dma_wait3A_333 = tpu.memref_squeeze %dma_wait3A_332 : memref<1x1x200x64xf32, #tpu.memory_space<vmem>> -> memref<1x200x64xf32, #tpu.memory_space<vmem>>
        %dma_wait3A_334 = arith.constant 0 : i32
        %dma_wait3A_335 = arith.constant 0 : i32
        %dma_wait3A_336 = tpu.memref_slice %arg4[%add3A_327, %dma_wait3A_334, %dma_wait3A_335] : memref<4096x200x64xf32, #tpu.memory_space<hbm>> -> memref<1x200x64xf32, #tpu.memory_space<hbm>>
        %dma_wait3A_337 = arith.constant 0 : i32
        %dma_wait3A_338 = arith.constant 0 : i32
        %dma_wait3A_339 = tpu.memref_slice %arg4[%add3A_327, %dma_wait3A_337, %dma_wait3A_338] : memref<4096x200x64xf32, #tpu.memory_space<hbm>> -> memref<1x200x64xf32, #tpu.memory_space<hbm>>
        %dma_wait3A_340 = arith.constant 0 : i32
        %dma_wait3A_341 = arith.constant 0 : i32
        %dma_wait3A_342 = arith.constant 0 : i32
        %dma_wait3A_343 = tpu.memref_slice %arg6[%dma_wait3A_328, %dma_wait3A_340, %dma_wait3A_341, %dma_wait3A_342] : memref<4x1x200x64xf32, #tpu.memory_space<vmem>> -> memref<1x1x200x64xf32, #tpu.memory_space<vmem>>
        %dma_wait3A_344 = tpu.memref_squeeze %dma_wait3A_343 : memref<1x1x200x64xf32, #tpu.memory_space<vmem>> -> memref<1x200x64xf32, #tpu.memory_space<vmem>>
        tpu.wait_dma2 semaphore(%arg14 : memref<!tpu.dma_semaphore, #tpu.memory_space<semaphore_mem>>) src(%dma_wait3A_344 : memref<1x200x64xf32, #tpu.memory_space<vmem>>) dst(%dma_wait3A_339 : memref<1x200x64xf32, #tpu.memory_space<hbm>>)
      } else {
      }
      %add3A_141 = arith.constant 4 : i32
      %add3A_142 = arith.addi %add3A_97, %add3A_141 : i32
      %sub3A = arith.constant 1 : i32
      %sub3A_143 = arith.subi %add3A_142, %sub3A : i32
      %lt3A = arith.constant 128 : i32
      %lt3A_144 = arith.cmpi slt, %sub3A_143, %lt3A : i32
      %convert_element_type3A_145 = arith.extui %lt3A_144 : i1 to i32
      %cond3A_146 = arith.constant 0 : i32
      %cond3A_147 = arith.cmpi ne, %convert_element_type3A_145, %cond3A_146 : i32
      scf.if %cond3A_147 {
        %add3A_325 = arith.constant 4 : i32
        %add3A_326 = arith.addi %add3A_97, %add3A_325 : i32
        %sub3A_327 = arith.constant 1 : i32
        %sub3A_328 = arith.subi %add3A_326, %sub3A_327 : i32
        %mul3A_329 = arith.constant 200 : i32
        %mul3A_330 = arith.muli %sub3A_328, %mul3A_329 : i32
        %add3A_331 = arith.constant 0 : i32
        %add3A_332 = arith.addi %mul3A_330, %add3A_331 : i32
        %dma_start3A_333 = arith.constant 3 : i32
        %dma_start3A_334 = arith.constant 0 : i32
        %dma_start3A_335 = arith.constant 0 : i32
        %dma_start3A_336 = arith.constant 0 : i32
        %dma_start3A_337 = tpu.memref_slice %arg6[%dma_start3A_333, %dma_start3A_334, %dma_start3A_335, %dma_start3A_336] : memref<4x1x200x64xf32, #tpu.memory_space<vmem>> -> memref<1x1x104x64xf32, #tpu.memory_space<vmem>>
        %dma_start3A_338 = tpu.memref_squeeze %dma_start3A_337 : memref<1x1x104x64xf32, #tpu.memory_space<vmem>> -> memref<104x64xf32, #tpu.memory_space<vmem>>
        %dma_start3A_339 = tpu.memref_slice %arg5[%add3A_332] : memref<25600xi32, #tpu.memory_space<vmem>> -> memref<104xi32, #tpu.memory_space<vmem>>
        %dma_start3A_340 = arith.constant 0 : i32
        %dma_start3A_341 = arith.constant 0 : i32
        %dma_start3A_342 = tpu.memref_slice %arg3[%dma_start3A_340, %dma_start3A_341] : memref<1000000x64xf32, #tpu.memory_space<hbm>> -> memref<1000000x64xf32, #tpu.memory_space<hbm>>
        tpu.enqueue_indirect_dma source(%dma_start3A_342 : memref<1000000x64xf32, #tpu.memory_space<hbm>>) target(%dma_start3A_338 : memref<104x64xf32, #tpu.memory_space<vmem>>) offsets(%dma_start3A_339 : memref<104xi32, #tpu.memory_space<vmem>>) semaphore(%arg10 : memref<!tpu.dma_semaphore, #tpu.memory_space<semaphore_mem>>)
        %mul3A_343 = arith.constant 200 : i32
        %mul3A_344 = arith.muli %sub3A_328, %mul3A_343 : i32
        %add3A_345 = arith.constant 104 : i32
        %add3A_346 = arith.addi %mul3A_344, %add3A_345 : i32
        %dma_start3A_347 = arith.constant 3 : i32
        %dma_start3A_348 = arith.constant 0 : i32
        %dma_start3A_349 = arith.constant 104 : i32
        %dma_start3A_350 = arith.constant 0 : i32
        %dma_start3A_351 = tpu.memref_slice %arg6[%dma_start3A_347, %dma_start3A_348, %dma_start3A_349, %dma_start3A_350] : memref<4x1x200x64xf32, #tpu.memory_space<vmem>> -> memref<1x1x96x64xf32, #tpu.memory_space<vmem>>
        %dma_start3A_352 = tpu.memref_squeeze %dma_start3A_351 : memref<1x1x96x64xf32, #tpu.memory_space<vmem>> -> memref<96x64xf32, #tpu.memory_space<vmem>>
        %dma_start3A_353 = tpu.memref_slice %arg5[%add3A_346] : memref<25600xi32, #tpu.memory_space<vmem>> -> memref<96xi32, #tpu.memory_space<vmem>>
        %dma_start3A_354 = arith.constant 0 : i32
        %dma_start3A_355 = arith.constant 0 : i32
        %dma_start3A_356 = tpu.memref_slice %arg3[%dma_start3A_354, %dma_start3A_355] : memref<1000000x64xf32, #tpu.memory_space<hbm>> -> memref<1000000x64xf32, #tpu.memory_space<hbm>>
        tpu.enqueue_indirect_dma source(%dma_start3A_356 : memref<1000000x64xf32, #tpu.memory_space<hbm>>) target(%dma_start3A_352 : memref<96x64xf32, #tpu.memory_space<vmem>>) offsets(%dma_start3A_353 : memref<96xi32, #tpu.memory_space<vmem>>) semaphore(%arg10 : memref<!tpu.dma_semaphore, #tpu.memory_space<semaphore_mem>>)
      } else {
      }
      %mul3A_148 = arith.constant 4 : i32
      %mul3A_149 = arith.muli %scan3A_93, %mul3A_148 : i32
      %add3A_150 = arith.constant 1 : i32
      %add3A_151 = arith.addi %mul3A_149, %add3A_150 : i32
      %dma_wait3A_152 = arith.constant 1 : i32
      %dma_wait3A_153 = arith.constant 0 : i32
      %dma_wait3A_154 = arith.constant 0 : i32
      %dma_wait3A_155 = arith.constant 0 : i32
      %dma_wait3A_156 = tpu.memref_slice %arg6[%dma_wait3A_152, %dma_wait3A_153, %dma_wait3A_154, %dma_wait3A_155] : memref<4x1x200x64xf32, #tpu.memory_space<vmem>> -> memref<1x1x200x64xf32, #tpu.memory_space<vmem>>
      %dma_wait3A_157 = tpu.memref_squeeze %dma_wait3A_156 : memref<1x1x200x64xf32, #tpu.memory_space<vmem>> -> memref<1x200x64xf32, #tpu.memory_space<vmem>>
      %dma_wait3A_158 = arith.constant 0 : i32
      %dma_wait3A_159 = arith.constant 0 : i32
      %dma_wait3A_160 = tpu.memref_slice %arg3[%dma_wait3A_158, %dma_wait3A_159] : memref<1000000x64xf32, #tpu.memory_space<hbm>> -> memref<200x64xf32, #tpu.memory_space<hbm>>
      %dma_wait3A_161 = arith.constant 0 : i32
      %dma_wait3A_162 = arith.constant 0 : i32
      %dma_wait3A_163 = arith.constant 0 : i32
      %dma_wait3A_164 = tpu.memref_slice %arg6[%dma_wait3A_152, %dma_wait3A_161, %dma_wait3A_162, %dma_wait3A_163] : memref<4x1x200x64xf32, #tpu.memory_space<vmem>> -> memref<1x1x200x64xf32, #tpu.memory_space<vmem>>
      %dma_wait3A_165 = tpu.memref_squeeze %dma_wait3A_164 : memref<1x1x200x64xf32, #tpu.memory_space<vmem>> -> memref<1x200x64xf32, #tpu.memory_space<vmem>>
      %dma_wait3A_166 = arith.constant 0 : i32
      %dma_wait3A_167 = arith.constant 0 : i32
      %dma_wait3A_168 = tpu.memref_slice %arg3[%dma_wait3A_166, %dma_wait3A_167] : memref<1000000x64xf32, #tpu.memory_space<hbm>> -> memref<200x64xf32, #tpu.memory_space<hbm>>
      tpu.wait_dma2 semaphore(%arg8 : memref<!tpu.dma_semaphore, #tpu.memory_space<semaphore_mem>>) src(%dma_wait3A_168 : memref<200x64xf32, #tpu.memory_space<hbm>>) dst(%dma_wait3A_165 : memref<1x200x64xf32, #tpu.memory_space<vmem>>)
      %scan3A_169 = arith.constant 0 : i32
      %scan3A_170 = arith.constant 0 : i32
      %scan3A_171 = arith.constant 200 : i32
      %scan3A_172 = arith.addi %scan3A_170, %scan3A_171 : i32
      %scan3A_173 = arith.constant 8 : i32
      scf.for %scan3A_325 = %scan3A_170 to %scan3A_172 step %scan3A_173  : i32 {
        %get3A = arith.constant 1 : i32
        %get3A_326 = arith.constant 0 : i32
        %get3A_327 = arith.index_cast %get3A : i32 to index
        %get3A_328 = arith.index_cast %get3A_326 : i32 to index
        %get3A_329 = arith.index_cast %scan3A_325 : i32 to index
        %get3A_330 = arith.constant 0 : index
        %get3A_331 = tpu.vector_load %arg6[%get3A_327, %get3A_328, %get3A_329, %get3A_330] {strides = array<i32>} : memref<4x1x200x64xf32, #tpu.memory_space<vmem>>, vector<1x1x1x16xf32>,
        %get3A_332 = vector.shape_cast %get3A_331 : vector<1x1x1x16xf32> to vector<16xf32>
        %mul3A_333 = arith.constant 8.000000e+00 : f32
        %mul3A_334 = vector.broadcast %mul3A_333 : f32 to vector<16xf32>
        %mul3A_335 = arith.mulf %get3A_332, %mul3A_334 : vector<16xf32>
        %swap3A = arith.constant 1 : i32
        %swap3A_336 = arith.constant 0 : i32
        %swap3A_337 = arith.index_cast %swap3A : i32 to index
        %swap3A_338 = arith.index_cast %swap3A_336 : i32 to index
        %swap3A_339 = arith.index_cast %scan3A_325 : i32 to index
        %swap3A_340 = arith.constant 0 : index
        %swap3A_341 = tpu.vector_load %arg6[%swap3A_337, %swap3A_338, %swap3A_339, %swap3A_340] {strides = array<i32>} : memref<4x1x200x64xf32, #tpu.memory_space<vmem>>, vector<1x1x1x16xf32>,
        %swap3A_342 = vector.shape_cast %swap3A_341 : vector<1x1x1x16xf32> to vector<16xf32>
        %swap3A_343 = vector.shape_cast %mul3A_335 : vector<16xf32> to vector<1x1x1x16xf32>
        tpu.vector_store %arg6[%swap3A_337, %swap3A_338, %swap3A_339, %swap3A_340], %swap3A_343 {strides = array<i32>} : memref<4x1x200x64xf32, #tpu.memory_space<vmem>>, vector<1x1x1x16xf32>,
        %get3A_344 = arith.constant 1 : i32
        %get3A_345 = arith.constant 0 : i32
        %get3A_346 = arith.index_cast %get3A_344 : i32 to index
        %get3A_347 = arith.index_cast %get3A_345 : i32 to index
        %get3A_348 = arith.index_cast %scan3A_325 : i32 to index
        %get3A_349 = arith.constant 16 : index
        %get3A_350 = tpu.vector_load %arg6[%get3A_346, %get3A_347, %get3A_348, %get3A_349] {strides = array<i32>} : memref<4x1x200x64xf32, #tpu.memory_space<vmem>>, vector<1x1x1x16xf32>,
        %get3A_351 = vector.shape_cast %get3A_350 : vector<1x1x1x16xf32> to vector<16xf32>
        %mul3A_352 = arith.constant 8.000000e+00 : f32
        %mul3A_353 = vector.broadcast %mul3A_352 : f32 to vector<16xf32>
        %mul3A_354 = arith.mulf %get3A_351, %mul3A_353 : vector<16xf32>
        %swap3A_355 = arith.constant 1 : i32
        %swap3A_356 = arith.constant 0 : i32
        %swap3A_357 = arith.index_cast %swap3A_355 : i32 to index
        %swap3A_358 = arith.index_cast %swap3A_356 : i32 to index
        %swap3A_359 = arith.index_cast %scan3A_325 : i32 to index
        %swap3A_360 = arith.constant 16 : index
        %swap3A_361 = tpu.vector_load %arg6[%swap3A_357, %swap3A_358, %swap3A_359, %swap3A_360] {strides = array<i32>} : memref<4x1x200x64xf32, #tpu.memory_space<vmem>>, vector<1x1x1x16xf32>,
        %swap3A_362 = vector.shape_cast %swap3A_361 : vector<1x1x1x16xf32> to vector<16xf32>
        %swap3A_363 = vector.shape_cast %mul3A_354 : vector<16xf32> to vector<1x1x1x16xf32>
        tpu.vector_store %arg6[%swap3A_357, %swap3A_358, %swap3A_359, %swap3A_360], %swap3A_363 {strides = array<i32>} : memref<4x1x200x64xf32, #tpu.memory_space<vmem>>, vector<1x1x1x16xf32>,
        %get3A_364 = arith.constant 1 : i32
        %get3A_365 = arith.constant 0 : i32
        %get3A_366 = arith.index_cast %get3A_364 : i32 to index
        %get3A_367 = arith.index_cast %get3A_365 : i32 to index
        %get3A_368 = arith.index_cast %scan3A_325 : i32 to index
        %get3A_369 = arith.constant 32 : index
        %get3A_370 = tpu.vector_load %arg6[%get3A_366, %get3A_367, %get3A_368, %get3A_369] {strides = array<i32>} : memref<4x1x200x64xf32, #tpu.memory_space<vmem>>, vector<1x1x1x16xf32>,
        %get3A_371 = vector.shape_cast %get3A_370 : vector<1x1x1x16xf32> to vector<16xf32>
        %mul3A_372 = arith.constant 8.000000e+00 : f32
        %mul3A_373 = vector.broadcast %mul3A_372 : f32 to vector<16xf32>
        %mul3A_374 = arith.mulf %get3A_371, %mul3A_373 : vector<16xf32>
        %swap3A_375 = arith.constant 1 : i32
        %swap3A_376 = arith.constant 0 : i32
        %swap3A_377 = arith.index_cast %swap3A_375 : i32 to index
        %swap3A_378 = arith.index_cast %swap3A_376 : i32 to index
        %swap3A_379 = arith.index_cast %scan3A_325 : i32 to index
        %swap3A_380 = arith.constant 32 : index
        %swap3A_381 = tpu.vector_load %arg6[%swap3A_377, %swap3A_378, %swap3A_379, %swap3A_380] {strides = array<i32>} : memref<4x1x200x64xf32, #tpu.memory_space<vmem>>, vector<1x1x1x16xf32>,
        %swap3A_382 = vector.shape_cast %swap3A_381 : vector<1x1x1x16xf32> to vector<16xf32>
        %swap3A_383 = vector.shape_cast %mul3A_374 : vector<16xf32> to vector<1x1x1x16xf32>
        tpu.vector_store %arg6[%swap3A_377, %swap3A_378, %swap3A_379, %swap3A_380], %swap3A_383 {strides = array<i32>} : memref<4x1x200x64xf32, #tpu.memory_space<vmem>>, vector<1x1x1x16xf32>,
        %get3A_384 = arith.constant 1 : i32
        %get3A_385 = arith.constant 0 : i32
        %get3A_386 = arith.index_cast %get3A_384 : i32 to index
        %get3A_387 = arith.index_cast %get3A_385 : i32 to index
        %get3A_388 = arith.index_cast %scan3A_325 : i32 to index
        %get3A_389 = arith.constant 48 : index
        %get3A_390 = tpu.vector_load %arg6[%get3A_386, %get3A_387, %get3A_388, %get3A_389] {strides = array<i32>} : memref<4x1x200x64xf32, #tpu.memory_space<vmem>>, vector<1x1x1x16xf32>,
        %get3A_391 = vector.shape_cast %get3A_390 : vector<1x1x1x16xf32> to vector<16xf32>
        %mul3A_392 = arith.constant 8.000000e+00 : f32
        %mul3A_393 = vector.broadcast %mul3A_392 : f32 to vector<16xf32>
        %mul3A_394 = arith.mulf %get3A_391, %mul3A_393 : vector<16xf32>
        %swap3A_395 = arith.constant 1 : i32
        %swap3A_396 = arith.constant 0 : i32
        %swap3A_397 = arith.index_cast %swap3A_395 : i32 to index
        %swap3A_398 = arith.index_cast %swap3A_396 : i32 to index
        %swap3A_399 = arith.index_cast %scan3A_325 : i32 to index
        %swap3A_400 = arith.constant 48 : index
        %swap3A_401 = tpu.vector_load %arg6[%swap3A_397, %swap3A_398, %swap3A_399, %swap3A_400] {strides = array<i32>} : memref<4x1x200x64xf32, #tpu.memory_space<vmem>>, vector<1x1x1x16xf32>,
        %swap3A_402 = vector.shape_cast %swap3A_401 : vector<1x1x1x16xf32> to vector<16xf32>
        %swap3A_403 = vector.shape_cast %mul3A_394 : vector<16xf32> to vector<1x1x1x16xf32>
        tpu.vector_store %arg6[%swap3A_397, %swap3A_398, %swap3A_399, %swap3A_400], %swap3A_403 {strides = array<i32>} : memref<4x1x200x64xf32, #tpu.memory_space<vmem>>, vector<1x1x1x16xf32>,
        %scan3A_404 = arith.constant 1 : i32
        %scan3A_405 = arith.addi %scan3A_325, %scan3A_404 : i32
        %get3A_406 = arith.constant 1 : i32
        %get3A_407 = arith.constant 0 : i32
        %get3A_408 = arith.index_cast %get3A_406 : i32 to index
        %get3A_409 = arith.index_cast %get3A_407 : i32 to index
        %get3A_410 = arith.index_cast %scan3A_405 : i32 to index
        %get3A_411 = arith.constant 0 : index
        %get3A_412 = tpu.vector_load %arg6[%get3A_408, %get3A_409, %get3A_410, %get3A_411] {strides = array<i32>} : memref<4x1x200x64xf32, #tpu.memory_space<vmem>>, vector<1x1x1x16xf32>,
        %get3A_413 = vector.shape_cast %get3A_412 : vector<1x1x1x16xf32> to vector<16xf32>
        %mul3A_414 = arith.constant 8.000000e+00 : f32
        %mul3A_415 = vector.broadcast %mul3A_414 : f32 to vector<16xf32>
        %mul3A_416 = arith.mulf %get3A_413, %mul3A_415 : vector<16xf32>
        %swap3A_417 = arith.constant 1 : i32
        %swap3A_418 = arith.constant 0 : i32
        %swap3A_419 = arith.index_cast %swap3A_417 : i32 to index
        %swap3A_420 = arith.index_cast %swap3A_418 : i32 to index
        %swap3A_421 = arith.index_cast %scan3A_405 : i32 to index
        %swap3A_422 = arith.constant 0 : index
        %swap3A_423 = tpu.vector_load %arg6[%swap3A_419, %swap3A_420, %swap3A_421, %swap3A_422] {strides = array<i32>} : memref<4x1x200x64xf32, #tpu.memory_space<vmem>>, vector<1x1x1x16xf32>,
        %swap3A_424 = vector.shape_cast %swap3A_423 : vector<1x1x1x16xf32> to vector<16xf32>
        %swap3A_425 = vector.shape_cast %mul3A_416 : vector<16xf32> to vector<1x1x1x16xf32>
        tpu.vector_store %arg6[%swap3A_419, %swap3A_420, %swap3A_421, %swap3A_422], %swap3A_425 {strides = array<i32>} : memref<4x1x200x64xf32, #tpu.memory_space<vmem>>, vector<1x1x1x16xf32>,
        %get3A_426 = arith.constant 1 : i32
        %get3A_427 = arith.constant 0 : i32
        %get3A_428 = arith.index_cast %get3A_426 : i32 to index
        %get3A_429 = arith.index_cast %get3A_427 : i32 to index
        %get3A_430 = arith.index_cast %scan3A_405 : i32 to index
        %get3A_431 = arith.constant 16 : index
        %get3A_432 = tpu.vector_load %arg6[%get3A_428, %get3A_429, %get3A_430, %get3A_431] {strides = array<i32>} : memref<4x1x200x64xf32, #tpu.memory_space<vmem>>, vector<1x1x1x16xf32>,
        %get3A_433 = vector.shape_cast %get3A_432 : vector<1x1x1x16xf32> to vector<16xf32>
        %mul3A_434 = arith.constant 8.000000e+00 : f32
        %mul3A_435 = vector.broadcast %mul3A_434 : f32 to vector<16xf32>
        %mul3A_436 = arith.mulf %get3A_433, %mul3A_435 : vector<16xf32>
        %swap3A_437 = arith.constant 1 : i32
        %swap3A_438 = arith.constant 0 : i32
        %swap3A_439 = arith.index_cast %swap3A_437 : i32 to index
        %swap3A_440 = arith.index_cast %swap3A_438 : i32 to index
        %swap3A_441 = arith.index_cast %scan3A_405 : i32 to index
        %swap3A_442 = arith.constant 16 : index
        %swap3A_443 = tpu.vector_load %arg6[%swap3A_439, %swap3A_440, %swap3A_441, %swap3A_442] {strides = array<i32>} : memref<4x1x200x64xf32, #tpu.memory_space<vmem>>, vector<1x1x1x16xf32>,
        %swap3A_444 = vector.shape_cast %swap3A_443 : vector<1x1x1x16xf32> to vector<16xf32>
        %swap3A_445 = vector.shape_cast %mul3A_436 : vector<16xf32> to vector<1x1x1x16xf32>
        tpu.vector_store %arg6[%swap3A_439, %swap3A_440, %swap3A_441, %swap3A_442], %swap3A_445 {strides = array<i32>} : memref<4x1x200x64xf32, #tpu.memory_space<vmem>>, vector<1x1x1x16xf32>,
        %get3A_446 = arith.constant 1 : i32
        %get3A_447 = arith.constant 0 : i32
        %get3A_448 = arith.index_cast %get3A_446 : i32 to index
        %get3A_449 = arith.index_cast %get3A_447 : i32 to index
        %get3A_450 = arith.index_cast %scan3A_405 : i32 to index
        %get3A_451 = arith.constant 32 : index
        %get3A_452 = tpu.vector_load %arg6[%get3A_448, %get3A_449, %get3A_450, %get3A_451] {strides = array<i32>} : memref<4x1x200x64xf32, #tpu.memory_space<vmem>>, vector<1x1x1x16xf32>,
        %get3A_453 = vector.shape_cast %get3A_452 : vector<1x1x1x16xf32> to vector<16xf32>
        %mul3A_454 = arith.constant 8.000000e+00 : f32
        %mul3A_455 = vector.broadcast %mul3A_454 : f32 to vector<16xf32>
        %mul3A_456 = arith.mulf %get3A_453, %mul3A_455 : vector<16xf32>
        %swap3A_457 = arith.constant 1 : i32
        %swap3A_458 = arith.constant 0 : i32
        %swap3A_459 = arith.index_cast %swap3A_457 : i32 to index
        %swap3A_460 = arith.index_cast %swap3A_458 : i32 to index
        %swap3A_461 = arith.index_cast %scan3A_405 : i32 to index
        %swap3A_462 = arith.constant 32 : index
        %swap3A_463 = tpu.vector_load %arg6[%swap3A_459, %swap3A_460, %swap3A_461, %swap3A_462] {strides = array<i32>} : memref<4x1x200x64xf32, #tpu.memory_space<vmem>>, vector<1x1x1x16xf32>,
        %swap3A_464 = vector.shape_cast %swap3A_463 : vector<1x1x1x16xf32> to vector<16xf32>
        %swap3A_465 = vector.shape_cast %mul3A_456 : vector<16xf32> to vector<1x1x1x16xf32>
        tpu.vector_store %arg6[%swap3A_459, %swap3A_460, %swap3A_461, %swap3A_462], %swap3A_465 {strides = array<i32>} : memref<4x1x200x64xf32, #tpu.memory_space<vmem>>, vector<1x1x1x16xf32>,
        %get3A_466 = arith.constant 1 : i32
        %get3A_467 = arith.constant 0 : i32
        %get3A_468 = arith.index_cast %get3A_466 : i32 to index
        %get3A_469 = arith.index_cast %get3A_467 : i32 to index
        %get3A_470 = arith.index_cast %scan3A_405 : i32 to index
        %get3A_471 = arith.constant 48 : index
        %get3A_472 = tpu.vector_load %arg6[%get3A_468, %get3A_469, %get3A_470, %get3A_471] {strides = array<i32>} : memref<4x1x200x64xf32, #tpu.memory_space<vmem>>, vector<1x1x1x16xf32>,
        %get3A_473 = vector.shape_cast %get3A_472 : vector<1x1x1x16xf32> to vector<16xf32>
        %mul3A_474 = arith.constant 8.000000e+00 : f32
        %mul3A_475 = vector.broadcast %mul3A_474 : f32 to vector<16xf32>
        %mul3A_476 = arith.mulf %get3A_473, %mul3A_475 : vector<16xf32>
        %swap3A_477 = arith.constant 1 : i32
        %swap3A_478 = arith.constant 0 : i32
        %swap3A_479 = arith.index_cast %swap3A_477 : i32 to index
        %swap3A_480 = arith.index_cast %swap3A_478 : i32 to index
        %swap3A_481 = arith.index_cast %scan3A_405 : i32 to index
        %swap3A_482 = arith.constant 48 : index
        %swap3A_483 = tpu.vector_load %arg6[%swap3A_479, %swap3A_480, %swap3A_481, %swap3A_482] {strides = array<i32>} : memref<4x1x200x64xf32, #tpu.memory_space<vmem>>, vector<1x1x1x16xf32>,
        %swap3A_484 = vector.shape_cast %swap3A_483 : vector<1x1x1x16xf32> to vector<16xf32>
        %swap3A_485 = vector.shape_cast %mul3A_476 : vector<16xf32> to vector<1x1x1x16xf32>
        tpu.vector_store %arg6[%swap3A_479, %swap3A_480, %swap3A_481, %swap3A_482], %swap3A_485 {strides = array<i32>} : memref<4x1x200x64xf32, #tpu.memory_space<vmem>>, vector<1x1x1x16xf32>,
        %scan3A_486 = arith.constant 2 : i32
        %scan3A_487 = arith.addi %scan3A_325, %scan3A_486 : i32
        %get3A_488 = arith.constant 1 : i32
        %get3A_489 = arith.constant 0 : i32
        %get3A_490 = arith.index_cast %get3A_488 : i32 to index
        %get3A_491 = arith.index_cast %get3A_489 : i32 to index
        %get3A_492 = arith.index_cast %scan3A_487 : i32 to index
        %get3A_493 = arith.constant 0 : index
        %get3A_494 = tpu.vector_load %arg6[%get3A_490, %get3A_491, %get3A_492, %get3A_493] {strides = array<i32>} : memref<4x1x200x64xf32, #tpu.memory_space<vmem>>, vector<1x1x1x16xf32>,
        %get3A_495 = vector.shape_cast %get3A_494 : vector<1x1x1x16xf32> to vector<16xf32>
        %mul3A_496 = arith.constant 8.000000e+00 : f32
        %mul3A_497 = vector.broadcast %mul3A_496 : f32 to vector<16xf32>
        %mul3A_498 = arith.mulf %get3A_495, %mul3A_497 : vector<16xf32>
        %swap3A_499 = arith.constant 1 : i32
        %swap3A_500 = arith.constant 0 : i32
        %swap3A_501 = arith.index_cast %swap3A_499 : i32 to index
        %swap3A_502 = arith.index_cast %swap3A_500 : i32 to index
        %swap3A_503 = arith.index_cast %scan3A_487 : i32 to index
        %swap3A_504 = arith.constant 0 : index
        %swap3A_505 = tpu.vector_load %arg6[%swap3A_501, %swap3A_502, %swap3A_503, %swap3A_504] {strides = array<i32>} : memref<4x1x200x64xf32, #tpu.memory_space<vmem>>, vector<1x1x1x16xf32>,
        %swap3A_506 = vector.shape_cast %swap3A_505 : vector<1x1x1x16xf32> to vector<16xf32>
        %swap3A_507 = vector.shape_cast %mul3A_498 : vector<16xf32> to vector<1x1x1x16xf32>
        tpu.vector_store %arg6[%swap3A_501, %swap3A_502, %swap3A_503, %swap3A_504], %swap3A_507 {strides = array<i32>} : memref<4x1x200x64xf32, #tpu.memory_space<vmem>>, vector<1x1x1x16xf32>,
        %get3A_508 = arith.constant 1 : i32
        %get3A_509 = arith.constant 0 : i32
        %get3A_510 = arith.index_cast %get3A_508 : i32 to index
        %get3A_511 = arith.index_cast %get3A_509 : i32 to index
        %get3A_512 = arith.index_cast %scan3A_487 : i32 to index
        %get3A_513 = arith.constant 16 : index
        %get3A_514 = tpu.vector_load %arg6[%get3A_510, %get3A_511, %get3A_512, %get3A_513] {strides = array<i32>} : memref<4x1x200x64xf32, #tpu.memory_space<vmem>>, vector<1x1x1x16xf32>,
        %get3A_515 = vector.shape_cast %get3A_514 : vector<1x1x1x16xf32> to vector<16xf32>
        %mul3A_516 = arith.constant 8.000000e+00 : f32
        %mul3A_517 = vector.broadcast %mul3A_516 : f32 to vector<16xf32>
        %mul3A_518 = arith.mulf %get3A_515, %mul3A_517 : vector<16xf32>
        %swap3A_519 = arith.constant 1 : i32
        %swap3A_520 = arith.constant 0 : i32
        %swap3A_521 = arith.index_cast %swap3A_519 : i32 to index
        %swap3A_522 = arith.index_cast %swap3A_520 : i32 to index
        %swap3A_523 = arith.index_cast %scan3A_487 : i32 to index
        %swap3A_524 = arith.constant 16 : index
        %swap3A_525 = tpu.vector_load %arg6[%swap3A_521, %swap3A_522, %swap3A_523, %swap3A_524] {strides = array<i32>} : memref<4x1x200x64xf32, #tpu.memory_space<vmem>>, vector<1x1x1x16xf32>,
        %swap3A_526 = vector.shape_cast %swap3A_525 : vector<1x1x1x16xf32> to vector<16xf32>
        %swap3A_527 = vector.shape_cast %mul3A_518 : vector<16xf32> to vector<1x1x1x16xf32>
        tpu.vector_store %arg6[%swap3A_521, %swap3A_522, %swap3A_523, %swap3A_524], %swap3A_527 {strides = array<i32>} : memref<4x1x200x64xf32, #tpu.memory_space<vmem>>, vector<1x1x1x16xf32>,
        %get3A_528 = arith.constant 1 : i32
        %get3A_529 = arith.constant 0 : i32
        %get3A_530 = arith.index_cast %get3A_528 : i32 to index
        %get3A_531 = arith.index_cast %get3A_529 : i32 to index
        %get3A_532 = arith.index_cast %scan3A_487 : i32 to index
        %get3A_533 = arith.constant 32 : index
        %get3A_534 = tpu.vector_load %arg6[%get3A_530, %get3A_531, %get3A_532, %get3A_533] {strides = array<i32>} : memref<4x1x200x64xf32, #tpu.memory_space<vmem>>, vector<1x1x1x16xf32>,
        %get3A_535 = vector.shape_cast %get3A_534 : vector<1x1x1x16xf32> to vector<16xf32>
        %mul3A_536 = arith.constant 8.000000e+00 : f32
        %mul3A_537 = vector.broadcast %mul3A_536 : f32 to vector<16xf32>
        %mul3A_538 = arith.mulf %get3A_535, %mul3A_537 : vector<16xf32>
        %swap3A_539 = arith.constant 1 : i32
        %swap3A_540 = arith.constant 0 : i32
        %swap3A_541 = arith.index_cast %swap3A_539 : i32 to index
        %swap3A_542 = arith.index_cast %swap3A_540 : i32 to index
        %swap3A_543 = arith.index_cast %scan3A_487 : i32 to index
        %swap3A_544 = arith.constant 32 : index
        %swap3A_545 = tpu.vector_load %arg6[%swap3A_541, %swap3A_542, %swap3A_543, %swap3A_544] {strides = array<i32>} : memref<4x1x200x64xf32, #tpu.memory_space<vmem>>, vector<1x1x1x16xf32>,
        %swap3A_546 = vector.shape_cast %swap3A_545 : vector<1x1x1x16xf32> to vector<16xf32>
        %swap3A_547 = vector.shape_cast %mul3A_538 : vector<16xf32> to vector<1x1x1x16xf32>
        tpu.vector_store %arg6[%swap3A_541, %swap3A_542, %swap3A_543, %swap3A_544], %swap3A_547 {strides = array<i32>} : memref<4x1x200x64xf32, #tpu.memory_space<vmem>>, vector<1x1x1x16xf32>,
        %get3A_548 = arith.constant 1 : i32
        %get3A_549 = arith.constant 0 : i32
        %get3A_550 = arith.index_cast %get3A_548 : i32 to index
        %get3A_551 = arith.index_cast %get3A_549 : i32 to index
        %get3A_552 = arith.index_cast %scan3A_487 : i32 to index
        %get3A_553 = arith.constant 48 : index
        %get3A_554 = tpu.vector_load %arg6[%get3A_550, %get3A_551, %get3A_552, %get3A_553] {strides = array<i32>} : memref<4x1x200x64xf32, #tpu.memory_space<vmem>>, vector<1x1x1x16xf32>,
        %get3A_555 = vector.shape_cast %get3A_554 : vector<1x1x1x16xf32> to vector<16xf32>
        %mul3A_556 = arith.constant 8.000000e+00 : f32
        %mul3A_557 = vector.broadcast %mul3A_556 : f32 to vector<16xf32>
        %mul3A_558 = arith.mulf %get3A_555, %mul3A_557 : vector<16xf32>
        %swap3A_559 = arith.constant 1 : i32
        %swap3A_560 = arith.constant 0 : i32
        %swap3A_561 = arith.index_cast %swap3A_559 : i32 to index
        %swap3A_562 = arith.index_cast %swap3A_560 : i32 to index
        %swap3A_563 = arith.index_cast %scan3A_487 : i32 to index
        %swap3A_564 = arith.constant 48 : index
        %swap3A_565 = tpu.vector_load %arg6[%swap3A_561, %swap3A_562, %swap3A_563, %swap3A_564] {strides = array<i32>} : memref<4x1x200x64xf32, #tpu.memory_space<vmem>>, vector<1x1x1x16xf32>,
        %swap3A_566 = vector.shape_cast %swap3A_565 : vector<1x1x1x16xf32> to vector<16xf32>
        %swap3A_567 = vector.shape_cast %mul3A_558 : vector<16xf32> to vector<1x1x1x16xf32>
        tpu.vector_store %arg6[%swap3A_561, %swap3A_562, %swap3A_563, %swap3A_564], %swap3A_567 {strides = array<i32>} : memref<4x1x200x64xf32, #tpu.memory_space<vmem>>, vector<1x1x1x16xf32>,
        %scan3A_568 = arith.constant 3 : i32
        %scan3A_569 = arith.addi %scan3A_325, %scan3A_568 : i32
        %get3A_570 = arith.constant 1 : i32
        %get3A_571 = arith.constant 0 : i32
        %get3A_572 = arith.index_cast %get3A_570 : i32 to index
        %get3A_573 = arith.index_cast %get3A_571 : i32 to index
        %get3A_574 = arith.index_cast %scan3A_569 : i32 to index
        %get3A_575 = arith.constant 0 : index
        %get3A_576 = tpu.vector_load %arg6[%get3A_572, %get3A_573, %get3A_574, %get3A_575] {strides = array<i32>} : memref<4x1x200x64xf32, #tpu.memory_space<vmem>>, vector<1x1x1x16xf32>,
        %get3A_577 = vector.shape_cast %get3A_576 : vector<1x1x1x16xf32> to vector<16xf32>
        %mul3A_578 = arith.constant 8.000000e+00 : f32
        %mul3A_579 = vector.broadcast %mul3A_578 : f32 to vector<16xf32>
        %mul3A_580 = arith.mulf %get3A_577, %mul3A_579 : vector<16xf32>
        %swap3A_581 = arith.constant 1 : i32
        %swap3A_582 = arith.constant 0 : i32
        %swap3A_583 = arith.index_cast %swap3A_581 : i32 to index
        %swap3A_584 = arith.index_cast %swap3A_582 : i32 to index
        %swap3A_585 = arith.index_cast %scan3A_569 : i32 to index
        %swap3A_586 = arith.constant 0 : index
        %swap3A_587 = tpu.vector_load %arg6[%swap3A_583, %swap3A_584, %swap3A_585, %swap3A_586] {strides = array<i32>} : memref<4x1x200x64xf32, #tpu.memory_space<vmem>>, vector<1x1x1x16xf32>,
        %swap3A_588 = vector.shape_cast %swap3A_587 : vector<1x1x1x16xf32> to vector<16xf32>
        %swap3A_589 = vector.shape_cast %mul3A_580 : vector<16xf32> to vector<1x1x1x16xf32>
        tpu.vector_store %arg6[%swap3A_583, %swap3A_584, %swap3A_585, %swap3A_586], %swap3A_589 {strides = array<i32>} : memref<4x1x200x64xf32, #tpu.memory_space<vmem>>, vector<1x1x1x16xf32>,
        %get3A_590 = arith.constant 1 : i32
        %get3A_591 = arith.constant 0 : i32
        %get3A_592 = arith.index_cast %get3A_590 : i32 to index
        %get3A_593 = arith.index_cast %get3A_591 : i32 to index
        %get3A_594 = arith.index_cast %scan3A_569 : i32 to index
        %get3A_595 = arith.constant 16 : index
        %get3A_596 = tpu.vector_load %arg6[%get3A_592, %get3A_593, %get3A_594, %get3A_595] {strides = array<i32>} : memref<4x1x200x64xf32, #tpu.memory_space<vmem>>, vector<1x1x1x16xf32>,
        %get3A_597 = vector.shape_cast %get3A_596 : vector<1x1x1x16xf32> to vector<16xf32>
        %mul3A_598 = arith.constant 8.000000e+00 : f32
        %mul3A_599 = vector.broadcast %mul3A_598 : f32 to vector<16xf32>
        %mul3A_600 = arith.mulf %get3A_597, %mul3A_599 : vector<16xf32>
        %swap3A_601 = arith.constant 1 : i32
        %swap3A_602 = arith.constant 0 : i32
        %swap3A_603 = arith.index_cast %swap3A_601 : i32 to index
        %swap3A_604 = arith.index_cast %swap3A_602 : i32 to index
        %swap3A_605 = arith.index_cast %scan3A_569 : i32 to index
        %swap3A_606 = arith.constant 16 : index
        %swap3A_607 = tpu.vector_load %arg6[%swap3A_603, %swap3A_604, %swap3A_605, %swap3A_606] {strides = array<i32>} : memref<4x1x200x64xf32, #tpu.memory_space<vmem>>, vector<1x1x1x16xf32>,
        %swap3A_608 = vector.shape_cast %swap3A_607 : vector<1x1x1x16xf32> to vector<16xf32>
        %swap3A_609 = vector.shape_cast %mul3A_600 : vector<16xf32> to vector<1x1x1x16xf32>
        tpu.vector_store %arg6[%swap3A_603, %swap3A_604, %swap3A_605, %swap3A_606], %swap3A_609 {strides = array<i32>} : memref<4x1x200x64xf32, #tpu.memory_space<vmem>>, vector<1x1x1x16xf32>,
        %get3A_610 = arith.constant 1 : i32
        %get3A_611 = arith.constant 0 : i32
        %get3A_612 = arith.index_cast %get3A_610 : i32 to index
        %get3A_613 = arith.index_cast %get3A_611 : i32 to index
        %get3A_614 = arith.index_cast %scan3A_569 : i32 to index
        %get3A_615 = arith.constant 32 : index
        %get3A_616 = tpu.vector_load %arg6[%get3A_612, %get3A_613, %get3A_614, %get3A_615] {strides = array<i32>} : memref<4x1x200x64xf32, #tpu.memory_space<vmem>>, vector<1x1x1x16xf32>,
        %get3A_617 = vector.shape_cast %get3A_616 : vector<1x1x1x16xf32> to vector<16xf32>
        %mul3A_618 = arith.constant 8.000000e+00 : f32
        %mul3A_619 = vector.broadcast %mul3A_618 : f32 to vector<16xf32>
        %mul3A_620 = arith.mulf %get3A_617, %mul3A_619 : vector<16xf32>
        %swap3A_621 = arith.constant 1 : i32
        %swap3A_622 = arith.constant 0 : i32
        %swap3A_623 = arith.index_cast %swap3A_621 : i32 to index
        %swap3A_624 = arith.index_cast %swap3A_622 : i32 to index
        %swap3A_625 = arith.index_cast %scan3A_569 : i32 to index
        %swap3A_626 = arith.constant 32 : index
        %swap3A_627 = tpu.vector_load %arg6[%swap3A_623, %swap3A_624, %swap3A_625, %swap3A_626] {strides = array<i32>} : memref<4x1x200x64xf32, #tpu.memory_space<vmem>>, vector<1x1x1x16xf32>,
        %swap3A_628 = vector.shape_cast %swap3A_627 : vector<1x1x1x16xf32> to vector<16xf32>
        %swap3A_629 = vector.shape_cast %mul3A_620 : vector<16xf32> to vector<1x1x1x16xf32>
        tpu.vector_store %arg6[%swap3A_623, %swap3A_624, %swap3A_625, %swap3A_626], %swap3A_629 {strides = array<i32>} : memref<4x1x200x64xf32, #tpu.memory_space<vmem>>, vector<1x1x1x16xf32>,
        %get3A_630 = arith.constant 1 : i32
        %get3A_631 = arith.constant 0 : i32
        %get3A_632 = arith.index_cast %get3A_630 : i32 to index
        %get3A_633 = arith.index_cast %get3A_631 : i32 to index
        %get3A_634 = arith.index_cast %scan3A_569 : i32 to index
        %get3A_635 = arith.constant 48 : index
        %get3A_636 = tpu.vector_load %arg6[%get3A_632, %get3A_633, %get3A_634, %get3A_635] {strides = array<i32>} : memref<4x1x200x64xf32, #tpu.memory_space<vmem>>, vector<1x1x1x16xf32>,
        %get3A_637 = vector.shape_cast %get3A_636 : vector<1x1x1x16xf32> to vector<16xf32>
        %mul3A_638 = arith.constant 8.000000e+00 : f32
        %mul3A_639 = vector.broadcast %mul3A_638 : f32 to vector<16xf32>
        %mul3A_640 = arith.mulf %get3A_637, %mul3A_639 : vector<16xf32>
        %swap3A_641 = arith.constant 1 : i32
        %swap3A_642 = arith.constant 0 : i32
        %swap3A_643 = arith.index_cast %swap3A_641 : i32 to index
        %swap3A_644 = arith.index_cast %swap3A_642 : i32 to index
        %swap3A_645 = arith.index_cast %scan3A_569 : i32 to index
        %swap3A_646 = arith.constant 48 : index
        %swap3A_647 = tpu.vector_load %arg6[%swap3A_643, %swap3A_644, %swap3A_645, %swap3A_646] {strides = array<i32>} : memref<4x1x200x64xf32, #tpu.memory_space<vmem>>, vector<1x1x1x16xf32>,
        %swap3A_648 = vector.shape_cast %swap3A_647 : vector<1x1x1x16xf32> to vector<16xf32>
        %swap3A_649 = vector.shape_cast %mul3A_640 : vector<16xf32> to vector<1x1x1x16xf32>
        tpu.vector_store %arg6[%swap3A_643, %swap3A_644, %swap3A_645, %swap3A_646], %swap3A_649 {strides = array<i32>} : memref<4x1x200x64xf32, #tpu.memory_space<vmem>>, vector<1x1x1x16xf32>,
        %scan3A_650 = arith.constant 4 : i32
        %scan3A_651 = arith.addi %scan3A_325, %scan3A_650 : i32
        %get3A_652 = arith.constant 1 : i32
        %get3A_653 = arith.constant 0 : i32
        %get3A_654 = arith.index_cast %get3A_652 : i32 to index
        %get3A_655 = arith.index_cast %get3A_653 : i32 to index
        %get3A_656 = arith.index_cast %scan3A_651 : i32 to index
        %get3A_657 = arith.constant 0 : index
        %get3A_658 = tpu.vector_load %arg6[%get3A_654, %get3A_655, %get3A_656, %get3A_657] {strides = array<i32>} : memref<4x1x200x64xf32, #tpu.memory_space<vmem>>, vector<1x1x1x16xf32>,
        %get3A_659 = vector.shape_cast %get3A_658 : vector<1x1x1x16xf32> to vector<16xf32>
        %mul3A_660 = arith.constant 8.000000e+00 : f32
        %mul3A_661 = vector.broadcast %mul3A_660 : f32 to vector<16xf32>
        %mul3A_662 = arith.mulf %get3A_659, %mul3A_661 : vector<16xf32>
        %swap3A_663 = arith.constant 1 : i32
        %swap3A_664 = arith.constant 0 : i32
        %swap3A_665 = arith.index_cast %swap3A_663 : i32 to index
        %swap3A_666 = arith.index_cast %swap3A_664 : i32 to index
        %swap3A_667 = arith.index_cast %scan3A_651 : i32 to index
        %swap3A_668 = arith.constant 0 : index
        %swap3A_669 = tpu.vector_load %arg6[%swap3A_665, %swap3A_666, %swap3A_667, %swap3A_668] {strides = array<i32>} : memref<4x1x200x64xf32, #tpu.memory_space<vmem>>, vector<1x1x1x16xf32>,
        %swap3A_670 = vector.shape_cast %swap3A_669 : vector<1x1x1x16xf32> to vector<16xf32>
        %swap3A_671 = vector.shape_cast %mul3A_662 : vector<16xf32> to vector<1x1x1x16xf32>
        tpu.vector_store %arg6[%swap3A_665, %swap3A_666, %swap3A_667, %swap3A_668], %swap3A_671 {strides = array<i32>} : memref<4x1x200x64xf32, #tpu.memory_space<vmem>>, vector<1x1x1x16xf32>,
        %get3A_672 = arith.constant 1 : i32
        %get3A_673 = arith.constant 0 : i32
        %get3A_674 = arith.index_cast %get3A_672 : i32 to index
        %get3A_675 = arith.index_cast %get3A_673 : i32 to index
        %get3A_676 = arith.index_cast %scan3A_651 : i32 to index
        %get3A_677 = arith.constant 16 : index
        %get3A_678 = tpu.vector_load %arg6[%get3A_674, %get3A_675, %get3A_676, %get3A_677] {strides = array<i32>} : memref<4x1x200x64xf32, #tpu.memory_space<vmem>>, vector<1x1x1x16xf32>,
        %get3A_679 = vector.shape_cast %get3A_678 : vector<1x1x1x16xf32> to vector<16xf32>
        %mul3A_680 = arith.constant 8.000000e+00 : f32
        %mul3A_681 = vector.broadcast %mul3A_680 : f32 to vector<16xf32>
        %mul3A_682 = arith.mulf %get3A_679, %mul3A_681 : vector<16xf32>
        %swap3A_683 = arith.constant 1 : i32
        %swap3A_684 = arith.constant 0 : i32
        %swap3A_685 = arith.index_cast %swap3A_683 : i32 to index
        %swap3A_686 = arith.index_cast %swap3A_684 : i32 to index
        %swap3A_687 = arith.index_cast %scan3A_651 : i32 to index
        %swap3A_688 = arith.constant 16 : index
        %swap3A_689 = tpu.vector_load %arg6[%swap3A_685, %swap3A_686, %swap3A_687, %swap3A_688] {strides = array<i32>} : memref<4x1x200x64xf32, #tpu.memory_space<vmem>>, vector<1x1x1x16xf32>,
        %swap3A_690 = vector.shape_cast %swap3A_689 : vector<1x1x1x16xf32> to vector<16xf32>
        %swap3A_691 = vector.shape_cast %mul3A_682 : vector<16xf32> to vector<1x1x1x16xf32>
        tpu.vector_store %arg6[%swap3A_685, %swap3A_686, %swap3A_687, %swap3A_688], %swap3A_691 {strides = array<i32>} : memref<4x1x200x64xf32, #tpu.memory_space<vmem>>, vector<1x1x1x16xf32>,
        %get3A_692 = arith.constant 1 : i32
        %get3A_693 = arith.constant 0 : i32
        %get3A_694 = arith.index_cast %get3A_692 : i32 to index
        %get3A_695 = arith.index_cast %get3A_693 : i32 to index
        %get3A_696 = arith.index_cast %scan3A_651 : i32 to index
        %get3A_697 = arith.constant 32 : index
        %get3A_698 = tpu.vector_load %arg6[%get3A_694, %get3A_695, %get3A_696, %get3A_697] {strides = array<i32>} : memref<4x1x200x64xf32, #tpu.memory_space<vmem>>, vector<1x1x1x16xf32>,
        %get3A_699 = vector.shape_cast %get3A_698 : vector<1x1x1x16xf32> to vector<16xf32>
        %mul3A_700 = arith.constant 8.000000e+00 : f32
        %mul3A_701 = vector.broadcast %mul3A_700 : f32 to vector<16xf32>
        %mul3A_702 = arith.mulf %get3A_699, %mul3A_701 : vector<16xf32>
        %swap3A_703 = arith.constant 1 : i32
        %swap3A_704 = arith.constant 0 : i32
        %swap3A_705 = arith.index_cast %swap3A_703 : i32 to index
        %swap3A_706 = arith.index_cast %swap3A_704 : i32 to index
        %swap3A_707 = arith.index_cast %scan3A_651 : i32 to index
        %swap3A_708 = arith.constant 32 : index
        %swap3A_709 = tpu.vector_load %arg6[%swap3A_705, %swap3A_706, %swap3A_707, %swap3A_708] {strides = array<i32>} : memref<4x1x200x64xf32, #tpu.memory_space<vmem>>, vector<1x1x1x16xf32>,
        %swap3A_710 = vector.shape_cast %swap3A_709 : vector<1x1x1x16xf32> to vector<16xf32>
        %swap3A_711 = vector.shape_cast %mul3A_702 : vector<16xf32> to vector<1x1x1x16xf32>
        tpu.vector_store %arg6[%swap3A_705, %swap3A_706, %swap3A_707, %swap3A_708], %swap3A_711 {strides = array<i32>} : memref<4x1x200x64xf32, #tpu.memory_space<vmem>>, vector<1x1x1x16xf32>,
        %get3A_712 = arith.constant 1 : i32
        %get3A_713 = arith.constant 0 : i32
        %get3A_714 = arith.index_cast %get3A_712 : i32 to index
        %get3A_715 = arith.index_cast %get3A_713 : i32 to index
        %get3A_716 = arith.index_cast %scan3A_651 : i32 to index
        %get3A_717 = arith.constant 48 : index
        %get3A_718 = tpu.vector_load %arg6[%get3A_714, %get3A_715, %get3A_716, %get3A_717] {strides = array<i32>} : memref<4x1x200x64xf32, #tpu.memory_space<vmem>>, vector<1x1x1x16xf32>,
        %get3A_719 = vector.shape_cast %get3A_718 : vector<1x1x1x16xf32> to vector<16xf32>
        %mul3A_720 = arith.constant 8.000000e+00 : f32
        %mul3A_721 = vector.broadcast %mul3A_720 : f32 to vector<16xf32>
        %mul3A_722 = arith.mulf %get3A_719, %mul3A_721 : vector<16xf32>
        %swap3A_723 = arith.constant 1 : i32
        %swap3A_724 = arith.constant 0 : i32
        %swap3A_725 = arith.index_cast %swap3A_723 : i32 to index
        %swap3A_726 = arith.index_cast %swap3A_724 : i32 to index
        %swap3A_727 = arith.index_cast %scan3A_651 : i32 to index
        %swap3A_728 = arith.constant 48 : index
        %swap3A_729 = tpu.vector_load %arg6[%swap3A_725, %swap3A_726, %swap3A_727, %swap3A_728] {strides = array<i32>} : memref<4x1x200x64xf32, #tpu.memory_space<vmem>>, vector<1x1x1x16xf32>,
        %swap3A_730 = vector.shape_cast %swap3A_729 : vector<1x1x1x16xf32> to vector<16xf32>
        %swap3A_731 = vector.shape_cast %mul3A_722 : vector<16xf32> to vector<1x1x1x16xf32>
        tpu.vector_store %arg6[%swap3A_725, %swap3A_726, %swap3A_727, %swap3A_728], %swap3A_731 {strides = array<i32>} : memref<4x1x200x64xf32, #tpu.memory_space<vmem>>, vector<1x1x1x16xf32>,
        %scan3A_732 = arith.constant 5 : i32
        %scan3A_733 = arith.addi %scan3A_325, %scan3A_732 : i32
        %get3A_734 = arith.constant 1 : i32
        %get3A_735 = arith.constant 0 : i32
        %get3A_736 = arith.index_cast %get3A_734 : i32 to index
        %get3A_737 = arith.index_cast %get3A_735 : i32 to index
        %get3A_738 = arith.index_cast %scan3A_733 : i32 to index
        %get3A_739 = arith.constant 0 : index
        %get3A_740 = tpu.vector_load %arg6[%get3A_736, %get3A_737, %get3A_738, %get3A_739] {strides = array<i32>} : memref<4x1x200x64xf32, #tpu.memory_space<vmem>>, vector<1x1x1x16xf32>,
        %get3A_741 = vector.shape_cast %get3A_740 : vector<1x1x1x16xf32> to vector<16xf32>
        %mul3A_742 = arith.constant 8.000000e+00 : f32
        %mul3A_743 = vector.broadcast %mul3A_742 : f32 to vector<16xf32>
        %mul3A_744 = arith.mulf %get3A_741, %mul3A_743 : vector<16xf32>
        %swap3A_745 = arith.constant 1 : i32
        %swap3A_746 = arith.constant 0 : i32
        %swap3A_747 = arith.index_cast %swap3A_745 : i32 to index
        %swap3A_748 = arith.index_cast %swap3A_746 : i32 to index
        %swap3A_749 = arith.index_cast %scan3A_733 : i32 to index
        %swap3A_750 = arith.constant 0 : index
        %swap3A_751 = tpu.vector_load %arg6[%swap3A_747, %swap3A_748, %swap3A_749, %swap3A_750] {strides = array<i32>} : memref<4x1x200x64xf32, #tpu.memory_space<vmem>>, vector<1x1x1x16xf32>,
        %swap3A_752 = vector.shape_cast %swap3A_751 : vector<1x1x1x16xf32> to vector<16xf32>
        %swap3A_753 = vector.shape_cast %mul3A_744 : vector<16xf32> to vector<1x1x1x16xf32>
        tpu.vector_store %arg6[%swap3A_747, %swap3A_748, %swap3A_749, %swap3A_750], %swap3A_753 {strides = array<i32>} : memref<4x1x200x64xf32, #tpu.memory_space<vmem>>, vector<1x1x1x16xf32>,
        %get3A_754 = arith.constant 1 : i32
        %get3A_755 = arith.constant 0 : i32
        %get3A_756 = arith.index_cast %get3A_754 : i32 to index
        %get3A_757 = arith.index_cast %get3A_755 : i32 to index
        %get3A_758 = arith.index_cast %scan3A_733 : i32 to index
        %get3A_759 = arith.constant 16 : index
        %get3A_760 = tpu.vector_load %arg6[%get3A_756, %get3A_757, %get3A_758, %get3A_759] {strides = array<i32>} : memref<4x1x200x64xf32, #tpu.memory_space<vmem>>, vector<1x1x1x16xf32>,
        %get3A_761 = vector.shape_cast %get3A_760 : vector<1x1x1x16xf32> to vector<16xf32>
        %mul3A_762 = arith.constant 8.000000e+00 : f32
        %mul3A_763 = vector.broadcast %mul3A_762 : f32 to vector<16xf32>
        %mul3A_764 = arith.mulf %get3A_761, %mul3A_763 : vector<16xf32>
        %swap3A_765 = arith.constant 1 : i32
        %swap3A_766 = arith.constant 0 : i32
        %swap3A_767 = arith.index_cast %swap3A_765 : i32 to index
        %swap3A_768 = arith.index_cast %swap3A_766 : i32 to index
        %swap3A_769 = arith.index_cast %scan3A_733 : i32 to index
        %swap3A_770 = arith.constant 16 : index
        %swap3A_771 = tpu.vector_load %arg6[%swap3A_767, %swap3A_768, %swap3A_769, %swap3A_770] {strides = array<i32>} : memref<4x1x200x64xf32, #tpu.memory_space<vmem>>, vector<1x1x1x16xf32>,
        %swap3A_772 = vector.shape_cast %swap3A_771 : vector<1x1x1x16xf32> to vector<16xf32>
        %swap3A_773 = vector.shape_cast %mul3A_764 : vector<16xf32> to vector<1x1x1x16xf32>
        tpu.vector_store %arg6[%swap3A_767, %swap3A_768, %swap3A_769, %swap3A_770], %swap3A_773 {strides = array<i32>} : memref<4x1x200x64xf32, #tpu.memory_space<vmem>>, vector<1x1x1x16xf32>,
        %get3A_774 = arith.constant 1 : i32
        %get3A_775 = arith.constant 0 : i32
        %get3A_776 = arith.index_cast %get3A_774 : i32 to index
        %get3A_777 = arith.index_cast %get3A_775 : i32 to index
        %get3A_778 = arith.index_cast %scan3A_733 : i32 to index
        %get3A_779 = arith.constant 32 : index
        %get3A_780 = tpu.vector_load %arg6[%get3A_776, %get3A_777, %get3A_778, %get3A_779] {strides = array<i32>} : memref<4x1x200x64xf32, #tpu.memory_space<vmem>>, vector<1x1x1x16xf32>,
        %get3A_781 = vector.shape_cast %get3A_780 : vector<1x1x1x16xf32> to vector<16xf32>
        %mul3A_782 = arith.constant 8.000000e+00 : f32
        %mul3A_783 = vector.broadcast %mul3A_782 : f32 to vector<16xf32>
        %mul3A_784 = arith.mulf %get3A_781, %mul3A_783 : vector<16xf32>
        %swap3A_785 = arith.constant 1 : i32
        %swap3A_786 = arith.constant 0 : i32
        %swap3A_787 = arith.index_cast %swap3A_785 : i32 to index
        %swap3A_788 = arith.index_cast %swap3A_786 : i32 to index
        %swap3A_789 = arith.index_cast %scan3A_733 : i32 to index
        %swap3A_790 = arith.constant 32 : index
        %swap3A_791 = tpu.vector_load %arg6[%swap3A_787, %swap3A_788, %swap3A_789, %swap3A_790] {strides = array<i32>} : memref<4x1x200x64xf32, #tpu.memory_space<vmem>>, vector<1x1x1x16xf32>,
        %swap3A_792 = vector.shape_cast %swap3A_791 : vector<1x1x1x16xf32> to vector<16xf32>
        %swap3A_793 = vector.shape_cast %mul3A_784 : vector<16xf32> to vector<1x1x1x16xf32>
        tpu.vector_store %arg6[%swap3A_787, %swap3A_788, %swap3A_789, %swap3A_790], %swap3A_793 {strides = array<i32>} : memref<4x1x200x64xf32, #tpu.memory_space<vmem>>, vector<1x1x1x16xf32>,
        %get3A_794 = arith.constant 1 : i32
        %get3A_795 = arith.constant 0 : i32
        %get3A_796 = arith.index_cast %get3A_794 : i32 to index
        %get3A_797 = arith.index_cast %get3A_795 : i32 to index
        %get3A_798 = arith.index_cast %scan3A_733 : i32 to index
        %get3A_799 = arith.constant 48 : index
        %get3A_800 = tpu.vector_load %arg6[%get3A_796, %get3A_797, %get3A_798, %get3A_799] {strides = array<i32>} : memref<4x1x200x64xf32, #tpu.memory_space<vmem>>, vector<1x1x1x16xf32>,
        %get3A_801 = vector.shape_cast %get3A_800 : vector<1x1x1x16xf32> to vector<16xf32>
        %mul3A_802 = arith.constant 8.000000e+00 : f32
        %mul3A_803 = vector.broadcast %mul3A_802 : f32 to vector<16xf32>
        %mul3A_804 = arith.mulf %get3A_801, %mul3A_803 : vector<16xf32>
        %swap3A_805 = arith.constant 1 : i32
        %swap3A_806 = arith.constant 0 : i32
        %swap3A_807 = arith.index_cast %swap3A_805 : i32 to index
        %swap3A_808 = arith.index_cast %swap3A_806 : i32 to index
        %swap3A_809 = arith.index_cast %scan3A_733 : i32 to index
        %swap3A_810 = arith.constant 48 : index
        %swap3A_811 = tpu.vector_load %arg6[%swap3A_807, %swap3A_808, %swap3A_809, %swap3A_810] {strides = array<i32>} : memref<4x1x200x64xf32, #tpu.memory_space<vmem>>, vector<1x1x1x16xf32>,
        %swap3A_812 = vector.shape_cast %swap3A_811 : vector<1x1x1x16xf32> to vector<16xf32>
        %swap3A_813 = vector.shape_cast %mul3A_804 : vector<16xf32> to vector<1x1x1x16xf32>
        tpu.vector_store %arg6[%swap3A_807, %swap3A_808, %swap3A_809, %swap3A_810], %swap3A_813 {strides = array<i32>} : memref<4x1x200x64xf32, #tpu.memory_space<vmem>>, vector<1x1x1x16xf32>,
        %scan3A_814 = arith.constant 6 : i32
        %scan3A_815 = arith.addi %scan3A_325, %scan3A_814 : i32
        %get3A_816 = arith.constant 1 : i32
        %get3A_817 = arith.constant 0 : i32
        %get3A_818 = arith.index_cast %get3A_816 : i32 to index
        %get3A_819 = arith.index_cast %get3A_817 : i32 to index
        %get3A_820 = arith.index_cast %scan3A_815 : i32 to index
        %get3A_821 = arith.constant 0 : index
        %get3A_822 = tpu.vector_load %arg6[%get3A_818, %get3A_819, %get3A_820, %get3A_821] {strides = array<i32>} : memref<4x1x200x64xf32, #tpu.memory_space<vmem>>, vector<1x1x1x16xf32>,
        %get3A_823 = vector.shape_cast %get3A_822 : vector<1x1x1x16xf32> to vector<16xf32>
        %mul3A_824 = arith.constant 8.000000e+00 : f32
        %mul3A_825 = vector.broadcast %mul3A_824 : f32 to vector<16xf32>
        %mul3A_826 = arith.mulf %get3A_823, %mul3A_825 : vector<16xf32>
        %swap3A_827 = arith.constant 1 : i32
        %swap3A_828 = arith.constant 0 : i32
        %swap3A_829 = arith.index_cast %swap3A_827 : i32 to index
        %swap3A_830 = arith.index_cast %swap3A_828 : i32 to index
        %swap3A_831 = arith.index_cast %scan3A_815 : i32 to index
        %swap3A_832 = arith.constant 0 : index
        %swap3A_833 = tpu.vector_load %arg6[%swap3A_829, %swap3A_830, %swap3A_831, %swap3A_832] {strides = array<i32>} : memref<4x1x200x64xf32, #tpu.memory_space<vmem>>, vector<1x1x1x16xf32>,
        %swap3A_834 = vector.shape_cast %swap3A_833 : vector<1x1x1x16xf32> to vector<16xf32>
        %swap3A_835 = vector.shape_cast %mul3A_826 : vector<16xf32> to vector<1x1x1x16xf32>
        tpu.vector_store %arg6[%swap3A_829, %swap3A_830, %swap3A_831, %swap3A_832], %swap3A_835 {strides = array<i32>} : memref<4x1x200x64xf32, #tpu.memory_space<vmem>>, vector<1x1x1x16xf32>,
        %get3A_836 = arith.constant 1 : i32
        %get3A_837 = arith.constant 0 : i32
        %get3A_838 = arith.index_cast %get3A_836 : i32 to index
        %get3A_839 = arith.index_cast %get3A_837 : i32 to index
        %get3A_840 = arith.index_cast %scan3A_815 : i32 to index
        %get3A_841 = arith.constant 16 : index
        %get3A_842 = tpu.vector_load %arg6[%get3A_838, %get3A_839, %get3A_840, %get3A_841] {strides = array<i32>} : memref<4x1x200x64xf32, #tpu.memory_space<vmem>>, vector<1x1x1x16xf32>,
        %get3A_843 = vector.shape_cast %get3A_842 : vector<1x1x1x16xf32> to vector<16xf32>
        %mul3A_844 = arith.constant 8.000000e+00 : f32
        %mul3A_845 = vector.broadcast %mul3A_844 : f32 to vector<16xf32>
        %mul3A_846 = arith.mulf %get3A_843, %mul3A_845 : vector<16xf32>
        %swap3A_847 = arith.constant 1 : i32
        %swap3A_848 = arith.constant 0 : i32
        %swap3A_849 = arith.index_cast %swap3A_847 : i32 to index
        %swap3A_850 = arith.index_cast %swap3A_848 : i32 to index
        %swap3A_851 = arith.index_cast %scan3A_815 : i32 to index
        %swap3A_852 = arith.constant 16 : index
        %swap3A_853 = tpu.vector_load %arg6[%swap3A_849, %swap3A_850, %swap3A_851, %swap3A_852] {strides = array<i32>} : memref<4x1x200x64xf32, #tpu.memory_space<vmem>>, vector<1x1x1x16xf32>,
        %swap3A_854 = vector.shape_cast %swap3A_853 : vector<1x1x1x16xf32> to vector<16xf32>
        %swap3A_855 = vector.shape_cast %mul3A_846 : vector<16xf32> to vector<1x1x1x16xf32>
        tpu.vector_store %arg6[%swap3A_849, %swap3A_850, %swap3A_851, %swap3A_852], %swap3A_855 {strides = array<i32>} : memref<4x1x200x64xf32, #tpu.memory_space<vmem>>, vector<1x1x1x16xf32>,
        %get3A_856 = arith.constant 1 : i32
        %get3A_857 = arith.constant 0 : i32
        %get3A_858 = arith.index_cast %get3A_856 : i32 to index
        %get3A_859 = arith.index_cast %get3A_857 : i32 to index
        %get3A_860 = arith.index_cast %scan3A_815 : i32 to index
        %get3A_861 = arith.constant 32 : index
        %get3A_862 = tpu.vector_load %arg6[%get3A_858, %get3A_859, %get3A_860, %get3A_861] {strides = array<i32>} : memref<4x1x200x64xf32, #tpu.memory_space<vmem>>, vector<1x1x1x16xf32>,
        %get3A_863 = vector.shape_cast %get3A_862 : vector<1x1x1x16xf32> to vector<16xf32>
        %mul3A_864 = arith.constant 8.000000e+00 : f32
        %mul3A_865 = vector.broadcast %mul3A_864 : f32 to vector<16xf32>
        %mul3A_866 = arith.mulf %get3A_863, %mul3A_865 : vector<16xf32>
        %swap3A_867 = arith.constant 1 : i32
        %swap3A_868 = arith.constant 0 : i32
        %swap3A_869 = arith.index_cast %swap3A_867 : i32 to index
        %swap3A_870 = arith.index_cast %swap3A_868 : i32 to index
        %swap3A_871 = arith.index_cast %scan3A_815 : i32 to index
        %swap3A_872 = arith.constant 32 : index
        %swap3A_873 = tpu.vector_load %arg6[%swap3A_869, %swap3A_870, %swap3A_871, %swap3A_872] {strides = array<i32>} : memref<4x1x200x64xf32, #tpu.memory_space<vmem>>, vector<1x1x1x16xf32>,
        %swap3A_874 = vector.shape_cast %swap3A_873 : vector<1x1x1x16xf32> to vector<16xf32>
        %swap3A_875 = vector.shape_cast %mul3A_866 : vector<16xf32> to vector<1x1x1x16xf32>
        tpu.vector_store %arg6[%swap3A_869, %swap3A_870, %swap3A_871, %swap3A_872], %swap3A_875 {strides = array<i32>} : memref<4x1x200x64xf32, #tpu.memory_space<vmem>>, vector<1x1x1x16xf32>,
        %get3A_876 = arith.constant 1 : i32
        %get3A_877 = arith.constant 0 : i32
        %get3A_878 = arith.index_cast %get3A_876 : i32 to index
        %get3A_879 = arith.index_cast %get3A_877 : i32 to index
        %get3A_880 = arith.index_cast %scan3A_815 : i32 to index
        %get3A_881 = arith.constant 48 : index
        %get3A_882 = tpu.vector_load %arg6[%get3A_878, %get3A_879, %get3A_880, %get3A_881] {strides = array<i32>} : memref<4x1x200x64xf32, #tpu.memory_space<vmem>>, vector<1x1x1x16xf32>,
        %get3A_883 = vector.shape_cast %get3A_882 : vector<1x1x1x16xf32> to vector<16xf32>
        %mul3A_884 = arith.constant 8.000000e+00 : f32
        %mul3A_885 = vector.broadcast %mul3A_884 : f32 to vector<16xf32>
        %mul3A_886 = arith.mulf %get3A_883, %mul3A_885 : vector<16xf32>
        %swap3A_887 = arith.constant 1 : i32
        %swap3A_888 = arith.constant 0 : i32
        %swap3A_889 = arith.index_cast %swap3A_887 : i32 to index
        %swap3A_890 = arith.index_cast %swap3A_888 : i32 to index
        %swap3A_891 = arith.index_cast %scan3A_815 : i32 to index
        %swap3A_892 = arith.constant 48 : index
        %swap3A_893 = tpu.vector_load %arg6[%swap3A_889, %swap3A_890, %swap3A_891, %swap3A_892] {strides = array<i32>} : memref<4x1x200x64xf32, #tpu.memory_space<vmem>>, vector<1x1x1x16xf32>,
        %swap3A_894 = vector.shape_cast %swap3A_893 : vector<1x1x1x16xf32> to vector<16xf32>
        %swap3A_895 = vector.shape_cast %mul3A_886 : vector<16xf32> to vector<1x1x1x16xf32>
        tpu.vector_store %arg6[%swap3A_889, %swap3A_890, %swap3A_891, %swap3A_892], %swap3A_895 {strides = array<i32>} : memref<4x1x200x64xf32, #tpu.memory_space<vmem>>, vector<1x1x1x16xf32>,
        %scan3A_896 = arith.constant 7 : i32
        %scan3A_897 = arith.addi %scan3A_325, %scan3A_896 : i32
        %get3A_898 = arith.constant 1 : i32
        %get3A_899 = arith.constant 0 : i32
        %get3A_900 = arith.index_cast %get3A_898 : i32 to index
        %get3A_901 = arith.index_cast %get3A_899 : i32 to index
        %get3A_902 = arith.index_cast %scan3A_897 : i32 to index
        %get3A_903 = arith.constant 0 : index
        %get3A_904 = tpu.vector_load %arg6[%get3A_900, %get3A_901, %get3A_902, %get3A_903] {strides = array<i32>} : memref<4x1x200x64xf32, #tpu.memory_space<vmem>>, vector<1x1x1x16xf32>,
        %get3A_905 = vector.shape_cast %get3A_904 : vector<1x1x1x16xf32> to vector<16xf32>
        %mul3A_906 = arith.constant 8.000000e+00 : f32
        %mul3A_907 = vector.broadcast %mul3A_906 : f32 to vector<16xf32>
        %mul3A_908 = arith.mulf %get3A_905, %mul3A_907 : vector<16xf32>
        %swap3A_909 = arith.constant 1 : i32
        %swap3A_910 = arith.constant 0 : i32
        %swap3A_911 = arith.index_cast %swap3A_909 : i32 to index
        %swap3A_912 = arith.index_cast %swap3A_910 : i32 to index
        %swap3A_913 = arith.index_cast %scan3A_897 : i32 to index
        %swap3A_914 = arith.constant 0 : index
        %swap3A_915 = tpu.vector_load %arg6[%swap3A_911, %swap3A_912, %swap3A_913, %swap3A_914] {strides = array<i32>} : memref<4x1x200x64xf32, #tpu.memory_space<vmem>>, vector<1x1x1x16xf32>,
        %swap3A_916 = vector.shape_cast %swap3A_915 : vector<1x1x1x16xf32> to vector<16xf32>
        %swap3A_917 = vector.shape_cast %mul3A_908 : vector<16xf32> to vector<1x1x1x16xf32>
        tpu.vector_store %arg6[%swap3A_911, %swap3A_912, %swap3A_913, %swap3A_914], %swap3A_917 {strides = array<i32>} : memref<4x1x200x64xf32, #tpu.memory_space<vmem>>, vector<1x1x1x16xf32>,
        %get3A_918 = arith.constant 1 : i32
        %get3A_919 = arith.constant 0 : i32
        %get3A_920 = arith.index_cast %get3A_918 : i32 to index
        %get3A_921 = arith.index_cast %get3A_919 : i32 to index
        %get3A_922 = arith.index_cast %scan3A_897 : i32 to index
        %get3A_923 = arith.constant 16 : index
        %get3A_924 = tpu.vector_load %arg6[%get3A_920, %get3A_921, %get3A_922, %get3A_923] {strides = array<i32>} : memref<4x1x200x64xf32, #tpu.memory_space<vmem>>, vector<1x1x1x16xf32>,
        %get3A_925 = vector.shape_cast %get3A_924 : vector<1x1x1x16xf32> to vector<16xf32>
        %mul3A_926 = arith.constant 8.000000e+00 : f32
        %mul3A_927 = vector.broadcast %mul3A_926 : f32 to vector<16xf32>
        %mul3A_928 = arith.mulf %get3A_925, %mul3A_927 : vector<16xf32>
        %swap3A_929 = arith.constant 1 : i32
        %swap3A_930 = arith.constant 0 : i32
        %swap3A_931 = arith.index_cast %swap3A_929 : i32 to index
        %swap3A_932 = arith.index_cast %swap3A_930 : i32 to index
        %swap3A_933 = arith.index_cast %scan3A_897 : i32 to index
        %swap3A_934 = arith.constant 16 : index
        %swap3A_935 = tpu.vector_load %arg6[%swap3A_931, %swap3A_932, %swap3A_933, %swap3A_934] {strides = array<i32>} : memref<4x1x200x64xf32, #tpu.memory_space<vmem>>, vector<1x1x1x16xf32>,
        %swap3A_936 = vector.shape_cast %swap3A_935 : vector<1x1x1x16xf32> to vector<16xf32>
        %swap3A_937 = vector.shape_cast %mul3A_928 : vector<16xf32> to vector<1x1x1x16xf32>
        tpu.vector_store %arg6[%swap3A_931, %swap3A_932, %swap3A_933, %swap3A_934], %swap3A_937 {strides = array<i32>} : memref<4x1x200x64xf32, #tpu.memory_space<vmem>>, vector<1x1x1x16xf32>,
        %get3A_938 = arith.constant 1 : i32
        %get3A_939 = arith.constant 0 : i32
        %get3A_940 = arith.index_cast %get3A_938 : i32 to index
        %get3A_941 = arith.index_cast %get3A_939 : i32 to index
        %get3A_942 = arith.index_cast %scan3A_897 : i32 to index
        %get3A_943 = arith.constant 32 : index
        %get3A_944 = tpu.vector_load %arg6[%get3A_940, %get3A_941, %get3A_942, %get3A_943] {strides = array<i32>} : memref<4x1x200x64xf32, #tpu.memory_space<vmem>>, vector<1x1x1x16xf32>,
        %get3A_945 = vector.shape_cast %get3A_944 : vector<1x1x1x16xf32> to vector<16xf32>
        %mul3A_946 = arith.constant 8.000000e+00 : f32
        %mul3A_947 = vector.broadcast %mul3A_946 : f32 to vector<16xf32>
        %mul3A_948 = arith.mulf %get3A_945, %mul3A_947 : vector<16xf32>
        %swap3A_949 = arith.constant 1 : i32
        %swap3A_950 = arith.constant 0 : i32
        %swap3A_951 = arith.index_cast %swap3A_949 : i32 to index
        %swap3A_952 = arith.index_cast %swap3A_950 : i32 to index
        %swap3A_953 = arith.index_cast %scan3A_897 : i32 to index
        %swap3A_954 = arith.constant 32 : index
        %swap3A_955 = tpu.vector_load %arg6[%swap3A_951, %swap3A_952, %swap3A_953, %swap3A_954] {strides = array<i32>} : memref<4x1x200x64xf32, #tpu.memory_space<vmem>>, vector<1x1x1x16xf32>,
        %swap3A_956 = vector.shape_cast %swap3A_955 : vector<1x1x1x16xf32> to vector<16xf32>
        %swap3A_957 = vector.shape_cast %mul3A_948 : vector<16xf32> to vector<1x1x1x16xf32>
        tpu.vector_store %arg6[%swap3A_951, %swap3A_952, %swap3A_953, %swap3A_954], %swap3A_957 {strides = array<i32>} : memref<4x1x200x64xf32, #tpu.memory_space<vmem>>, vector<1x1x1x16xf32>,
        %get3A_958 = arith.constant 1 : i32
        %get3A_959 = arith.constant 0 : i32
        %get3A_960 = arith.index_cast %get3A_958 : i32 to index
        %get3A_961 = arith.index_cast %get3A_959 : i32 to index
        %get3A_962 = arith.index_cast %scan3A_897 : i32 to index
        %get3A_963 = arith.constant 48 : index
        %get3A_964 = tpu.vector_load %arg6[%get3A_960, %get3A_961, %get3A_962, %get3A_963] {strides = array<i32>} : memref<4x1x200x64xf32, #tpu.memory_space<vmem>>, vector<1x1x1x16xf32>,
        %get3A_965 = vector.shape_cast %get3A_964 : vector<1x1x1x16xf32> to vector<16xf32>
        %mul3A_966 = arith.constant 8.000000e+00 : f32
        %mul3A_967 = vector.broadcast %mul3A_966 : f32 to vector<16xf32>
        %mul3A_968 = arith.mulf %get3A_965, %mul3A_967 : vector<16xf32>
        %swap3A_969 = arith.constant 1 : i32
        %swap3A_970 = arith.constant 0 : i32
        %swap3A_971 = arith.index_cast %swap3A_969 : i32 to index
        %swap3A_972 = arith.index_cast %swap3A_970 : i32 to index
        %swap3A_973 = arith.index_cast %scan3A_897 : i32 to index
        %swap3A_974 = arith.constant 48 : index
        %swap3A_975 = tpu.vector_load %arg6[%swap3A_971, %swap3A_972, %swap3A_973, %swap3A_974] {strides = array<i32>} : memref<4x1x200x64xf32, #tpu.memory_space<vmem>>, vector<1x1x1x16xf32>,
        %swap3A_976 = vector.shape_cast %swap3A_975 : vector<1x1x1x16xf32> to vector<16xf32>
        %swap3A_977 = vector.shape_cast %mul3A_968 : vector<16xf32> to vector<1x1x1x16xf32>
        tpu.vector_store %arg6[%swap3A_971, %swap3A_972, %swap3A_973, %swap3A_974], %swap3A_977 {strides = array<i32>} : memref<4x1x200x64xf32, #tpu.memory_space<vmem>>, vector<1x1x1x16xf32>,
      }
      %scan3A_174 = arith.constant 200 : i32
      %add3A_175 = arith.addi %mul3A_2, %add3A_151 : i32
      %dma_start3A_176 = arith.constant 1 : i32
      %dma_start3A_177 = arith.constant 0 : i32
      %dma_start3A_178 = arith.constant 0 : i32
      %dma_start3A_179 = arith.constant 0 : i32
      %dma_start3A_180 = tpu.memref_slice %arg6[%dma_start3A_176, %dma_start3A_177, %dma_start3A_178, %dma_start3A_179] : memref<4x1x200x64xf32, #tpu.memory_space<vmem>> -> memref<1x1x200x64xf32, #tpu.memory_space<vmem>>
      %dma_start3A_181 = tpu.memref_squeeze %dma_start3A_180 : memref<1x1x200x64xf32, #tpu.memory_space<vmem>> -> memref<1x200x64xf32, #tpu.memory_space<vmem>>
      %dma_start3A_182 = arith.constant 0 : i32
      %dma_start3A_183 = arith.constant 0 : i32
      %dma_start3A_184 = tpu.memref_slice %arg4[%add3A_175, %dma_start3A_182, %dma_start3A_183] : memref<4096x200x64xf32, #tpu.memory_space<hbm>> -> memref<1x200x64xf32, #tpu.memory_space<hbm>>
      %dma_start3A_185 = arith.constant 0 : i32
      %dma_start3A_186 = arith.constant 0 : i32
      %dma_start3A_187 = tpu.memref_slice %arg4[%add3A_175, %dma_start3A_185, %dma_start3A_186] : memref<4096x200x64xf32, #tpu.memory_space<hbm>> -> memref<1x200x64xf32, #tpu.memory_space<hbm>>
      %dma_start3A_188 = arith.constant 0 : i32
      %dma_start3A_189 = arith.constant 0 : i32
      %dma_start3A_190 = arith.constant 0 : i32
      %dma_start3A_191 = tpu.memref_slice %arg6[%dma_start3A_176, %dma_start3A_188, %dma_start3A_189, %dma_start3A_190] : memref<4x1x200x64xf32, #tpu.memory_space<vmem>> -> memref<1x1x200x64xf32, #tpu.memory_space<vmem>>
      %dma_start3A_192 = tpu.memref_squeeze %dma_start3A_191 : memref<1x1x200x64xf32, #tpu.memory_space<vmem>> -> memref<1x200x64xf32, #tpu.memory_space<vmem>>
      tpu.enqueue_dma source(%dma_start3A_192 : memref<1x200x64xf32, #tpu.memory_space<vmem>>) target(%dma_start3A_187 : memref<1x200x64xf32, #tpu.memory_space<hbm>>) target_semaphore(%arg12 : memref<!tpu.dma_semaphore, #tpu.memory_space<semaphore_mem>>)
      %ge3A_193 = arith.constant 1 : i32
      %ge3A_194 = arith.cmpi sge, %add3A_151, %ge3A_193 : i32
      %convert_element_type3A_195 = arith.extui %ge3A_194 : i1 to i32
      %cond3A_196 = arith.constant 0 : i32
      %cond3A_197 = arith.cmpi ne, %convert_element_type3A_195, %cond3A_196 : i32
      scf.if %cond3A_197 {
        %sub3A_325 = arith.constant 1 : i32
        %sub3A_326 = arith.subi %add3A_151, %sub3A_325 : i32
        %add3A_327 = arith.addi %mul3A_2, %sub3A_326 : i32
        %dma_wait3A_328 = arith.constant 0 : i32
        %dma_wait3A_329 = arith.constant 0 : i32
        %dma_wait3A_330 = arith.constant 0 : i32
        %dma_wait3A_331 = arith.constant 0 : i32
        %dma_wait3A_332 = tpu.memref_slice %arg6[%dma_wait3A_328, %dma_wait3A_329, %dma_wait3A_330, %dma_wait3A_331] : memref<4x1x200x64xf32, #tpu.memory_space<vmem>> -> memref<1x1x200x64xf32, #tpu.memory_space<vmem>>
        %dma_wait3A_333 = tpu.memref_squeeze %dma_wait3A_332 : memref<1x1x200x64xf32, #tpu.memory_space<vmem>> -> memref<1x200x64xf32, #tpu.memory_space<vmem>>
        %dma_wait3A_334 = arith.constant 0 : i32
        %dma_wait3A_335 = arith.constant 0 : i32
        %dma_wait3A_336 = tpu.memref_slice %arg4[%add3A_327, %dma_wait3A_334, %dma_wait3A_335] : memref<4096x200x64xf32, #tpu.memory_space<hbm>> -> memref<1x200x64xf32, #tpu.memory_space<hbm>>
        %dma_wait3A_337 = arith.constant 0 : i32
        %dma_wait3A_338 = arith.constant 0 : i32
        %dma_wait3A_339 = tpu.memref_slice %arg4[%add3A_327, %dma_wait3A_337, %dma_wait3A_338] : memref<4096x200x64xf32, #tpu.memory_space<hbm>> -> memref<1x200x64xf32, #tpu.memory_space<hbm>>
        %dma_wait3A_340 = arith.constant 0 : i32
        %dma_wait3A_341 = arith.constant 0 : i32
        %dma_wait3A_342 = arith.constant 0 : i32
        %dma_wait3A_343 = tpu.memref_slice %arg6[%dma_wait3A_328, %dma_wait3A_340, %dma_wait3A_341, %dma_wait3A_342] : memref<4x1x200x64xf32, #tpu.memory_space<vmem>> -> memref<1x1x200x64xf32, #tpu.memory_space<vmem>>
        %dma_wait3A_344 = tpu.memref_squeeze %dma_wait3A_343 : memref<1x1x200x64xf32, #tpu.memory_space<vmem>> -> memref<1x200x64xf32, #tpu.memory_space<vmem>>
        tpu.wait_dma2 semaphore(%arg11 : memref<!tpu.dma_semaphore, #tpu.memory_space<semaphore_mem>>) src(%dma_wait3A_344 : memref<1x200x64xf32, #tpu.memory_space<vmem>>) dst(%dma_wait3A_339 : memref<1x200x64xf32, #tpu.memory_space<hbm>>)
      } else {
      }
      %add3A_198 = arith.constant 4 : i32
      %add3A_199 = arith.addi %add3A_151, %add3A_198 : i32
      %sub3A_200 = arith.constant 1 : i32
      %sub3A_201 = arith.subi %add3A_199, %sub3A_200 : i32
      %lt3A_202 = arith.constant 128 : i32
      %lt3A_203 = arith.cmpi slt, %sub3A_201, %lt3A_202 : i32
      %convert_element_type3A_204 = arith.extui %lt3A_203 : i1 to i32
      %cond3A_205 = arith.constant 0 : i32
      %cond3A_206 = arith.cmpi ne, %convert_element_type3A_204, %cond3A_205 : i32
      scf.if %cond3A_206 {
        %add3A_325 = arith.constant 4 : i32
        %add3A_326 = arith.addi %add3A_151, %add3A_325 : i32
        %sub3A_327 = arith.constant 1 : i32
        %sub3A_328 = arith.subi %add3A_326, %sub3A_327 : i32
        %mul3A_329 = arith.constant 200 : i32
        %mul3A_330 = arith.muli %sub3A_328, %mul3A_329 : i32
        %add3A_331 = arith.constant 0 : i32
        %add3A_332 = arith.addi %mul3A_330, %add3A_331 : i32
        %dma_start3A_333 = arith.constant 0 : i32
        %dma_start3A_334 = arith.constant 0 : i32
        %dma_start3A_335 = arith.constant 0 : i32
        %dma_start3A_336 = arith.constant 0 : i32
        %dma_start3A_337 = tpu.memref_slice %arg6[%dma_start3A_333, %dma_start3A_334, %dma_start3A_335, %dma_start3A_336] : memref<4x1x200x64xf32, #tpu.memory_space<vmem>> -> memref<1x1x104x64xf32, #tpu.memory_space<vmem>>
        %dma_start3A_338 = tpu.memref_squeeze %dma_start3A_337 : memref<1x1x104x64xf32, #tpu.memory_space<vmem>> -> memref<104x64xf32, #tpu.memory_space<vmem>>
        %dma_start3A_339 = tpu.memref_slice %arg5[%add3A_332] : memref<25600xi32, #tpu.memory_space<vmem>> -> memref<104xi32, #tpu.memory_space<vmem>>
        %dma_start3A_340 = arith.constant 0 : i32
        %dma_start3A_341 = arith.constant 0 : i32
        %dma_start3A_342 = tpu.memref_slice %arg3[%dma_start3A_340, %dma_start3A_341] : memref<1000000x64xf32, #tpu.memory_space<hbm>> -> memref<1000000x64xf32, #tpu.memory_space<hbm>>
        tpu.enqueue_indirect_dma source(%dma_start3A_342 : memref<1000000x64xf32, #tpu.memory_space<hbm>>) target(%dma_start3A_338 : memref<104x64xf32, #tpu.memory_space<vmem>>) offsets(%dma_start3A_339 : memref<104xi32, #tpu.memory_space<vmem>>) semaphore(%arg7 : memref<!tpu.dma_semaphore, #tpu.memory_space<semaphore_mem>>)
        %mul3A_343 = arith.constant 200 : i32
        %mul3A_344 = arith.muli %sub3A_328, %mul3A_343 : i32
        %add3A_345 = arith.constant 104 : i32
        %add3A_346 = arith.addi %mul3A_344, %add3A_345 : i32
        %dma_start3A_347 = arith.constant 0 : i32
        %dma_start3A_348 = arith.constant 0 : i32
        %dma_start3A_349 = arith.constant 104 : i32
        %dma_start3A_350 = arith.constant 0 : i32
        %dma_start3A_351 = tpu.memref_slice %arg6[%dma_start3A_347, %dma_start3A_348, %dma_start3A_349, %dma_start3A_350] : memref<4x1x200x64xf32, #tpu.memory_space<vmem>> -> memref<1x1x96x64xf32, #tpu.memory_space<vmem>>
        %dma_start3A_352 = tpu.memref_squeeze %dma_start3A_351 : memref<1x1x96x64xf32, #tpu.memory_space<vmem>> -> memref<96x64xf32, #tpu.memory_space<vmem>>
        %dma_start3A_353 = tpu.memref_slice %arg5[%add3A_346] : memref<25600xi32, #tpu.memory_space<vmem>> -> memref<96xi32, #tpu.memory_space<vmem>>
        %dma_start3A_354 = arith.constant 0 : i32
        %dma_start3A_355 = arith.constant 0 : i32
        %dma_start3A_356 = tpu.memref_slice %arg3[%dma_start3A_354, %dma_start3A_355] : memref<1000000x64xf32, #tpu.memory_space<hbm>> -> memref<1000000x64xf32, #tpu.memory_space<hbm>>
        tpu.enqueue_indirect_dma source(%dma_start3A_356 : memref<1000000x64xf32, #tpu.memory_space<hbm>>) target(%dma_start3A_352 : memref<96x64xf32, #tpu.memory_space<vmem>>) offsets(%dma_start3A_353 : memref<96xi32, #tpu.memory_space<vmem>>) semaphore(%arg7 : memref<!tpu.dma_semaphore, #tpu.memory_space<semaphore_mem>>)
      } else {
      }
      %mul3A_207 = arith.constant 4 : i32
      %mul3A_208 = arith.muli %scan3A_93, %mul3A_207 : i32
      %add3A_209 = arith.constant 2 : i32
      %add3A_210 = arith.addi %mul3A_208, %add3A_209 : i32
      %dma_wait3A_211 = arith.constant 2 : i32
      %dma_wait3A_212 = arith.constant 0 : i32
      %dma_wait3A_213 = arith.constant 0 : i32
      %dma_wait3A_214 = arith.constant 0 : i32
      %dma_wait3A_215 = tpu.memref_slice %arg6[%dma_wait3A_211, %dma_wait3A_212, %dma_wait3A_213, %dma_wait3A_214] : memref<4x1x200x64xf32, #tpu.memory_space<vmem>> -> memref<1x1x200x64xf32, #tpu.memory_space<vmem>>
      %dma_wait3A_216 = tpu.memref_squeeze %dma_wait3A_215 : memref<1x1x200x64xf32, #tpu.memory_space<vmem>> -> memref<1x200x64xf32, #tpu.memory_space<vmem>>
      %dma_wait3A_217 = arith.constant 0 : i32
      %dma_wait3A_218 = arith.constant 0 : i32
      %dma_wait3A_219 = tpu.memref_slice %arg3[%dma_wait3A_217, %dma_wait3A_218] : memref<1000000x64xf32, #tpu.memory_space<hbm>> -> memref<200x64xf32, #tpu.memory_space<hbm>>
      %dma_wait3A_220 = arith.constant 0 : i32
      %dma_wait3A_221 = arith.constant 0 : i32
      %dma_wait3A_222 = arith.constant 0 : i32
      %dma_wait3A_223 = tpu.memref_slice %arg6[%dma_wait3A_211, %dma_wait3A_220, %dma_wait3A_221, %dma_wait3A_222] : memref<4x1x200x64xf32, #tpu.memory_space<vmem>> -> memref<1x1x200x64xf32, #tpu.memory_space<vmem>>
      %dma_wait3A_224 = tpu.memref_squeeze %dma_wait3A_223 : memref<1x1x200x64xf32, #tpu.memory_space<vmem>> -> memref<1x200x64xf32, #tpu.memory_space<vmem>>
      %dma_wait3A_225 = arith.constant 0 : i32
      %dma_wait3A_226 = arith.constant 0 : i32
      %dma_wait3A_227 = tpu.memref_slice %arg3[%dma_wait3A_225, %dma_wait3A_226] : memref<1000000x64xf32, #tpu.memory_space<hbm>> -> memref<200x64xf32, #tpu.memory_space<hbm>>
      tpu.wait_dma2 semaphore(%arg9 : memref<!tpu.dma_semaphore, #tpu.memory_space<semaphore_mem>>) src(%dma_wait3A_227 : memref<200x64xf32, #tpu.memory_space<hbm>>) dst(%dma_wait3A_224 : memref<1x200x64xf32, #tpu.memory_space<vmem>>)
      %scan3A_228 = arith.constant 0 : i32
      %scan3A_229 = arith.constant 0 : i32
      %scan3A_230 = arith.constant 200 : i32
      %scan3A_231 = arith.addi %scan3A_229, %scan3A_230 : i32
      %scan3A_232 = arith.constant 8 : i32
      scf.for %scan3A_325 = %scan3A_229 to %scan3A_231 step %scan3A_232  : i32 {
        %get3A = arith.constant 2 : i32
        %get3A_326 = arith.constant 0 : i32
        %get3A_327 = arith.index_cast %get3A : i32 to index
        %get3A_328 = arith.index_cast %get3A_326 : i32 to index
        %get3A_329 = arith.index_cast %scan3A_325 : i32 to index
        %get3A_330 = arith.constant 0 : index
        %get3A_331 = tpu.vector_load %arg6[%get3A_327, %get3A_328, %get3A_329, %get3A_330] {strides = array<i32>} : memref<4x1x200x64xf32, #tpu.memory_space<vmem>>, vector<1x1x1x16xf32>,
        %get3A_332 = vector.shape_cast %get3A_331 : vector<1x1x1x16xf32> to vector<16xf32>
        %mul3A_333 = arith.constant 8.000000e+00 : f32
        %mul3A_334 = vector.broadcast %mul3A_333 : f32 to vector<16xf32>
        %mul3A_335 = arith.mulf %get3A_332, %mul3A_334 : vector<16xf32>
        %swap3A = arith.constant 2 : i32
        %swap3A_336 = arith.constant 0 : i32
        %swap3A_337 = arith.index_cast %swap3A : i32 to index
        %swap3A_338 = arith.index_cast %swap3A_336 : i32 to index
        %swap3A_339 = arith.index_cast %scan3A_325 : i32 to index
        %swap3A_340 = arith.constant 0 : index
        %swap3A_341 = tpu.vector_load %arg6[%swap3A_337, %swap3A_338, %swap3A_339, %swap3A_340] {strides = array<i32>} : memref<4x1x200x64xf32, #tpu.memory_space<vmem>>, vector<1x1x1x16xf32>,
        %swap3A_342 = vector.shape_cast %swap3A_341 : vector<1x1x1x16xf32> to vector<16xf32>
        %swap3A_343 = vector.shape_cast %mul3A_335 : vector<16xf32> to vector<1x1x1x16xf32>
        tpu.vector_store %arg6[%swap3A_337, %swap3A_338, %swap3A_339, %swap3A_340], %swap3A_343 {strides = array<i32>} : memref<4x1x200x64xf32, #tpu.memory_space<vmem>>, vector<1x1x1x16xf32>,
        %get3A_344 = arith.constant 2 : i32
        %get3A_345 = arith.constant 0 : i32
        %get3A_346 = arith.index_cast %get3A_344 : i32 to index
        %get3A_347 = arith.index_cast %get3A_345 : i32 to index
        %get3A_348 = arith.index_cast %scan3A_325 : i32 to index
        %get3A_349 = arith.constant 16 : index
        %get3A_350 = tpu.vector_load %arg6[%get3A_346, %get3A_347, %get3A_348, %get3A_349] {strides = array<i32>} : memref<4x1x200x64xf32, #tpu.memory_space<vmem>>, vector<1x1x1x16xf32>,
        %get3A_351 = vector.shape_cast %get3A_350 : vector<1x1x1x16xf32> to vector<16xf32>
        %mul3A_352 = arith.constant 8.000000e+00 : f32
        %mul3A_353 = vector.broadcast %mul3A_352 : f32 to vector<16xf32>
        %mul3A_354 = arith.mulf %get3A_351, %mul3A_353 : vector<16xf32>
        %swap3A_355 = arith.constant 2 : i32
        %swap3A_356 = arith.constant 0 : i32
        %swap3A_357 = arith.index_cast %swap3A_355 : i32 to index
        %swap3A_358 = arith.index_cast %swap3A_356 : i32 to index
        %swap3A_359 = arith.index_cast %scan3A_325 : i32 to index
        %swap3A_360 = arith.constant 16 : index
        %swap3A_361 = tpu.vector_load %arg6[%swap3A_357, %swap3A_358, %swap3A_359, %swap3A_360] {strides = array<i32>} : memref<4x1x200x64xf32, #tpu.memory_space<vmem>>, vector<1x1x1x16xf32>,
        %swap3A_362 = vector.shape_cast %swap3A_361 : vector<1x1x1x16xf32> to vector<16xf32>
        %swap3A_363 = vector.shape_cast %mul3A_354 : vector<16xf32> to vector<1x1x1x16xf32>
        tpu.vector_store %arg6[%swap3A_357, %swap3A_358, %swap3A_359, %swap3A_360], %swap3A_363 {strides = array<i32>} : memref<4x1x200x64xf32, #tpu.memory_space<vmem>>, vector<1x1x1x16xf32>,
        %get3A_364 = arith.constant 2 : i32
        %get3A_365 = arith.constant 0 : i32
        %get3A_366 = arith.index_cast %get3A_364 : i32 to index
        %get3A_367 = arith.index_cast %get3A_365 : i32 to index
        %get3A_368 = arith.index_cast %scan3A_325 : i32 to index
        %get3A_369 = arith.constant 32 : index
        %get3A_370 = tpu.vector_load %arg6[%get3A_366, %get3A_367, %get3A_368, %get3A_369] {strides = array<i32>} : memref<4x1x200x64xf32, #tpu.memory_space<vmem>>, vector<1x1x1x16xf32>,
        %get3A_371 = vector.shape_cast %get3A_370 : vector<1x1x1x16xf32> to vector<16xf32>
        %mul3A_372 = arith.constant 8.000000e+00 : f32
        %mul3A_373 = vector.broadcast %mul3A_372 : f32 to vector<16xf32>
        %mul3A_374 = arith.mulf %get3A_371, %mul3A_373 : vector<16xf32>
        %swap3A_375 = arith.constant 2 : i32
        %swap3A_376 = arith.constant 0 : i32
        %swap3A_377 = arith.index_cast %swap3A_375 : i32 to index
        %swap3A_378 = arith.index_cast %swap3A_376 : i32 to index
        %swap3A_379 = arith.index_cast %scan3A_325 : i32 to index
        %swap3A_380 = arith.constant 32 : index
        %swap3A_381 = tpu.vector_load %arg6[%swap3A_377, %swap3A_378, %swap3A_379, %swap3A_380] {strides = array<i32>} : memref<4x1x200x64xf32, #tpu.memory_space<vmem>>, vector<1x1x1x16xf32>,
        %swap3A_382 = vector.shape_cast %swap3A_381 : vector<1x1x1x16xf32> to vector<16xf32>
        %swap3A_383 = vector.shape_cast %mul3A_374 : vector<16xf32> to vector<1x1x1x16xf32>
        tpu.vector_store %arg6[%swap3A_377, %swap3A_378, %swap3A_379, %swap3A_380], %swap3A_383 {strides = array<i32>} : memref<4x1x200x64xf32, #tpu.memory_space<vmem>>, vector<1x1x1x16xf32>,
        %get3A_384 = arith.constant 2 : i32
        %get3A_385 = arith.constant 0 : i32
        %get3A_386 = arith.index_cast %get3A_384 : i32 to index
        %get3A_387 = arith.index_cast %get3A_385 : i32 to index
        %get3A_388 = arith.index_cast %scan3A_325 : i32 to index
        %get3A_389 = arith.constant 48 : index
        %get3A_390 = tpu.vector_load %arg6[%get3A_386, %get3A_387, %get3A_388, %get3A_389] {strides = array<i32>} : memref<4x1x200x64xf32, #tpu.memory_space<vmem>>, vector<1x1x1x16xf32>,
        %get3A_391 = vector.shape_cast %get3A_390 : vector<1x1x1x16xf32> to vector<16xf32>
        %mul3A_392 = arith.constant 8.000000e+00 : f32
        %mul3A_393 = vector.broadcast %mul3A_392 : f32 to vector<16xf32>
        %mul3A_394 = arith.mulf %get3A_391, %mul3A_393 : vector<16xf32>
        %swap3A_395 = arith.constant 2 : i32
        %swap3A_396 = arith.constant 0 : i32
        %swap3A_397 = arith.index_cast %swap3A_395 : i32 to index
        %swap3A_398 = arith.index_cast %swap3A_396 : i32 to index
        %swap3A_399 = arith.index_cast %scan3A_325 : i32 to index
        %swap3A_400 = arith.constant 48 : index
        %swap3A_401 = tpu.vector_load %arg6[%swap3A_397, %swap3A_398, %swap3A_399, %swap3A_400] {strides = array<i32>} : memref<4x1x200x64xf32, #tpu.memory_space<vmem>>, vector<1x1x1x16xf32>,
        %swap3A_402 = vector.shape_cast %swap3A_401 : vector<1x1x1x16xf32> to vector<16xf32>
        %swap3A_403 = vector.shape_cast %mul3A_394 : vector<16xf32> to vector<1x1x1x16xf32>
        tpu.vector_store %arg6[%swap3A_397, %swap3A_398, %swap3A_399, %swap3A_400], %swap3A_403 {strides = array<i32>} : memref<4x1x200x64xf32, #tpu.memory_space<vmem>>, vector<1x1x1x16xf32>,
        %scan3A_404 = arith.constant 1 : i32
        %scan3A_405 = arith.addi %scan3A_325, %scan3A_404 : i32
        %get3A_406 = arith.constant 2 : i32
        %get3A_407 = arith.constant 0 : i32
        %get3A_408 = arith.index_cast %get3A_406 : i32 to index
        %get3A_409 = arith.index_cast %get3A_407 : i32 to index
        %get3A_410 = arith.index_cast %scan3A_405 : i32 to index
        %get3A_411 = arith.constant 0 : index
        %get3A_412 = tpu.vector_load %arg6[%get3A_408, %get3A_409, %get3A_410, %get3A_411] {strides = array<i32>} : memref<4x1x200x64xf32, #tpu.memory_space<vmem>>, vector<1x1x1x16xf32>,
        %get3A_413 = vector.shape_cast %get3A_412 : vector<1x1x1x16xf32> to vector<16xf32>
        %mul3A_414 = arith.constant 8.000000e+00 : f32
        %mul3A_415 = vector.broadcast %mul3A_414 : f32 to vector<16xf32>
        %mul3A_416 = arith.mulf %get3A_413, %mul3A_415 : vector<16xf32>
        %swap3A_417 = arith.constant 2 : i32
        %swap3A_418 = arith.constant 0 : i32
        %swap3A_419 = arith.index_cast %swap3A_417 : i32 to index
        %swap3A_420 = arith.index_cast %swap3A_418 : i32 to index
        %swap3A_421 = arith.index_cast %scan3A_405 : i32 to index
        %swap3A_422 = arith.constant 0 : index
        %swap3A_423 = tpu.vector_load %arg6[%swap3A_419, %swap3A_420, %swap3A_421, %swap3A_422] {strides = array<i32>} : memref<4x1x200x64xf32, #tpu.memory_space<vmem>>, vector<1x1x1x16xf32>,
        %swap3A_424 = vector.shape_cast %swap3A_423 : vector<1x1x1x16xf32> to vector<16xf32>
        %swap3A_425 = vector.shape_cast %mul3A_416 : vector<16xf32> to vector<1x1x1x16xf32>
        tpu.vector_store %arg6[%swap3A_419, %swap3A_420, %swap3A_421, %swap3A_422], %swap3A_425 {strides = array<i32>} : memref<4x1x200x64xf32, #tpu.memory_space<vmem>>, vector<1x1x1x16xf32>,
        %get3A_426 = arith.constant 2 : i32
        %get3A_427 = arith.constant 0 : i32
        %get3A_428 = arith.index_cast %get3A_426 : i32 to index
        %get3A_429 = arith.index_cast %get3A_427 : i32 to index
        %get3A_430 = arith.index_cast %scan3A_405 : i32 to index
        %get3A_431 = arith.constant 16 : index
        %get3A_432 = tpu.vector_load %arg6[%get3A_428, %get3A_429, %get3A_430, %get3A_431] {strides = array<i32>} : memref<4x1x200x64xf32, #tpu.memory_space<vmem>>, vector<1x1x1x16xf32>,
        %get3A_433 = vector.shape_cast %get3A_432 : vector<1x1x1x16xf32> to vector<16xf32>
        %mul3A_434 = arith.constant 8.000000e+00 : f32
        %mul3A_435 = vector.broadcast %mul3A_434 : f32 to vector<16xf32>
        %mul3A_436 = arith.mulf %get3A_433, %mul3A_435 : vector<16xf32>
        %swap3A_437 = arith.constant 2 : i32
        %swap3A_438 = arith.constant 0 : i32
        %swap3A_439 = arith.index_cast %swap3A_437 : i32 to index
        %swap3A_440 = arith.index_cast %swap3A_438 : i32 to index
        %swap3A_441 = arith.index_cast %scan3A_405 : i32 to index
        %swap3A_442 = arith.constant 16 : index
        %swap3A_443 = tpu.vector_load %arg6[%swap3A_439, %swap3A_440, %swap3A_441, %swap3A_442] {strides = array<i32>} : memref<4x1x200x64xf32, #tpu.memory_space<vmem>>, vector<1x1x1x16xf32>,
        %swap3A_444 = vector.shape_cast %swap3A_443 : vector<1x1x1x16xf32> to vector<16xf32>
        %swap3A_445 = vector.shape_cast %mul3A_436 : vector<16xf32> to vector<1x1x1x16xf32>
        tpu.vector_store %arg6[%swap3A_439, %swap3A_440, %swap3A_441, %swap3A_442], %swap3A_445 {strides = array<i32>} : memref<4x1x200x64xf32, #tpu.memory_space<vmem>>, vector<1x1x1x16xf32>,
        %get3A_446 = arith.constant 2 : i32
        %get3A_447 = arith.constant 0 : i32
        %get3A_448 = arith.index_cast %get3A_446 : i32 to index
        %get3A_449 = arith.index_cast %get3A_447 : i32 to index
        %get3A_450 = arith.index_cast %scan3A_405 : i32 to index
        %get3A_451 = arith.constant 32 : index
        %get3A_452 = tpu.vector_load %arg6[%get3A_448, %get3A_449, %get3A_450, %get3A_451] {strides = array<i32>} : memref<4x1x200x64xf32, #tpu.memory_space<vmem>>, vector<1x1x1x16xf32>,
        %get3A_453 = vector.shape_cast %get3A_452 : vector<1x1x1x16xf32> to vector<16xf32>
        %mul3A_454 = arith.constant 8.000000e+00 : f32
        %mul3A_455 = vector.broadcast %mul3A_454 : f32 to vector<16xf32>
        %mul3A_456 = arith.mulf %get3A_453, %mul3A_455 : vector<16xf32>
        %swap3A_457 = arith.constant 2 : i32
        %swap3A_458 = arith.constant 0 : i32
        %swap3A_459 = arith.index_cast %swap3A_457 : i32 to index
        %swap3A_460 = arith.index_cast %swap3A_458 : i32 to index
        %swap3A_461 = arith.index_cast %scan3A_405 : i32 to index
        %swap3A_462 = arith.constant 32 : index
        %swap3A_463 = tpu.vector_load %arg6[%swap3A_459, %swap3A_460, %swap3A_461, %swap3A_462] {strides = array<i32>} : memref<4x1x200x64xf32, #tpu.memory_space<vmem>>, vector<1x1x1x16xf32>,
        %swap3A_464 = vector.shape_cast %swap3A_463 : vector<1x1x1x16xf32> to vector<16xf32>
        %swap3A_465 = vector.shape_cast %mul3A_456 : vector<16xf32> to vector<1x1x1x16xf32>
        tpu.vector_store %arg6[%swap3A_459, %swap3A_460, %swap3A_461, %swap3A_462], %swap3A_465 {strides = array<i32>} : memref<4x1x200x64xf32, #tpu.memory_space<vmem>>, vector<1x1x1x16xf32>,
        %get3A_466 = arith.constant 2 : i32
        %get3A_467 = arith.constant 0 : i32
        %get3A_468 = arith.index_cast %get3A_466 : i32 to index
        %get3A_469 = arith.index_cast %get3A_467 : i32 to index
        %get3A_470 = arith.index_cast %scan3A_405 : i32 to index
        %get3A_471 = arith.constant 48 : index
        %get3A_472 = tpu.vector_load %arg6[%get3A_468, %get3A_469, %get3A_470, %get3A_471] {strides = array<i32>} : memref<4x1x200x64xf32, #tpu.memory_space<vmem>>, vector<1x1x1x16xf32>,
        %get3A_473 = vector.shape_cast %get3A_472 : vector<1x1x1x16xf32> to vector<16xf32>
        %mul3A_474 = arith.constant 8.000000e+00 : f32
        %mul3A_475 = vector.broadcast %mul3A_474 : f32 to vector<16xf32>
        %mul3A_476 = arith.mulf %get3A_473, %mul3A_475 : vector<16xf32>
        %swap3A_477 = arith.constant 2 : i32
        %swap3A_478 = arith.constant 0 : i32
        %swap3A_479 = arith.index_cast %swap3A_477 : i32 to index
        %swap3A_480 = arith.index_cast %swap3A_478 : i32 to index
        %swap3A_481 = arith.index_cast %scan3A_405 : i32 to index
        %swap3A_482 = arith.constant 48 : index
        %swap3A_483 = tpu.vector_load %arg6[%swap3A_479, %swap3A_480, %swap3A_481, %swap3A_482] {strides = array<i32>} : memref<4x1x200x64xf32, #tpu.memory_space<vmem>>, vector<1x1x1x16xf32>,
        %swap3A_484 = vector.shape_cast %swap3A_483 : vector<1x1x1x16xf32> to vector<16xf32>
        %swap3A_485 = vector.shape_cast %mul3A_476 : vector<16xf32> to vector<1x1x1x16xf32>
        tpu.vector_store %arg6[%swap3A_479, %swap3A_480, %swap3A_481, %swap3A_482], %swap3A_485 {strides = array<i32>} : memref<4x1x200x64xf32, #tpu.memory_space<vmem>>, vector<1x1x1x16xf32>,
        %scan3A_486 = arith.constant 2 : i32
        %scan3A_487 = arith.addi %scan3A_325, %scan3A_486 : i32
        %get3A_488 = arith.constant 2 : i32
        %get3A_489 = arith.constant 0 : i32
        %get3A_490 = arith.index_cast %get3A_488 : i32 to index
        %get3A_491 = arith.index_cast %get3A_489 : i32 to index
        %get3A_492 = arith.index_cast %scan3A_487 : i32 to index
        %get3A_493 = arith.constant 0 : index
        %get3A_494 = tpu.vector_load %arg6[%get3A_490, %get3A_491, %get3A_492, %get3A_493] {strides = array<i32>} : memref<4x1x200x64xf32, #tpu.memory_space<vmem>>, vector<1x1x1x16xf32>,
        %get3A_495 = vector.shape_cast %get3A_494 : vector<1x1x1x16xf32> to vector<16xf32>
        %mul3A_496 = arith.constant 8.000000e+00 : f32
        %mul3A_497 = vector.broadcast %mul3A_496 : f32 to vector<16xf32>
        %mul3A_498 = arith.mulf %get3A_495, %mul3A_497 : vector<16xf32>
        %swap3A_499 = arith.constant 2 : i32
        %swap3A_500 = arith.constant 0 : i32
        %swap3A_501 = arith.index_cast %swap3A_499 : i32 to index
        %swap3A_502 = arith.index_cast %swap3A_500 : i32 to index
        %swap3A_503 = arith.index_cast %scan3A_487 : i32 to index
        %swap3A_504 = arith.constant 0 : index
        %swap3A_505 = tpu.vector_load %arg6[%swap3A_501, %swap3A_502, %swap3A_503, %swap3A_504] {strides = array<i32>} : memref<4x1x200x64xf32, #tpu.memory_space<vmem>>, vector<1x1x1x16xf32>,
        %swap3A_506 = vector.shape_cast %swap3A_505 : vector<1x1x1x16xf32> to vector<16xf32>
        %swap3A_507 = vector.shape_cast %mul3A_498 : vector<16xf32> to vector<1x1x1x16xf32>
        tpu.vector_store %arg6[%swap3A_501, %swap3A_502, %swap3A_503, %swap3A_504], %swap3A_507 {strides = array<i32>} : memref<4x1x200x64xf32, #tpu.memory_space<vmem>>, vector<1x1x1x16xf32>,
        %get3A_508 = arith.constant 2 : i32
        %get3A_509 = arith.constant 0 : i32
        %get3A_510 = arith.index_cast %get3A_508 : i32 to index
        %get3A_511 = arith.index_cast %get3A_509 : i32 to index
        %get3A_512 = arith.index_cast %scan3A_487 : i32 to index
        %get3A_513 = arith.constant 16 : index
        %get3A_514 = tpu.vector_load %arg6[%get3A_510, %get3A_511, %get3A_512, %get3A_513] {strides = array<i32>} : memref<4x1x200x64xf32, #tpu.memory_space<vmem>>, vector<1x1x1x16xf32>,
        %get3A_515 = vector.shape_cast %get3A_514 : vector<1x1x1x16xf32> to vector<16xf32>
        %mul3A_516 = arith.constant 8.000000e+00 : f32
        %mul3A_517 = vector.broadcast %mul3A_516 : f32 to vector<16xf32>
        %mul3A_518 = arith.mulf %get3A_515, %mul3A_517 : vector<16xf32>
        %swap3A_519 = arith.constant 2 : i32
        %swap3A_520 = arith.constant 0 : i32
        %swap3A_521 = arith.index_cast %swap3A_519 : i32 to index
        %swap3A_522 = arith.index_cast %swap3A_520 : i32 to index
        %swap3A_523 = arith.index_cast %scan3A_487 : i32 to index
        %swap3A_524 = arith.constant 16 : index
        %swap3A_525 = tpu.vector_load %arg6[%swap3A_521, %swap3A_522, %swap3A_523, %swap3A_524] {strides = array<i32>} : memref<4x1x200x64xf32, #tpu.memory_space<vmem>>, vector<1x1x1x16xf32>,
        %swap3A_526 = vector.shape_cast %swap3A_525 : vector<1x1x1x16xf32> to vector<16xf32>
        %swap3A_527 = vector.shape_cast %mul3A_518 : vector<16xf32> to vector<1x1x1x16xf32>
        tpu.vector_store %arg6[%swap3A_521, %swap3A_522, %swap3A_523, %swap3A_524], %swap3A_527 {strides = array<i32>} : memref<4x1x200x64xf32, #tpu.memory_space<vmem>>, vector<1x1x1x16xf32>,
        %get3A_528 = arith.constant 2 : i32
        %get3A_529 = arith.constant 0 : i32
        %get3A_530 = arith.index_cast %get3A_528 : i32 to index
        %get3A_531 = arith.index_cast %get3A_529 : i32 to index
        %get3A_532 = arith.index_cast %scan3A_487 : i32 to index
        %get3A_533 = arith.constant 32 : index
        %get3A_534 = tpu.vector_load %arg6[%get3A_530, %get3A_531, %get3A_532, %get3A_533] {strides = array<i32>} : memref<4x1x200x64xf32, #tpu.memory_space<vmem>>, vector<1x1x1x16xf32>,
        %get3A_535 = vector.shape_cast %get3A_534 : vector<1x1x1x16xf32> to vector<16xf32>
        %mul3A_536 = arith.constant 8.000000e+00 : f32
        %mul3A_537 = vector.broadcast %mul3A_536 : f32 to vector<16xf32>
        %mul3A_538 = arith.mulf %get3A_535, %mul3A_537 : vector<16xf32>
        %swap3A_539 = arith.constant 2 : i32
        %swap3A_540 = arith.constant 0 : i32
        %swap3A_541 = arith.index_cast %swap3A_539 : i32 to index
        %swap3A_542 = arith.index_cast %swap3A_540 : i32 to index
        %swap3A_543 = arith.index_cast %scan3A_487 : i32 to index
        %swap3A_544 = arith.constant 32 : index
        %swap3A_545 = tpu.vector_load %arg6[%swap3A_541, %swap3A_542, %swap3A_543, %swap3A_544] {strides = array<i32>} : memref<4x1x200x64xf32, #tpu.memory_space<vmem>>, vector<1x1x1x16xf32>,
        %swap3A_546 = vector.shape_cast %swap3A_545 : vector<1x1x1x16xf32> to vector<16xf32>
        %swap3A_547 = vector.shape_cast %mul3A_538 : vector<16xf32> to vector<1x1x1x16xf32>
        tpu.vector_store %arg6[%swap3A_541, %swap3A_542, %swap3A_543, %swap3A_544], %swap3A_547 {strides = array<i32>} : memref<4x1x200x64xf32, #tpu.memory_space<vmem>>, vector<1x1x1x16xf32>,
        %get3A_548 = arith.constant 2 : i32
        %get3A_549 = arith.constant 0 : i32
        %get3A_550 = arith.index_cast %get3A_548 : i32 to index
        %get3A_551 = arith.index_cast %get3A_549 : i32 to index
        %get3A_552 = arith.index_cast %scan3A_487 : i32 to index
        %get3A_553 = arith.constant 48 : index
        %get3A_554 = tpu.vector_load %arg6[%get3A_550, %get3A_551, %get3A_552, %get3A_553] {strides = array<i32>} : memref<4x1x200x64xf32, #tpu.memory_space<vmem>>, vector<1x1x1x16xf32>,
        %get3A_555 = vector.shape_cast %get3A_554 : vector<1x1x1x16xf32> to vector<16xf32>
        %mul3A_556 = arith.constant 8.000000e+00 : f32
        %mul3A_557 = vector.broadcast %mul3A_556 : f32 to vector<16xf32>
        %mul3A_558 = arith.mulf %get3A_555, %mul3A_557 : vector<16xf32>
        %swap3A_559 = arith.constant 2 : i32
        %swap3A_560 = arith.constant 0 : i32
        %swap3A_561 = arith.index_cast %swap3A_559 : i32 to index
        %swap3A_562 = arith.index_cast %swap3A_560 : i32 to index
        %swap3A_563 = arith.index_cast %scan3A_487 : i32 to index
        %swap3A_564 = arith.constant 48 : index
        %swap3A_565 = tpu.vector_load %arg6[%swap3A_561, %swap3A_562, %swap3A_563, %swap3A_564] {strides = array<i32>} : memref<4x1x200x64xf32, #tpu.memory_space<vmem>>, vector<1x1x1x16xf32>,
        %swap3A_566 = vector.shape_cast %swap3A_565 : vector<1x1x1x16xf32> to vector<16xf32>
        %swap3A_567 = vector.shape_cast %mul3A_558 : vector<16xf32> to vector<1x1x1x16xf32>
        tpu.vector_store %arg6[%swap3A_561, %swap3A_562, %swap3A_563, %swap3A_564], %swap3A_567 {strides = array<i32>} : memref<4x1x200x64xf32, #tpu.memory_space<vmem>>, vector<1x1x1x16xf32>,
        %scan3A_568 = arith.constant 3 : i32
        %scan3A_569 = arith.addi %scan3A_325, %scan3A_568 : i32
        %get3A_570 = arith.constant 2 : i32
        %get3A_571 = arith.constant 0 : i32
        %get3A_572 = arith.index_cast %get3A_570 : i32 to index
        %get3A_573 = arith.index_cast %get3A_571 : i32 to index
        %get3A_574 = arith.index_cast %scan3A_569 : i32 to index
        %get3A_575 = arith.constant 0 : index
        %get3A_576 = tpu.vector_load %arg6[%get3A_572, %get3A_573, %get3A_574, %get3A_575] {strides = array<i32>} : memref<4x1x200x64xf32, #tpu.memory_space<vmem>>, vector<1x1x1x16xf32>,
        %get3A_577 = vector.shape_cast %get3A_576 : vector<1x1x1x16xf32> to vector<16xf32>
        %mul3A_578 = arith.constant 8.000000e+00 : f32
        %mul3A_579 = vector.broadcast %mul3A_578 : f32 to vector<16xf32>
        %mul3A_580 = arith.mulf %get3A_577, %mul3A_579 : vector<16xf32>
        %swap3A_581 = arith.constant 2 : i32
        %swap3A_582 = arith.constant 0 : i32
        %swap3A_583 = arith.index_cast %swap3A_581 : i32 to index
        %swap3A_584 = arith.index_cast %swap3A_582 : i32 to index
        %swap3A_585 = arith.index_cast %scan3A_569 : i32 to index
        %swap3A_586 = arith.constant 0 : index
        %swap3A_587 = tpu.vector_load %arg6[%swap3A_583, %swap3A_584, %swap3A_585, %swap3A_586] {strides = array<i32>} : memref<4x1x200x64xf32, #tpu.memory_space<vmem>>, vector<1x1x1x16xf32>,
        %swap3A_588 = vector.shape_cast %swap3A_587 : vector<1x1x1x16xf32> to vector<16xf32>
        %swap3A_589 = vector.shape_cast %mul3A_580 : vector<16xf32> to vector<1x1x1x16xf32>
        tpu.vector_store %arg6[%swap3A_583, %swap3A_584, %swap3A_585, %swap3A_586], %swap3A_589 {strides = array<i32>} : memref<4x1x200x64xf32, #tpu.memory_space<vmem>>, vector<1x1x1x16xf32>,
        %get3A_590 = arith.constant 2 : i32
        %get3A_591 = arith.constant 0 : i32
        %get3A_592 = arith.index_cast %get3A_590 : i32 to index
        %get3A_593 = arith.index_cast %get3A_591 : i32 to index
        %get3A_594 = arith.index_cast %scan3A_569 : i32 to index
        %get3A_595 = arith.constant 16 : index
        %get3A_596 = tpu.vector_load %arg6[%get3A_592, %get3A_593, %get3A_594, %get3A_595] {strides = array<i32>} : memref<4x1x200x64xf32, #tpu.memory_space<vmem>>, vector<1x1x1x16xf32>,
        %get3A_597 = vector.shape_cast %get3A_596 : vector<1x1x1x16xf32> to vector<16xf32>
        %mul3A_598 = arith.constant 8.000000e+00 : f32
        %mul3A_599 = vector.broadcast %mul3A_598 : f32 to vector<16xf32>
        %mul3A_600 = arith.mulf %get3A_597, %mul3A_599 : vector<16xf32>
        %swap3A_601 = arith.constant 2 : i32
        %swap3A_602 = arith.constant 0 : i32
        %swap3A_603 = arith.index_cast %swap3A_601 : i32 to index
        %swap3A_604 = arith.index_cast %swap3A_602 : i32 to index
        %swap3A_605 = arith.index_cast %scan3A_569 : i32 to index
        %swap3A_606 = arith.constant 16 : index
        %swap3A_607 = tpu.vector_load %arg6[%swap3A_603, %swap3A_604, %swap3A_605, %swap3A_606] {strides = array<i32>} : memref<4x1x200x64xf32, #tpu.memory_space<vmem>>, vector<1x1x1x16xf32>,
        %swap3A_608 = vector.shape_cast %swap3A_607 : vector<1x1x1x16xf32> to vector<16xf32>
        %swap3A_609 = vector.shape_cast %mul3A_600 : vector<16xf32> to vector<1x1x1x16xf32>
        tpu.vector_store %arg6[%swap3A_603, %swap3A_604, %swap3A_605, %swap3A_606], %swap3A_609 {strides = array<i32>} : memref<4x1x200x64xf32, #tpu.memory_space<vmem>>, vector<1x1x1x16xf32>,
        %get3A_610 = arith.constant 2 : i32
        %get3A_611 = arith.constant 0 : i32
        %get3A_612 = arith.index_cast %get3A_610 : i32 to index
        %get3A_613 = arith.index_cast %get3A_611 : i32 to index
        %get3A_614 = arith.index_cast %scan3A_569 : i32 to index
        %get3A_615 = arith.constant 32 : index
        %get3A_616 = tpu.vector_load %arg6[%get3A_612, %get3A_613, %get3A_614, %get3A_615] {strides = array<i32>} : memref<4x1x200x64xf32, #tpu.memory_space<vmem>>, vector<1x1x1x16xf32>,
        %get3A_617 = vector.shape_cast %get3A_616 : vector<1x1x1x16xf32> to vector<16xf32>
        %mul3A_618 = arith.constant 8.000000e+00 : f32
        %mul3A_619 = vector.broadcast %mul3A_618 : f32 to vector<16xf32>
        %mul3A_620 = arith.mulf %get3A_617, %mul3A_619 : vector<16xf32>
        %swap3A_621 = arith.constant 2 : i32
        %swap3A_622 = arith.constant 0 : i32
        %swap3A_623 = arith.index_cast %swap3A_621 : i32 to index
        %swap3A_624 = arith.index_cast %swap3A_622 : i32 to index
        %swap3A_625 = arith.index_cast %scan3A_569 : i32 to index
        %swap3A_626 = arith.constant 32 : index
        %swap3A_627 = tpu.vector_load %arg6[%swap3A_623, %swap3A_624, %swap3A_625, %swap3A_626] {strides = array<i32>} : memref<4x1x200x64xf32, #tpu.memory_space<vmem>>, vector<1x1x1x16xf32>,
        %swap3A_628 = vector.shape_cast %swap3A_627 : vector<1x1x1x16xf32> to vector<16xf32>
        %swap3A_629 = vector.shape_cast %mul3A_620 : vector<16xf32> to vector<1x1x1x16xf32>
        tpu.vector_store %arg6[%swap3A_623, %swap3A_624, %swap3A_625, %swap3A_626], %swap3A_629 {strides = array<i32>} : memref<4x1x200x64xf32, #tpu.memory_space<vmem>>, vector<1x1x1x16xf32>,
        %get3A_630 = arith.constant 2 : i32
        %get3A_631 = arith.constant 0 : i32
        %get3A_632 = arith.index_cast %get3A_630 : i32 to index
        %get3A_633 = arith.index_cast %get3A_631 : i32 to index
        %get3A_634 = arith.index_cast %scan3A_569 : i32 to index
        %get3A_635 = arith.constant 48 : index
        %get3A_636 = tpu.vector_load %arg6[%get3A_632, %get3A_633, %get3A_634, %get3A_635] {strides = array<i32>} : memref<4x1x200x64xf32, #tpu.memory_space<vmem>>, vector<1x1x1x16xf32>,
        %get3A_637 = vector.shape_cast %get3A_636 : vector<1x1x1x16xf32> to vector<16xf32>
        %mul3A_638 = arith.constant 8.000000e+00 : f32
        %mul3A_639 = vector.broadcast %mul3A_638 : f32 to vector<16xf32>
        %mul3A_640 = arith.mulf %get3A_637, %mul3A_639 : vector<16xf32>
        %swap3A_641 = arith.constant 2 : i32
        %swap3A_642 = arith.constant 0 : i32
        %swap3A_643 = arith.index_cast %swap3A_641 : i32 to index
        %swap3A_644 = arith.index_cast %swap3A_642 : i32 to index
        %swap3A_645 = arith.index_cast %scan3A_569 : i32 to index
        %swap3A_646 = arith.constant 48 : index
        %swap3A_647 = tpu.vector_load %arg6[%swap3A_643, %swap3A_644, %swap3A_645, %swap3A_646] {strides = array<i32>} : memref<4x1x200x64xf32, #tpu.memory_space<vmem>>, vector<1x1x1x16xf32>,
        %swap3A_648 = vector.shape_cast %swap3A_647 : vector<1x1x1x16xf32> to vector<16xf32>
        %swap3A_649 = vector.shape_cast %mul3A_640 : vector<16xf32> to vector<1x1x1x16xf32>
        tpu.vector_store %arg6[%swap3A_643, %swap3A_644, %swap3A_645, %swap3A_646], %swap3A_649 {strides = array<i32>} : memref<4x1x200x64xf32, #tpu.memory_space<vmem>>, vector<1x1x1x16xf32>,
        %scan3A_650 = arith.constant 4 : i32
        %scan3A_651 = arith.addi %scan3A_325, %scan3A_650 : i32
        %get3A_652 = arith.constant 2 : i32
        %get3A_653 = arith.constant 0 : i32
        %get3A_654 = arith.index_cast %get3A_652 : i32 to index
        %get3A_655 = arith.index_cast %get3A_653 : i32 to index
        %get3A_656 = arith.index_cast %scan3A_651 : i32 to index
        %get3A_657 = arith.constant 0 : index
        %get3A_658 = tpu.vector_load %arg6[%get3A_654, %get3A_655, %get3A_656, %get3A_657] {strides = array<i32>} : memref<4x1x200x64xf32, #tpu.memory_space<vmem>>, vector<1x1x1x16xf32>,
        %get3A_659 = vector.shape_cast %get3A_658 : vector<1x1x1x16xf32> to vector<16xf32>
        %mul3A_660 = arith.constant 8.000000e+00 : f32
        %mul3A_661 = vector.broadcast %mul3A_660 : f32 to vector<16xf32>
        %mul3A_662 = arith.mulf %get3A_659, %mul3A_661 : vector<16xf32>
        %swap3A_663 = arith.constant 2 : i32
        %swap3A_664 = arith.constant 0 : i32
        %swap3A_665 = arith.index_cast %swap3A_663 : i32 to index
        %swap3A_666 = arith.index_cast %swap3A_664 : i32 to index
        %swap3A_667 = arith.index_cast %scan3A_651 : i32 to index
        %swap3A_668 = arith.constant 0 : index
        %swap3A_669 = tpu.vector_load %arg6[%swap3A_665, %swap3A_666, %swap3A_667, %swap3A_668] {strides = array<i32>} : memref<4x1x200x64xf32, #tpu.memory_space<vmem>>, vector<1x1x1x16xf32>,
        %swap3A_670 = vector.shape_cast %swap3A_669 : vector<1x1x1x16xf32> to vector<16xf32>
        %swap3A_671 = vector.shape_cast %mul3A_662 : vector<16xf32> to vector<1x1x1x16xf32>
        tpu.vector_store %arg6[%swap3A_665, %swap3A_666, %swap3A_667, %swap3A_668], %swap3A_671 {strides = array<i32>} : memref<4x1x200x64xf32, #tpu.memory_space<vmem>>, vector<1x1x1x16xf32>,
        %get3A_672 = arith.constant 2 : i32
        %get3A_673 = arith.constant 0 : i32
        %get3A_674 = arith.index_cast %get3A_672 : i32 to index
        %get3A_675 = arith.index_cast %get3A_673 : i32 to index
        %get3A_676 = arith.index_cast %scan3A_651 : i32 to index
        %get3A_677 = arith.constant 16 : index
        %get3A_678 = tpu.vector_load %arg6[%get3A_674, %get3A_675, %get3A_676, %get3A_677] {strides = array<i32>} : memref<4x1x200x64xf32, #tpu.memory_space<vmem>>, vector<1x1x1x16xf32>,
        %get3A_679 = vector.shape_cast %get3A_678 : vector<1x1x1x16xf32> to vector<16xf32>
        %mul3A_680 = arith.constant 8.000000e+00 : f32
        %mul3A_681 = vector.broadcast %mul3A_680 : f32 to vector<16xf32>
        %mul3A_682 = arith.mulf %get3A_679, %mul3A_681 : vector<16xf32>
        %swap3A_683 = arith.constant 2 : i32
        %swap3A_684 = arith.constant 0 : i32
        %swap3A_685 = arith.index_cast %swap3A_683 : i32 to index
        %swap3A_686 = arith.index_cast %swap3A_684 : i32 to index
        %swap3A_687 = arith.index_cast %scan3A_651 : i32 to index
        %swap3A_688 = arith.constant 16 : index
        %swap3A_689 = tpu.vector_load %arg6[%swap3A_685, %swap3A_686, %swap3A_687, %swap3A_688] {strides = array<i32>} : memref<4x1x200x64xf32, #tpu.memory_space<vmem>>, vector<1x1x1x16xf32>,
        %swap3A_690 = vector.shape_cast %swap3A_689 : vector<1x1x1x16xf32> to vector<16xf32>
        %swap3A_691 = vector.shape_cast %mul3A_682 : vector<16xf32> to vector<1x1x1x16xf32>
        tpu.vector_store %arg6[%swap3A_685, %swap3A_686, %swap3A_687, %swap3A_688], %swap3A_691 {strides = array<i32>} : memref<4x1x200x64xf32, #tpu.memory_space<vmem>>, vector<1x1x1x16xf32>,
        %get3A_692 = arith.constant 2 : i32
        %get3A_693 = arith.constant 0 : i32
        %get3A_694 = arith.index_cast %get3A_692 : i32 to index
        %get3A_695 = arith.index_cast %get3A_693 : i32 to index
        %get3A_696 = arith.index_cast %scan3A_651 : i32 to index
        %get3A_697 = arith.constant 32 : index
        %get3A_698 = tpu.vector_load %arg6[%get3A_694, %get3A_695, %get3A_696, %get3A_697] {strides = array<i32>} : memref<4x1x200x64xf32, #tpu.memory_space<vmem>>, vector<1x1x1x16xf32>,
        %get3A_699 = vector.shape_cast %get3A_698 : vector<1x1x1x16xf32> to vector<16xf32>
        %mul3A_700 = arith.constant 8.000000e+00 : f32
        %mul3A_701 = vector.broadcast %mul3A_700 : f32 to vector<16xf32>
        %mul3A_702 = arith.mulf %get3A_699, %mul3A_701 : vector<16xf32>
        %swap3A_703 = arith.constant 2 : i32
        %swap3A_704 = arith.constant 0 : i32
        %swap3A_705 = arith.index_cast %swap3A_703 : i32 to index
        %swap3A_706 = arith.index_cast %swap3A_704 : i32 to index
        %swap3A_707 = arith.index_cast %scan3A_651 : i32 to index
        %swap3A_708 = arith.constant 32 : index
        %swap3A_709 = tpu.vector_load %arg6[%swap3A_705, %swap3A_706, %swap3A_707, %swap3A_708] {strides = array<i32>} : memref<4x1x200x64xf32, #tpu.memory_space<vmem>>, vector<1x1x1x16xf32>,
        %swap3A_710 = vector.shape_cast %swap3A_709 : vector<1x1x1x16xf32> to vector<16xf32>
        %swap3A_711 = vector.shape_cast %mul3A_702 : vector<16xf32> to vector<1x1x1x16xf32>
        tpu.vector_store %arg6[%swap3A_705, %swap3A_706, %swap3A_707, %swap3A_708], %swap3A_711 {strides = array<i32>} : memref<4x1x200x64xf32, #tpu.memory_space<vmem>>, vector<1x1x1x16xf32>,
        %get3A_712 = arith.constant 2 : i32
        %get3A_713 = arith.constant 0 : i32
        %get3A_714 = arith.index_cast %get3A_712 : i32 to index
        %get3A_715 = arith.index_cast %get3A_713 : i32 to index
        %get3A_716 = arith.index_cast %scan3A_651 : i32 to index
        %get3A_717 = arith.constant 48 : index
        %get3A_718 = tpu.vector_load %arg6[%get3A_714, %get3A_715, %get3A_716, %get3A_717] {strides = array<i32>} : memref<4x1x200x64xf32, #tpu.memory_space<vmem>>, vector<1x1x1x16xf32>,
        %get3A_719 = vector.shape_cast %get3A_718 : vector<1x1x1x16xf32> to vector<16xf32>
        %mul3A_720 = arith.constant 8.000000e+00 : f32
        %mul3A_721 = vector.broadcast %mul3A_720 : f32 to vector<16xf32>
        %mul3A_722 = arith.mulf %get3A_719, %mul3A_721 : vector<16xf32>
        %swap3A_723 = arith.constant 2 : i32
        %swap3A_724 = arith.constant 0 : i32
        %swap3A_725 = arith.index_cast %swap3A_723 : i32 to index
        %swap3A_726 = arith.index_cast %swap3A_724 : i32 to index
        %swap3A_727 = arith.index_cast %scan3A_651 : i32 to index
        %swap3A_728 = arith.constant 48 : index
        %swap3A_729 = tpu.vector_load %arg6[%swap3A_725, %swap3A_726, %swap3A_727, %swap3A_728] {strides = array<i32>} : memref<4x1x200x64xf32, #tpu.memory_space<vmem>>, vector<1x1x1x16xf32>,
        %swap3A_730 = vector.shape_cast %swap3A_729 : vector<1x1x1x16xf32> to vector<16xf32>
        %swap3A_731 = vector.shape_cast %mul3A_722 : vector<16xf32> to vector<1x1x1x16xf32>
        tpu.vector_store %arg6[%swap3A_725, %swap3A_726, %swap3A_727, %swap3A_728], %swap3A_731 {strides = array<i32>} : memref<4x1x200x64xf32, #tpu.memory_space<vmem>>, vector<1x1x1x16xf32>,
        %scan3A_732 = arith.constant 5 : i32
        %scan3A_733 = arith.addi %scan3A_325, %scan3A_732 : i32
        %get3A_734 = arith.constant 2 : i32
        %get3A_735 = arith.constant 0 : i32
        %get3A_736 = arith.index_cast %get3A_734 : i32 to index
        %get3A_737 = arith.index_cast %get3A_735 : i32 to index
        %get3A_738 = arith.index_cast %scan3A_733 : i32 to index
        %get3A_739 = arith.constant 0 : index
        %get3A_740 = tpu.vector_load %arg6[%get3A_736, %get3A_737, %get3A_738, %get3A_739] {strides = array<i32>} : memref<4x1x200x64xf32, #tpu.memory_space<vmem>>, vector<1x1x1x16xf32>,
        %get3A_741 = vector.shape_cast %get3A_740 : vector<1x1x1x16xf32> to vector<16xf32>
        %mul3A_742 = arith.constant 8.000000e+00 : f32
        %mul3A_743 = vector.broadcast %mul3A_742 : f32 to vector<16xf32>
        %mul3A_744 = arith.mulf %get3A_741, %mul3A_743 : vector<16xf32>
        %swap3A_745 = arith.constant 2 : i32
        %swap3A_746 = arith.constant 0 : i32
        %swap3A_747 = arith.index_cast %swap3A_745 : i32 to index
        %swap3A_748 = arith.index_cast %swap3A_746 : i32 to index
        %swap3A_749 = arith.index_cast %scan3A_733 : i32 to index
        %swap3A_750 = arith.constant 0 : index
        %swap3A_751 = tpu.vector_load %arg6[%swap3A_747, %swap3A_748, %swap3A_749, %swap3A_750] {strides = array<i32>} : memref<4x1x200x64xf32, #tpu.memory_space<vmem>>, vector<1x1x1x16xf32>,
        %swap3A_752 = vector.shape_cast %swap3A_751 : vector<1x1x1x16xf32> to vector<16xf32>
        %swap3A_753 = vector.shape_cast %mul3A_744 : vector<16xf32> to vector<1x1x1x16xf32>
        tpu.vector_store %arg6[%swap3A_747, %swap3A_748, %swap3A_749, %swap3A_750], %swap3A_753 {strides = array<i32>} : memref<4x1x200x64xf32, #tpu.memory_space<vmem>>, vector<1x1x1x16xf32>,
        %get3A_754 = arith.constant 2 : i32
        %get3A_755 = arith.constant 0 : i32
        %get3A_756 = arith.index_cast %get3A_754 : i32 to index
        %get3A_757 = arith.index_cast %get3A_755 : i32 to index
        %get3A_758 = arith.index_cast %scan3A_733 : i32 to index
        %get3A_759 = arith.constant 16 : index
        %get3A_760 = tpu.vector_load %arg6[%get3A_756, %get3A_757, %get3A_758, %get3A_759] {strides = array<i32>} : memref<4x1x200x64xf32, #tpu.memory_space<vmem>>, vector<1x1x1x16xf32>,
        %get3A_761 = vector.shape_cast %get3A_760 : vector<1x1x1x16xf32> to vector<16xf32>
        %mul3A_762 = arith.constant 8.000000e+00 : f32
        %mul3A_763 = vector.broadcast %mul3A_762 : f32 to vector<16xf32>
        %mul3A_764 = arith.mulf %get3A_761, %mul3A_763 : vector<16xf32>
        %swap3A_765 = arith.constant 2 : i32
        %swap3A_766 = arith.constant 0 : i32
        %swap3A_767 = arith.index_cast %swap3A_765 : i32 to index
        %swap3A_768 = arith.index_cast %swap3A_766 : i32 to index
        %swap3A_769 = arith.index_cast %scan3A_733 : i32 to index
        %swap3A_770 = arith.constant 16 : index
        %swap3A_771 = tpu.vector_load %arg6[%swap3A_767, %swap3A_768, %swap3A_769, %swap3A_770] {strides = array<i32>} : memref<4x1x200x64xf32, #tpu.memory_space<vmem>>, vector<1x1x1x16xf32>,
        %swap3A_772 = vector.shape_cast %swap3A_771 : vector<1x1x1x16xf32> to vector<16xf32>
        %swap3A_773 = vector.shape_cast %mul3A_764 : vector<16xf32> to vector<1x1x1x16xf32>
        tpu.vector_store %arg6[%swap3A_767, %swap3A_768, %swap3A_769, %swap3A_770], %swap3A_773 {strides = array<i32>} : memref<4x1x200x64xf32, #tpu.memory_space<vmem>>, vector<1x1x1x16xf32>,
        %get3A_774 = arith.constant 2 : i32
        %get3A_775 = arith.constant 0 : i32
        %get3A_776 = arith.index_cast %get3A_774 : i32 to index
        %get3A_777 = arith.index_cast %get3A_775 : i32 to index
        %get3A_778 = arith.index_cast %scan3A_733 : i32 to index
        %get3A_779 = arith.constant 32 : index
        %get3A_780 = tpu.vector_load %arg6[%get3A_776, %get3A_777, %get3A_778, %get3A_779] {strides = array<i32>} : memref<4x1x200x64xf32, #tpu.memory_space<vmem>>, vector<1x1x1x16xf32>,
        %get3A_781 = vector.shape_cast %get3A_780 : vector<1x1x1x16xf32> to vector<16xf32>
        %mul3A_782 = arith.constant 8.000000e+00 : f32
        %mul3A_783 = vector.broadcast %mul3A_782 : f32 to vector<16xf32>
        %mul3A_784 = arith.mulf %get3A_781, %mul3A_783 : vector<16xf32>
        %swap3A_785 = arith.constant 2 : i32
        %swap3A_786 = arith.constant 0 : i32
        %swap3A_787 = arith.index_cast %swap3A_785 : i32 to index
        %swap3A_788 = arith.index_cast %swap3A_786 : i32 to index
        %swap3A_789 = arith.index_cast %scan3A_733 : i32 to index
        %swap3A_790 = arith.constant 32 : index
        %swap3A_791 = tpu.vector_load %arg6[%swap3A_787, %swap3A_788, %swap3A_789, %swap3A_790] {strides = array<i32>} : memref<4x1x200x64xf32, #tpu.memory_space<vmem>>, vector<1x1x1x16xf32>,
        %swap3A_792 = vector.shape_cast %swap3A_791 : vector<1x1x1x16xf32> to vector<16xf32>
        %swap3A_793 = vector.shape_cast %mul3A_784 : vector<16xf32> to vector<1x1x1x16xf32>
        tpu.vector_store %arg6[%swap3A_787, %swap3A_788, %swap3A_789, %swap3A_790], %swap3A_793 {strides = array<i32>} : memref<4x1x200x64xf32, #tpu.memory_space<vmem>>, vector<1x1x1x16xf32>,
        %get3A_794 = arith.constant 2 : i32
        %get3A_795 = arith.constant 0 : i32
        %get3A_796 = arith.index_cast %get3A_794 : i32 to index
        %get3A_797 = arith.index_cast %get3A_795 : i32 to index
        %get3A_798 = arith.index_cast %scan3A_733 : i32 to index
        %get3A_799 = arith.constant 48 : index
        %get3A_800 = tpu.vector_load %arg6[%get3A_796, %get3A_797, %get3A_798, %get3A_799] {strides = array<i32>} : memref<4x1x200x64xf32, #tpu.memory_space<vmem>>, vector<1x1x1x16xf32>,
        %get3A_801 = vector.shape_cast %get3A_800 : vector<1x1x1x16xf32> to vector<16xf32>
        %mul3A_802 = arith.constant 8.000000e+00 : f32
        %mul3A_803 = vector.broadcast %mul3A_802 : f32 to vector<16xf32>
        %mul3A_804 = arith.mulf %get3A_801, %mul3A_803 : vector<16xf32>
        %swap3A_805 = arith.constant 2 : i32
        %swap3A_806 = arith.constant 0 : i32
        %swap3A_807 = arith.index_cast %swap3A_805 : i32 to index
        %swap3A_808 = arith.index_cast %swap3A_806 : i32 to index
        %swap3A_809 = arith.index_cast %scan3A_733 : i32 to index
        %swap3A_810 = arith.constant 48 : index
        %swap3A_811 = tpu.vector_load %arg6[%swap3A_807, %swap3A_808, %swap3A_809, %swap3A_810] {strides = array<i32>} : memref<4x1x200x64xf32, #tpu.memory_space<vmem>>, vector<1x1x1x16xf32>,
        %swap3A_812 = vector.shape_cast %swap3A_811 : vector<1x1x1x16xf32> to vector<16xf32>
        %swap3A_813 = vector.shape_cast %mul3A_804 : vector<16xf32> to vector<1x1x1x16xf32>
        tpu.vector_store %arg6[%swap3A_807, %swap3A_808, %swap3A_809, %swap3A_810], %swap3A_813 {strides = array<i32>} : memref<4x1x200x64xf32, #tpu.memory_space<vmem>>, vector<1x1x1x16xf32>,
        %scan3A_814 = arith.constant 6 : i32
        %scan3A_815 = arith.addi %scan3A_325, %scan3A_814 : i32
        %get3A_816 = arith.constant 2 : i32
        %get3A_817 = arith.constant 0 : i32
        %get3A_818 = arith.index_cast %get3A_816 : i32 to index
        %get3A_819 = arith.index_cast %get3A_817 : i32 to index
        %get3A_820 = arith.index_cast %scan3A_815 : i32 to index
        %get3A_821 = arith.constant 0 : index
        %get3A_822 = tpu.vector_load %arg6[%get3A_818, %get3A_819, %get3A_820, %get3A_821] {strides = array<i32>} : memref<4x1x200x64xf32, #tpu.memory_space<vmem>>, vector<1x1x1x16xf32>,
        %get3A_823 = vector.shape_cast %get3A_822 : vector<1x1x1x16xf32> to vector<16xf32>
        %mul3A_824 = arith.constant 8.000000e+00 : f32
        %mul3A_825 = vector.broadcast %mul3A_824 : f32 to vector<16xf32>
        %mul3A_826 = arith.mulf %get3A_823, %mul3A_825 : vector<16xf32>
        %swap3A_827 = arith.constant 2 : i32
        %swap3A_828 = arith.constant 0 : i32
        %swap3A_829 = arith.index_cast %swap3A_827 : i32 to index
        %swap3A_830 = arith.index_cast %swap3A_828 : i32 to index
        %swap3A_831 = arith.index_cast %scan3A_815 : i32 to index
        %swap3A_832 = arith.constant 0 : index
        %swap3A_833 = tpu.vector_load %arg6[%swap3A_829, %swap3A_830, %swap3A_831, %swap3A_832] {strides = array<i32>} : memref<4x1x200x64xf32, #tpu.memory_space<vmem>>, vector<1x1x1x16xf32>,
        %swap3A_834 = vector.shape_cast %swap3A_833 : vector<1x1x1x16xf32> to vector<16xf32>
        %swap3A_835 = vector.shape_cast %mul3A_826 : vector<16xf32> to vector<1x1x1x16xf32>
        tpu.vector_store %arg6[%swap3A_829, %swap3A_830, %swap3A_831, %swap3A_832], %swap3A_835 {strides = array<i32>} : memref<4x1x200x64xf32, #tpu.memory_space<vmem>>, vector<1x1x1x16xf32>,
        %get3A_836 = arith.constant 2 : i32
        %get3A_837 = arith.constant 0 : i32
        %get3A_838 = arith.index_cast %get3A_836 : i32 to index
        %get3A_839 = arith.index_cast %get3A_837 : i32 to index
        %get3A_840 = arith.index_cast %scan3A_815 : i32 to index
        %get3A_841 = arith.constant 16 : index
        %get3A_842 = tpu.vector_load %arg6[%get3A_838, %get3A_839, %get3A_840, %get3A_841] {strides = array<i32>} : memref<4x1x200x64xf32, #tpu.memory_space<vmem>>, vector<1x1x1x16xf32>,
        %get3A_843 = vector.shape_cast %get3A_842 : vector<1x1x1x16xf32> to vector<16xf32>
        %mul3A_844 = arith.constant 8.000000e+00 : f32
        %mul3A_845 = vector.broadcast %mul3A_844 : f32 to vector<16xf32>
        %mul3A_846 = arith.mulf %get3A_843, %mul3A_845 : vector<16xf32>
        %swap3A_847 = arith.constant 2 : i32
        %swap3A_848 = arith.constant 0 : i32
        %swap3A_849 = arith.index_cast %swap3A_847 : i32 to index
        %swap3A_850 = arith.index_cast %swap3A_848 : i32 to index
        %swap3A_851 = arith.index_cast %scan3A_815 : i32 to index
        %swap3A_852 = arith.constant 16 : index
        %swap3A_853 = tpu.vector_load %arg6[%swap3A_849, %swap3A_850, %swap3A_851, %swap3A_852] {strides = array<i32>} : memref<4x1x200x64xf32, #tpu.memory_space<vmem>>, vector<1x1x1x16xf32>,
        %swap3A_854 = vector.shape_cast %swap3A_853 : vector<1x1x1x16xf32> to vector<16xf32>
        %swap3A_855 = vector.shape_cast %mul3A_846 : vector<16xf32> to vector<1x1x1x16xf32>
        tpu.vector_store %arg6[%swap3A_849, %swap3A_850, %swap3A_851, %swap3A_852], %swap3A_855 {strides = array<i32>} : memref<4x1x200x64xf32, #tpu.memory_space<vmem>>, vector<1x1x1x16xf32>,
        %get3A_856 = arith.constant 2 : i32
        %get3A_857 = arith.constant 0 : i32
        %get3A_858 = arith.index_cast %get3A_856 : i32 to index
        %get3A_859 = arith.index_cast %get3A_857 : i32 to index
        %get3A_860 = arith.index_cast %scan3A_815 : i32 to index
        %get3A_861 = arith.constant 32 : index
        %get3A_862 = tpu.vector_load %arg6[%get3A_858, %get3A_859, %get3A_860, %get3A_861] {strides = array<i32>} : memref<4x1x200x64xf32, #tpu.memory_space<vmem>>, vector<1x1x1x16xf32>,
        %get3A_863 = vector.shape_cast %get3A_862 : vector<1x1x1x16xf32> to vector<16xf32>
        %mul3A_864 = arith.constant 8.000000e+00 : f32
        %mul3A_865 = vector.broadcast %mul3A_864 : f32 to vector<16xf32>
        %mul3A_866 = arith.mulf %get3A_863, %mul3A_865 : vector<16xf32>
        %swap3A_867 = arith.constant 2 : i32
        %swap3A_868 = arith.constant 0 : i32
        %swap3A_869 = arith.index_cast %swap3A_867 : i32 to index
        %swap3A_870 = arith.index_cast %swap3A_868 : i32 to index
        %swap3A_871 = arith.index_cast %scan3A_815 : i32 to index
        %swap3A_872 = arith.constant 32 : index
        %swap3A_873 = tpu.vector_load %arg6[%swap3A_869, %swap3A_870, %swap3A_871, %swap3A_872] {strides = array<i32>} : memref<4x1x200x64xf32, #tpu.memory_space<vmem>>, vector<1x1x1x16xf32>,
        %swap3A_874 = vector.shape_cast %swap3A_873 : vector<1x1x1x16xf32> to vector<16xf32>
        %swap3A_875 = vector.shape_cast %mul3A_866 : vector<16xf32> to vector<1x1x1x16xf32>
        tpu.vector_store %arg6[%swap3A_869, %swap3A_870, %swap3A_871, %swap3A_872], %swap3A_875 {strides = array<i32>} : memref<4x1x200x64xf32, #tpu.memory_space<vmem>>, vector<1x1x1x16xf32>,
        %get3A_876 = arith.constant 2 : i32
        %get3A_877 = arith.constant 0 : i32
        %get3A_878 = arith.index_cast %get3A_876 : i32 to index
        %get3A_879 = arith.index_cast %get3A_877 : i32 to index
        %get3A_880 = arith.index_cast %scan3A_815 : i32 to index
        %get3A_881 = arith.constant 48 : index
        %get3A_882 = tpu.vector_load %arg6[%get3A_878, %get3A_879, %get3A_880, %get3A_881] {strides = array<i32>} : memref<4x1x200x64xf32, #tpu.memory_space<vmem>>, vector<1x1x1x16xf32>,
        %get3A_883 = vector.shape_cast %get3A_882 : vector<1x1x1x16xf32> to vector<16xf32>
        %mul3A_884 = arith.constant 8.000000e+00 : f32
        %mul3A_885 = vector.broadcast %mul3A_884 : f32 to vector<16xf32>
        %mul3A_886 = arith.mulf %get3A_883, %mul3A_885 : vector<16xf32>
        %swap3A_887 = arith.constant 2 : i32
        %swap3A_888 = arith.constant 0 : i32
        %swap3A_889 = arith.index_cast %swap3A_887 : i32 to index
        %swap3A_890 = arith.index_cast %swap3A_888 : i32 to index
        %swap3A_891 = arith.index_cast %scan3A_815 : i32 to index
        %swap3A_892 = arith.constant 48 : index
        %swap3A_893 = tpu.vector_load %arg6[%swap3A_889, %swap3A_890, %swap3A_891, %swap3A_892] {strides = array<i32>} : memref<4x1x200x64xf32, #tpu.memory_space<vmem>>, vector<1x1x1x16xf32>,
        %swap3A_894 = vector.shape_cast %swap3A_893 : vector<1x1x1x16xf32> to vector<16xf32>
        %swap3A_895 = vector.shape_cast %mul3A_886 : vector<16xf32> to vector<1x1x1x16xf32>
        tpu.vector_store %arg6[%swap3A_889, %swap3A_890, %swap3A_891, %swap3A_892], %swap3A_895 {strides = array<i32>} : memref<4x1x200x64xf32, #tpu.memory_space<vmem>>, vector<1x1x1x16xf32>,
        %scan3A_896 = arith.constant 7 : i32
        %scan3A_897 = arith.addi %scan3A_325, %scan3A_896 : i32
        %get3A_898 = arith.constant 2 : i32
        %get3A_899 = arith.constant 0 : i32
        %get3A_900 = arith.index_cast %get3A_898 : i32 to index
        %get3A_901 = arith.index_cast %get3A_899 : i32 to index
        %get3A_902 = arith.index_cast %scan3A_897 : i32 to index
        %get3A_903 = arith.constant 0 : index
        %get3A_904 = tpu.vector_load %arg6[%get3A_900, %get3A_901, %get3A_902, %get3A_903] {strides = array<i32>} : memref<4x1x200x64xf32, #tpu.memory_space<vmem>>, vector<1x1x1x16xf32>,
        %get3A_905 = vector.shape_cast %get3A_904 : vector<1x1x1x16xf32> to vector<16xf32>
        %mul3A_906 = arith.constant 8.000000e+00 : f32
        %mul3A_907 = vector.broadcast %mul3A_906 : f32 to vector<16xf32>
        %mul3A_908 = arith.mulf %get3A_905, %mul3A_907 : vector<16xf32>
        %swap3A_909 = arith.constant 2 : i32
        %swap3A_910 = arith.constant 0 : i32
        %swap3A_911 = arith.index_cast %swap3A_909 : i32 to index
        %swap3A_912 = arith.index_cast %swap3A_910 : i32 to index
        %swap3A_913 = arith.index_cast %scan3A_897 : i32 to index
        %swap3A_914 = arith.constant 0 : index
        %swap3A_915 = tpu.vector_load %arg6[%swap3A_911, %swap3A_912, %swap3A_913, %swap3A_914] {strides = array<i32>} : memref<4x1x200x64xf32, #tpu.memory_space<vmem>>, vector<1x1x1x16xf32>,
        %swap3A_916 = vector.shape_cast %swap3A_915 : vector<1x1x1x16xf32> to vector<16xf32>
        %swap3A_917 = vector.shape_cast %mul3A_908 : vector<16xf32> to vector<1x1x1x16xf32>
        tpu.vector_store %arg6[%swap3A_911, %swap3A_912, %swap3A_913, %swap3A_914], %swap3A_917 {strides = array<i32>} : memref<4x1x200x64xf32, #tpu.memory_space<vmem>>, vector<1x1x1x16xf32>,
        %get3A_918 = arith.constant 2 : i32
        %get3A_919 = arith.constant 0 : i32
        %get3A_920 = arith.index_cast %get3A_918 : i32 to index
        %get3A_921 = arith.index_cast %get3A_919 : i32 to index
        %get3A_922 = arith.index_cast %scan3A_897 : i32 to index
        %get3A_923 = arith.constant 16 : index
        %get3A_924 = tpu.vector_load %arg6[%get3A_920, %get3A_921, %get3A_922, %get3A_923] {strides = array<i32>} : memref<4x1x200x64xf32, #tpu.memory_space<vmem>>, vector<1x1x1x16xf32>,
        %get3A_925 = vector.shape_cast %get3A_924 : vector<1x1x1x16xf32> to vector<16xf32>
        %mul3A_926 = arith.constant 8.000000e+00 : f32
        %mul3A_927 = vector.broadcast %mul3A_926 : f32 to vector<16xf32>
        %mul3A_928 = arith.mulf %get3A_925, %mul3A_927 : vector<16xf32>
        %swap3A_929 = arith.constant 2 : i32
        %swap3A_930 = arith.constant 0 : i32
        %swap3A_931 = arith.index_cast %swap3A_929 : i32 to index
        %swap3A_932 = arith.index_cast %swap3A_930 : i32 to index
        %swap3A_933 = arith.index_cast %scan3A_897 : i32 to index
        %swap3A_934 = arith.constant 16 : index
        %swap3A_935 = tpu.vector_load %arg6[%swap3A_931, %swap3A_932, %swap3A_933, %swap3A_934] {strides = array<i32>} : memref<4x1x200x64xf32, #tpu.memory_space<vmem>>, vector<1x1x1x16xf32>,
        %swap3A_936 = vector.shape_cast %swap3A_935 : vector<1x1x1x16xf32> to vector<16xf32>
        %swap3A_937 = vector.shape_cast %mul3A_928 : vector<16xf32> to vector<1x1x1x16xf32>
        tpu.vector_store %arg6[%swap3A_931, %swap3A_932, %swap3A_933, %swap3A_934], %swap3A_937 {strides = array<i32>} : memref<4x1x200x64xf32, #tpu.memory_space<vmem>>, vector<1x1x1x16xf32>,
        %get3A_938 = arith.constant 2 : i32
        %get3A_939 = arith.constant 0 : i32
        %get3A_940 = arith.index_cast %get3A_938 : i32 to index
        %get3A_941 = arith.index_cast %get3A_939 : i32 to index
        %get3A_942 = arith.index_cast %scan3A_897 : i32 to index
        %get3A_943 = arith.constant 32 : index
        %get3A_944 = tpu.vector_load %arg6[%get3A_940, %get3A_941, %get3A_942, %get3A_943] {strides = array<i32>} : memref<4x1x200x64xf32, #tpu.memory_space<vmem>>, vector<1x1x1x16xf32>,
        %get3A_945 = vector.shape_cast %get3A_944 : vector<1x1x1x16xf32> to vector<16xf32>
        %mul3A_946 = arith.constant 8.000000e+00 : f32
        %mul3A_947 = vector.broadcast %mul3A_946 : f32 to vector<16xf32>
        %mul3A_948 = arith.mulf %get3A_945, %mul3A_947 : vector<16xf32>
        %swap3A_949 = arith.constant 2 : i32
        %swap3A_950 = arith.constant 0 : i32
        %swap3A_951 = arith.index_cast %swap3A_949 : i32 to index
        %swap3A_952 = arith.index_cast %swap3A_950 : i32 to index
        %swap3A_953 = arith.index_cast %scan3A_897 : i32 to index
        %swap3A_954 = arith.constant 32 : index
        %swap3A_955 = tpu.vector_load %arg6[%swap3A_951, %swap3A_952, %swap3A_953, %swap3A_954] {strides = array<i32>} : memref<4x1x200x64xf32, #tpu.memory_space<vmem>>, vector<1x1x1x16xf32>,
        %swap3A_956 = vector.shape_cast %swap3A_955 : vector<1x1x1x16xf32> to vector<16xf32>
        %swap3A_957 = vector.shape_cast %mul3A_948 : vector<16xf32> to vector<1x1x1x16xf32>
        tpu.vector_store %arg6[%swap3A_951, %swap3A_952, %swap3A_953, %swap3A_954], %swap3A_957 {strides = array<i32>} : memref<4x1x200x64xf32, #tpu.memory_space<vmem>>, vector<1x1x1x16xf32>,
        %get3A_958 = arith.constant 2 : i32
        %get3A_959 = arith.constant 0 : i32
        %get3A_960 = arith.index_cast %get3A_958 : i32 to index
        %get3A_961 = arith.index_cast %get3A_959 : i32 to index
        %get3A_962 = arith.index_cast %scan3A_897 : i32 to index
        %get3A_963 = arith.constant 48 : index
        %get3A_964 = tpu.vector_load %arg6[%get3A_960, %get3A_961, %get3A_962, %get3A_963] {strides = array<i32>} : memref<4x1x200x64xf32, #tpu.memory_space<vmem>>, vector<1x1x1x16xf32>,
        %get3A_965 = vector.shape_cast %get3A_964 : vector<1x1x1x16xf32> to vector<16xf32>
        %mul3A_966 = arith.constant 8.000000e+00 : f32
        %mul3A_967 = vector.broadcast %mul3A_966 : f32 to vector<16xf32>
        %mul3A_968 = arith.mulf %get3A_965, %mul3A_967 : vector<16xf32>
        %swap3A_969 = arith.constant 2 : i32
        %swap3A_970 = arith.constant 0 : i32
        %swap3A_971 = arith.index_cast %swap3A_969 : i32 to index
        %swap3A_972 = arith.index_cast %swap3A_970 : i32 to index
        %swap3A_973 = arith.index_cast %scan3A_897 : i32 to index
        %swap3A_974 = arith.constant 48 : index
        %swap3A_975 = tpu.vector_load %arg6[%swap3A_971, %swap3A_972, %swap3A_973, %swap3A_974] {strides = array<i32>} : memref<4x1x200x64xf32, #tpu.memory_space<vmem>>, vector<1x1x1x16xf32>,
        %swap3A_976 = vector.shape_cast %swap3A_975 : vector<1x1x1x16xf32> to vector<16xf32>
        %swap3A_977 = vector.shape_cast %mul3A_968 : vector<16xf32> to vector<1x1x1x16xf32>
        tpu.vector_store %arg6[%swap3A_971, %swap3A_972, %swap3A_973, %swap3A_974], %swap3A_977 {strides = array<i32>} : memref<4x1x200x64xf32, #tpu.memory_space<vmem>>, vector<1x1x1x16xf32>,
      }
      %scan3A_233 = arith.constant 200 : i32
      %add3A_234 = arith.addi %mul3A_2, %add3A_210 : i32
      %dma_start3A_235 = arith.constant 2 : i32
      %dma_start3A_236 = arith.constant 0 : i32
      %dma_start3A_237 = arith.constant 0 : i32
      %dma_start3A_238 = arith.constant 0 : i32
      %dma_start3A_239 = tpu.memref_slice %arg6[%dma_start3A_235, %dma_start3A_236, %dma_start3A_237, %dma_start3A_238] : memref<4x1x200x64xf32, #tpu.memory_space<vmem>> -> memref<1x1x200x64xf32, #tpu.memory_space<vmem>>
      %dma_start3A_240 = tpu.memref_squeeze %dma_start3A_239 : memref<1x1x200x64xf32, #tpu.memory_space<vmem>> -> memref<1x200x64xf32, #tpu.memory_space<vmem>>
      %dma_start3A_241 = arith.constant 0 : i32
      %dma_start3A_242 = arith.constant 0 : i32
      %dma_start3A_243 = tpu.memref_slice %arg4[%add3A_234, %dma_start3A_241, %dma_start3A_242] : memref<4096x200x64xf32, #tpu.memory_space<hbm>> -> memref<1x200x64xf32, #tpu.memory_space<hbm>>
      %dma_start3A_244 = arith.constant 0 : i32
      %dma_start3A_245 = arith.constant 0 : i32
      %dma_start3A_246 = tpu.memref_slice %arg4[%add3A_234, %dma_start3A_244, %dma_start3A_245] : memref<4096x200x64xf32, #tpu.memory_space<hbm>> -> memref<1x200x64xf32, #tpu.memory_space<hbm>>
      %dma_start3A_247 = arith.constant 0 : i32
      %dma_start3A_248 = arith.constant 0 : i32
      %dma_start3A_249 = arith.constant 0 : i32
      %dma_start3A_250 = tpu.memref_slice %arg6[%dma_start3A_235, %dma_start3A_247, %dma_start3A_248, %dma_start3A_249] : memref<4x1x200x64xf32, #tpu.memory_space<vmem>> -> memref<1x1x200x64xf32, #tpu.memory_space<vmem>>
      %dma_start3A_251 = tpu.memref_squeeze %dma_start3A_250 : memref<1x1x200x64xf32, #tpu.memory_space<vmem>> -> memref<1x200x64xf32, #tpu.memory_space<vmem>>
      tpu.enqueue_dma source(%dma_start3A_251 : memref<1x200x64xf32, #tpu.memory_space<vmem>>) target(%dma_start3A_246 : memref<1x200x64xf32, #tpu.memory_space<hbm>>) target_semaphore(%arg13 : memref<!tpu.dma_semaphore, #tpu.memory_space<semaphore_mem>>)
      %ge3A_252 = arith.constant 1 : i32
      %ge3A_253 = arith.cmpi sge, %add3A_210, %ge3A_252 : i32
      %convert_element_type3A_254 = arith.extui %ge3A_253 : i1 to i32
      %cond3A_255 = arith.constant 0 : i32
      %cond3A_256 = arith.cmpi ne, %convert_element_type3A_254, %cond3A_255 : i32
      scf.if %cond3A_256 {
        %sub3A_325 = arith.constant 1 : i32
        %sub3A_326 = arith.subi %add3A_210, %sub3A_325 : i32
        %add3A_327 = arith.addi %mul3A_2, %sub3A_326 : i32
        %dma_wait3A_328 = arith.constant 1 : i32
        %dma_wait3A_329 = arith.constant 0 : i32
        %dma_wait3A_330 = arith.constant 0 : i32
        %dma_wait3A_331 = arith.constant 0 : i32
        %dma_wait3A_332 = tpu.memref_slice %arg6[%dma_wait3A_328, %dma_wait3A_329, %dma_wait3A_330, %dma_wait3A_331] : memref<4x1x200x64xf32, #tpu.memory_space<vmem>> -> memref<1x1x200x64xf32, #tpu.memory_space<vmem>>
        %dma_wait3A_333 = tpu.memref_squeeze %dma_wait3A_332 : memref<1x1x200x64xf32, #tpu.memory_space<vmem>> -> memref<1x200x64xf32, #tpu.memory_space<vmem>>
        %dma_wait3A_334 = arith.constant 0 : i32
        %dma_wait3A_335 = arith.constant 0 : i32
        %dma_wait3A_336 = tpu.memref_slice %arg4[%add3A_327, %dma_wait3A_334, %dma_wait3A_335] : memref<4096x200x64xf32, #tpu.memory_space<hbm>> -> memref<1x200x64xf32, #tpu.memory_space<hbm>>
        %dma_wait3A_337 = arith.constant 0 : i32
        %dma_wait3A_338 = arith.constant 0 : i32
        %dma_wait3A_339 = tpu.memref_slice %arg4[%add3A_327, %dma_wait3A_337, %dma_wait3A_338] : memref<4096x200x64xf32, #tpu.memory_space<hbm>> -> memref<1x200x64xf32, #tpu.memory_space<hbm>>
        %dma_wait3A_340 = arith.constant 0 : i32
        %dma_wait3A_341 = arith.constant 0 : i32
        %dma_wait3A_342 = arith.constant 0 : i32
        %dma_wait3A_343 = tpu.memref_slice %arg6[%dma_wait3A_328, %dma_wait3A_340, %dma_wait3A_341, %dma_wait3A_342] : memref<4x1x200x64xf32, #tpu.memory_space<vmem>> -> memref<1x1x200x64xf32, #tpu.memory_space<vmem>>
        %dma_wait3A_344 = tpu.memref_squeeze %dma_wait3A_343 : memref<1x1x200x64xf32, #tpu.memory_space<vmem>> -> memref<1x200x64xf32, #tpu.memory_space<vmem>>
        tpu.wait_dma2 semaphore(%arg12 : memref<!tpu.dma_semaphore, #tpu.memory_space<semaphore_mem>>) src(%dma_wait3A_344 : memref<1x200x64xf32, #tpu.memory_space<vmem>>) dst(%dma_wait3A_339 : memref<1x200x64xf32, #tpu.memory_space<hbm>>)
      } else {
      }
      %add3A_257 = arith.constant 4 : i32
      %add3A_258 = arith.addi %add3A_210, %add3A_257 : i32
      %sub3A_259 = arith.constant 1 : i32
      %sub3A_260 = arith.subi %add3A_258, %sub3A_259 : i32
      %lt3A_261 = arith.constant 128 : i32
      %lt3A_262 = arith.cmpi slt, %sub3A_260, %lt3A_261 : i32
      %convert_element_type3A_263 = arith.extui %lt3A_262 : i1 to i32
      %cond3A_264 = arith.constant 0 : i32
      %cond3A_265 = arith.cmpi ne, %convert_element_type3A_263, %cond3A_264 : i32
      scf.if %cond3A_265 {
        %add3A_325 = arith.constant 4 : i32
        %add3A_326 = arith.addi %add3A_210, %add3A_325 : i32
        %sub3A_327 = arith.constant 1 : i32
        %sub3A_328 = arith.subi %add3A_326, %sub3A_327 : i32
        %mul3A_329 = arith.constant 200 : i32
        %mul3A_330 = arith.muli %sub3A_328, %mul3A_329 : i32
        %add3A_331 = arith.constant 0 : i32
        %add3A_332 = arith.addi %mul3A_330, %add3A_331 : i32
        %dma_start3A_333 = arith.constant 1 : i32
        %dma_start3A_334 = arith.constant 0 : i32
        %dma_start3A_335 = arith.constant 0 : i32
        %dma_start3A_336 = arith.constant 0 : i32
        %dma_start3A_337 = tpu.memref_slice %arg6[%dma_start3A_333, %dma_start3A_334, %dma_start3A_335, %dma_start3A_336] : memref<4x1x200x64xf32, #tpu.memory_space<vmem>> -> memref<1x1x104x64xf32, #tpu.memory_space<vmem>>
        %dma_start3A_338 = tpu.memref_squeeze %dma_start3A_337 : memref<1x1x104x64xf32, #tpu.memory_space<vmem>> -> memref<104x64xf32, #tpu.memory_space<vmem>>
        %dma_start3A_339 = tpu.memref_slice %arg5[%add3A_332] : memref<25600xi32, #tpu.memory_space<vmem>> -> memref<104xi32, #tpu.memory_space<vmem>>
        %dma_start3A_340 = arith.constant 0 : i32
        %dma_start3A_341 = arith.constant 0 : i32
        %dma_start3A_342 = tpu.memref_slice %arg3[%dma_start3A_340, %dma_start3A_341] : memref<1000000x64xf32, #tpu.memory_space<hbm>> -> memref<1000000x64xf32, #tpu.memory_space<hbm>>
        tpu.enqueue_indirect_dma source(%dma_start3A_342 : memref<1000000x64xf32, #tpu.memory_space<hbm>>) target(%dma_start3A_338 : memref<104x64xf32, #tpu.memory_space<vmem>>) offsets(%dma_start3A_339 : memref<104xi32, #tpu.memory_space<vmem>>) semaphore(%arg8 : memref<!tpu.dma_semaphore, #tpu.memory_space<semaphore_mem>>)
        %mul3A_343 = arith.constant 200 : i32
        %mul3A_344 = arith.muli %sub3A_328, %mul3A_343 : i32
        %add3A_345 = arith.constant 104 : i32
        %add3A_346 = arith.addi %mul3A_344, %add3A_345 : i32
        %dma_start3A_347 = arith.constant 1 : i32
        %dma_start3A_348 = arith.constant 0 : i32
        %dma_start3A_349 = arith.constant 104 : i32
        %dma_start3A_350 = arith.constant 0 : i32
        %dma_start3A_351 = tpu.memref_slice %arg6[%dma_start3A_347, %dma_start3A_348, %dma_start3A_349, %dma_start3A_350] : memref<4x1x200x64xf32, #tpu.memory_space<vmem>> -> memref<1x1x96x64xf32, #tpu.memory_space<vmem>>
        %dma_start3A_352 = tpu.memref_squeeze %dma_start3A_351 : memref<1x1x96x64xf32, #tpu.memory_space<vmem>> -> memref<96x64xf32, #tpu.memory_space<vmem>>
        %dma_start3A_353 = tpu.memref_slice %arg5[%add3A_346] : memref<25600xi32, #tpu.memory_space<vmem>> -> memref<96xi32, #tpu.memory_space<vmem>>
        %dma_start3A_354 = arith.constant 0 : i32
        %dma_start3A_355 = arith.constant 0 : i32
        %dma_start3A_356 = tpu.memref_slice %arg3[%dma_start3A_354, %dma_start3A_355] : memref<1000000x64xf32, #tpu.memory_space<hbm>> -> memref<1000000x64xf32, #tpu.memory_space<hbm>>
        tpu.enqueue_indirect_dma source(%dma_start3A_356 : memref<1000000x64xf32, #tpu.memory_space<hbm>>) target(%dma_start3A_352 : memref<96x64xf32, #tpu.memory_space<vmem>>) offsets(%dma_start3A_353 : memref<96xi32, #tpu.memory_space<vmem>>) semaphore(%arg8 : memref<!tpu.dma_semaphore, #tpu.memory_space<semaphore_mem>>)
      } else {
      }
      %mul3A_266 = arith.constant 4 : i32
      %mul3A_267 = arith.muli %scan3A_93, %mul3A_266 : i32
      %add3A_268 = arith.constant 3 : i32
      %add3A_269 = arith.addi %mul3A_267, %add3A_268 : i32
      %dma_wait3A_270 = arith.constant 3 : i32
      %dma_wait3A_271 = arith.constant 0 : i32
      %dma_wait3A_272 = arith.constant 0 : i32
      %dma_wait3A_273 = arith.constant 0 : i32
      %dma_wait3A_274 = tpu.memref_slice %arg6[%dma_wait3A_270, %dma_wait3A_271, %dma_wait3A_272, %dma_wait3A_273] : memref<4x1x200x64xf32, #tpu.memory_space<vmem>> -> memref<1x1x200x64xf32, #tpu.memory_space<vmem>>
      %dma_wait3A_275 = tpu.memref_squeeze %dma_wait3A_274 : memref<1x1x200x64xf32, #tpu.memory_space<vmem>> -> memref<1x200x64xf32, #tpu.memory_space<vmem>>
      %dma_wait3A_276 = arith.constant 0 : i32
      %dma_wait3A_277 = arith.constant 0 : i32
      %dma_wait3A_278 = tpu.memref_slice %arg3[%dma_wait3A_276, %dma_wait3A_277] : memref<1000000x64xf32, #tpu.memory_space<hbm>> -> memref<200x64xf32, #tpu.memory_space<hbm>>
      %dma_wait3A_279 = arith.constant 0 : i32
      %dma_wait3A_280 = arith.constant 0 : i32
      %dma_wait3A_281 = arith.constant 0 : i32
      %dma_wait3A_282 = tpu.memref_slice %arg6[%dma_wait3A_270, %dma_wait3A_279, %dma_wait3A_280, %dma_wait3A_281] : memref<4x1x200x64xf32, #tpu.memory_space<vmem>> -> memref<1x1x200x64xf32, #tpu.memory_space<vmem>>
      %dma_wait3A_283 = tpu.memref_squeeze %dma_wait3A_282 : memref<1x1x200x64xf32, #tpu.memory_space<vmem>> -> memref<1x200x64xf32, #tpu.memory_space<vmem>>
      %dma_wait3A_284 = arith.constant 0 : i32
      %dma_wait3A_285 = arith.constant 0 : i32
      %dma_wait3A_286 = tpu.memref_slice %arg3[%dma_wait3A_284, %dma_wait3A_285] : memref<1000000x64xf32, #tpu.memory_space<hbm>> -> memref<200x64xf32, #tpu.memory_space<hbm>>
      tpu.wait_dma2 semaphore(%arg10 : memref<!tpu.dma_semaphore, #tpu.memory_space<semaphore_mem>>) src(%dma_wait3A_286 : memref<200x64xf32, #tpu.memory_space<hbm>>) dst(%dma_wait3A_283 : memref<1x200x64xf32, #tpu.memory_space<vmem>>)
      %scan3A_287 = arith.constant 0 : i32
      %scan3A_288 = arith.constant 0 : i32
      %scan3A_289 = arith.constant 200 : i32
      %scan3A_290 = arith.addi %scan3A_288, %scan3A_289 : i32
      %scan3A_291 = arith.constant 8 : i32
      scf.for %scan3A_325 = %scan3A_288 to %scan3A_290 step %scan3A_291  : i32 {
        %get3A = arith.constant 3 : i32
        %get3A_326 = arith.constant 0 : i32
        %get3A_327 = arith.index_cast %get3A : i32 to index
        %get3A_328 = arith.index_cast %get3A_326 : i32 to index
        %get3A_329 = arith.index_cast %scan3A_325 : i32 to index
        %get3A_330 = arith.constant 0 : index
        %get3A_331 = tpu.vector_load %arg6[%get3A_327, %get3A_328, %get3A_329, %get3A_330] {strides = array<i32>} : memref<4x1x200x64xf32, #tpu.memory_space<vmem>>, vector<1x1x1x16xf32>,
        %get3A_332 = vector.shape_cast %get3A_331 : vector<1x1x1x16xf32> to vector<16xf32>
        %mul3A_333 = arith.constant 8.000000e+00 : f32
        %mul3A_334 = vector.broadcast %mul3A_333 : f32 to vector<16xf32>
        %mul3A_335 = arith.mulf %get3A_332, %mul3A_334 : vector<16xf32>
        %swap3A = arith.constant 3 : i32
        %swap3A_336 = arith.constant 0 : i32
        %swap3A_337 = arith.index_cast %swap3A : i32 to index
        %swap3A_338 = arith.index_cast %swap3A_336 : i32 to index
        %swap3A_339 = arith.index_cast %scan3A_325 : i32 to index
        %swap3A_340 = arith.constant 0 : index
        %swap3A_341 = tpu.vector_load %arg6[%swap3A_337, %swap3A_338, %swap3A_339, %swap3A_340] {strides = array<i32>} : memref<4x1x200x64xf32, #tpu.memory_space<vmem>>, vector<1x1x1x16xf32>,
        %swap3A_342 = vector.shape_cast %swap3A_341 : vector<1x1x1x16xf32> to vector<16xf32>
        %swap3A_343 = vector.shape_cast %mul3A_335 : vector<16xf32> to vector<1x1x1x16xf32>
        tpu.vector_store %arg6[%swap3A_337, %swap3A_338, %swap3A_339, %swap3A_340], %swap3A_343 {strides = array<i32>} : memref<4x1x200x64xf32, #tpu.memory_space<vmem>>, vector<1x1x1x16xf32>,
        %get3A_344 = arith.constant 3 : i32
        %get3A_345 = arith.constant 0 : i32
        %get3A_346 = arith.index_cast %get3A_344 : i32 to index
        %get3A_347 = arith.index_cast %get3A_345 : i32 to index
        %get3A_348 = arith.index_cast %scan3A_325 : i32 to index
        %get3A_349 = arith.constant 16 : index
        %get3A_350 = tpu.vector_load %arg6[%get3A_346, %get3A_347, %get3A_348, %get3A_349] {strides = array<i32>} : memref<4x1x200x64xf32, #tpu.memory_space<vmem>>, vector<1x1x1x16xf32>,
        %get3A_351 = vector.shape_cast %get3A_350 : vector<1x1x1x16xf32> to vector<16xf32>
        %mul3A_352 = arith.constant 8.000000e+00 : f32
        %mul3A_353 = vector.broadcast %mul3A_352 : f32 to vector<16xf32>
        %mul3A_354 = arith.mulf %get3A_351, %mul3A_353 : vector<16xf32>
        %swap3A_355 = arith.constant 3 : i32
        %swap3A_356 = arith.constant 0 : i32
        %swap3A_357 = arith.index_cast %swap3A_355 : i32 to index
        %swap3A_358 = arith.index_cast %swap3A_356 : i32 to index
        %swap3A_359 = arith.index_cast %scan3A_325 : i32 to index
        %swap3A_360 = arith.constant 16 : index
        %swap3A_361 = tpu.vector_load %arg6[%swap3A_357, %swap3A_358, %swap3A_359, %swap3A_360] {strides = array<i32>} : memref<4x1x200x64xf32, #tpu.memory_space<vmem>>, vector<1x1x1x16xf32>,
        %swap3A_362 = vector.shape_cast %swap3A_361 : vector<1x1x1x16xf32> to vector<16xf32>
        %swap3A_363 = vector.shape_cast %mul3A_354 : vector<16xf32> to vector<1x1x1x16xf32>
        tpu.vector_store %arg6[%swap3A_357, %swap3A_358, %swap3A_359, %swap3A_360], %swap3A_363 {strides = array<i32>} : memref<4x1x200x64xf32, #tpu.memory_space<vmem>>, vector<1x1x1x16xf32>,
        %get3A_364 = arith.constant 3 : i32
        %get3A_365 = arith.constant 0 : i32
        %get3A_366 = arith.index_cast %get3A_364 : i32 to index
        %get3A_367 = arith.index_cast %get3A_365 : i32 to index
        %get3A_368 = arith.index_cast %scan3A_325 : i32 to index
        %get3A_369 = arith.constant 32 : index
        %get3A_370 = tpu.vector_load %arg6[%get3A_366, %get3A_367, %get3A_368, %get3A_369] {strides = array<i32>} : memref<4x1x200x64xf32, #tpu.memory_space<vmem>>, vector<1x1x1x16xf32>,
        %get3A_371 = vector.shape_cast %get3A_370 : vector<1x1x1x16xf32> to vector<16xf32>
        %mul3A_372 = arith.constant 8.000000e+00 : f32
        %mul3A_373 = vector.broadcast %mul3A_372 : f32 to vector<16xf32>
        %mul3A_374 = arith.mulf %get3A_371, %mul3A_373 : vector<16xf32>
        %swap3A_375 = arith.constant 3 : i32
        %swap3A_376 = arith.constant 0 : i32
        %swap3A_377 = arith.index_cast %swap3A_375 : i32 to index
        %swap3A_378 = arith.index_cast %swap3A_376 : i32 to index
        %swap3A_379 = arith.index_cast %scan3A_325 : i32 to index
        %swap3A_380 = arith.constant 32 : index
        %swap3A_381 = tpu.vector_load %arg6[%swap3A_377, %swap3A_378, %swap3A_379, %swap3A_380] {strides = array<i32>} : memref<4x1x200x64xf32, #tpu.memory_space<vmem>>, vector<1x1x1x16xf32>,
        %swap3A_382 = vector.shape_cast %swap3A_381 : vector<1x1x1x16xf32> to vector<16xf32>
        %swap3A_383 = vector.shape_cast %mul3A_374 : vector<16xf32> to vector<1x1x1x16xf32>
        tpu.vector_store %arg6[%swap3A_377, %swap3A_378, %swap3A_379, %swap3A_380], %swap3A_383 {strides = array<i32>} : memref<4x1x200x64xf32, #tpu.memory_space<vmem>>, vector<1x1x1x16xf32>,
        %get3A_384 = arith.constant 3 : i32
        %get3A_385 = arith.constant 0 : i32
        %get3A_386 = arith.index_cast %get3A_384 : i32 to index
        %get3A_387 = arith.index_cast %get3A_385 : i32 to index
        %get3A_388 = arith.index_cast %scan3A_325 : i32 to index
        %get3A_389 = arith.constant 48 : index
        %get3A_390 = tpu.vector_load %arg6[%get3A_386, %get3A_387, %get3A_388, %get3A_389] {strides = array<i32>} : memref<4x1x200x64xf32, #tpu.memory_space<vmem>>, vector<1x1x1x16xf32>,
        %get3A_391 = vector.shape_cast %get3A_390 : vector<1x1x1x16xf32> to vector<16xf32>
        %mul3A_392 = arith.constant 8.000000e+00 : f32
        %mul3A_393 = vector.broadcast %mul3A_392 : f32 to vector<16xf32>
        %mul3A_394 = arith.mulf %get3A_391, %mul3A_393 : vector<16xf32>
        %swap3A_395 = arith.constant 3 : i32
        %swap3A_396 = arith.constant 0 : i32
        %swap3A_397 = arith.index_cast %swap3A_395 : i32 to index
        %swap3A_398 = arith.index_cast %swap3A_396 : i32 to index
        %swap3A_399 = arith.index_cast %scan3A_325 : i32 to index
        %swap3A_400 = arith.constant 48 : index
        %swap3A_401 = tpu.vector_load %arg6[%swap3A_397, %swap3A_398, %swap3A_399, %swap3A_400] {strides = array<i32>} : memref<4x1x200x64xf32, #tpu.memory_space<vmem>>, vector<1x1x1x16xf32>,
        %swap3A_402 = vector.shape_cast %swap3A_401 : vector<1x1x1x16xf32> to vector<16xf32>
        %swap3A_403 = vector.shape_cast %mul3A_394 : vector<16xf32> to vector<1x1x1x16xf32>
        tpu.vector_store %arg6[%swap3A_397, %swap3A_398, %swap3A_399, %swap3A_400], %swap3A_403 {strides = array<i32>} : memref<4x1x200x64xf32, #tpu.memory_space<vmem>>, vector<1x1x1x16xf32>,
        %scan3A_404 = arith.constant 1 : i32
        %scan3A_405 = arith.addi %scan3A_325, %scan3A_404 : i32
        %get3A_406 = arith.constant 3 : i32
        %get3A_407 = arith.constant 0 : i32
        %get3A_408 = arith.index_cast %get3A_406 : i32 to index
        %get3A_409 = arith.index_cast %get3A_407 : i32 to index
        %get3A_410 = arith.index_cast %scan3A_405 : i32 to index
        %get3A_411 = arith.constant 0 : index
        %get3A_412 = tpu.vector_load %arg6[%get3A_408, %get3A_409, %get3A_410, %get3A_411] {strides = array<i32>} : memref<4x1x200x64xf32, #tpu.memory_space<vmem>>, vector<1x1x1x16xf32>,
        %get3A_413 = vector.shape_cast %get3A_412 : vector<1x1x1x16xf32> to vector<16xf32>
        %mul3A_414 = arith.constant 8.000000e+00 : f32
        %mul3A_415 = vector.broadcast %mul3A_414 : f32 to vector<16xf32>
        %mul3A_416 = arith.mulf %get3A_413, %mul3A_415 : vector<16xf32>
        %swap3A_417 = arith.constant 3 : i32
        %swap3A_418 = arith.constant 0 : i32
        %swap3A_419 = arith.index_cast %swap3A_417 : i32 to index
        %swap3A_420 = arith.index_cast %swap3A_418 : i32 to index
        %swap3A_421 = arith.index_cast %scan3A_405 : i32 to index
        %swap3A_422 = arith.constant 0 : index
        %swap3A_423 = tpu.vector_load %arg6[%swap3A_419, %swap3A_420, %swap3A_421, %swap3A_422] {strides = array<i32>} : memref<4x1x200x64xf32, #tpu.memory_space<vmem>>, vector<1x1x1x16xf32>,
        %swap3A_424 = vector.shape_cast %swap3A_423 : vector<1x1x1x16xf32> to vector<16xf32>
        %swap3A_425 = vector.shape_cast %mul3A_416 : vector<16xf32> to vector<1x1x1x16xf32>
        tpu.vector_store %arg6[%swap3A_419, %swap3A_420, %swap3A_421, %swap3A_422], %swap3A_425 {strides = array<i32>} : memref<4x1x200x64xf32, #tpu.memory_space<vmem>>, vector<1x1x1x16xf32>,
        %get3A_426 = arith.constant 3 : i32
        %get3A_427 = arith.constant 0 : i32
        %get3A_428 = arith.index_cast %get3A_426 : i32 to index
        %get3A_429 = arith.index_cast %get3A_427 : i32 to index
        %get3A_430 = arith.index_cast %scan3A_405 : i32 to index
        %get3A_431 = arith.constant 16 : index
        %get3A_432 = tpu.vector_load %arg6[%get3A_428, %get3A_429, %get3A_430, %get3A_431] {strides = array<i32>} : memref<4x1x200x64xf32, #tpu.memory_space<vmem>>, vector<1x1x1x16xf32>,
        %get3A_433 = vector.shape_cast %get3A_432 : vector<1x1x1x16xf32> to vector<16xf32>
        %mul3A_434 = arith.constant 8.000000e+00 : f32
        %mul3A_435 = vector.broadcast %mul3A_434 : f32 to vector<16xf32>
        %mul3A_436 = arith.mulf %get3A_433, %mul3A_435 : vector<16xf32>
        %swap3A_437 = arith.constant 3 : i32
        %swap3A_438 = arith.constant 0 : i32
        %swap3A_439 = arith.index_cast %swap3A_437 : i32 to index
        %swap3A_440 = arith.index_cast %swap3A_438 : i32 to index
        %swap3A_441 = arith.index_cast %scan3A_405 : i32 to index
        %swap3A_442 = arith.constant 16 : index
        %swap3A_443 = tpu.vector_load %arg6[%swap3A_439, %swap3A_440, %swap3A_441, %swap3A_442] {strides = array<i32>} : memref<4x1x200x64xf32, #tpu.memory_space<vmem>>, vector<1x1x1x16xf32>,
        %swap3A_444 = vector.shape_cast %swap3A_443 : vector<1x1x1x16xf32> to vector<16xf32>
        %swap3A_445 = vector.shape_cast %mul3A_436 : vector<16xf32> to vector<1x1x1x16xf32>
        tpu.vector_store %arg6[%swap3A_439, %swap3A_440, %swap3A_441, %swap3A_442], %swap3A_445 {strides = array<i32>} : memref<4x1x200x64xf32, #tpu.memory_space<vmem>>, vector<1x1x1x16xf32>,
        %get3A_446 = arith.constant 3 : i32
        %get3A_447 = arith.constant 0 : i32
        %get3A_448 = arith.index_cast %get3A_446 : i32 to index
        %get3A_449 = arith.index_cast %get3A_447 : i32 to index
        %get3A_450 = arith.index_cast %scan3A_405 : i32 to index
        %get3A_451 = arith.constant 32 : index
        %get3A_452 = tpu.vector_load %arg6[%get3A_448, %get3A_449, %get3A_450, %get3A_451] {strides = array<i32>} : memref<4x1x200x64xf32, #tpu.memory_space<vmem>>, vector<1x1x1x16xf32>,
        %get3A_453 = vector.shape_cast %get3A_452 : vector<1x1x1x16xf32> to vector<16xf32>
        %mul3A_454 = arith.constant 8.000000e+00 : f32
        %mul3A_455 = vector.broadcast %mul3A_454 : f32 to vector<16xf32>
        %mul3A_456 = arith.mulf %get3A_453, %mul3A_455 : vector<16xf32>
        %swap3A_457 = arith.constant 3 : i32
        %swap3A_458 = arith.constant 0 : i32
        %swap3A_459 = arith.index_cast %swap3A_457 : i32 to index
        %swap3A_460 = arith.index_cast %swap3A_458 : i32 to index
        %swap3A_461 = arith.index_cast %scan3A_405 : i32 to index
        %swap3A_462 = arith.constant 32 : index
        %swap3A_463 = tpu.vector_load %arg6[%swap3A_459, %swap3A_460, %swap3A_461, %swap3A_462] {strides = array<i32>} : memref<4x1x200x64xf32, #tpu.memory_space<vmem>>, vector<1x1x1x16xf32>,
        %swap3A_464 = vector.shape_cast %swap3A_463 : vector<1x1x1x16xf32> to vector<16xf32>
        %swap3A_465 = vector.shape_cast %mul3A_456 : vector<16xf32> to vector<1x1x1x16xf32>
        tpu.vector_store %arg6[%swap3A_459, %swap3A_460, %swap3A_461, %swap3A_462], %swap3A_465 {strides = array<i32>} : memref<4x1x200x64xf32, #tpu.memory_space<vmem>>, vector<1x1x1x16xf32>,
        %get3A_466 = arith.constant 3 : i32
        %get3A_467 = arith.constant 0 : i32
        %get3A_468 = arith.index_cast %get3A_466 : i32 to index
        %get3A_469 = arith.index_cast %get3A_467 : i32 to index
        %get3A_470 = arith.index_cast %scan3A_405 : i32 to index
        %get3A_471 = arith.constant 48 : index
        %get3A_472 = tpu.vector_load %arg6[%get3A_468, %get3A_469, %get3A_470, %get3A_471] {strides = array<i32>} : memref<4x1x200x64xf32, #tpu.memory_space<vmem>>, vector<1x1x1x16xf32>,
        %get3A_473 = vector.shape_cast %get3A_472 : vector<1x1x1x16xf32> to vector<16xf32>
        %mul3A_474 = arith.constant 8.000000e+00 : f32
        %mul3A_475 = vector.broadcast %mul3A_474 : f32 to vector<16xf32>
        %mul3A_476 = arith.mulf %get3A_473, %mul3A_475 : vector<16xf32>
        %swap3A_477 = arith.constant 3 : i32
        %swap3A_478 = arith.constant 0 : i32
        %swap3A_479 = arith.index_cast %swap3A_477 : i32 to index
        %swap3A_480 = arith.index_cast %swap3A_478 : i32 to index
        %swap3A_481 = arith.index_cast %scan3A_405 : i32 to index
        %swap3A_482 = arith.constant 48 : index
        %swap3A_483 = tpu.vector_load %arg6[%swap3A_479, %swap3A_480, %swap3A_481, %swap3A_482] {strides = array<i32>} : memref<4x1x200x64xf32, #tpu.memory_space<vmem>>, vector<1x1x1x16xf32>,
        %swap3A_484 = vector.shape_cast %swap3A_483 : vector<1x1x1x16xf32> to vector<16xf32>
        %swap3A_485 = vector.shape_cast %mul3A_476 : vector<16xf32> to vector<1x1x1x16xf32>
        tpu.vector_store %arg6[%swap3A_479, %swap3A_480, %swap3A_481, %swap3A_482], %swap3A_485 {strides = array<i32>} : memref<4x1x200x64xf32, #tpu.memory_space<vmem>>, vector<1x1x1x16xf32>,
        %scan3A_486 = arith.constant 2 : i32
        %scan3A_487 = arith.addi %scan3A_325, %scan3A_486 : i32
        %get3A_488 = arith.constant 3 : i32
        %get3A_489 = arith.constant 0 : i32
        %get3A_490 = arith.index_cast %get3A_488 : i32 to index
        %get3A_491 = arith.index_cast %get3A_489 : i32 to index
        %get3A_492 = arith.index_cast %scan3A_487 : i32 to index
        %get3A_493 = arith.constant 0 : index
        %get3A_494 = tpu.vector_load %arg6[%get3A_490, %get3A_491, %get3A_492, %get3A_493] {strides = array<i32>} : memref<4x1x200x64xf32, #tpu.memory_space<vmem>>, vector<1x1x1x16xf32>,
        %get3A_495 = vector.shape_cast %get3A_494 : vector<1x1x1x16xf32> to vector<16xf32>
        %mul3A_496 = arith.constant 8.000000e+00 : f32
        %mul3A_497 = vector.broadcast %mul3A_496 : f32 to vector<16xf32>
        %mul3A_498 = arith.mulf %get3A_495, %mul3A_497 : vector<16xf32>
        %swap3A_499 = arith.constant 3 : i32
        %swap3A_500 = arith.constant 0 : i32
        %swap3A_501 = arith.index_cast %swap3A_499 : i32 to index
        %swap3A_502 = arith.index_cast %swap3A_500 : i32 to index
        %swap3A_503 = arith.index_cast %scan3A_487 : i32 to index
        %swap3A_504 = arith.constant 0 : index
        %swap3A_505 = tpu.vector_load %arg6[%swap3A_501, %swap3A_502, %swap3A_503, %swap3A_504] {strides = array<i32>} : memref<4x1x200x64xf32, #tpu.memory_space<vmem>>, vector<1x1x1x16xf32>,
        %swap3A_506 = vector.shape_cast %swap3A_505 : vector<1x1x1x16xf32> to vector<16xf32>
        %swap3A_507 = vector.shape_cast %mul3A_498 : vector<16xf32> to vector<1x1x1x16xf32>
        tpu.vector_store %arg6[%swap3A_501, %swap3A_502, %swap3A_503, %swap3A_504], %swap3A_507 {strides = array<i32>} : memref<4x1x200x64xf32, #tpu.memory_space<vmem>>, vector<1x1x1x16xf32>,
        %get3A_508 = arith.constant 3 : i32
        %get3A_509 = arith.constant 0 : i32
        %get3A_510 = arith.index_cast %get3A_508 : i32 to index
        %get3A_511 = arith.index_cast %get3A_509 : i32 to index
        %get3A_512 = arith.index_cast %scan3A_487 : i32 to index
        %get3A_513 = arith.constant 16 : index
        %get3A_514 = tpu.vector_load %arg6[%get3A_510, %get3A_511, %get3A_512, %get3A_513] {strides = array<i32>} : memref<4x1x200x64xf32, #tpu.memory_space<vmem>>, vector<1x1x1x16xf32>,
        %get3A_515 = vector.shape_cast %get3A_514 : vector<1x1x1x16xf32> to vector<16xf32>
        %mul3A_516 = arith.constant 8.000000e+00 : f32
        %mul3A_517 = vector.broadcast %mul3A_516 : f32 to vector<16xf32>
        %mul3A_518 = arith.mulf %get3A_515, %mul3A_517 : vector<16xf32>
        %swap3A_519 = arith.constant 3 : i32
        %swap3A_520 = arith.constant 0 : i32
        %swap3A_521 = arith.index_cast %swap3A_519 : i32 to index
        %swap3A_522 = arith.index_cast %swap3A_520 : i32 to index
        %swap3A_523 = arith.index_cast %scan3A_487 : i32 to index
        %swap3A_524 = arith.constant 16 : index
        %swap3A_525 = tpu.vector_load %arg6[%swap3A_521, %swap3A_522, %swap3A_523, %swap3A_524] {strides = array<i32>} : memref<4x1x200x64xf32, #tpu.memory_space<vmem>>, vector<1x1x1x16xf32>,
        %swap3A_526 = vector.shape_cast %swap3A_525 : vector<1x1x1x16xf32> to vector<16xf32>
        %swap3A_527 = vector.shape_cast %mul3A_518 : vector<16xf32> to vector<1x1x1x16xf32>
        tpu.vector_store %arg6[%swap3A_521, %swap3A_522, %swap3A_523, %swap3A_524], %swap3A_527 {strides = array<i32>} : memref<4x1x200x64xf32, #tpu.memory_space<vmem>>, vector<1x1x1x16xf32>,
        %get3A_528 = arith.constant 3 : i32
        %get3A_529 = arith.constant 0 : i32
        %get3A_530 = arith.index_cast %get3A_528 : i32 to index
        %get3A_531 = arith.index_cast %get3A_529 : i32 to index
        %get3A_532 = arith.index_cast %scan3A_487 : i32 to index
        %get3A_533 = arith.constant 32 : index
        %get3A_534 = tpu.vector_load %arg6[%get3A_530, %get3A_531, %get3A_532, %get3A_533] {strides = array<i32>} : memref<4x1x200x64xf32, #tpu.memory_space<vmem>>, vector<1x1x1x16xf32>,
        %get3A_535 = vector.shape_cast %get3A_534 : vector<1x1x1x16xf32> to vector<16xf32>
        %mul3A_536 = arith.constant 8.000000e+00 : f32
        %mul3A_537 = vector.broadcast %mul3A_536 : f32 to vector<16xf32>
        %mul3A_538 = arith.mulf %get3A_535, %mul3A_537 : vector<16xf32>
        %swap3A_539 = arith.constant 3 : i32
        %swap3A_540 = arith.constant 0 : i32
        %swap3A_541 = arith.index_cast %swap3A_539 : i32 to index
        %swap3A_542 = arith.index_cast %swap3A_540 : i32 to index
        %swap3A_543 = arith.index_cast %scan3A_487 : i32 to index
        %swap3A_544 = arith.constant 32 : index
        %swap3A_545 = tpu.vector_load %arg6[%swap3A_541, %swap3A_542, %swap3A_543, %swap3A_544] {strides = array<i32>} : memref<4x1x200x64xf32, #tpu.memory_space<vmem>>, vector<1x1x1x16xf32>,
        %swap3A_546 = vector.shape_cast %swap3A_545 : vector<1x1x1x16xf32> to vector<16xf32>
        %swap3A_547 = vector.shape_cast %mul3A_538 : vector<16xf32> to vector<1x1x1x16xf32>
        tpu.vector_store %arg6[%swap3A_541, %swap3A_542, %swap3A_543, %swap3A_544], %swap3A_547 {strides = array<i32>} : memref<4x1x200x64xf32, #tpu.memory_space<vmem>>, vector<1x1x1x16xf32>,
        %get3A_548 = arith.constant 3 : i32
        %get3A_549 = arith.constant 0 : i32
        %get3A_550 = arith.index_cast %get3A_548 : i32 to index
        %get3A_551 = arith.index_cast %get3A_549 : i32 to index
        %get3A_552 = arith.index_cast %scan3A_487 : i32 to index
        %get3A_553 = arith.constant 48 : index
        %get3A_554 = tpu.vector_load %arg6[%get3A_550, %get3A_551, %get3A_552, %get3A_553] {strides = array<i32>} : memref<4x1x200x64xf32, #tpu.memory_space<vmem>>, vector<1x1x1x16xf32>,
        %get3A_555 = vector.shape_cast %get3A_554 : vector<1x1x1x16xf32> to vector<16xf32>
        %mul3A_556 = arith.constant 8.000000e+00 : f32
        %mul3A_557 = vector.broadcast %mul3A_556 : f32 to vector<16xf32>
        %mul3A_558 = arith.mulf %get3A_555, %mul3A_557 : vector<16xf32>
        %swap3A_559 = arith.constant 3 : i32
        %swap3A_560 = arith.constant 0 : i32
        %swap3A_561 = arith.index_cast %swap3A_559 : i32 to index
        %swap3A_562 = arith.index_cast %swap3A_560 : i32 to index
        %swap3A_563 = arith.index_cast %scan3A_487 : i32 to index
        %swap3A_564 = arith.constant 48 : index
        %swap3A_565 = tpu.vector_load %arg6[%swap3A_561, %swap3A_562, %swap3A_563, %swap3A_564] {strides = array<i32>} : memref<4x1x200x64xf32, #tpu.memory_space<vmem>>, vector<1x1x1x16xf32>,
        %swap3A_566 = vector.shape_cast %swap3A_565 : vector<1x1x1x16xf32> to vector<16xf32>
        %swap3A_567 = vector.shape_cast %mul3A_558 : vector<16xf32> to vector<1x1x1x16xf32>
        tpu.vector_store %arg6[%swap3A_561, %swap3A_562, %swap3A_563, %swap3A_564], %swap3A_567 {strides = array<i32>} : memref<4x1x200x64xf32, #tpu.memory_space<vmem>>, vector<1x1x1x16xf32>,
        %scan3A_568 = arith.constant 3 : i32
        %scan3A_569 = arith.addi %scan3A_325, %scan3A_568 : i32
        %get3A_570 = arith.constant 3 : i32
        %get3A_571 = arith.constant 0 : i32
        %get3A_572 = arith.index_cast %get3A_570 : i32 to index
        %get3A_573 = arith.index_cast %get3A_571 : i32 to index
        %get3A_574 = arith.index_cast %scan3A_569 : i32 to index
        %get3A_575 = arith.constant 0 : index
        %get3A_576 = tpu.vector_load %arg6[%get3A_572, %get3A_573, %get3A_574, %get3A_575] {strides = array<i32>} : memref<4x1x200x64xf32, #tpu.memory_space<vmem>>, vector<1x1x1x16xf32>,
        %get3A_577 = vector.shape_cast %get3A_576 : vector<1x1x1x16xf32> to vector<16xf32>
        %mul3A_578 = arith.constant 8.000000e+00 : f32
        %mul3A_579 = vector.broadcast %mul3A_578 : f32 to vector<16xf32>
        %mul3A_580 = arith.mulf %get3A_577, %mul3A_579 : vector<16xf32>
        %swap3A_581 = arith.constant 3 : i32
        %swap3A_582 = arith.constant 0 : i32
        %swap3A_583 = arith.index_cast %swap3A_581 : i32 to index
        %swap3A_584 = arith.index_cast %swap3A_582 : i32 to index
        %swap3A_585 = arith.index_cast %scan3A_569 : i32 to index
        %swap3A_586 = arith.constant 0 : index
        %swap3A_587 = tpu.vector_load %arg6[%swap3A_583, %swap3A_584, %swap3A_585, %swap3A_586] {strides = array<i32>} : memref<4x1x200x64xf32, #tpu.memory_space<vmem>>, vector<1x1x1x16xf32>,
        %swap3A_588 = vector.shape_cast %swap3A_587 : vector<1x1x1x16xf32> to vector<16xf32>
        %swap3A_589 = vector.shape_cast %mul3A_580 : vector<16xf32> to vector<1x1x1x16xf32>
        tpu.vector_store %arg6[%swap3A_583, %swap3A_584, %swap3A_585, %swap3A_586], %swap3A_589 {strides = array<i32>} : memref<4x1x200x64xf32, #tpu.memory_space<vmem>>, vector<1x1x1x16xf32>,
        %get3A_590 = arith.constant 3 : i32
        %get3A_591 = arith.constant 0 : i32
        %get3A_592 = arith.index_cast %get3A_590 : i32 to index
        %get3A_593 = arith.index_cast %get3A_591 : i32 to index
        %get3A_594 = arith.index_cast %scan3A_569 : i32 to index
        %get3A_595 = arith.constant 16 : index
        %get3A_596 = tpu.vector_load %arg6[%get3A_592, %get3A_593, %get3A_594, %get3A_595] {strides = array<i32>} : memref<4x1x200x64xf32, #tpu.memory_space<vmem>>, vector<1x1x1x16xf32>,
        %get3A_597 = vector.shape_cast %get3A_596 : vector<1x1x1x16xf32> to vector<16xf32>
        %mul3A_598 = arith.constant 8.000000e+00 : f32
        %mul3A_599 = vector.broadcast %mul3A_598 : f32 to vector<16xf32>
        %mul3A_600 = arith.mulf %get3A_597, %mul3A_599 : vector<16xf32>
        %swap3A_601 = arith.constant 3 : i32
        %swap3A_602 = arith.constant 0 : i32
        %swap3A_603 = arith.index_cast %swap3A_601 : i32 to index
        %swap3A_604 = arith.index_cast %swap3A_602 : i32 to index
        %swap3A_605 = arith.index_cast %scan3A_569 : i32 to index
        %swap3A_606 = arith.constant 16 : index
        %swap3A_607 = tpu.vector_load %arg6[%swap3A_603, %swap3A_604, %swap3A_605, %swap3A_606] {strides = array<i32>} : memref<4x1x200x64xf32, #tpu.memory_space<vmem>>, vector<1x1x1x16xf32>,
        %swap3A_608 = vector.shape_cast %swap3A_607 : vector<1x1x1x16xf32> to vector<16xf32>
        %swap3A_609 = vector.shape_cast %mul3A_600 : vector<16xf32> to vector<1x1x1x16xf32>
        tpu.vector_store %arg6[%swap3A_603, %swap3A_604, %swap3A_605, %swap3A_606], %swap3A_609 {strides = array<i32>} : memref<4x1x200x64xf32, #tpu.memory_space<vmem>>, vector<1x1x1x16xf32>,
        %get3A_610 = arith.constant 3 : i32
        %get3A_611 = arith.constant 0 : i32
        %get3A_612 = arith.index_cast %get3A_610 : i32 to index
        %get3A_613 = arith.index_cast %get3A_611 : i32 to index
        %get3A_614 = arith.index_cast %scan3A_569 : i32 to index
        %get3A_615 = arith.constant 32 : index
        %get3A_616 = tpu.vector_load %arg6[%get3A_612, %get3A_613, %get3A_614, %get3A_615] {strides = array<i32>} : memref<4x1x200x64xf32, #tpu.memory_space<vmem>>, vector<1x1x1x16xf32>,
        %get3A_617 = vector.shape_cast %get3A_616 : vector<1x1x1x16xf32> to vector<16xf32>
        %mul3A_618 = arith.constant 8.000000e+00 : f32
        %mul3A_619 = vector.broadcast %mul3A_618 : f32 to vector<16xf32>
        %mul3A_620 = arith.mulf %get3A_617, %mul3A_619 : vector<16xf32>
        %swap3A_621 = arith.constant 3 : i32
        %swap3A_622 = arith.constant 0 : i32
        %swap3A_623 = arith.index_cast %swap3A_621 : i32 to index
        %swap3A_624 = arith.index_cast %swap3A_622 : i32 to index
        %swap3A_625 = arith.index_cast %scan3A_569 : i32 to index
        %swap3A_626 = arith.constant 32 : index
        %swap3A_627 = tpu.vector_load %arg6[%swap3A_623, %swap3A_624, %swap3A_625, %swap3A_626] {strides = array<i32>} : memref<4x1x200x64xf32, #tpu.memory_space<vmem>>, vector<1x1x1x16xf32>,
        %swap3A_628 = vector.shape_cast %swap3A_627 : vector<1x1x1x16xf32> to vector<16xf32>
        %swap3A_629 = vector.shape_cast %mul3A_620 : vector<16xf32> to vector<1x1x1x16xf32>
        tpu.vector_store %arg6[%swap3A_623, %swap3A_624, %swap3A_625, %swap3A_626], %swap3A_629 {strides = array<i32>} : memref<4x1x200x64xf32, #tpu.memory_space<vmem>>, vector<1x1x1x16xf32>,
        %get3A_630 = arith.constant 3 : i32
        %get3A_631 = arith.constant 0 : i32
        %get3A_632 = arith.index_cast %get3A_630 : i32 to index
        %get3A_633 = arith.index_cast %get3A_631 : i32 to index
        %get3A_634 = arith.index_cast %scan3A_569 : i32 to index
        %get3A_635 = arith.constant 48 : index
        %get3A_636 = tpu.vector_load %arg6[%get3A_632, %get3A_633, %get3A_634, %get3A_635] {strides = array<i32>} : memref<4x1x200x64xf32, #tpu.memory_space<vmem>>, vector<1x1x1x16xf32>,
        %get3A_637 = vector.shape_cast %get3A_636 : vector<1x1x1x16xf32> to vector<16xf32>
        %mul3A_638 = arith.constant 8.000000e+00 : f32
        %mul3A_639 = vector.broadcast %mul3A_638 : f32 to vector<16xf32>
        %mul3A_640 = arith.mulf %get3A_637, %mul3A_639 : vector<16xf32>
        %swap3A_641 = arith.constant 3 : i32
        %swap3A_642 = arith.constant 0 : i32
        %swap3A_643 = arith.index_cast %swap3A_641 : i32 to index
        %swap3A_644 = arith.index_cast %swap3A_642 : i32 to index
        %swap3A_645 = arith.index_cast %scan3A_569 : i32 to index
        %swap3A_646 = arith.constant 48 : index
        %swap3A_647 = tpu.vector_load %arg6[%swap3A_643, %swap3A_644, %swap3A_645, %swap3A_646] {strides = array<i32>} : memref<4x1x200x64xf32, #tpu.memory_space<vmem>>, vector<1x1x1x16xf32>,
        %swap3A_648 = vector.shape_cast %swap3A_647 : vector<1x1x1x16xf32> to vector<16xf32>
        %swap3A_649 = vector.shape_cast %mul3A_640 : vector<16xf32> to vector<1x1x1x16xf32>
        tpu.vector_store %arg6[%swap3A_643, %swap3A_644, %swap3A_645, %swap3A_646], %swap3A_649 {strides = array<i32>} : memref<4x1x200x64xf32, #tpu.memory_space<vmem>>, vector<1x1x1x16xf32>,
        %scan3A_650 = arith.constant 4 : i32
        %scan3A_651 = arith.addi %scan3A_325, %scan3A_650 : i32
        %get3A_652 = arith.constant 3 : i32
        %get3A_653 = arith.constant 0 : i32
        %get3A_654 = arith.index_cast %get3A_652 : i32 to index
        %get3A_655 = arith.index_cast %get3A_653 : i32 to index
        %get3A_656 = arith.index_cast %scan3A_651 : i32 to index
        %get3A_657 = arith.constant 0 : index
        %get3A_658 = tpu.vector_load %arg6[%get3A_654, %get3A_655, %get3A_656, %get3A_657] {strides = array<i32>} : memref<4x1x200x64xf32, #tpu.memory_space<vmem>>, vector<1x1x1x16xf32>,
        %get3A_659 = vector.shape_cast %get3A_658 : vector<1x1x1x16xf32> to vector<16xf32>
        %mul3A_660 = arith.constant 8.000000e+00 : f32
        %mul3A_661 = vector.broadcast %mul3A_660 : f32 to vector<16xf32>
        %mul3A_662 = arith.mulf %get3A_659, %mul3A_661 : vector<16xf32>
        %swap3A_663 = arith.constant 3 : i32
        %swap3A_664 = arith.constant 0 : i32
        %swap3A_665 = arith.index_cast %swap3A_663 : i32 to index
        %swap3A_666 = arith.index_cast %swap3A_664 : i32 to index
        %swap3A_667 = arith.index_cast %scan3A_651 : i32 to index
        %swap3A_668 = arith.constant 0 : index
        %swap3A_669 = tpu.vector_load %arg6[%swap3A_665, %swap3A_666, %swap3A_667, %swap3A_668] {strides = array<i32>} : memref<4x1x200x64xf32, #tpu.memory_space<vmem>>, vector<1x1x1x16xf32>,
        %swap3A_670 = vector.shape_cast %swap3A_669 : vector<1x1x1x16xf32> to vector<16xf32>
        %swap3A_671 = vector.shape_cast %mul3A_662 : vector<16xf32> to vector<1x1x1x16xf32>
        tpu.vector_store %arg6[%swap3A_665, %swap3A_666, %swap3A_667, %swap3A_668], %swap3A_671 {strides = array<i32>} : memref<4x1x200x64xf32, #tpu.memory_space<vmem>>, vector<1x1x1x16xf32>,
        %get3A_672 = arith.constant 3 : i32
        %get3A_673 = arith.constant 0 : i32
        %get3A_674 = arith.index_cast %get3A_672 : i32 to index
        %get3A_675 = arith.index_cast %get3A_673 : i32 to index
        %get3A_676 = arith.index_cast %scan3A_651 : i32 to index
        %get3A_677 = arith.constant 16 : index
        %get3A_678 = tpu.vector_load %arg6[%get3A_674, %get3A_675, %get3A_676, %get3A_677] {strides = array<i32>} : memref<4x1x200x64xf32, #tpu.memory_space<vmem>>, vector<1x1x1x16xf32>,
        %get3A_679 = vector.shape_cast %get3A_678 : vector<1x1x1x16xf32> to vector<16xf32>
        %mul3A_680 = arith.constant 8.000000e+00 : f32
        %mul3A_681 = vector.broadcast %mul3A_680 : f32 to vector<16xf32>
        %mul3A_682 = arith.mulf %get3A_679, %mul3A_681 : vector<16xf32>
        %swap3A_683 = arith.constant 3 : i32
        %swap3A_684 = arith.constant 0 : i32
        %swap3A_685 = arith.index_cast %swap3A_683 : i32 to index
        %swap3A_686 = arith.index_cast %swap3A_684 : i32 to index
        %swap3A_687 = arith.index_cast %scan3A_651 : i32 to index
        %swap3A_688 = arith.constant 16 : index
        %swap3A_689 = tpu.vector_load %arg6[%swap3A_685, %swap3A_686, %swap3A_687, %swap3A_688] {strides = array<i32>} : memref<4x1x200x64xf32, #tpu.memory_space<vmem>>, vector<1x1x1x16xf32>,
        %swap3A_690 = vector.shape_cast %swap3A_689 : vector<1x1x1x16xf32> to vector<16xf32>
        %swap3A_691 = vector.shape_cast %mul3A_682 : vector<16xf32> to vector<1x1x1x16xf32>
        tpu.vector_store %arg6[%swap3A_685, %swap3A_686, %swap3A_687, %swap3A_688], %swap3A_691 {strides = array<i32>} : memref<4x1x200x64xf32, #tpu.memory_space<vmem>>, vector<1x1x1x16xf32>,
        %get3A_692 = arith.constant 3 : i32
        %get3A_693 = arith.constant 0 : i32
        %get3A_694 = arith.index_cast %get3A_692 : i32 to index
        %get3A_695 = arith.index_cast %get3A_693 : i32 to index
        %get3A_696 = arith.index_cast %scan3A_651 : i32 to index
        %get3A_697 = arith.constant 32 : index
        %get3A_698 = tpu.vector_load %arg6[%get3A_694, %get3A_695, %get3A_696, %get3A_697] {strides = array<i32>} : memref<4x1x200x64xf32, #tpu.memory_space<vmem>>, vector<1x1x1x16xf32>,
        %get3A_699 = vector.shape_cast %get3A_698 : vector<1x1x1x16xf32> to vector<16xf32>
        %mul3A_700 = arith.constant 8.000000e+00 : f32
        %mul3A_701 = vector.broadcast %mul3A_700 : f32 to vector<16xf32>
        %mul3A_702 = arith.mulf %get3A_699, %mul3A_701 : vector<16xf32>
        %swap3A_703 = arith.constant 3 : i32
        %swap3A_704 = arith.constant 0 : i32
        %swap3A_705 = arith.index_cast %swap3A_703 : i32 to index
        %swap3A_706 = arith.index_cast %swap3A_704 : i32 to index
        %swap3A_707 = arith.index_cast %scan3A_651 : i32 to index
        %swap3A_708 = arith.constant 32 : index
        %swap3A_709 = tpu.vector_load %arg6[%swap3A_705, %swap3A_706, %swap3A_707, %swap3A_708] {strides = array<i32>} : memref<4x1x200x64xf32, #tpu.memory_space<vmem>>, vector<1x1x1x16xf32>,
        %swap3A_710 = vector.shape_cast %swap3A_709 : vector<1x1x1x16xf32> to vector<16xf32>
        %swap3A_711 = vector.shape_cast %mul3A_702 : vector<16xf32> to vector<1x1x1x16xf32>
        tpu.vector_store %arg6[%swap3A_705, %swap3A_706, %swap3A_707, %swap3A_708], %swap3A_711 {strides = array<i32>} : memref<4x1x200x64xf32, #tpu.memory_space<vmem>>, vector<1x1x1x16xf32>,
        %get3A_712 = arith.constant 3 : i32
        %get3A_713 = arith.constant 0 : i32
        %get3A_714 = arith.index_cast %get3A_712 : i32 to index
        %get3A_715 = arith.index_cast %get3A_713 : i32 to index
        %get3A_716 = arith.index_cast %scan3A_651 : i32 to index
        %get3A_717 = arith.constant 48 : index
        %get3A_718 = tpu.vector_load %arg6[%get3A_714, %get3A_715, %get3A_716, %get3A_717] {strides = array<i32>} : memref<4x1x200x64xf32, #tpu.memory_space<vmem>>, vector<1x1x1x16xf32>,
        %get3A_719 = vector.shape_cast %get3A_718 : vector<1x1x1x16xf32> to vector<16xf32>
        %mul3A_720 = arith.constant 8.000000e+00 : f32
        %mul3A_721 = vector.broadcast %mul3A_720 : f32 to vector<16xf32>
        %mul3A_722 = arith.mulf %get3A_719, %mul3A_721 : vector<16xf32>
        %swap3A_723 = arith.constant 3 : i32
        %swap3A_724 = arith.constant 0 : i32
        %swap3A_725 = arith.index_cast %swap3A_723 : i32 to index
        %swap3A_726 = arith.index_cast %swap3A_724 : i32 to index
        %swap3A_727 = arith.index_cast %scan3A_651 : i32 to index
        %swap3A_728 = arith.constant 48 : index
        %swap3A_729 = tpu.vector_load %arg6[%swap3A_725, %swap3A_726, %swap3A_727, %swap3A_728] {strides = array<i32>} : memref<4x1x200x64xf32, #tpu.memory_space<vmem>>, vector<1x1x1x16xf32>,
        %swap3A_730 = vector.shape_cast %swap3A_729 : vector<1x1x1x16xf32> to vector<16xf32>
        %swap3A_731 = vector.shape_cast %mul3A_722 : vector<16xf32> to vector<1x1x1x16xf32>
        tpu.vector_store %arg6[%swap3A_725, %swap3A_726, %swap3A_727, %swap3A_728], %swap3A_731 {strides = array<i32>} : memref<4x1x200x64xf32, #tpu.memory_space<vmem>>, vector<1x1x1x16xf32>,
        %scan3A_732 = arith.constant 5 : i32
        %scan3A_733 = arith.addi %scan3A_325, %scan3A_732 : i32
        %get3A_734 = arith.constant 3 : i32
        %get3A_735 = arith.constant 0 : i32
        %get3A_736 = arith.index_cast %get3A_734 : i32 to index
        %get3A_737 = arith.index_cast %get3A_735 : i32 to index
        %get3A_738 = arith.index_cast %scan3A_733 : i32 to index
        %get3A_739 = arith.constant 0 : index
        %get3A_740 = tpu.vector_load %arg6[%get3A_736, %get3A_737, %get3A_738, %get3A_739] {strides = array<i32>} : memref<4x1x200x64xf32, #tpu.memory_space<vmem>>, vector<1x1x1x16xf32>,
        %get3A_741 = vector.shape_cast %get3A_740 : vector<1x1x1x16xf32> to vector<16xf32>
        %mul3A_742 = arith.constant 8.000000e+00 : f32
        %mul3A_743 = vector.broadcast %mul3A_742 : f32 to vector<16xf32>
        %mul3A_744 = arith.mulf %get3A_741, %mul3A_743 : vector<16xf32>
        %swap3A_745 = arith.constant 3 : i32
        %swap3A_746 = arith.constant 0 : i32
        %swap3A_747 = arith.index_cast %swap3A_745 : i32 to index
        %swap3A_748 = arith.index_cast %swap3A_746 : i32 to index
        %swap3A_749 = arith.index_cast %scan3A_733 : i32 to index
        %swap3A_750 = arith.constant 0 : index
        %swap3A_751 = tpu.vector_load %arg6[%swap3A_747, %swap3A_748, %swap3A_749, %swap3A_750] {strides = array<i32>} : memref<4x1x200x64xf32, #tpu.memory_space<vmem>>, vector<1x1x1x16xf32>,
        %swap3A_752 = vector.shape_cast %swap3A_751 : vector<1x1x1x16xf32> to vector<16xf32>
        %swap3A_753 = vector.shape_cast %mul3A_744 : vector<16xf32> to vector<1x1x1x16xf32>
        tpu.vector_store %arg6[%swap3A_747, %swap3A_748, %swap3A_749, %swap3A_750], %swap3A_753 {strides = array<i32>} : memref<4x1x200x64xf32, #tpu.memory_space<vmem>>, vector<1x1x1x16xf32>,
        %get3A_754 = arith.constant 3 : i32
        %get3A_755 = arith.constant 0 : i32
        %get3A_756 = arith.index_cast %get3A_754 : i32 to index
        %get3A_757 = arith.index_cast %get3A_755 : i32 to index
        %get3A_758 = arith.index_cast %scan3A_733 : i32 to index
        %get3A_759 = arith.constant 16 : index
        %get3A_760 = tpu.vector_load %arg6[%get3A_756, %get3A_757, %get3A_758, %get3A_759] {strides = array<i32>} : memref<4x1x200x64xf32, #tpu.memory_space<vmem>>, vector<1x1x1x16xf32>,
        %get3A_761 = vector.shape_cast %get3A_760 : vector<1x1x1x16xf32> to vector<16xf32>
        %mul3A_762 = arith.constant 8.000000e+00 : f32
        %mul3A_763 = vector.broadcast %mul3A_762 : f32 to vector<16xf32>
        %mul3A_764 = arith.mulf %get3A_761, %mul3A_763 : vector<16xf32>
        %swap3A_765 = arith.constant 3 : i32
        %swap3A_766 = arith.constant 0 : i32
        %swap3A_767 = arith.index_cast %swap3A_765 : i32 to index
        %swap3A_768 = arith.index_cast %swap3A_766 : i32 to index
        %swap3A_769 = arith.index_cast %scan3A_733 : i32 to index
        %swap3A_770 = arith.constant 16 : index
        %swap3A_771 = tpu.vector_load %arg6[%swap3A_767, %swap3A_768, %swap3A_769, %swap3A_770] {strides = array<i32>} : memref<4x1x200x64xf32, #tpu.memory_space<vmem>>, vector<1x1x1x16xf32>,
        %swap3A_772 = vector.shape_cast %swap3A_771 : vector<1x1x1x16xf32> to vector<16xf32>
        %swap3A_773 = vector.shape_cast %mul3A_764 : vector<16xf32> to vector<1x1x1x16xf32>
        tpu.vector_store %arg6[%swap3A_767, %swap3A_768, %swap3A_769, %swap3A_770], %swap3A_773 {strides = array<i32>} : memref<4x1x200x64xf32, #tpu.memory_space<vmem>>, vector<1x1x1x16xf32>,
        %get3A_774 = arith.constant 3 : i32
        %get3A_775 = arith.constant 0 : i32
        %get3A_776 = arith.index_cast %get3A_774 : i32 to index
        %get3A_777 = arith.index_cast %get3A_775 : i32 to index
        %get3A_778 = arith.index_cast %scan3A_733 : i32 to index
        %get3A_779 = arith.constant 32 : index
        %get3A_780 = tpu.vector_load %arg6[%get3A_776, %get3A_777, %get3A_778, %get3A_779] {strides = array<i32>} : memref<4x1x200x64xf32, #tpu.memory_space<vmem>>, vector<1x1x1x16xf32>,
        %get3A_781 = vector.shape_cast %get3A_780 : vector<1x1x1x16xf32> to vector<16xf32>
        %mul3A_782 = arith.constant 8.000000e+00 : f32
        %mul3A_783 = vector.broadcast %mul3A_782 : f32 to vector<16xf32>
        %mul3A_784 = arith.mulf %get3A_781, %mul3A_783 : vector<16xf32>
        %swap3A_785 = arith.constant 3 : i32
        %swap3A_786 = arith.constant 0 : i32
        %swap3A_787 = arith.index_cast %swap3A_785 : i32 to index
        %swap3A_788 = arith.index_cast %swap3A_786 : i32 to index
        %swap3A_789 = arith.index_cast %scan3A_733 : i32 to index
        %swap3A_790 = arith.constant 32 : index
        %swap3A_791 = tpu.vector_load %arg6[%swap3A_787, %swap3A_788, %swap3A_789, %swap3A_790] {strides = array<i32>} : memref<4x1x200x64xf32, #tpu.memory_space<vmem>>, vector<1x1x1x16xf32>,
        %swap3A_792 = vector.shape_cast %swap3A_791 : vector<1x1x1x16xf32> to vector<16xf32>
        %swap3A_793 = vector.shape_cast %mul3A_784 : vector<16xf32> to vector<1x1x1x16xf32>
        tpu.vector_store %arg6[%swap3A_787, %swap3A_788, %swap3A_789, %swap3A_790], %swap3A_793 {strides = array<i32>} : memref<4x1x200x64xf32, #tpu.memory_space<vmem>>, vector<1x1x1x16xf32>,
        %get3A_794 = arith.constant 3 : i32
        %get3A_795 = arith.constant 0 : i32
        %get3A_796 = arith.index_cast %get3A_794 : i32 to index
        %get3A_797 = arith.index_cast %get3A_795 : i32 to index
        %get3A_798 = arith.index_cast %scan3A_733 : i32 to index
        %get3A_799 = arith.constant 48 : index
        %get3A_800 = tpu.vector_load %arg6[%get3A_796, %get3A_797, %get3A_798, %get3A_799] {strides = array<i32>} : memref<4x1x200x64xf32, #tpu.memory_space<vmem>>, vector<1x1x1x16xf32>,
        %get3A_801 = vector.shape_cast %get3A_800 : vector<1x1x1x16xf32> to vector<16xf32>
        %mul3A_802 = arith.constant 8.000000e+00 : f32
        %mul3A_803 = vector.broadcast %mul3A_802 : f32 to vector<16xf32>
        %mul3A_804 = arith.mulf %get3A_801, %mul3A_803 : vector<16xf32>
        %swap3A_805 = arith.constant 3 : i32
        %swap3A_806 = arith.constant 0 : i32
        %swap3A_807 = arith.index_cast %swap3A_805 : i32 to index
        %swap3A_808 = arith.index_cast %swap3A_806 : i32 to index
        %swap3A_809 = arith.index_cast %scan3A_733 : i32 to index
        %swap3A_810 = arith.constant 48 : index
        %swap3A_811 = tpu.vector_load %arg6[%swap3A_807, %swap3A_808, %swap3A_809, %swap3A_810] {strides = array<i32>} : memref<4x1x200x64xf32, #tpu.memory_space<vmem>>, vector<1x1x1x16xf32>,
        %swap3A_812 = vector.shape_cast %swap3A_811 : vector<1x1x1x16xf32> to vector<16xf32>
        %swap3A_813 = vector.shape_cast %mul3A_804 : vector<16xf32> to vector<1x1x1x16xf32>
        tpu.vector_store %arg6[%swap3A_807, %swap3A_808, %swap3A_809, %swap3A_810], %swap3A_813 {strides = array<i32>} : memref<4x1x200x64xf32, #tpu.memory_space<vmem>>, vector<1x1x1x16xf32>,
        %scan3A_814 = arith.constant 6 : i32
        %scan3A_815 = arith.addi %scan3A_325, %scan3A_814 : i32
        %get3A_816 = arith.constant 3 : i32
        %get3A_817 = arith.constant 0 : i32
        %get3A_818 = arith.index_cast %get3A_816 : i32 to index
        %get3A_819 = arith.index_cast %get3A_817 : i32 to index
        %get3A_820 = arith.index_cast %scan3A_815 : i32 to index
        %get3A_821 = arith.constant 0 : index
        %get3A_822 = tpu.vector_load %arg6[%get3A_818, %get3A_819, %get3A_820, %get3A_821] {strides = array<i32>} : memref<4x1x200x64xf32, #tpu.memory_space<vmem>>, vector<1x1x1x16xf32>,
        %get3A_823 = vector.shape_cast %get3A_822 : vector<1x1x1x16xf32> to vector<16xf32>
        %mul3A_824 = arith.constant 8.000000e+00 : f32
        %mul3A_825 = vector.broadcast %mul3A_824 : f32 to vector<16xf32>
        %mul3A_826 = arith.mulf %get3A_823, %mul3A_825 : vector<16xf32>
        %swap3A_827 = arith.constant 3 : i32
        %swap3A_828 = arith.constant 0 : i32
        %swap3A_829 = arith.index_cast %swap3A_827 : i32 to index
        %swap3A_830 = arith.index_cast %swap3A_828 : i32 to index
        %swap3A_831 = arith.index_cast %scan3A_815 : i32 to index
        %swap3A_832 = arith.constant 0 : index
        %swap3A_833 = tpu.vector_load %arg6[%swap3A_829, %swap3A_830, %swap3A_831, %swap3A_832] {strides = array<i32>} : memref<4x1x200x64xf32, #tpu.memory_space<vmem>>, vector<1x1x1x16xf32>,
        %swap3A_834 = vector.shape_cast %swap3A_833 : vector<1x1x1x16xf32> to vector<16xf32>
        %swap3A_835 = vector.shape_cast %mul3A_826 : vector<16xf32> to vector<1x1x1x16xf32>
        tpu.vector_store %arg6[%swap3A_829, %swap3A_830, %swap3A_831, %swap3A_832], %swap3A_835 {strides = array<i32>} : memref<4x1x200x64xf32, #tpu.memory_space<vmem>>, vector<1x1x1x16xf32>,
        %get3A_836 = arith.constant 3 : i32
        %get3A_837 = arith.constant 0 : i32
        %get3A_838 = arith.index_cast %get3A_836 : i32 to index
        %get3A_839 = arith.index_cast %get3A_837 : i32 to index
        %get3A_840 = arith.index_cast %scan3A_815 : i32 to index
        %get3A_841 = arith.constant 16 : index
        %get3A_842 = tpu.vector_load %arg6[%get3A_838, %get3A_839, %get3A_840, %get3A_841] {strides = array<i32>} : memref<4x1x200x64xf32, #tpu.memory_space<vmem>>, vector<1x1x1x16xf32>,
        %get3A_843 = vector.shape_cast %get3A_842 : vector<1x1x1x16xf32> to vector<16xf32>
        %mul3A_844 = arith.constant 8.000000e+00 : f32
        %mul3A_845 = vector.broadcast %mul3A_844 : f32 to vector<16xf32>
        %mul3A_846 = arith.mulf %get3A_843, %mul3A_845 : vector<16xf32>
        %swap3A_847 = arith.constant 3 : i32
        %swap3A_848 = arith.constant 0 : i32
        %swap3A_849 = arith.index_cast %swap3A_847 : i32 to index
        %swap3A_850 = arith.index_cast %swap3A_848 : i32 to index
        %swap3A_851 = arith.index_cast %scan3A_815 : i32 to index
        %swap3A_852 = arith.constant 16 : index
        %swap3A_853 = tpu.vector_load %arg6[%swap3A_849, %swap3A_850, %swap3A_851, %swap3A_852] {strides = array<i32>} : memref<4x1x200x64xf32, #tpu.memory_space<vmem>>, vector<1x1x1x16xf32>,
        %swap3A_854 = vector.shape_cast %swap3A_853 : vector<1x1x1x16xf32> to vector<16xf32>
        %swap3A_855 = vector.shape_cast %mul3A_846 : vector<16xf32> to vector<1x1x1x16xf32>
        tpu.vector_store %arg6[%swap3A_849, %swap3A_850, %swap3A_851, %swap3A_852], %swap3A_855 {strides = array<i32>} : memref<4x1x200x64xf32, #tpu.memory_space<vmem>>, vector<1x1x1x16xf32>,
        %get3A_856 = arith.constant 3 : i32
        %get3A_857 = arith.constant 0 : i32
        %get3A_858 = arith.index_cast %get3A_856 : i32 to index
        %get3A_859 = arith.index_cast %get3A_857 : i32 to index
        %get3A_860 = arith.index_cast %scan3A_815 : i32 to index
        %get3A_861 = arith.constant 32 : index
        %get3A_862 = tpu.vector_load %arg6[%get3A_858, %get3A_859, %get3A_860, %get3A_861] {strides = array<i32>} : memref<4x1x200x64xf32, #tpu.memory_space<vmem>>, vector<1x1x1x16xf32>,
        %get3A_863 = vector.shape_cast %get3A_862 : vector<1x1x1x16xf32> to vector<16xf32>
        %mul3A_864 = arith.constant 8.000000e+00 : f32
        %mul3A_865 = vector.broadcast %mul3A_864 : f32 to vector<16xf32>
        %mul3A_866 = arith.mulf %get3A_863, %mul3A_865 : vector<16xf32>
        %swap3A_867 = arith.constant 3 : i32
        %swap3A_868 = arith.constant 0 : i32
        %swap3A_869 = arith.index_cast %swap3A_867 : i32 to index
        %swap3A_870 = arith.index_cast %swap3A_868 : i32 to index
        %swap3A_871 = arith.index_cast %scan3A_815 : i32 to index
        %swap3A_872 = arith.constant 32 : index
        %swap3A_873 = tpu.vector_load %arg6[%swap3A_869, %swap3A_870, %swap3A_871, %swap3A_872] {strides = array<i32>} : memref<4x1x200x64xf32, #tpu.memory_space<vmem>>, vector<1x1x1x16xf32>,
        %swap3A_874 = vector.shape_cast %swap3A_873 : vector<1x1x1x16xf32> to vector<16xf32>
        %swap3A_875 = vector.shape_cast %mul3A_866 : vector<16xf32> to vector<1x1x1x16xf32>
        tpu.vector_store %arg6[%swap3A_869, %swap3A_870, %swap3A_871, %swap3A_872], %swap3A_875 {strides = array<i32>} : memref<4x1x200x64xf32, #tpu.memory_space<vmem>>, vector<1x1x1x16xf32>,
        %get3A_876 = arith.constant 3 : i32
        %get3A_877 = arith.constant 0 : i32
        %get3A_878 = arith.index_cast %get3A_876 : i32 to index
        %get3A_879 = arith.index_cast %get3A_877 : i32 to index
        %get3A_880 = arith.index_cast %scan3A_815 : i32 to index
        %get3A_881 = arith.constant 48 : index
        %get3A_882 = tpu.vector_load %arg6[%get3A_878, %get3A_879, %get3A_880, %get3A_881] {strides = array<i32>} : memref<4x1x200x64xf32, #tpu.memory_space<vmem>>, vector<1x1x1x16xf32>,
        %get3A_883 = vector.shape_cast %get3A_882 : vector<1x1x1x16xf32> to vector<16xf32>
        %mul3A_884 = arith.constant 8.000000e+00 : f32
        %mul3A_885 = vector.broadcast %mul3A_884 : f32 to vector<16xf32>
        %mul3A_886 = arith.mulf %get3A_883, %mul3A_885 : vector<16xf32>
        %swap3A_887 = arith.constant 3 : i32
        %swap3A_888 = arith.constant 0 : i32
        %swap3A_889 = arith.index_cast %swap3A_887 : i32 to index
        %swap3A_890 = arith.index_cast %swap3A_888 : i32 to index
        %swap3A_891 = arith.index_cast %scan3A_815 : i32 to index
        %swap3A_892 = arith.constant 48 : index
        %swap3A_893 = tpu.vector_load %arg6[%swap3A_889, %swap3A_890, %swap3A_891, %swap3A_892] {strides = array<i32>} : memref<4x1x200x64xf32, #tpu.memory_space<vmem>>, vector<1x1x1x16xf32>,
        %swap3A_894 = vector.shape_cast %swap3A_893 : vector<1x1x1x16xf32> to vector<16xf32>
        %swap3A_895 = vector.shape_cast %mul3A_886 : vector<16xf32> to vector<1x1x1x16xf32>
        tpu.vector_store %arg6[%swap3A_889, %swap3A_890, %swap3A_891, %swap3A_892], %swap3A_895 {strides = array<i32>} : memref<4x1x200x64xf32, #tpu.memory_space<vmem>>, vector<1x1x1x16xf32>,
        %scan3A_896 = arith.constant 7 : i32
        %scan3A_897 = arith.addi %scan3A_325, %scan3A_896 : i32
        %get3A_898 = arith.constant 3 : i32
        %get3A_899 = arith.constant 0 : i32
        %get3A_900 = arith.index_cast %get3A_898 : i32 to index
        %get3A_901 = arith.index_cast %get3A_899 : i32 to index
        %get3A_902 = arith.index_cast %scan3A_897 : i32 to index
        %get3A_903 = arith.constant 0 : index
        %get3A_904 = tpu.vector_load %arg6[%get3A_900, %get3A_901, %get3A_902, %get3A_903] {strides = array<i32>} : memref<4x1x200x64xf32, #tpu.memory_space<vmem>>, vector<1x1x1x16xf32>,
        %get3A_905 = vector.shape_cast %get3A_904 : vector<1x1x1x16xf32> to vector<16xf32>
        %mul3A_906 = arith.constant 8.000000e+00 : f32
        %mul3A_907 = vector.broadcast %mul3A_906 : f32 to vector<16xf32>
        %mul3A_908 = arith.mulf %get3A_905, %mul3A_907 : vector<16xf32>
        %swap3A_909 = arith.constant 3 : i32
        %swap3A_910 = arith.constant 0 : i32
        %swap3A_911 = arith.index_cast %swap3A_909 : i32 to index
        %swap3A_912 = arith.index_cast %swap3A_910 : i32 to index
        %swap3A_913 = arith.index_cast %scan3A_897 : i32 to index
        %swap3A_914 = arith.constant 0 : index
        %swap3A_915 = tpu.vector_load %arg6[%swap3A_911, %swap3A_912, %swap3A_913, %swap3A_914] {strides = array<i32>} : memref<4x1x200x64xf32, #tpu.memory_space<vmem>>, vector<1x1x1x16xf32>,
        %swap3A_916 = vector.shape_cast %swap3A_915 : vector<1x1x1x16xf32> to vector<16xf32>
        %swap3A_917 = vector.shape_cast %mul3A_908 : vector<16xf32> to vector<1x1x1x16xf32>
        tpu.vector_store %arg6[%swap3A_911, %swap3A_912, %swap3A_913, %swap3A_914], %swap3A_917 {strides = array<i32>} : memref<4x1x200x64xf32, #tpu.memory_space<vmem>>, vector<1x1x1x16xf32>,
        %get3A_918 = arith.constant 3 : i32
        %get3A_919 = arith.constant 0 : i32
        %get3A_920 = arith.index_cast %get3A_918 : i32 to index
        %get3A_921 = arith.index_cast %get3A_919 : i32 to index
        %get3A_922 = arith.index_cast %scan3A_897 : i32 to index
        %get3A_923 = arith.constant 16 : index
        %get3A_924 = tpu.vector_load %arg6[%get3A_920, %get3A_921, %get3A_922, %get3A_923] {strides = array<i32>} : memref<4x1x200x64xf32, #tpu.memory_space<vmem>>, vector<1x1x1x16xf32>,
        %get3A_925 = vector.shape_cast %get3A_924 : vector<1x1x1x16xf32> to vector<16xf32>
        %mul3A_926 = arith.constant 8.000000e+00 : f32
        %mul3A_927 = vector.broadcast %mul3A_926 : f32 to vector<16xf32>
        %mul3A_928 = arith.mulf %get3A_925, %mul3A_927 : vector<16xf32>
        %swap3A_929 = arith.constant 3 : i32
        %swap3A_930 = arith.constant 0 : i32
        %swap3A_931 = arith.index_cast %swap3A_929 : i32 to index
        %swap3A_932 = arith.index_cast %swap3A_930 : i32 to index
        %swap3A_933 = arith.index_cast %scan3A_897 : i32 to index
        %swap3A_934 = arith.constant 16 : index
        %swap3A_935 = tpu.vector_load %arg6[%swap3A_931, %swap3A_932, %swap3A_933, %swap3A_934] {strides = array<i32>} : memref<4x1x200x64xf32, #tpu.memory_space<vmem>>, vector<1x1x1x16xf32>,
        %swap3A_936 = vector.shape_cast %swap3A_935 : vector<1x1x1x16xf32> to vector<16xf32>
        %swap3A_937 = vector.shape_cast %mul3A_928 : vector<16xf32> to vector<1x1x1x16xf32>
        tpu.vector_store %arg6[%swap3A_931, %swap3A_932, %swap3A_933, %swap3A_934], %swap3A_937 {strides = array<i32>} : memref<4x1x200x64xf32, #tpu.memory_space<vmem>>, vector<1x1x1x16xf32>,
        %get3A_938 = arith.constant 3 : i32
        %get3A_939 = arith.constant 0 : i32
        %get3A_940 = arith.index_cast %get3A_938 : i32 to index
        %get3A_941 = arith.index_cast %get3A_939 : i32 to index
        %get3A_942 = arith.index_cast %scan3A_897 : i32 to index
        %get3A_943 = arith.constant 32 : index
        %get3A_944 = tpu.vector_load %arg6[%get3A_940, %get3A_941, %get3A_942, %get3A_943] {strides = array<i32>} : memref<4x1x200x64xf32, #tpu.memory_space<vmem>>, vector<1x1x1x16xf32>,
        %get3A_945 = vector.shape_cast %get3A_944 : vector<1x1x1x16xf32> to vector<16xf32>
        %mul3A_946 = arith.constant 8.000000e+00 : f32
        %mul3A_947 = vector.broadcast %mul3A_946 : f32 to vector<16xf32>
        %mul3A_948 = arith.mulf %get3A_945, %mul3A_947 : vector<16xf32>
        %swap3A_949 = arith.constant 3 : i32
        %swap3A_950 = arith.constant 0 : i32
        %swap3A_951 = arith.index_cast %swap3A_949 : i32 to index
        %swap3A_952 = arith.index_cast %swap3A_950 : i32 to index
        %swap3A_953 = arith.index_cast %scan3A_897 : i32 to index
        %swap3A_954 = arith.constant 32 : index
        %swap3A_955 = tpu.vector_load %arg6[%swap3A_951, %swap3A_952, %swap3A_953, %swap3A_954] {strides = array<i32>} : memref<4x1x200x64xf32, #tpu.memory_space<vmem>>, vector<1x1x1x16xf32>,
        %swap3A_956 = vector.shape_cast %swap3A_955 : vector<1x1x1x16xf32> to vector<16xf32>
        %swap3A_957 = vector.shape_cast %mul3A_948 : vector<16xf32> to vector<1x1x1x16xf32>
        tpu.vector_store %arg6[%swap3A_951, %swap3A_952, %swap3A_953, %swap3A_954], %swap3A_957 {strides = array<i32>} : memref<4x1x200x64xf32, #tpu.memory_space<vmem>>, vector<1x1x1x16xf32>,
        %get3A_958 = arith.constant 3 : i32
        %get3A_959 = arith.constant 0 : i32
        %get3A_960 = arith.index_cast %get3A_958 : i32 to index
        %get3A_961 = arith.index_cast %get3A_959 : i32 to index
        %get3A_962 = arith.index_cast %scan3A_897 : i32 to index
        %get3A_963 = arith.constant 48 : index
        %get3A_964 = tpu.vector_load %arg6[%get3A_960, %get3A_961, %get3A_962, %get3A_963] {strides = array<i32>} : memref<4x1x200x64xf32, #tpu.memory_space<vmem>>, vector<1x1x1x16xf32>,
        %get3A_965 = vector.shape_cast %get3A_964 : vector<1x1x1x16xf32> to vector<16xf32>
        %mul3A_966 = arith.constant 8.000000e+00 : f32
        %mul3A_967 = vector.broadcast %mul3A_966 : f32 to vector<16xf32>
        %mul3A_968 = arith.mulf %get3A_965, %mul3A_967 : vector<16xf32>
        %swap3A_969 = arith.constant 3 : i32
        %swap3A_970 = arith.constant 0 : i32
        %swap3A_971 = arith.index_cast %swap3A_969 : i32 to index
        %swap3A_972 = arith.index_cast %swap3A_970 : i32 to index
        %swap3A_973 = arith.index_cast %scan3A_897 : i32 to index
        %swap3A_974 = arith.constant 48 : index
        %swap3A_975 = tpu.vector_load %arg6[%swap3A_971, %swap3A_972, %swap3A_973, %swap3A_974] {strides = array<i32>} : memref<4x1x200x64xf32, #tpu.memory_space<vmem>>, vector<1x1x1x16xf32>,
        %swap3A_976 = vector.shape_cast %swap3A_975 : vector<1x1x1x16xf32> to vector<16xf32>
        %swap3A_977 = vector.shape_cast %mul3A_968 : vector<16xf32> to vector<1x1x1x16xf32>
        tpu.vector_store %arg6[%swap3A_971, %swap3A_972, %swap3A_973, %swap3A_974], %swap3A_977 {strides = array<i32>} : memref<4x1x200x64xf32, #tpu.memory_space<vmem>>, vector<1x1x1x16xf32>,
      }
      %scan3A_292 = arith.constant 200 : i32
      %add3A_293 = arith.addi %mul3A_2, %add3A_269 : i32
      %dma_start3A_294 = arith.constant 3 : i32
      %dma_start3A_295 = arith.constant 0 : i32
      %dma_start3A_296 = arith.constant 0 : i32
      %dma_start3A_297 = arith.constant 0 : i32
      %dma_start3A_298 = tpu.memref_slice %arg6[%dma_start3A_294, %dma_start3A_295, %dma_start3A_296, %dma_start3A_297] : memref<4x1x200x64xf32, #tpu.memory_space<vmem>> -> memref<1x1x200x64xf32, #tpu.memory_space<vmem>>
      %dma_start3A_299 = tpu.memref_squeeze %dma_start3A_298 : memref<1x1x200x64xf32, #tpu.memory_space<vmem>> -> memref<1x200x64xf32, #tpu.memory_space<vmem>>
      %dma_start3A_300 = arith.constant 0 : i32
      %dma_start3A_301 = arith.constant 0 : i32
      %dma_start3A_302 = tpu.memref_slice %arg4[%add3A_293, %dma_start3A_300, %dma_start3A_301] : memref<4096x200x64xf32, #tpu.memory_space<hbm>> -> memref<1x200x64xf32, #tpu.memory_space<hbm>>
      %dma_start3A_303 = arith.constant 0 : i32
      %dma_start3A_304 = arith.constant 0 : i32
      %dma_start3A_305 = tpu.memref_slice %arg4[%add3A_293, %dma_start3A_303, %dma_start3A_304] : memref<4096x200x64xf32, #tpu.memory_space<hbm>> -> memref<1x200x64xf32, #tpu.memory_space<hbm>>
      %dma_start3A_306 = arith.constant 0 : i32
      %dma_start3A_307 = arith.constant 0 : i32
      %dma_start3A_308 = arith.constant 0 : i32
      %dma_start3A_309 = tpu.memref_slice %arg6[%dma_start3A_294, %dma_start3A_306, %dma_start3A_307, %dma_start3A_308] : memref<4x1x200x64xf32, #tpu.memory_space<vmem>> -> memref<1x1x200x64xf32, #tpu.memory_space<vmem>>
      %dma_start3A_310 = tpu.memref_squeeze %dma_start3A_309 : memref<1x1x200x64xf32, #tpu.memory_space<vmem>> -> memref<1x200x64xf32, #tpu.memory_space<vmem>>
      tpu.enqueue_dma source(%dma_start3A_310 : memref<1x200x64xf32, #tpu.memory_space<vmem>>) target(%dma_start3A_305 : memref<1x200x64xf32, #tpu.memory_space<hbm>>) target_semaphore(%arg14 : memref<!tpu.dma_semaphore, #tpu.memory_space<semaphore_mem>>)
      %ge3A_311 = arith.constant 1 : i32
      %ge3A_312 = arith.cmpi sge, %add3A_269, %ge3A_311 : i32
      %convert_element_type3A_313 = arith.extui %ge3A_312 : i1 to i32
      %cond3A_314 = arith.constant 0 : i32
      %cond3A_315 = arith.cmpi ne, %convert_element_type3A_313, %cond3A_314 : i32
      scf.if %cond3A_315 {
        %sub3A_325 = arith.constant 1 : i32
        %sub3A_326 = arith.subi %add3A_269, %sub3A_325 : i32
        %add3A_327 = arith.addi %mul3A_2, %sub3A_326 : i32
        %dma_wait3A_328 = arith.constant 2 : i32
        %dma_wait3A_329 = arith.constant 0 : i32
        %dma_wait3A_330 = arith.constant 0 : i32
        %dma_wait3A_331 = arith.constant 0 : i32
        %dma_wait3A_332 = tpu.memref_slice %arg6[%dma_wait3A_328, %dma_wait3A_329, %dma_wait3A_330, %dma_wait3A_331] : memref<4x1x200x64xf32, #tpu.memory_space<vmem>> -> memref<1x1x200x64xf32, #tpu.memory_space<vmem>>
        %dma_wait3A_333 = tpu.memref_squeeze %dma_wait3A_332 : memref<1x1x200x64xf32, #tpu.memory_space<vmem>> -> memref<1x200x64xf32, #tpu.memory_space<vmem>>
        %dma_wait3A_334 = arith.constant 0 : i32
        %dma_wait3A_335 = arith.constant 0 : i32
        %dma_wait3A_336 = tpu.memref_slice %arg4[%add3A_327, %dma_wait3A_334, %dma_wait3A_335] : memref<4096x200x64xf32, #tpu.memory_space<hbm>> -> memref<1x200x64xf32, #tpu.memory_space<hbm>>
        %dma_wait3A_337 = arith.constant 0 : i32
        %dma_wait3A_338 = arith.constant 0 : i32
        %dma_wait3A_339 = tpu.memref_slice %arg4[%add3A_327, %dma_wait3A_337, %dma_wait3A_338] : memref<4096x200x64xf32, #tpu.memory_space<hbm>> -> memref<1x200x64xf32, #tpu.memory_space<hbm>>
        %dma_wait3A_340 = arith.constant 0 : i32
        %dma_wait3A_341 = arith.constant 0 : i32
        %dma_wait3A_342 = arith.constant 0 : i32
        %dma_wait3A_343 = tpu.memref_slice %arg6[%dma_wait3A_328, %dma_wait3A_340, %dma_wait3A_341, %dma_wait3A_342] : memref<4x1x200x64xf32, #tpu.memory_space<vmem>> -> memref<1x1x200x64xf32, #tpu.memory_space<vmem>>
        %dma_wait3A_344 = tpu.memref_squeeze %dma_wait3A_343 : memref<1x1x200x64xf32, #tpu.memory_space<vmem>> -> memref<1x200x64xf32, #tpu.memory_space<vmem>>
        tpu.wait_dma2 semaphore(%arg13 : memref<!tpu.dma_semaphore, #tpu.memory_space<semaphore_mem>>) src(%dma_wait3A_344 : memref<1x200x64xf32, #tpu.memory_space<vmem>>) dst(%dma_wait3A_339 : memref<1x200x64xf32, #tpu.memory_space<hbm>>)
      } else {
      }
      %add3A_316 = arith.constant 4 : i32
      %add3A_317 = arith.addi %add3A_269, %add3A_316 : i32
      %sub3A_318 = arith.constant 1 : i32
      %sub3A_319 = arith.subi %add3A_317, %sub3A_318 : i32
      %lt3A_320 = arith.constant 128 : i32
      %lt3A_321 = arith.cmpi slt, %sub3A_319, %lt3A_320 : i32
      %convert_element_type3A_322 = arith.extui %lt3A_321 : i1 to i32
      %cond3A_323 = arith.constant 0 : i32
      %cond3A_324 = arith.cmpi ne, %convert_element_type3A_322, %cond3A_323 : i32
      scf.if %cond3A_324 {
        %add3A_325 = arith.constant 4 : i32
        %add3A_326 = arith.addi %add3A_269, %add3A_325 : i32
        %sub3A_327 = arith.constant 1 : i32
        %sub3A_328 = arith.subi %add3A_326, %sub3A_327 : i32
        %mul3A_329 = arith.constant 200 : i32
        %mul3A_330 = arith.muli %sub3A_328, %mul3A_329 : i32
        %add3A_331 = arith.constant 0 : i32
        %add3A_332 = arith.addi %mul3A_330, %add3A_331 : i32
        %dma_start3A_333 = arith.constant 2 : i32
        %dma_start3A_334 = arith.constant 0 : i32
        %dma_start3A_335 = arith.constant 0 : i32
        %dma_start3A_336 = arith.constant 0 : i32
        %dma_start3A_337 = tpu.memref_slice %arg6[%dma_start3A_333, %dma_start3A_334, %dma_start3A_335, %dma_start3A_336] : memref<4x1x200x64xf32, #tpu.memory_space<vmem>> -> memref<1x1x104x64xf32, #tpu.memory_space<vmem>>
        %dma_start3A_338 = tpu.memref_squeeze %dma_start3A_337 : memref<1x1x104x64xf32, #tpu.memory_space<vmem>> -> memref<104x64xf32, #tpu.memory_space<vmem>>
        %dma_start3A_339 = tpu.memref_slice %arg5[%add3A_332] : memref<25600xi32, #tpu.memory_space<vmem>> -> memref<104xi32, #tpu.memory_space<vmem>>
        %dma_start3A_340 = arith.constant 0 : i32
        %dma_start3A_341 = arith.constant 0 : i32
        %dma_start3A_342 = tpu.memref_slice %arg3[%dma_start3A_340, %dma_start3A_341] : memref<1000000x64xf32, #tpu.memory_space<hbm>> -> memref<1000000x64xf32, #tpu.memory_space<hbm>>
        tpu.enqueue_indirect_dma source(%dma_start3A_342 : memref<1000000x64xf32, #tpu.memory_space<hbm>>) target(%dma_start3A_338 : memref<104x64xf32, #tpu.memory_space<vmem>>) offsets(%dma_start3A_339 : memref<104xi32, #tpu.memory_space<vmem>>) semaphore(%arg9 : memref<!tpu.dma_semaphore, #tpu.memory_space<semaphore_mem>>)
        %mul3A_343 = arith.constant 200 : i32
        %mul3A_344 = arith.muli %sub3A_328, %mul3A_343 : i32
        %add3A_345 = arith.constant 104 : i32
        %add3A_346 = arith.addi %mul3A_344, %add3A_345 : i32
        %dma_start3A_347 = arith.constant 2 : i32
        %dma_start3A_348 = arith.constant 0 : i32
        %dma_start3A_349 = arith.constant 104 : i32
        %dma_start3A_350 = arith.constant 0 : i32
        %dma_start3A_351 = tpu.memref_slice %arg6[%dma_start3A_347, %dma_start3A_348, %dma_start3A_349, %dma_start3A_350] : memref<4x1x200x64xf32, #tpu.memory_space<vmem>> -> memref<1x1x96x64xf32, #tpu.memory_space<vmem>>
        %dma_start3A_352 = tpu.memref_squeeze %dma_start3A_351 : memref<1x1x96x64xf32, #tpu.memory_space<vmem>> -> memref<96x64xf32, #tpu.memory_space<vmem>>
        %dma_start3A_353 = tpu.memref_slice %arg5[%add3A_346] : memref<25600xi32, #tpu.memory_space<vmem>> -> memref<96xi32, #tpu.memory_space<vmem>>
        %dma_start3A_354 = arith.constant 0 : i32
        %dma_start3A_355 = arith.constant 0 : i32
        %dma_start3A_356 = tpu.memref_slice %arg3[%dma_start3A_354, %dma_start3A_355] : memref<1000000x64xf32, #tpu.memory_space<hbm>> -> memref<1000000x64xf32, #tpu.memory_space<hbm>>
        tpu.enqueue_indirect_dma source(%dma_start3A_356 : memref<1000000x64xf32, #tpu.memory_space<hbm>>) target(%dma_start3A_352 : memref<96x64xf32, #tpu.memory_space<vmem>>) offsets(%dma_start3A_353 : memref<96xi32, #tpu.memory_space<vmem>>) semaphore(%arg9 : memref<!tpu.dma_semaphore, #tpu.memory_space<semaphore_mem>>)
      } else {
      }
    }
    %scan3A_74 = arith.constant 32 : i32
    %add3A_75 = arith.constant 127 : i32
    %add3A_76 = arith.addi %mul3A_2, %add3A_75 : i32
    %dma_wait3A = arith.constant 3 : i32
    %dma_wait3A_77 = arith.constant 0 : i32
    %dma_wait3A_78 = arith.constant 0 : i32
    %dma_wait3A_79 = arith.constant 0 : i32
    %dma_wait3A_80 = tpu.memref_slice %arg6[%dma_wait3A, %dma_wait3A_77, %dma_wait3A_78, %dma_wait3A_79] : memref<4x1x200x64xf32, #tpu.memory_space<vmem>> -> memref<1x1x200x64xf32, #tpu.memory_space<vmem>>
    %dma_wait3A_81 = tpu.memref_squeeze %dma_wait3A_80 : memref<1x1x200x64xf32, #tpu.memory_space<vmem>> -> memref<1x200x64xf32, #tpu.memory_space<vmem>>
    %dma_wait3A_82 = arith.constant 0 : i32
    %dma_wait3A_83 = arith.constant 0 : i32
    %dma_wait3A_84 = tpu.memref_slice %arg4[%add3A_76, %dma_wait3A_82, %dma_wait3A_83] : memref<4096x200x64xf32, #tpu.memory_space<hbm>> -> memref<1x200x64xf32, #tpu.memory_space<hbm>>
    %dma_wait3A_85 = arith.constant 0 : i32
    %dma_wait3A_86 = arith.constant 0 : i32
    %dma_wait3A_87 = tpu.memref_slice %arg4[%add3A_76, %dma_wait3A_85, %dma_wait3A_86] : memref<4096x200x64xf32, #tpu.memory_space<hbm>> -> memref<1x200x64xf32, #tpu.memory_space<hbm>>
    %dma_wait3A_88 = arith.constant 0 : i32
    %dma_wait3A_89 = arith.constant 0 : i32
    %dma_wait3A_90 = arith.constant 0 : i32
    %dma_wait3A_91 = tpu.memref_slice %arg6[%dma_wait3A, %dma_wait3A_88, %dma_wait3A_89, %dma_wait3A_90] : memref<4x1x200x64xf32, #tpu.memory_space<vmem>> -> memref<1x1x200x64xf32, #tpu.memory_space<vmem>>
    %dma_wait3A_92 = tpu.memref_squeeze %dma_wait3A_91 : memref<1x1x200x64xf32, #tpu.memory_space<vmem>> -> memref<1x200x64xf32, #tpu.memory_space<vmem>>
    tpu.wait_dma2 semaphore(%arg14 : memref<!tpu.dma_semaphore, #tpu.memory_space<semaphore_mem>>) src(%dma_wait3A_92 : memref<1x200x64xf32, #tpu.memory_space<vmem>>) dst(%dma_wait3A_87 : memref<1x200x64xf32, #tpu.memory_space<hbm>>)
    return
  }
}

</mosaic_0001>

<sc_bundles>
// kernel: kernel.3.cloned.1.call-start
scs
__scs_entry_jumppad:
0x0: {  	(pc) =	sbr.rel $0x88, $3  }
0x1: {  	(tag) =	ssettag $0x0;
	lr =	simm.s32 $0x1  }
0x2: {  	[smem:$0x3F9F] =	sst lr;
	_ =	strace $0xD0000000  }
0x3: {  	_ = 	snop  }
0x4: {  	_ = 	snop  }
0x5: {  	_ = 	snop  }
0x6: {  	_ = 	snop  }
0x7: {  	_ = 	snop  }
__scs_overlays_trampoline_lowered:
0x8: {  	[smem:$0x3FAE] =	sst s0  }
0x9: {  	[smem:$0x3FAF] =	sst s1  }
0xa: {  	[smem:$0x3FB0] =	sst s2  }
0xb: {  	[smem:$0x3FB1] =	sst s3  }
0xc: {  	[smem:$0x3FB2] =	sst s4  }
0xd: {  	[smem:$0x3FB3] =	sst s5  }
0xe: {  	[smem:$0x3FB4] =	sst s6  }
0xf: {  	[smem:$0x3FB5] =	sst s7  }
0x10: {  	[smem:$0x3FB6] =	sst s8  }
0x11: {  	[smem:$0x3FB7] =	sst s9;
	s0 =	simm.s32 @!p0 $0x0  }
0x12: {  	s1 =	sld [smem:$0x3F9D];
	s0 =	simm.s32 @p0 $0x1  }
0x13: {  	[smem:$0x3FB8] =	sst s0;
	s0 =	simm.s32 @!p1 $0x0  }
0x14: {  	s2 =	sld [smem:$0x3F9C];
	s0 =	simm.s32 @p1 $0x1  }
0x15: {  	[smem:$0x3FB9] =	sst s0;
	s0 =	simm.s32 @!p2 $0x0  }
0x16: {  	s3 =	sld [smem:$0x3FDB];
	s0 =	simm.s32 @p2 $0x1  }
0x17: {  	s4 =	simm.s32 $0x1BF5;
	[smem:$0x3FBB] =	sst s0  }
0x18: {  	s0 =	sld [smem:$0x3F9E];
	_ =	swait.ge [sflag:s4], $0x0  }
0x19: {  	s7 =	sld [smem:$0x3F9F]  }
0x1a: {  	s8 =	sadd.s32 $0xFFFFE003, lr  }
0x1b: {  	s9 =	sadd.s32 $0xFFFFFEF7, lr;
	s5 =	simm.s32 $0xFFFFFFFF;
	p2 =	slt.u32 s8, $0xFFFFF086  }
0x1c: {  	p1 =	slt.u32 s9, $0xF7A;
	s5 =	simm.s32 @!p2 $0x0  }
0x1d: {  	s5 =	simm.s32 @p1 $0x1;
	p0 =	seq.s32 s7, s2  }
0x1e: {  	s7 =	smul.u32 @!p0 $0xF7A, s2;
	p2 =	seq.s32 @!p0 s5, $0x0  }
0x1f: {  	s9 =	smul.u32 $0xF7A, s1;
	s8 =	simm.s32 @!p0 $0x1BF5;
	p2 =	por !p2, p0  }
0x20: {  	[sflag:s8] =	ssyncset.s32 @!p0 $0xFFFFF086;
	s6 =	sadd.s32 @!p0 s3, s7;
	s7 =	simm.s32 @!p0 $0x108  }
0x21: {  	s3 =	sadd.s32 s3, s9;
	s6 =	sadd.s32 @!p0 $0x88, s6;
	s7 =	simm.s32 @p2 $0x1082  }
0x22: {  	[simem:s7], [sflag:s8] =	dma.local @!p0 [hbm:s6], $0xF7A  }
0x23: {  	s9 =	sor.u32 $0xD0000000, s2;
	s6 =	simm.s32 $0x108;
	_ =	swait.ge @!p0 [sflag:s8], $0x0  }
0x24: {  	s3 =	sadd.s32 $0x88, s3;
	s6 =	simm.s32 @!p1 $0x1082;
	[sflag:s4] =	ssyncset.s32 $0xFFFFF086  }
0x25: {  	[simem:s6], [sflag:s4] =	dma.local [hbm:s3], $0xF7A  }
0x26: {  	[smem:$0x3F9F] =	sst s1;
	(tag) =	ssettag s2;
	_ =	strace s9  }
0x27: {  	s1 =	sld [smem:$0x3FAF]  }
0x28: {  	s2 =	sld [smem:$0x3FB0]  }
0x29: {  	s4 =	sld [smem:$0x3FB2]  }
0x2a: {  	p0 =	seq.s32 s5, $0x0;
	s5 =	sld [smem:$0x3FB3]  }
0x2b: {  	s6 =	sld [smem:$0x3FB4]  }
0x2c: {  	s7 =	sld [smem:$0x3FB5]  }
0x2d: {  	s3 =	simm.s32 $0x108;
	s8 =	sld [smem:$0x3FB6]  }
0x2e: {  	s3 =	simm.s32 @!p0 $0x1082;
	s9 =	sld [smem:$0x3FB7]  }
0x2f: {  	lr =	sadd.s32 s0, s3;
	s0 =	sld [smem:$0x3FAE]  }
0x30: {  	s3 =	sld [smem:$0x3FB1]  }
0x31: {  	[smem:$0x3FBA] =	sst s10  }
0x32: {  	s10 =	sld [smem:$0x3FB8];
	_ =	sdelay $0x3  }
0x33: {  	p0 =	seq.s32 s10, $0x1;
	s10 =	sld [smem:$0x3FBA];
	_ =	sdelay $0x3  }
0x34: {  	[smem:$0x3FBA] =	sst s10  }
0x35: {  	s10 =	sld [smem:$0x3FB9];
	_ =	sdelay $0x3  }
0x36: {  	p1 =	seq.s32 s10, $0x1;
	s10 =	sld [smem:$0x3FBA];
	_ =	sdelay $0x3  }
0x37: {  	[smem:$0x3FBA] =	sst s10  }
0x38: {  	s10 =	sld [smem:$0x3FBB]  }
0x39: {  	_ = 	snop;
	(pc) =	sbr.ind lr, $3  }
0x3a: {  	_ = 	snop  }
0x3b: {  	_ = 	snop  }
0x3c: {  	p2 =	seq.s32 s10, $0x1;
	s10 =	sld [smem:$0x3FBA]  }
0x3d: {  	_ =	shalt  }
0x3e: {  	_ =	shalt  }
0x3f: {  	_ =	shalt  }
0x40: {  	_ =	shalt  }
0x41: {  	_ =	shalt  }
0x42: {  	_ =	shalt  }
0x43: {  	_ =	shalt  }
0x44: {  	_ =	shalt  }
0x45: {  	_ =	shalt  }
0x46: {  	_ =	shalt  }
0x47: {  	_ =	shalt  }
0x48: {  	_ =	shalt  }
0x49: {  	_ =	shalt  }
0x4a: {  	_ =	shalt  }
0x4b: {  	_ =	shalt  }
0x4c: {  	_ =	shalt  }
0x4d: {  	_ =	shalt  }
0x4e: {  	_ =	shalt  }
0x4f: {  	_ =	shalt  }
0x50: {  	_ =	shalt  }
0x51: {  	_ =	shalt  }
0x52: {  	_ =	shalt  }
0x53: {  	_ =	shalt  }
0x54: {  	_ =	shalt  }
0x55: {  	_ =	shalt  }
0x56: {  	_ =	shalt  }
0x57: {  	_ =	shalt  }
0x58: {  	_ =	shalt  }
0x59: {  	_ =	shalt  }
0x5a: {  	_ =	shalt  }
0x5b: {  	_ =	shalt  }
0x5c: {  	_ =	shalt  }
0x5d: {  	_ =	shalt  }
0x5e: {  	_ =	shalt  }
0x5f: {  	_ =	shalt  }
0x60: {  	_ =	shalt  }
0x61: {  	_ =	shalt  }
0x62: {  	_ =	shalt  }
0x63: {  	_ =	shalt  }
0x64: {  	_ =	shalt  }
0x65: {  	_ =	shalt  }
0x66: {  	_ =	shalt  }
0x67: {  	_ =	shalt  }
0x68: {  	_ =	shalt  }
0x69: {  	_ =	shalt  }
0x6a: {  	_ =	shalt  }
0x6b: {  	_ =	shalt  }
0x6c: {  	_ =	shalt  }
0x6d: {  	_ =	shalt  }
0x6e: {  	_ =	shalt  }
0x6f: {  	_ =	shalt  }
0x70: {  	_ =	shalt  }
0x71: {  	_ =	shalt  }
0x72: {  	_ =	shalt  }
0x73: {  	_ =	shalt  }
0x74: {  	_ =	shalt  }
0x75: {  	_ =	shalt  }
0x76: {  	_ =	shalt  }
0x77: {  	_ =	shalt  }
0x78: {  	_ =	shalt  }
0x79: {  	_ =	shalt  }
0x7a: {  	_ =	shalt  }
0x7b: {  	_ =	shalt  }
0x7c: {  	_ =	shalt  }
0x7d: {  	_ =	shalt  }
0x7e: {  	_ =	shalt  }
0x7f: {  	_ =	shalt  }
0x80: {  	_ =	shalt  }
0x81: {  	_ =	shalt  }
0x82: {  	_ =	shalt  }
0x83: {  	_ =	shalt  }
0x84: {  	_ =	shalt  }
0x85: {  	_ =	shalt  }
0x86: {  	_ =	shalt  }
0x87: {  	_ =	shalt  }
.Lfunc_end0:
.L_simem_size_0:
called_computation.1_lowered:
.L_overlay_start_0:
0x88: {  	s2 =	sld [smem:$0x3FD9]  }
0x89: {  	s3 =	sld [smem:$0x3FFE];
	_ =	sdelay $0x1  }
0x8a: {  	s1 =	srdreg.scid  }
0x8b: {  	s0 =	sand.u32 $0x1, s1  }
0x8c: {  	s17 =	sshll.u32 s0, $0xA;
	s2 =	sadd.s32 s3, s2  }
0x8d: {  	s2 =	sadd.s32 s2, s17  }
0x8e: {  	[smem:$0x3FC6] =	sst s2  }
0x8f: {  	_ = 	snop  }
0x90: {  	s2 =	sld [smem:$0x3FD0];
	(tm) =	ssettm $0x1  }
0x91: {  	s18 =	sld [smem:$0x3FFB];
	_ =	sdelay $0x3  }
0x92: {  	_ =	strace s18  }
0x93: {  	s3 =	sld [smem:$0x3FFC];
	_ =	sdelay $0x3  }
0x94: {  	_ =	strace s3  }
0x95: {  	s3 =	sld [smem:$0x3FFD];
	_ =	sdelay $0x3  }
0x96: {  	_ =	strace s3  }
0x97: {  	_ =	strace $0x8FFFFFFF  }
0x98: {  	s19 =	sld [smem:$0x3FDB];
	_ =	sdelay $0x1  }
0x99: {  	s4 =	simm.s32 $_scs_section_size  }
0x9a: {  	s5 =	simm.s32 $_size__tile_overlayer_lowered;
	s6 =	simm.s32 $_tile_overlayer_lowered  }
0x9b: {  	s22 =	simm.s32 $0x1BFF;
	s21 =	sshll.u32 s6, $0x1;
	s3 =	sadd.s32 s4, s19  }
0x9c: {  	s7 =	simm.s32 $0x0;
	s20 =	sshll.u32 s5, $0x1;
	s5 =	sadd.s32 s21, s3  }
0x9d: {  	[timem:s7], [sflag:s22] =	dma.local [hbm:s5], s20  }
0x9e: {  	_ =	swait.ge [sflag:s22], s20  }
0x9f: {  	s4 =	ssub.s32 $0x0, s20;
	[sflag:s22] =	ssyncset.done $0x0  }
0xa0: {  	[sflag:s22] =	ssyncadd.s32 s4;
	_ =	sdelay $0x1  }
0xa1: {  	s23 =	simm.s32 $0x1B8B  }
0xa2: {  	_ =	swait.ge [sflag:s23], $0x1  }
0xa3: {  	[sflag:s23] =	ssyncset.done $0x0  }
0xa4: {  	s25 =	simm.s32 $0x1B8E;
	s24 =	sld [smem:$0x3FFE];
	[sflag:s23] =	ssyncadd.s32 $0xFFFFFFFF  }
0xa5: {  	s26 =	simm.s32 $execute0_lowered;
	[smem:$0x3FD2] =	sst s25  }
0xa6: {  	s5 =	sshll.u32 s26, $0x1;
	_ =	strace $0x80000046;
	[dreg:$0x1] =	wrdreg $0xFFFFFFFF  }
0xa7: {  	s28 =	simm.s32 $_size_execute0_lowered;
	s3 =	sadd.s32 s3, s5;
	[dreg:$0x0] =	wrdreg $0x0  }
0xa8: {  	s5 =	sshll.u32 s28, $0x1;
	[dreg:$0x2] =	wrdreg s3  }
0xa9: {  	[dreg:$0x3] =	wrdreg s5  }
0xaa: {  	[dreg:$0x4] =	wrdreg $0xC0  }
0xab: {  	_ =	task [dreg:s7], $0x5FFFF  }
0xac: {  	[dreg:$0x1] =	wrdreg $0xFFFFFFFF  }
0xad: {  	[dreg:$0x0] =	wrdreg $0x60  }
0xae: {  	[dreg:$0x2] =	wrdreg s24  }
0xaf: {  	[dreg:$0x3] =	wrdreg s2  }
0xb0: {  	[dreg:$0x4] =	wrdreg $0x9  }
0xb1: {  	_ =	task.clear_ibuf [dreg:s7], $0x5FFFF;
	_ =	strace $0x90000046  }
0xb2: {  	s29 =	simm.s32 $0x9;
	_ =	strace $0x80000048  }
0xb3: {  	_ =	swait.ge [sflag:s29], $0x1  }
0xb4: {  	[sflag:s29] =	ssyncadd.s32 $0xFFFFFFFF  }
0xb5: {  	_ =	strace $0x90000048  }
0xb6: {  	_ =	sfence  }
0xb7: {  	s30 =	sld [smem:$0x0];
	_ =	sdelay $0x2  }
0xb8: {  	s31 =	sshll.u32 s1, $0xD;
	s1 =	sshrl.u32 s1, $0x2  }
0xb9: {  	s3 =	sand.u32 $0x4000, s31;
	s1 =	sadd.s32 s1, s30  }
0xba: {  	s0 =	sor.u32 s3, s0;
	s1 =	sshll.u32 s1, $0x11  }
0xbb: {  	s0 =	sor.u32 s1, s0  }
0xbc: {  	s0 =	sadd.s32 $0x8F2B, s0  }
0xbd: {  	[sflag:s0] =	ssyncadd.remote.s32 $0x1  }
0xbe: {  	_ =	sfence.sel $0xFFFF  }
0xbf: {  	[dreg:$0x0] =	wrdreg $0xFFFFFFFF;
	(pc) =	sbr.abs _section_cstart, $3  }
0xc0: {  	[dreg:$0x1] =	wrdreg $0xFFFFFFFF  }
0xc1: {  	_ =	task.clear_ibuf [dreg:s7], $0x2FFFF;
	_ =	strace $0x9FFFFFFF  }
0xc2: {  	(tm) =	ssettm $0x7FFFFFFF  }
0xc3: {  	_ =	shalt  }
tec
execute0_lowered:
.L_overlay_start_1:
0x0: {  	(tag) =	ssettag $0x1  }
0x1: {  	s0 =	rddreg [dreg:$0x0];
	s1 =	srdreg.scid  }
0x2: {  	s3 =	stileid.u32;
	s2 =	rddreg [dreg:$0x1];
	s8 =	simm.s32 $0x9  }
0x3: {  	s9 =	simm.s32 $0x68;
	s10 =	simm.s32 $0x6400;
	s11 =	simm.s32 $0x60  }
0x4: {  	s14 =	simm.s32 $0x9600;
	s18 =	simm.s32 $0xC800;
	s20 =	simm.s32 $0xE200  }
0x5: {  	s21 =	simm.s32 $0x1;
	s22 =	simm.s32 $0xFA00;
	s23 =	simm.s32 $0x11400  }
0x6: {  	s24 =	simm.s32 $0x2;
	s25 =	simm.s32 $0x5;
	s28 =	simm.s32 $0x6  }
0x7: {  	s29 =	simm.s32 $0x4;
	s30 =	simm.s32 $0x7;
	s31 =	simm.s32 $0x8  }
0x8: {  	s1 =	sand.u32 $0x1, s1;
	s4 =	sshll.u32 s3, $0x1;
	s3 =	simm.s32 $0x0  }
.Ltmp0:
0x9: {  	s5 =	sor.u32 s1, s4;
	s1 =	ssub.s32 $0x2, s1;
	(pc) =	sbr.rel .LBB2_1-.Ltmp0, $4  }
0xa: {  	[smem:$0x7FF] =	sst s3;
	s4 =	smul.u32 $0xC80, s5;
	s6 =	sshrl.u32 s1, $0x1  }
0xb: {  	_ =	strace $0x80000047;
	s5 =	sshll.u32 s5, $0x7;
	s26 =	ssub.s32 s1, s6  }
0xc: {  	s1 =	simm.s32 $0x0;
	s7 =	sadd.s32 s4, s0;
	s4 =	sadd.s32 $0xF42E00, s0  }
0xd: {  	s6 =	sadd.s32 $0xA00, s7;
	s7 =	smax.u32 s26, $0x1;
	s26 =	simm.s32 $0x3  }
.LBB2_12:
0xe: {  	s1 =	sadd.s32 $0x1, s1  }
0xf: {  	p0 =	sne.s32 s1, s7  }
.Ltmp1:
0x10: {  	_ = 	snop;
	(pc) =	sbr.rel @!p0 .LBB2_13-.Ltmp1, $4  }
0x11: {  	_ = 	snop  }
0x12: {  	_ =	swait.ge [sflag:s31], $0x3200  }
0x13: {  	[sflag:s31] =	ssyncset.done $0x0  }
0x14: {  	[sflag:s31] =	ssyncadd.s32 $0xFFFFCE00  }
.LBB2_1:
0x15: {  	[tilespmem:s3], [sflag:$0x9] =	stream.linear.gather [hbm4b:s6+s3], $0x6400, $0x38;
	[tilespmem:$0x12C00] =	vst v63  }
0x16: {  	_ =	swait.ge [sflag:s8], $0x6400  }
0x17: {  	[sflag:s8] =	ssyncset.done $0x0  }
0x18: {  	[sflag:s8] =	ssyncadd.s32 $0xFFFF9C00  }
0x19: {  	[tilespmem:s10], [sflag:$0x1] =	stream.indirect.gather [hbm4b:s4+s9], $0x40, s3, s9, $0xb8;
	[tilespmem:$0x12C00] =	vst v63  }
0x1a: {  	s0 =	simm.s32 $0x7E00  }
0x1b: {  	[tilespmem:s0], [sflag:$0x1] =	stream.indirect.gather [hbm4b:s4+s11], $0x40, s9, s11, $0xb8;
	[tilespmem:$0x12C00] =	vst v63  }
0x1c: {  	s15 =	simm.s32 $0xC8  }
0x1d: {  	[tilespmem:s14], [sflag:$0x2] =	stream.indirect.gather [hbm4b:s4+s9], $0x40, s15, s9, $0xb8;
	[tilespmem:$0x12C00] =	vst v63  }
0x1e: {  	s16 =	simm.s32 $0x130;
	s12 =	simm.s32 $0xB000  }
0x1f: {  	[tilespmem:s12], [sflag:$0x2] =	stream.indirect.gather [hbm4b:s4+s11], $0x40, s16, s11, $0xb8;
	[tilespmem:$0x12C00] =	vst v63  }
0x20: {  	s17 =	simm.s32 $0x190  }
0x21: {  	[tilespmem:s18], [sflag:$0x3] =	stream.indirect.gather [hbm4b:s4+s9], $0x40, s17, s9, $0xb8;
	[tilespmem:$0x12C00] =	vst v63  }
0x22: {  	s19 =	simm.s32 $0x1F8;
	s0 =	simm.s32 $0x0  }
0x23: {  	[tilespmem:s20], [sflag:$0x3] =	stream.indirect.gather [hbm4b:s4+s11], $0x40, s19, s11, $0xb8;
	[tilespmem:$0x12C00] =	vst v63  }
.LBB2_2:
0x24: {  	_ =	swait.ge [sflag:s21], $0x3200  }
0x25: {  	[sflag:s21] =	ssyncset.done $0x0  }
0x26: {  	s12 =	simm.s32 $0x6500;
	[sflag:s21] =	ssyncadd.s32 $0xFFFFCE00  }
0x27: {  	v0 =	vld [tilespmem:s12+$0xFFFFFF00]  }
0x28: {  	v1 =	vld [tilespmem:s12+$0xFFFFFF10]  }
0x29: {  	v2 =	vld [tilespmem:s12+$0xFFFFFF20]  }
0x2a: {  	v3 =	vld [tilespmem:s12+$0xFFFFFF30]  }
0x2b: {  	v4 =	vld [tilespmem:s12+$0xFFFFFF40]  }
0x2c: {  	v5 =	vld [tilespmem:s12+$0xFFFFFF50];
	v0 =	vmul.f32 $8.000000000e+00, v0  }
0x2d: {  	v6 =	vld [tilespmem:s12+$0xFFFFFF60];
	v1 =	vmul.f32 $8.000000000e+00, v1  }
0x2e: {  	[tilespmem:s12+$0xFFFFFF00] =	vst v0;
	v0 =	vmul.f32 $8.000000000e+00, v2;
	v2 =	vld [tilespmem:s12+$0xFFFFFF70]  }
0x2f: {  	[tilespmem:s12+$0xFFFFFF10] =	vst v1;
	v1 =	vmul.f32 $8.000000000e+00, v3;
	v3 =	vld [tilespmem:s12+$0xFFFFFF80]  }
0x30: {  	[tilespmem:s12+$0xFFFFFF20] =	vst v0;
	v0 =	vmul.f32 $8.000000000e+00, v4;
	v4 =	vld [tilespmem:s12+$0xFFFFFF90]  }
0x31: {  	[tilespmem:s12+$0xFFFFFF30] =	vst v1;
	v1 =	vmul.f32 $8.000000000e+00, v5;
	v5 =	vld [tilespmem:s12+$0xFFFFFFA0]  }
0x32: {  	[tilespmem:s12+$0xFFFFFF40] =	vst v0;
	v0 =	vmul.f32 $8.000000000e+00, v6;
	v6 =	vld [tilespmem:s12+$0xFFFFFFB0]  }
0x33: {  	[tilespmem:s12+$0xFFFFFF50] =	vst v1;
	v1 =	vmul.f32 $8.000000000e+00, v2;
	v2 =	vld [tilespmem:s12+$0xFFFFFFC0]  }
0x34: {  	[tilespmem:s12+$0xFFFFFF60] =	vst v0;
	v0 =	vmul.f32 $8.000000000e+00, v3;
	v3 =	vld [tilespmem:s12+$0xFFFFFFD0]  }
0x35: {  	[tilespmem:s12+$0xFFFFFF70] =	vst v1;
	v1 =	vmul.f32 $8.000000000e+00, v4;
	v4 =	vld [tilespmem:s12+$0xFFFFFFE0]  }
0x36: {  	[tilespmem:s12+$0xFFFFFF80] =	vst v0;
	v0 =	vmul.f32 $8.000000000e+00, v5;
	v5 =	vld [tilespmem:s12+$0x0]  }
0x37: {  	[tilespmem:s12+$0xFFFFFF90] =	vst v1;
	v1 =	vmul.f32 $8.000000000e+00, v6;
	v6 =	vld [tilespmem:s12+$0x10]  }
0x38: {  	[tilespmem:s12+$0xFFFFFFA0] =	vst v0;
	v0 =	vmul.f32 $8.000000000e+00, v2;
	v2 =	vld [tilespmem:s12+$0x20]  }
0x39: {  	[tilespmem:s12+$0xFFFFFFB0] =	vst v1;
	v1 =	vmul.f32 $8.000000000e+00, v3;
	v3 =	vld [tilespmem:s12+$0x30]  }
0x3a: {  	[tilespmem:s12+$0xFFFFFFC0] =	vst v0;
	v0 =	vmul.f32 $8.000000000e+00, v4;
	v4 =	vld [tilespmem:s12+$0x40]  }
0x3b: {  	[tilespmem:s12+$0xFFFFFFD0] =	vst v1;
	v1 =	vmul.f32 $8.000000000e+00, v5;
	v5 =	vld [tilespmem:s12+$0x50]  }
0x3c: {  	[tilespmem:s12+$0xFFFFFFE0] =	vst v0;
	v0 =	vmul.f32 $8.000000000e+00, v6;
	v6 =	vld [tilespmem:s12+$0x60]  }
0x3d: {  	[tilespmem:s12+$0x0] =	vst v1;
	v1 =	vmul.f32 $8.000000000e+00, v2;
	v2 =	vld [tilespmem:s12+$0x70]  }
0x3e: {  	[tilespmem:s12+$0x10] =	vst v0;
	v0 =	vmul.f32 $8.000000000e+00, v3;
	v3 =	vld [tilespmem:s12+$0x80]  }
0x3f: {  	[tilespmem:s12+$0x20] =	vst v1;
	v1 =	vmul.f32 $8.000000000e+00, v4;
	v4 =	vld [tilespmem:s12+$0x90]  }
0x40: {  	[tilespmem:s12+$0x30] =	vst v0;
	v0 =	vmul.f32 $8.000000000e+00, v5;
	v5 =	vld [tilespmem:s12+$0xA0]  }
0x41: {  	[tilespmem:s12+$0x40] =	vst v1;
	v1 =	vmul.f32 $8.000000000e+00, v6;
	v6 =	vld [tilespmem:s12+$0xB0]  }
0x42: {  	[tilespmem:s12+$0x50] =	vst v0;
	v2 =	vmul.f32 $8.000000000e+00, v2;
	v0 =	vld [tilespmem:s12+$0xC0]  }
0x43: {  	[tilespmem:s12+$0x60] =	vst v1;
	v7 =	vmul.f32 $8.000000000e+00, v3;
	v1 =	vld [tilespmem:s12+$0xD0]  }
0x44: {  	v3 =	vld [tilespmem:s12+$0xE0];
	[tilespmem:s12+$0x70] =	vst v2;
	v8 =	vmul.f32 $8.000000000e+00, v4  }
0x45: {  	v2 =	vld [tilespmem:s12+$0xF0];
	[tilespmem:s12+$0x80] =	vst v7;
	v5 =	vmul.f32 $8.000000000e+00, v5  }
0x46: {  	s13 =	simm.s32 $0x0;
	s15 =	simm.s32 $0x6700;
	v4 =	vld [tilespmem:s12+$0xFFFFFFF0];
	[tilespmem:s12+$0x90] =	vst v8;
	v6 =	vmul.f32 $8.000000000e+00, v6  }
.LBB2_3:
0x47: {  	v7 =	vld [tilespmem:s15+$0xFFFFFF00];
	[tilespmem:s12+$0xA0] =	vst v5;
	v0 =	vmul.f32 $8.000000000e+00, v0  }
0x48: {  	v5 =	vld [tilespmem:s15+$0xFFFFFF10];
	[tilespmem:s12+$0xB0] =	vst v6;
	v1 =	vmul.f32 $8.000000000e+00, v1  }
0x49: {  	v6 =	vld [tilespmem:s15+$0xFFFFFF20];
	[tilespmem:s12+$0xC0] =	vst v0;
	v0 =	vmul.f32 $8.000000000e+00, v3  }
0x4a: {  	v3 =	vld [tilespmem:s15+$0xFFFFFF30];
	[tilespmem:s12+$0xD0] =	vst v1;
	v1 =	vmul.f32 $8.000000000e+00, v2  }
0x4b: {  	v2 =	vld [tilespmem:s15+$0xFFFFFF40];
	v4 =	vmul.f32 $8.000000000e+00, v4;
	[tilespmem:s12+$0xE0] =	vst v0  }
0x4c: {  	v0 =	vmul.f32 $8.000000000e+00, v7;
	v7 =	vld [tilespmem:s15+$0xFFFFFF50];
	[tilespmem:s12+$0xF0] =	vst v1  }
0x4d: {  	v1 =	vmul.f32 $8.000000000e+00, v5;
	v5 =	vld [tilespmem:s15+$0xFFFFFF60];
	[tilespmem:s12+$0xFFFFFFF0] =	vst v4;
	s12 =	smov.u32 s15  }
0x4e: {  	[tilespmem:s15+$0xFFFFFF00] =	vst v0;
	v0 =	vmul.f32 $8.000000000e+00, v6;
	v4 =	vld [tilespmem:s15+$0xFFFFFF70]  }
0x4f: {  	[tilespmem:s15+$0xFFFFFF10] =	vst v1;
	v1 =	vmul.f32 $8.000000000e+00, v3;
	v3 =	vld [tilespmem:s15+$0xFFFFFF80]  }
0x50: {  	[tilespmem:s15+$0xFFFFFF20] =	vst v0;
	v0 =	vmul.f32 $8.000000000e+00, v2;
	v2 =	vld [tilespmem:s15+$0xFFFFFF90]  }
0x51: {  	[tilespmem:s15+$0xFFFFFF30] =	vst v1;
	v1 =	vmul.f32 $8.000000000e+00, v7;
	v6 =	vld [tilespmem:s15+$0xFFFFFFA0]  }
0x52: {  	[tilespmem:s15+$0xFFFFFF40] =	vst v0;
	v0 =	vmul.f32 $8.000000000e+00, v5;
	v5 =	vld [tilespmem:s15+$0xFFFFFFB0]  }
0x53: {  	[tilespmem:s15+$0xFFFFFF50] =	vst v1;
	v1 =	vmul.f32 $8.000000000e+00, v4;
	v4 =	vld [tilespmem:s15+$0xFFFFFFC0]  }
0x54: {  	[tilespmem:s15+$0xFFFFFF60] =	vst v0;
	v0 =	vmul.f32 $8.000000000e+00, v3;
	v3 =	vld [tilespmem:s15+$0xFFFFFFD0]  }
0x55: {  	[tilespmem:s15+$0xFFFFFF70] =	vst v1;
	v1 =	vmul.f32 $8.000000000e+00, v2;
	v2 =	vld [tilespmem:s15+$0xFFFFFFE0]  }
0x56: {  	[tilespmem:s15+$0xFFFFFF80] =	vst v0;
	v0 =	vmul.f32 $8.000000000e+00, v6;
	v6 =	vld [tilespmem:s15+$0x0]  }
0x57: {  	[tilespmem:s15+$0xFFFFFF90] =	vst v1;
	v1 =	vmul.f32 $8.000000000e+00, v5;
	v5 =	vld [tilespmem:s15+$0x10]  }
0x58: {  	[tilespmem:s15+$0xFFFFFFA0] =	vst v0;
	v0 =	vmul.f32 $8.000000000e+00, v4;
	v4 =	vld [tilespmem:s15+$0x20]  }
0x59: {  	[tilespmem:s15+$0xFFFFFFB0] =	vst v1;
	v1 =	vmul.f32 $8.000000000e+00, v3;
	v3 =	vld [tilespmem:s15+$0x30]  }
0x5a: {  	[tilespmem:s15+$0xFFFFFFC0] =	vst v0;
	v0 =	vmul.f32 $8.000000000e+00, v2;
	v2 =	vld [tilespmem:s15+$0x40]  }
0x5b: {  	[tilespmem:s15+$0xFFFFFFD0] =	vst v1;
	v1 =	vmul.f32 $8.000000000e+00, v6;
	v6 =	vld [tilespmem:s15+$0x50]  }
0x5c: {  	[tilespmem:s15+$0xFFFFFFE0] =	vst v0;
	v0 =	vmul.f32 $8.000000000e+00, v5;
	v5 =	vld [tilespmem:s15+$0x60]  }
0x5d: {  	[tilespmem:s15+$0x0] =	vst v1;
	v1 =	vmul.f32 $8.000000000e+00, v4;
	v4 =	vld [tilespmem:s15+$0x70]  }
0x5e: {  	[tilespmem:s15+$0x10] =	vst v0;
	v0 =	vmul.f32 $8.000000000e+00, v3;
	v3 =	vld [tilespmem:s15+$0x80]  }
0x5f: {  	[tilespmem:s15+$0x20] =	vst v1;
	v1 =	vmul.f32 $8.000000000e+00, v2;
	v2 =	vld [tilespmem:s15+$0x90]  }
0x60: {  	s13 =	sadd.s32 $0x8, s13;
	[tilespmem:s15+$0x30] =	vst v0;
	v0 =	vmul.f32 $8.000000000e+00, v6;
	v6 =	vld [tilespmem:s15+$0xA0]  }
0x61: {  	p0 =	slt.u32 s13, $0xC0;
	[tilespmem:s15+$0x40] =	vst v1;
	v1 =	vmul.f32 $8.000000000e+00, v5;
	v7 =	vld [tilespmem:s15+$0xB0]  }
.Ltmp2:
0x62: {  	[tilespmem:s15+$0x50] =	vst v0;
	v4 =	vmul.f32 $8.000000000e+00, v4;
	v0 =	vld [tilespmem:s15+$0xC0];
	(pc) =	sbr.rel @p0 .LBB2_3-.Ltmp2, $4  }
0x63: {  	[tilespmem:s15+$0x60] =	vst v1;
	v5 =	vmul.f32 $8.000000000e+00, v3;
	v1 =	vld [tilespmem:s15+$0xD0]  }
0x64: {  	[tilespmem:s15+$0x70] =	vst v4;
	v8 =	vmul.f32 $8.000000000e+00, v2;
	v3 =	vld [tilespmem:s15+$0xE0]  }
0x65: {  	[tilespmem:s15+$0x80] =	vst v5;
	v5 =	vmul.f32 $8.000000000e+00, v6;
	v2 =	vld [tilespmem:s15+$0xF0]  }
0x66: {  	s15 =	sadd.s32 $0x200, s15;
	v4 =	vld [tilespmem:s12+$0xFFFFFFF0];
	[tilespmem:s12+$0x90] =	vst v8;
	v6 =	vmul.f32 $8.000000000e+00, v7  }
0x67: {  	[tilespmem:s12+$0xA0] =	vst v5;
	v0 =	vmul.f32 $8.000000000e+00, v0  }
0x68: {  	[tilespmem:s12+$0xB0] =	vst v6;
	v1 =	vmul.f32 $8.000000000e+00, v1  }
0x69: {  	s13 =	sshll.u32 s0, $0x2;
	[tilespmem:s12+$0xC0] =	vst v0;
	v0 =	vmul.f32 $8.000000000e+00, v3  }
0x6a: {  	s15 =	sadd.s32 s5, s13;
	[tilespmem:s12+$0xD0] =	vst v1;
	v1 =	vmul.f32 $8.000000000e+00, v2  }
0x6b: {  	s15 =	smul.u32 $0x640, s15;
	v2 =	vmul.f32 $8.000000000e+00, v4;
	[tilespmem:s12+$0xE0] =	vst v0  }
0x6c: {  	p0 =	seq.s32 s0, $0x0;
	[tilespmem:s12+$0xF0] =	vst v1  }
0x6d: {  	s17 =	sadd.s32 s2, s15;
	s15 =	simm.s32 @!p0 $0x8;
	[tilespmem:s12+$0xFFFFFFF0] =	vst v2;
	s12 =	sor.u32 $0x3, s13  }
0x6e: {  	[hbm4b:s17+s3] =	stream.linear.scatter [tilespmem:s10], [sflag:$0x5], $0x3200, $0x38;
	[tilespmem:$0x12C00] =	vst v63  }
0x6f: {  	s16 =	smul.u32 $0x320, s12;
	_ =	swait.ge @!p0 [sflag:s15], $0x3200  }
0x70: {  	[sflag:s15] =	ssyncset.done @!p0 $0x0  }
0x71: {  	s19 =	sshra.s32 s16, $0x2;
	[sflag:s15] =	ssyncadd.s32 @!p0 $0xFFFFCE00  }
0x72: {  	[tilespmem:s22], [sflag:$0x4] =	stream.indirect.gather [hbm4b:s4+s9], $0x40, s19, s9, $0xb8;
	[tilespmem:$0x12C00] =	vst v63  }
0x73: {  	s15 =	sadd.s32 $0x68, s19  }
0x74: {  	[tilespmem:s23], [sflag:$0x4] =	stream.indirect.gather [hbm4b:s4+s11], $0x40, s15, s11, $0xb8;
	[tilespmem:$0x12C00] =	vst v63  }
0x75: {  	_ =	swait.ge [sflag:s24], $0x3200  }
0x76: {  	[sflag:s24] =	ssyncset.done $0x0  }
0x77: {  	s15 =	simm.s32 $0x97F0;
	[sflag:s24] =	ssyncadd.s32 $0xFFFFCE00  }
0x78: {  	v0 =	vld [tilespmem:s15+$0xFFFFFE10]  }
0x79: {  	v1 =	vld [tilespmem:s15+$0xFFFFFE20]  }
0x7a: {  	v2 =	vld [tilespmem:s15+$0xFFFFFE30]  }
0x7b: {  	v3 =	vld [tilespmem:s15+$0xFFFFFE40]  }
0x7c: {  	v4 =	vld [tilespmem:s15+$0xFFFFFE50]  }
0x7d: {  	v5 =	vld [tilespmem:s15+$0xFFFFFE60];
	v0 =	vmul.f32 $8.000000000e+00, v0  }
0x7e: {  	v6 =	vld [tilespmem:s15+$0xFFFFFE70];
	v1 =	vmul.f32 $8.000000000e+00, v1  }
0x7f: {  	[tilespmem:s15+$0xFFFFFE10] =	vst v0;
	v0 =	vmul.f32 $8.000000000e+00, v2;
	v2 =	vld [tilespmem:s15+$0xFFFFFE80]  }
0x80: {  	[tilespmem:s15+$0xFFFFFE20] =	vst v1;
	v1 =	vmul.f32 $8.000000000e+00, v3;
	v3 =	vld [tilespmem:s15+$0xFFFFFE90]  }
0x81: {  	[tilespmem:s15+$0xFFFFFE30] =	vst v0;
	v0 =	vmul.f32 $8.000000000e+00, v4;
	v4 =	vld [tilespmem:s15+$0xFFFFFEA0]  }
0x82: {  	[tilespmem:s15+$0xFFFFFE40] =	vst v1;
	v1 =	vmul.f32 $8.000000000e+00, v5;
	v5 =	vld [tilespmem:s15+$0xFFFFFEB0]  }
0x83: {  	[tilespmem:s15+$0xFFFFFE50] =	vst v0;
	v0 =	vmul.f32 $8.000000000e+00, v6;
	v6 =	vld [tilespmem:s15+$0xFFFFFEC0]  }
0x84: {  	[tilespmem:s15+$0xFFFFFE60] =	vst v1;
	v1 =	vmul.f32 $8.000000000e+00, v2;
	v2 =	vld [tilespmem:s15+$0xFFFFFED0]  }
0x85: {  	[tilespmem:s15+$0xFFFFFE70] =	vst v0;
	v0 =	vmul.f32 $8.000000000e+00, v3;
	v3 =	vld [tilespmem:s15+$0xFFFFFEE0]  }
0x86: {  	[tilespmem:s15+$0xFFFFFE80] =	vst v1;
	v1 =	vmul.f32 $8.000000000e+00, v4;
	v4 =	vld [tilespmem:s15+$0xFFFFFEF0]  }
0x87: {  	[tilespmem:s15+$0xFFFFFE90] =	vst v0;
	v0 =	vmul.f32 $8.000000000e+00, v5;
	v5 =	vld [tilespmem:s15+$0xFFFFFF00]  }
0x88: {  	[tilespmem:s15+$0xFFFFFEA0] =	vst v1;
	v1 =	vmul.f32 $8.000000000e+00, v6;
	v6 =	vld [tilespmem:s15+$0xFFFFFF10]  }
0x89: {  	[tilespmem:s15+$0xFFFFFEB0] =	vst v0;
	v0 =	vmul.f32 $8.000000000e+00, v2;
	v2 =	vld [tilespmem:s15+$0xFFFFFF20]  }
0x8a: {  	[tilespmem:s15+$0xFFFFFEC0] =	vst v1;
	v1 =	vmul.f32 $8.000000000e+00, v3;
	v3 =	vld [tilespmem:s15+$0xFFFFFF30]  }
0x8b: {  	[tilespmem:s15+$0xFFFFFED0] =	vst v0;
	v0 =	vmul.f32 $8.000000000e+00, v4;
	v4 =	vld [tilespmem:s15+$0xFFFFFF40]  }
0x8c: {  	[tilespmem:s15+$0xFFFFFEE0] =	vst v1;
	v1 =	vmul.f32 $8.000000000e+00, v5;
	v5 =	vld [tilespmem:s15+$0xFFFFFF50]  }
0x8d: {  	[tilespmem:s15+$0xFFFFFEF0] =	vst v0;
	v0 =	vmul.f32 $8.000000000e+00, v6;
	v6 =	vld [tilespmem:s15+$0xFFFFFF60]  }
0x8e: {  	[tilespmem:s15+$0xFFFFFF00] =	vst v1;
	v1 =	vmul.f32 $8.000000000e+00, v2;
	v2 =	vld [tilespmem:s15+$0xFFFFFF70]  }
0x8f: {  	[tilespmem:s15+$0xFFFFFF10] =	vst v0;
	v0 =	vmul.f32 $8.000000000e+00, v3;
	v3 =	vld [tilespmem:s15+$0xFFFFFF80]  }
0x90: {  	[tilespmem:s15+$0xFFFFFF20] =	vst v1;
	v1 =	vmul.f32 $8.000000000e+00, v4;
	v4 =	vld [tilespmem:s15+$0xFFFFFF90]  }
0x91: {  	[tilespmem:s15+$0xFFFFFF30] =	vst v0;
	v0 =	vmul.f32 $8.000000000e+00, v5;
	v5 =	vld [tilespmem:s15+$0xFFFFFFA0]  }
0x92: {  	[tilespmem:s15+$0xFFFFFF40] =	vst v1;
	v1 =	vmul.f32 $8.000000000e+00, v6;
	v6 =	vld [tilespmem:s15+$0xFFFFFFB0]  }
0x93: {  	[tilespmem:s15+$0xFFFFFF50] =	vst v0;
	v2 =	vmul.f32 $8.000000000e+00, v2;
	v0 =	vld [tilespmem:s15+$0xFFFFFFC0]  }
0x94: {  	[tilespmem:s15+$0xFFFFFF60] =	vst v1;
	v7 =	vmul.f32 $8.000000000e+00, v3;
	v1 =	vld [tilespmem:s15+$0xFFFFFFD0]  }
0x95: {  	v3 =	vld [tilespmem:s15+$0xFFFFFFE0];
	[tilespmem:s15+$0xFFFFFF70] =	vst v2;
	v4 =	vmul.f32 $8.000000000e+00, v4  }
0x96: {  	v2 =	vld [tilespmem:s15+$0x0];
	[tilespmem:s15+$0xFFFFFF80] =	vst v7;
	v5 =	vmul.f32 $8.000000000e+00, v5  }
0x97: {  	s17 =	simm.s32 $0x99F0;
	s16 =	simm.s32 $0x0;
	[tilespmem:s15+$0xFFFFFF90] =	vst v4;
	v6 =	vmul.f32 $8.000000000e+00, v6;
	v4 =	vld [tilespmem:s15+$0xFFFFFFF0]  }
.LBB2_5:
0x98: {  	v7 =	vld [tilespmem:s17+$0xFFFFFE10];
	[tilespmem:s15+$0xFFFFFFA0] =	vst v5;
	v0 =	vmul.f32 $8.000000000e+00, v0  }
0x99: {  	v5 =	vld [tilespmem:s17+$0xFFFFFE20];
	[tilespmem:s15+$0xFFFFFFB0] =	vst v6;
	v1 =	vmul.f32 $8.000000000e+00, v1  }
0x9a: {  	v6 =	vld [tilespmem:s17+$0xFFFFFE30];
	[tilespmem:s15+$0xFFFFFFC0] =	vst v0;
	v0 =	vmul.f32 $8.000000000e+00, v3  }
0x9b: {  	v3 =	vld [tilespmem:s17+$0xFFFFFE40];
	[tilespmem:s15+$0xFFFFFFD0] =	vst v1;
	v1 =	vmul.f32 $8.000000000e+00, v2  }
0x9c: {  	v2 =	vld [tilespmem:s17+$0xFFFFFE50];
	[tilespmem:s15+$0xFFFFFFE0] =	vst v0;
	v0 =	vmul.f32 $8.000000000e+00, v4  }
0x9d: {  	v4 =	vmul.f32 $8.000000000e+00, v7;
	v7 =	vld [tilespmem:s17+$0xFFFFFE60];
	[tilespmem:s15+$0x0] =	vst v1  }
0x9e: {  	v1 =	vmul.f32 $8.000000000e+00, v5;
	v5 =	vld [tilespmem:s17+$0xFFFFFE70];
	[tilespmem:s15+$0xFFFFFFF0] =	vst v0;
	s15 =	smov.u32 s17  }
0x9f: {  	[tilespmem:s17+$0xFFFFFE10] =	vst v4;
	v0 =	vmul.f32 $8.000000000e+00, v6;
	v4 =	vld [tilespmem:s17+$0xFFFFFE80]  }
0xa0: {  	[tilespmem:s17+$0xFFFFFE20] =	vst v1;
	v1 =	vmul.f32 $8.000000000e+00, v3;
	v3 =	vld [tilespmem:s17+$0xFFFFFE90]  }
0xa1: {  	[tilespmem:s17+$0xFFFFFE30] =	vst v0;
	v0 =	vmul.f32 $8.000000000e+00, v2;
	v2 =	vld [tilespmem:s17+$0xFFFFFEA0]  }
0xa2: {  	[tilespmem:s17+$0xFFFFFE40] =	vst v1;
	v1 =	vmul.f32 $8.000000000e+00, v7;
	v6 =	vld [tilespmem:s17+$0xFFFFFEB0]  }
0xa3: {  	[tilespmem:s17+$0xFFFFFE50] =	vst v0;
	v0 =	vmul.f32 $8.000000000e+00, v5;
	v5 =	vld [tilespmem:s17+$0xFFFFFEC0]  }
0xa4: {  	[tilespmem:s17+$0xFFFFFE60] =	vst v1;
	v1 =	vmul.f32 $8.000000000e+00, v4;
	v4 =	vld [tilespmem:s17+$0xFFFFFED0]  }
0xa5: {  	[tilespmem:s17+$0xFFFFFE70] =	vst v0;
	v0 =	vmul.f32 $8.000000000e+00, v3;
	v3 =	vld [tilespmem:s17+$0xFFFFFEE0]  }
0xa6: {  	[tilespmem:s17+$0xFFFFFE80] =	vst v1;
	v1 =	vmul.f32 $8.000000000e+00, v2;
	v2 =	vld [tilespmem:s17+$0xFFFFFEF0]  }
0xa7: {  	[tilespmem:s17+$0xFFFFFE90] =	vst v0;
	v0 =	vmul.f32 $8.000000000e+00, v6;
	v6 =	vld [tilespmem:s17+$0xFFFFFF00]  }
0xa8: {  	[tilespmem:s17+$0xFFFFFEA0] =	vst v1;
	v1 =	vmul.f32 $8.000000000e+00, v5;
	v5 =	vld [tilespmem:s17+$0xFFFFFF10]  }
0xa9: {  	[tilespmem:s17+$0xFFFFFEB0] =	vst v0;
	v0 =	vmul.f32 $8.000000000e+00, v4;
	v4 =	vld [tilespmem:s17+$0xFFFFFF20]  }
0xaa: {  	[tilespmem:s17+$0xFFFFFEC0] =	vst v1;
	v1 =	vmul.f32 $8.000000000e+00, v3;
	v3 =	vld [tilespmem:s17+$0xFFFFFF30]  }
0xab: {  	[tilespmem:s17+$0xFFFFFED0] =	vst v0;
	v0 =	vmul.f32 $8.000000000e+00, v2;
	v2 =	vld [tilespmem:s17+$0xFFFFFF40]  }
0xac: {  	[tilespmem:s17+$0xFFFFFEE0] =	vst v1;
	v1 =	vmul.f32 $8.000000000e+00, v6;
	v6 =	vld [tilespmem:s17+$0xFFFFFF50]  }
0xad: {  	[tilespmem:s17+$0xFFFFFEF0] =	vst v0;
	v0 =	vmul.f32 $8.000000000e+00, v5;
	v5 =	vld [tilespmem:s17+$0xFFFFFF60]  }
0xae: {  	[tilespmem:s17+$0xFFFFFF00] =	vst v1;
	v1 =	vmul.f32 $8.000000000e+00, v4;
	v4 =	vld [tilespmem:s17+$0xFFFFFF70]  }
0xaf: {  	[tilespmem:s17+$0xFFFFFF10] =	vst v0;
	v0 =	vmul.f32 $8.000000000e+00, v3;
	v3 =	vld [tilespmem:s17+$0xFFFFFF80]  }
0xb0: {  	[tilespmem:s17+$0xFFFFFF20] =	vst v1;
	v1 =	vmul.f32 $8.000000000e+00, v2;
	v2 =	vld [tilespmem:s17+$0xFFFFFF90]  }
0xb1: {  	s16 =	sadd.s32 $0x8, s16;
	[tilespmem:s17+$0xFFFFFF30] =	vst v0;
	v0 =	vmul.f32 $8.000000000e+00, v6;
	v6 =	vld [tilespmem:s17+$0xFFFFFFA0]  }
0xb2: {  	p0 =	slt.u32 s16, $0xC0;
	[tilespmem:s17+$0xFFFFFF40] =	vst v1;
	v1 =	vmul.f32 $8.000000000e+00, v5;
	v7 =	vld [tilespmem:s17+$0xFFFFFFB0]  }
.Ltmp3:
0xb3: {  	[tilespmem:s17+$0xFFFFFF50] =	vst v0;
	v4 =	vmul.f32 $8.000000000e+00, v4;
	v0 =	vld [tilespmem:s17+$0xFFFFFFC0];
	(pc) =	sbr.rel @p0 .LBB2_5-.Ltmp3, $4  }
0xb4: {  	[tilespmem:s17+$0xFFFFFF60] =	vst v1;
	v5 =	vmul.f32 $8.000000000e+00, v3;
	v1 =	vld [tilespmem:s17+$0xFFFFFFD0]  }
0xb5: {  	[tilespmem:s17+$0xFFFFFF70] =	vst v4;
	v4 =	vmul.f32 $8.000000000e+00, v2;
	v3 =	vld [tilespmem:s17+$0xFFFFFFE0]  }
0xb6: {  	[tilespmem:s17+$0xFFFFFF80] =	vst v5;
	v5 =	vmul.f32 $8.000000000e+00, v6;
	v2 =	vld [tilespmem:s17+$0x0]  }
0xb7: {  	s17 =	sadd.s32 $0x200, s17;
	[tilespmem:s15+$0xFFFFFF90] =	vst v4;
	v6 =	vmul.f32 $8.000000000e+00, v7;
	v4 =	vld [tilespmem:s15+$0xFFFFFFF0]  }
0xb8: {  	[tilespmem:s15+$0xFFFFFFA0] =	vst v5;
	v0 =	vmul.f32 $8.000000000e+00, v0  }
0xb9: {  	[tilespmem:s15+$0xFFFFFFB0] =	vst v6;
	v1 =	vmul.f32 $8.000000000e+00, v1  }
0xba: {  	s13 =	sadd.s32 s13, s5;
	[tilespmem:s15+$0xFFFFFFC0] =	vst v0;
	v0 =	vmul.f32 $8.000000000e+00, v3  }
0xbb: {  	s13 =	smul.u32 $0x640, s13;
	[tilespmem:s15+$0xFFFFFFD0] =	vst v1;
	v1 =	vmul.f32 $8.000000000e+00, v2  }
0xbc: {  	[tilespmem:s15+$0xFFFFFFE0] =	vst v0;
	v0 =	vmul.f32 $8.000000000e+00, v4  }
0xbd: {  	p0 =	seq.s32 s0, $0x1F;
	s13 =	sadd.s32 s2, s13;
	[tilespmem:s15+$0x0] =	vst v1  }
0xbe: {  	s19 =	sadd.s32 $0x640, s13;
	[tilespmem:s15+$0xFFFFFFF0] =	vst v0;
	s15 =	smul.u32 @!p0 $0xC80, s0  }
0xbf: {  	[hbm4b:s19+s3] =	stream.linear.scatter [tilespmem:s14], [sflag:$0x6], $0x3200, $0x38;
	[tilespmem:$0x12C00] =	vst v63  }
0xc0: {  	_ =	swait.ge [sflag:s25], $0x3200  }
0xc1: {  	s17 =	simm.s32 @!p0 $0x68;
	s15 =	sshra.s32 @!p0 s15, $0x2;
	[sflag:s25] =	ssyncset.done $0x0  }
0xc2: {  	s19 =	simm.s32 @!p0 $0x6400;
	s16 =	sadd.s32 @!p0 $0x320, s15;
	[sflag:s25] =	ssyncadd.s32 $0xFFFFCE00  }
0xc3: {  	[tilespmem:s19], [sflag:$0x1] =	stream.indirect.gather @!p0 [hbm4b:s4+s17], $0x40, s16, s17, $0xb8;
	[tilespmem:$0x12C00] =	vst v63  }
0xc4: {  	s16 =	sadd.s32 @!p0 $0x388, s15;
	s17 =	simm.s32 @!p0 $0x60;
	s19 =	simm.s32 @!p0 $0x7E00  }
0xc5: {  	[tilespmem:s19], [sflag:$0x1] =	stream.indirect.gather @!p0 [hbm4b:s4+s17], $0x40, s16, s17, $0xb8;
	[tilespmem:$0x12C00] =	vst v63  }
0xc6: {  	_ =	swait.ge [sflag:s26], $0x3200  }
0xc7: {  	[sflag:s26] =	ssyncset.done $0x0  }
0xc8: {  	s16 =	simm.s32 $0xC800;
	[sflag:s26] =	ssyncadd.s32 $0xFFFFCE00  }
0xc9: {  	v0 =	vld [tilespmem:s16+$0x1A0]  }
0xca: {  	v1 =	vld [tilespmem:s16+$0xA0]  }
0xcb: {  	v2 =	vld [tilespmem:s16+$0x90]  }
0xcc: {  	v3 =	vld [tilespmem:s16+$0x80]  }
0xcd: {  	v4 =	vld [tilespmem:s16+$0xB0]  }
0xce: {  	v5 =	vld [tilespmem:s16+$0x70]  }
0xcf: {  	v6 =	vld [tilespmem:s16+$0xC0]  }
0xd0: {  	v12 =	vld [tilespmem:s16+$0x60]  }
0xd1: {  	v7 =	vld [tilespmem:s16+$0xD0]  }
0xd2: {  	v8 =	vld [tilespmem:s16+$0xE0]  }
0xd3: {  	v9 =	vld [tilespmem:s16+$0x1D0]  }
0xd4: {  	v10 =	vld [tilespmem:s16+$0x1E0]  }
0xd5: {  	v11 =	vld [tilespmem:s16+$0x0]  }
0xd6: {  	v13 =	vld [tilespmem:s16+$0xF0]  }
0xd7: {  	v14 =	vld [tilespmem:s16+$0x100];
	v0 =	vmul.f32 $8.000000000e+00, v0  }
0xd8: {  	v15 =	vld [tilespmem:s16+$0x110];
	v9 =	vmul.f32 $8.000000000e+00, v9  }
0xd9: {  	v16 =	vld [tilespmem:s16+$0x120];
	v17 =	vmul.f32 $8.000000000e+00, v8;
	[tilespmem:s16+$0x1A0] =	vst v0  }
0xda: {  	v18 =	vld [tilespmem:s16+$0x30];
	v6 =	vmul.f32 $8.000000000e+00, v6;
	[tilespmem:s16+$0x1D0] =	vst v9  }
0xdb: {  	v21 =	vld [tilespmem:s16+$0x1B0];
	v0 =	vmul.f32 $8.000000000e+00, v10;
	[tilespmem:s16+$0xE0] =	vst v17  }
0xdc: {  	v10 =	vmul.f32 $8.000000000e+00, v11;
	v11 =	vld [tilespmem:s16+$0x130];
	[tilespmem:s16+$0xC0] =	vst v6  }
0xdd: {  	v9 =	vmul.f32 $8.000000000e+00, v13;
	v13 =	vld [tilespmem:s16+$0x140];
	[tilespmem:s16+$0x1E0] =	vst v0  }
0xde: {  	[tilespmem:s16+$0x0] =	vst v10;
	v0 =	vmul.f32 $8.000000000e+00, v14;
	v10 =	vld [tilespmem:s16+$0x150]  }
0xdf: {  	[tilespmem:s16+$0xF0] =	vst v9;
	v9 =	vmul.f32 $8.000000000e+00, v15;
	v14 =	vld [tilespmem:s16+$0x1F0]  }
0xe0: {  	v19 =	vld [tilespmem:s16+$0x20];
	v8 =	vmul.f32 $8.000000000e+00, v1;
	[tilespmem:s16+$0x100] =	vst v0;
	v0 =	vmul.f32 $8.000000000e+00, v16  }
0xe1: {  	v20 =	vld [tilespmem:s16+$0x10];
	v1 =	vmul.f32 $8.000000000e+00, v18;
	[tilespmem:s16+$0x110] =	vst v9;
	v9 =	vmul.f32 $8.000000000e+00, v11  }
0xe2: {  	v6 =	vmul.f32 $8.000000000e+00, v21;
	v15 =	vld [tilespmem:s16+$0x50];
	[tilespmem:s16+$0x120] =	vst v0;
	v0 =	vmul.f32 $8.000000000e+00, v13  }
0xe3: {  	v16 =	vld [tilespmem:s16+$0x40];
	v13 =	vmul.f32 $8.000000000e+00, v7;
	[tilespmem:s16+$0x130] =	vst v9;
	v7 =	vmul.f32 $8.000000000e+00, v10  }
0xe4: {  	v11 =	vld [tilespmem:s16+$0x190];
	v9 =	vmul.f32 $8.000000000e+00, v2;
	[tilespmem:s16+$0x140] =	vst v0;
	v0 =	vmul.f32 $8.000000000e+00, v14  }
0xe5: {  	[tilespmem:s16+$0x150] =	vst v7;
	v7 =	vmul.f32 $8.000000000e+00, v5;
	v5 =	vmul.f32 $8.000000000e+00, v12;
	v12 =	vld [tilespmem:s16+$0x1C0]  }
0xe6: {  	v10 =	vmul.f32 $8.000000000e+00, v3;
	v14 =	vmul.f32 $8.000000000e+00, v4;
	[tilespmem:s16+$0xD0] =	vst v13;
	v13 =	vld [tilespmem:s16+$0x180]  }
0xe7: {  	v2 =	vmul.f32 $8.000000000e+00, v15;
	v3 =	vmul.f32 $8.000000000e+00, v19;
	v15 =	vld [tilespmem:s16+$0x170];
	[tilespmem:s16+$0x1F0] =	vst v0  }
0xe8: {  	s17 =	simm.s32 $0x0;
	s19 =	simm.s32 $0xCA00;
	v4 =	vmul.f32 $8.000000000e+00, v20;
	v0 =	vmul.f32 $8.000000000e+00, v16;
	[tilespmem:s16+$0xB0] =	vst v14;
	v14 =	vld [tilespmem:s16+$0x160]  }
.LBB2_7:
0xe9: {  	v16 =	vld [tilespmem:s19+$0x1A0];
	s17 =	sadd.s32 $0x8, s17;
	[tilespmem:s16+$0xA0] =	vst v8;
	v8 =	vmul.f32 $8.000000000e+00, v11  }
0xea: {  	v11 =	vld [tilespmem:s19+$0xA0];
	p1 =	slt.u32 s17, $0xC0;
	[tilespmem:s16+$0x90] =	vst v9;
	v9 =	vmul.f32 $8.000000000e+00, v12  }
0xeb: {  	v12 =	vld [tilespmem:s19+$0x90];
	[tilespmem:s16+$0x80] =	vst v10;
	v10 =	vmul.f32 $8.000000000e+00, v13  }
0xec: {  	v13 =	vld [tilespmem:s19+$0x80];
	v15 =	vmul.f32 $8.000000000e+00, v15;
	[tilespmem:s16+$0x1C0] =	vst v9  }
0xed: {  	v9 =	vld [tilespmem:s19+$0xB0];
	[tilespmem:s16+$0x70] =	vst v7;
	v7 =	vmul.f32 $8.000000000e+00, v14  }
0xee: {  	v14 =	vld [tilespmem:s19+$0x70];
	v16 =	vmul.f32 $8.000000000e+00, v16;
	[tilespmem:s16+$0x180] =	vst v10  }
0xef: {  	v10 =	vld [tilespmem:s19+$0xC0];
	[tilespmem:s16+$0x60] =	vst v5  }
0xf0: {  	v5 =	vld [tilespmem:s19+$0x60];
	[tilespmem:s16+$0x170] =	vst v15  }
0xf1: {  	v15 =	vld [tilespmem:s19+$0xD0];
	[tilespmem:s16+$0x50] =	vst v2  }
0xf2: {  	v2 =	vld [tilespmem:s19+$0xE0];
	[tilespmem:s16+$0x160] =	vst v7  }
0xf3: {  	v7 =	vld [tilespmem:s19+$0x1D0];
	[tilespmem:s16+$0x40] =	vst v0  }
0xf4: {  	v0 =	vld [tilespmem:s19+$0x1E0];
	[tilespmem:s16+$0x30] =	vst v1  }
0xf5: {  	v1 =	vld [tilespmem:s19+$0x0];
	[tilespmem:s16+$0x20] =	vst v3  }
0xf6: {  	v3 =	vld [tilespmem:s19+$0xF0];
	[tilespmem:s16+$0x190] =	vst v8  }
0xf7: {  	v8 =	vld [tilespmem:s19+$0x100];
	[tilespmem:s16+$0x10] =	vst v4  }
0xf8: {  	v4 =	vld [tilespmem:s19+$0x110];
	v7 =	vmul.f32 $8.000000000e+00, v7;
	[tilespmem:s16+$0x1B0] =	vst v6;
	s16 =	smov.u32 s19  }
0xf9: {  	v6 =	vld [tilespmem:s19+$0x120];
	[tilespmem:s19+$0x1A0] =	vst v16;
	v0 =	vmul.f32 $8.000000000e+00, v0  }
0xfa: {  	v16 =	vmul.f32 $8.000000000e+00, v2;
	v1 =	vmul.f32 $8.000000000e+00, v1;
	v2 =	vld [tilespmem:s19+$0x130];
	[tilespmem:s19+$0x1D0] =	vst v7  }
0xfb: {  	v15 =	vmul.f32 $8.000000000e+00, v15;
	v3 =	vmul.f32 $8.000000000e+00, v3;
	v7 =	vld [tilespmem:s19+$0x140];
	[tilespmem:s19+$0x1E0] =	vst v0  }
0xfc: {  	v17 =	vmul.f32 $8.000000000e+00, v10;
	[tilespmem:s19+$0x0] =	vst v1;
	v0 =	vmul.f32 $8.000000000e+00, v8;
	v1 =	vld [tilespmem:s19+$0x150]  }
0xfd: {  	v18 =	vmul.f32 $8.000000000e+00, v9;
	[tilespmem:s19+$0xF0] =	vst v3;
	v3 =	vmul.f32 $8.000000000e+00, v4;
	v4 =	vld [tilespmem:s19+$0x1F0]  }
0xfe: {  	v8 =	vmul.f32 $8.000000000e+00, v11;
	v19 =	vld [tilespmem:s19+$0x50];
	[tilespmem:s19+$0x100] =	vst v0;
	v0 =	vmul.f32 $8.000000000e+00, v6  }
0xff: {  	v9 =	vmul.f32 $8.000000000e+00, v12;
	v6 =	vld [tilespmem:s19+$0x40];
	[tilespmem:s19+$0x110] =	vst v3;
	v2 =	vmul.f32 $8.000000000e+00, v2  }
0x100: {  	v10 =	vmul.f32 $8.000000000e+00, v13;
	v3 =	vld [tilespmem:s19+$0x30];
	[tilespmem:s19+$0x120] =	vst v0;
	v0 =	vmul.f32 $8.000000000e+00, v7  }
0x101: {  	v7 =	vmul.f32 $8.000000000e+00, v14;
	v13 =	vld [tilespmem:s19+$0x20];
	[tilespmem:s19+$0x130] =	vst v2;
	v1 =	vmul.f32 $8.000000000e+00, v1  }
0x102: {  	v5 =	vmul.f32 $8.000000000e+00, v5;
	v14 =	vld [tilespmem:s19+$0x10];
	[tilespmem:s19+$0x140] =	vst v0;
	v4 =	vmul.f32 $8.000000000e+00, v4  }
0x103: {  	v2 =	vmul.f32 $8.000000000e+00, v19;
	[tilespmem:s19+$0x150] =	vst v1;
	v19 =	vld [tilespmem:s19+$0x1B0]  }
.Ltmp4:
0x104: {  	v0 =	vmul.f32 $8.000000000e+00, v6;
	v11 =	vld [tilespmem:s19+$0x190];
	[tilespmem:s19+$0x1F0] =	vst v4;
	(pc) =	sbr.rel @p1 .LBB2_7-.Ltmp4, $4  }
0x105: {  	v1 =	vmul.f32 $8.000000000e+00, v3;
	[tilespmem:s19+$0xE0] =	vst v16;
	v12 =	vld [tilespmem:s19+$0x1C0]  }
0x106: {  	v3 =	vmul.f32 $8.000000000e+00, v13;
	[tilespmem:s19+$0xD0] =	vst v15;
	v13 =	vld [tilespmem:s19+$0x180]  }
0x107: {  	v4 =	vmul.f32 $8.000000000e+00, v14;
	[tilespmem:s19+$0xC0] =	vst v17;
	v15 =	vld [tilespmem:s19+$0x170]  }
0x108: {  	s19 =	sadd.s32 $0x200, s19;
	[tilespmem:s16+$0xB0] =	vst v18;
	v14 =	vld [tilespmem:s16+$0x160];
	v6 =	vmul.f32 $8.000000000e+00, v19  }
0x109: {  	[tilespmem:s16+$0xA0] =	vst v8  }
0x10a: {  	[tilespmem:s16+$0x90] =	vst v9  }
0x10b: {  	[tilespmem:s16+$0x80] =	vst v10  }
0x10c: {  	[tilespmem:s16+$0x70] =	vst v7  }
0x10d: {  	[tilespmem:s16+$0x60] =	vst v5  }
0x10e: {  	[tilespmem:s16+$0x50] =	vst v2  }
0x10f: {  	[tilespmem:s16+$0x40] =	vst v0  }
0x110: {  	[tilespmem:s16+$0x30] =	vst v1  }
0x111: {  	[tilespmem:s16+$0x20] =	vst v3  }
0x112: {  	v0 =	vmul.f32 $8.000000000e+00, v11;
	[tilespmem:s16+$0x10] =	vst v4  }
0x113: {  	v8 =	vmul.f32 $8.000000000e+00, v12;
	[tilespmem:s16+$0x1B0] =	vst v6  }
0x114: {  	v9 =	vmul.f32 $8.000000000e+00, v13;
	[tilespmem:s16+$0x190] =	vst v0  }
0x115: {  	[tilespmem:s16+$0x1C0] =	vst v8;
	v7 =	vmul.f32 $8.000000000e+00, v15  }
0x116: {  	[tilespmem:s16+$0x180] =	vst v9;
	v5 =	vmul.f32 $8.000000000e+00, v14  }
0x117: {  	[tilespmem:s16+$0x170] =	vst v7  }
0x118: {  	s13 =	sadd.s32 $0xC80, s13;
	[tilespmem:s16+$0x160] =	vst v5  }
0x119: {  	[hbm4b:s13+s3] =	stream.linear.scatter [tilespmem:s18], [sflag:$0x7], $0x3200, $0x38;
	[tilespmem:$0x12C00] =	vst v63  }
0x11a: {  	_ =	swait.ge [sflag:s28], $0x3200  }
0x11b: {  	s17 =	simm.s32 @!p0 $0x9600;
	[sflag:s28] =	ssyncset.done $0x0  }
0x11c: {  	s16 =	simm.s32 @!p0 $0x68;
	s13 =	sadd.s32 @!p0 $0x3E8, s15;
	[sflag:s28] =	ssyncadd.s32 $0xFFFFCE00  }
0x11d: {  	[tilespmem:s17], [sflag:$0x2] =	stream.indirect.gather @!p0 [hbm4b:s4+s16], $0x40, s13, s16, $0xb8;
	[tilespmem:$0x12C00] =	vst v63  }
0x11e: {  	s13 =	sadd.s32 @!p0 $0x450, s15;
	s15 =	simm.s32 @!p0 $0x60;
	s16 =	simm.s32 @!p0 $0xB000  }
0x11f: {  	[tilespmem:s16], [sflag:$0x2] =	stream.indirect.gather @!p0 [hbm4b:s4+s15], $0x40, s13, s15, $0xb8;
	[tilespmem:$0x12C00] =	vst v63  }
0x120: {  	_ =	swait.ge [sflag:s29], $0x3200  }
0x121: {  	[sflag:s29] =	ssyncset.done $0x0  }
0x122: {  	s13 =	simm.s32 $0xFA00;
	[sflag:s29] =	ssyncadd.s32 $0xFFFFCE00  }
0x123: {  	v0 =	vld [tilespmem:s13+$0x1A0]  }
0x124: {  	v1 =	vld [tilespmem:s13+$0xA0]  }
0x125: {  	v2 =	vld [tilespmem:s13+$0x90]  }
0x126: {  	v3 =	vld [tilespmem:s13+$0x80]  }
0x127: {  	v4 =	vld [tilespmem:s13+$0xB0]  }
0x128: {  	v5 =	vld [tilespmem:s13+$0x70]  }
0x129: {  	v6 =	vld [tilespmem:s13+$0xC0]  }
0x12a: {  	v12 =	vld [tilespmem:s13+$0x60]  }
0x12b: {  	v7 =	vld [tilespmem:s13+$0xD0]  }
0x12c: {  	v8 =	vld [tilespmem:s13+$0xE0]  }
0x12d: {  	v9 =	vld [tilespmem:s13+$0x1D0]  }
0x12e: {  	v10 =	vld [tilespmem:s13+$0x1E0]  }
0x12f: {  	v11 =	vld [tilespmem:s13+$0x0]  }
0x130: {  	v13 =	vld [tilespmem:s13+$0xF0]  }
0x131: {  	v14 =	vld [tilespmem:s13+$0x100];
	v0 =	vmul.f32 $8.000000000e+00, v0  }
0x132: {  	v15 =	vld [tilespmem:s13+$0x110];
	v9 =	vmul.f32 $8.000000000e+00, v9  }
0x133: {  	v16 =	vld [tilespmem:s13+$0x120];
	v17 =	vmul.f32 $8.000000000e+00, v8;
	[tilespmem:s13+$0x1A0] =	vst v0  }
0x134: {  	v20 =	vld [tilespmem:s13+$0x10];
	v6 =	vmul.f32 $8.000000000e+00, v6;
	[tilespmem:s13+$0x1D0] =	vst v9  }
0x135: {  	v21 =	vld [tilespmem:s13+$0x1B0];
	v0 =	vmul.f32 $8.000000000e+00, v10;
	[tilespmem:s13+$0xE0] =	vst v17  }
0x136: {  	v10 =	vmul.f32 $8.000000000e+00, v11;
	v11 =	vld [tilespmem:s13+$0x130];
	[tilespmem:s13+$0xC0] =	vst v6  }
0x137: {  	v9 =	vmul.f32 $8.000000000e+00, v13;
	v13 =	vld [tilespmem:s13+$0x140];
	[tilespmem:s13+$0x1E0] =	vst v0  }
0x138: {  	[tilespmem:s13+$0x0] =	vst v10;
	v0 =	vmul.f32 $8.000000000e+00, v14;
	v10 =	vld [tilespmem:s13+$0x150]  }
0x139: {  	[tilespmem:s13+$0xF0] =	vst v9;
	v9 =	vmul.f32 $8.000000000e+00, v15;
	v14 =	vld [tilespmem:s13+$0x1F0]  }
0x13a: {  	v18 =	vld [tilespmem:s13+$0x30];
	v8 =	vmul.f32 $8.000000000e+00, v1;
	[tilespmem:s13+$0x100] =	vst v0;
	v0 =	vmul.f32 $8.000000000e+00, v16  }
0x13b: {  	v19 =	vld [tilespmem:s13+$0x20];
	v1 =	vmul.f32 $8.000000000e+00, v20;
	[tilespmem:s13+$0x110] =	vst v9;
	v9 =	vmul.f32 $8.000000000e+00, v11  }
0x13c: {  	v6 =	vmul.f32 $8.000000000e+00, v21;
	v15 =	vld [tilespmem:s13+$0x50];
	[tilespmem:s13+$0x120] =	vst v0;
	v0 =	vmul.f32 $8.000000000e+00, v13  }
0x13d: {  	v16 =	vld [tilespmem:s13+$0x40];
	v13 =	vmul.f32 $8.000000000e+00, v7;
	[tilespmem:s13+$0x130] =	vst v9;
	v7 =	vmul.f32 $8.000000000e+00, v10  }
0x13e: {  	v11 =	vld [tilespmem:s13+$0x190];
	v9 =	vmul.f32 $8.000000000e+00, v2;
	[tilespmem:s13+$0x140] =	vst v0;
	v0 =	vmul.f32 $8.000000000e+00, v14  }
0x13f: {  	[tilespmem:s13+$0x150] =	vst v7;
	v7 =	vmul.f32 $8.000000000e+00, v5;
	v5 =	vmul.f32 $8.000000000e+00, v12;
	v12 =	vld [tilespmem:s13+$0x1C0]  }
0x140: {  	v10 =	vmul.f32 $8.000000000e+00, v3;
	v14 =	vmul.f32 $8.000000000e+00, v4;
	[tilespmem:s13+$0xD0] =	vst v13;
	v13 =	vld [tilespmem:s13+$0x180]  }
0x141: {  	v3 =	vmul.f32 $8.000000000e+00, v15;
	v2 =	vmul.f32 $8.000000000e+00, v18;
	v15 =	vld [tilespmem:s13+$0x170];
	[tilespmem:s13+$0x1F0] =	vst v0  }
0x142: {  	s15 =	simm.s32 $0x0;
	s16 =	simm.s32 $0xFC00;
	v4 =	vmul.f32 $8.000000000e+00, v19;
	v0 =	vmul.f32 $8.000000000e+00, v16;
	[tilespmem:s13+$0xB0] =	vst v14;
	v14 =	vld [tilespmem:s13+$0x160]  }
.LBB2_9:
0x143: {  	v16 =	vld [tilespmem:s16+$0x1A0];
	s15 =	sadd.s32 $0x8, s15;
	[tilespmem:s13+$0xA0] =	vst v8;
	v8 =	vmul.f32 $8.000000000e+00, v11  }
0x144: {  	v11 =	vld [tilespmem:s16+$0xA0];
	p1 =	slt.u32 s15, $0xC0;
	[tilespmem:s13+$0x90] =	vst v9;
	v9 =	vmul.f32 $8.000000000e+00, v12  }
0x145: {  	v12 =	vld [tilespmem:s16+$0x90];
	[tilespmem:s13+$0x80] =	vst v10;
	v10 =	vmul.f32 $8.000000000e+00, v13  }
0x146: {  	v13 =	vld [tilespmem:s16+$0x80];
	v15 =	vmul.f32 $8.000000000e+00, v15;
	[tilespmem:s13+$0x1C0] =	vst v9  }
0x147: {  	v9 =	vld [tilespmem:s16+$0xB0];
	[tilespmem:s13+$0x70] =	vst v7;
	v7 =	vmul.f32 $8.000000000e+00, v14  }
0x148: {  	v14 =	vld [tilespmem:s16+$0x70];
	v16 =	vmul.f32 $8.000000000e+00, v16;
	[tilespmem:s13+$0x180] =	vst v10  }
0x149: {  	v10 =	vld [tilespmem:s16+$0xC0];
	[tilespmem:s13+$0x60] =	vst v5  }
0x14a: {  	v5 =	vld [tilespmem:s16+$0x60];
	[tilespmem:s13+$0x170] =	vst v15  }
0x14b: {  	v15 =	vld [tilespmem:s16+$0xD0];
	[tilespmem:s13+$0x50] =	vst v3  }
0x14c: {  	v3 =	vld [tilespmem:s16+$0xE0];
	[tilespmem:s13+$0x160] =	vst v7  }
0x14d: {  	v7 =	vld [tilespmem:s16+$0x1D0];
	[tilespmem:s13+$0x40] =	vst v0  }
0x14e: {  	v0 =	vld [tilespmem:s16+$0x1E0];
	[tilespmem:s13+$0x30] =	vst v2  }
0x14f: {  	v2 =	vld [tilespmem:s16+$0x0];
	[tilespmem:s13+$0x20] =	vst v4  }
0x150: {  	v4 =	vld [tilespmem:s16+$0xF0];
	[tilespmem:s13+$0x190] =	vst v8  }
0x151: {  	v8 =	vld [tilespmem:s16+$0x100];
	[tilespmem:s13+$0x10] =	vst v1  }
0x152: {  	v1 =	vld [tilespmem:s16+$0x110];
	v7 =	vmul.f32 $8.000000000e+00, v7;
	[tilespmem:s13+$0x1B0] =	vst v6;
	s13 =	smov.u32 s16  }
0x153: {  	v6 =	vld [tilespmem:s16+$0x120];
	[tilespmem:s16+$0x1A0] =	vst v16;
	v0 =	vmul.f32 $8.000000000e+00, v0  }
0x154: {  	v16 =	vmul.f32 $8.000000000e+00, v3;
	v2 =	vmul.f32 $8.000000000e+00, v2;
	v3 =	vld [tilespmem:s16+$0x130];
	[tilespmem:s16+$0x1D0] =	vst v7  }
0x155: {  	v15 =	vmul.f32 $8.000000000e+00, v15;
	v4 =	vmul.f32 $8.000000000e+00, v4;
	v7 =	vld [tilespmem:s16+$0x140];
	[tilespmem:s16+$0x1E0] =	vst v0  }
0x156: {  	v17 =	vmul.f32 $8.000000000e+00, v10;
	[tilespmem:s16+$0x0] =	vst v2;
	v0 =	vmul.f32 $8.000000000e+00, v8;
	v2 =	vld [tilespmem:s16+$0x150]  }
0x157: {  	v18 =	vmul.f32 $8.000000000e+00, v9;
	[tilespmem:s16+$0xF0] =	vst v4;
	v1 =	vmul.f32 $8.000000000e+00, v1;
	v4 =	vld [tilespmem:s16+$0x1F0]  }
0x158: {  	v8 =	vmul.f32 $8.000000000e+00, v11;
	v19 =	vld [tilespmem:s16+$0x50];
	[tilespmem:s16+$0x100] =	vst v0;
	v0 =	vmul.f32 $8.000000000e+00, v6  }
0x159: {  	v9 =	vmul.f32 $8.000000000e+00, v12;
	v6 =	vld [tilespmem:s16+$0x40];
	[tilespmem:s16+$0x110] =	vst v1;
	v1 =	vmul.f32 $8.000000000e+00, v3  }
0x15a: {  	v10 =	vmul.f32 $8.000000000e+00, v13;
	v12 =	vld [tilespmem:s16+$0x30];
	[tilespmem:s16+$0x120] =	vst v0;
	v0 =	vmul.f32 $8.000000000e+00, v7  }
0x15b: {  	v7 =	vmul.f32 $8.000000000e+00, v14;
	v13 =	vld [tilespmem:s16+$0x20];
	[tilespmem:s16+$0x130] =	vst v1;
	v1 =	vmul.f32 $8.000000000e+00, v2  }
0x15c: {  	v5 =	vmul.f32 $8.000000000e+00, v5;
	v14 =	vld [tilespmem:s16+$0x10];
	[tilespmem:s16+$0x140] =	vst v0;
	v2 =	vmul.f32 $8.000000000e+00, v4  }
0x15d: {  	v3 =	vmul.f32 $8.000000000e+00, v19;
	[tilespmem:s16+$0x150] =	vst v1;
	v19 =	vld [tilespmem:s16+$0x1B0]  }
.Ltmp5:
0x15e: {  	v0 =	vmul.f32 $8.000000000e+00, v6;
	v11 =	vld [tilespmem:s16+$0x190];
	[tilespmem:s16+$0x1F0] =	vst v2;
	(pc) =	sbr.rel @p1 .LBB2_9-.Ltmp5, $4  }
0x15f: {  	v2 =	vmul.f32 $8.000000000e+00, v12;
	[tilespmem:s16+$0xE0] =	vst v16;
	v12 =	vld [tilespmem:s16+$0x1C0]  }
0x160: {  	v4 =	vmul.f32 $8.000000000e+00, v13;
	[tilespmem:s16+$0xD0] =	vst v15;
	v13 =	vld [tilespmem:s16+$0x180]  }
0x161: {  	v1 =	vmul.f32 $8.000000000e+00, v14;
	[tilespmem:s16+$0xC0] =	vst v17;
	v15 =	vld [tilespmem:s16+$0x170]  }
0x162: {  	s16 =	sadd.s32 $0x200, s16;
	[tilespmem:s13+$0xB0] =	vst v18;
	v14 =	vld [tilespmem:s13+$0x160];
	v6 =	vmul.f32 $8.000000000e+00, v19  }
0x163: {  	[tilespmem:s13+$0xA0] =	vst v8  }
0x164: {  	[tilespmem:s13+$0x90] =	vst v9  }
0x165: {  	[tilespmem:s13+$0x80] =	vst v10  }
0x166: {  	[tilespmem:s13+$0x70] =	vst v7  }
0x167: {  	[tilespmem:s13+$0x60] =	vst v5  }
0x168: {  	[tilespmem:s13+$0x50] =	vst v3  }
0x169: {  	[tilespmem:s13+$0x40] =	vst v0  }
0x16a: {  	[tilespmem:s13+$0x30] =	vst v2  }
0x16b: {  	[tilespmem:s13+$0x20] =	vst v4  }
0x16c: {  	v63 =	vmul.f32 $8.000000000e+00, v11;
	[tilespmem:s13+$0x10] =	vst v1  }
0x16d: {  	v59 =	vmul.f32 $8.000000000e+00, v12;
	[tilespmem:s13+$0x1B0] =	vst v6  }
0x16e: {  	v60 =	vmul.f32 $8.000000000e+00, v13;
	[tilespmem:s13+$0x190] =	vst v63  }
0x16f: {  	s12 =	sadd.s32 s5, s12;
	[tilespmem:s13+$0x1C0] =	vst v59;
	v61 =	vmul.f32 $8.000000000e+00, v15  }
0x170: {  	s12 =	smul.u32 $0x640, s12;
	[tilespmem:s13+$0x180] =	vst v60;
	v62 =	vmul.f32 $8.000000000e+00, v14  }
0x171: {  	[tilespmem:s13+$0x170] =	vst v61  }
.Ltmp6:
0x172: {  	s12 =	sadd.s32 s2, s12;
	[tilespmem:s13+$0x160] =	vst v62;
	(pc) =	sbr.rel @p0 .LBB2_12-.Ltmp6, $4  }
0x173: {  	[hbm4b:s12+s3] =	stream.linear.scatter [tilespmem:s22], [sflag:$0x8], $0x3200, $0x38;
	[tilespmem:$0x12C00] =	vst v63  }
0x174: {  	_ =	swait.ge [sflag:s30], $0x3200  }
0x175: {  	[sflag:s30] =	ssyncset.done $0x0  }
0x176: {  	[sflag:s30] =	ssyncadd.s32 $0xFFFFCE00  }
0x177: {  	s12 =	smul.u32 $0xC80, s0;
	_ =	sdelay $0x1  }
.Ltmp7:
0x178: {  	s12 =	sshra.s32 s12, $0x2;
	(pc) =	sbr.rel .LBB2_2-.Ltmp7, $4  }
0x179: {  	s13 =	sadd.s32 $0x4B0, s12  }
0x17a: {  	[tilespmem:s18], [sflag:$0x3] =	stream.indirect.gather [hbm4b:s4+s9], $0x40, s13, s9, $0xb8;
	[tilespmem:$0x12C00] =	vst v63  }
0x17b: {  	s0 =	sadd.s32 $0x1, s0;
	s12 =	sadd.s32 $0x518, s12  }
0x17c: {  	[tilespmem:s20], [sflag:$0x3] =	stream.indirect.gather [hbm4b:s4+s11], $0x40, s12, s11, $0xb8;
	[tilespmem:$0x12C00] =	vst v63  }
.LBB2_13:
0x17d: {  	_ =	sfence.sel $0x180000  }
0x17e: {  	[bflag:$0x0] =	sbarrier.arrive $0xFFFF  }
0x17f: {  	_ =	strace $0x90000047  }
0x180: {  	s0 =	stileid.u32;
	[bflag:$0x2] =	sbarrier.arrive $0xFFFF  }
0x181: {  	p0 =	sne.s32 s0, $0x0;
	s0 =	rddreg [dreg:$0x2]  }
0x182: {  	s0 =	sadd.s32 @!p0 $0x100000, s0  }
0x183: {  	[sflag:s0] =	ssyncadd.tile.s32 @!p0 $0x1;
	_ =	shalt  }
.Lfunc_end2:
_tile_overlayer_lowered:
.L_overlay_start_2:
0x184: {  	(tag) =	ssettag $0x2  }
0x185: {  	s0 =	rddreg [dreg:$0x0];
	s2 =	stileid.u32  }
0x186: {  	s1 =	rddreg [dreg:$0x1];
	p0 =	sne.s32 s2, $0x0  }
0x187: {  	s3 =	rddreg [dreg:$0x2];
	[bflag:$0x3] =	sbarrier.arrive $0xFFFF;
	s2 =	simm.s32 @!p0 $0x1C09  }
0x188: {  	[timem:s3], [sflag:s2] =	dma.local @!p0 [hbm:s0], s1  }
0x189: {  	s0 =	simm.s32 @!p0 $0x9  }
0x18a: {  	_ =	swait.ge @!p0 [sflag:s0], s1  }
0x18b: {  	s1 =	ssub.s32 @!p0 $0x0, s1;
	[sflag:s0] =	ssyncset.done @!p0 $0x0  }
0x18c: {  	[sflag:s0] =	ssyncadd.s32 @!p0 s1  }
0x18d: {  	[bflag:$0x3] =	sbarrier.arrive $0xFFFF  }
0x18e: {  	_ =	shalt  }

// kernel: sparse-core-data-format-call.cloned.1.call-start
scs
called_computation_lowered:
.L_overlay_start_0:
0x0: {  	s2 =	sld [smem:$0x3FD9]  }
0x1: {  	s3 =	sld [smem:$0x3FFE];
	_ =	sdelay $0x1  }
0x2: {  	s1 =	srdreg.scid  }
0x3: {  	s0 =	sand.u32 $0x1, s1  }
0x4: {  	s18 =	sshll.u32 s0, $0xA;
	s2 =	sadd.s32 s3, s2  }
0x5: {  	s2 =	sadd.s32 s2, s18  }
0x6: {  	[smem:$0x3FC6] =	sst s2  }
0x7: {  	_ = 	snop  }
0x8: {  	s2 =	sld [smem:$0x3FD0];
	(tm) =	ssettm $0x1  }
0x9: {  	s19 =	sld [smem:$0x3FFB];
	_ =	sdelay $0x3  }
0xa: {  	_ =	strace s19  }
0xb: {  	s3 =	sld [smem:$0x3FFC];
	_ =	sdelay $0x3  }
0xc: {  	_ =	strace s3  }
0xd: {  	s3 =	sld [smem:$0x3FFD];
	_ =	sdelay $0x3  }
0xe: {  	_ =	strace s3  }
0xf: {  	_ =	strace $0x8FFFFFFF  }
0x10: {  	s20 =	sld [smem:$0x3FDB];
	_ =	sdelay $0x1  }
0x11: {  	s4 =	simm.s32 $_scs_section_size  }
0x12: {  	s5 =	simm.s32 $_size__tile_overlayer_lowered;
	s6 =	simm.s32 $_tile_overlayer_lowered  }
0x13: {  	s23 =	simm.s32 $0x1BFF;
	s22 =	sshll.u32 s6, $0x1;
	s3 =	sadd.s32 s4, s20  }
0x14: {  	s7 =	simm.s32 $0x0;
	s21 =	sshll.u32 s5, $0x1;
	s5 =	sadd.s32 s22, s3  }
0x15: {  	[timem:s7], [sflag:s23] =	dma.local [hbm:s5], s21  }
0x16: {  	_ =	swait.ge [sflag:s23], s21  }
0x17: {  	s4 =	ssub.s32 $0x0, s21;
	[sflag:s23] =	ssyncset.done $0x0  }
0x18: {  	[sflag:s23] =	ssyncadd.s32 s4;
	_ =	sdelay $0x1  }
0x19: {  	s24 =	simm.s32 $0x1B8B  }
0x1a: {  	_ =	swait.ge [sflag:s24], $0x1  }
0x1b: {  	[sflag:s24] =	ssyncset.done $0x0  }
0x1c: {  	s26 =	simm.s32 $0x1B8E;
	s25 =	sld [smem:$0x3FFE];
	[sflag:s24] =	ssyncadd.s32 $0xFFFFFFFF  }
0x1d: {  	s27 =	simm.s32 $execute0_lowered;
	[smem:$0x3FD2] =	sst s26  }
0x1e: {  	s5 =	sshll.u32 s27, $0x1;
	_ =	strace $0x80000049;
	[dreg:$0x1] =	wrdreg $0xFFFFFFFF  }
0x1f: {  	s28 =	simm.s32 $_size_execute0_lowered;
	s3 =	sadd.s32 s3, s5;
	[dreg:$0x0] =	wrdreg $0x0  }
0x20: {  	s5 =	sshll.u32 s28, $0x1;
	[dreg:$0x2] =	wrdreg s3  }
0x21: {  	[dreg:$0x3] =	wrdreg s5  }
0x22: {  	[dreg:$0x4] =	wrdreg $0xC0  }
0x23: {  	_ =	task [dreg:s7], $0x5FFFF  }
0x24: {  	[dreg:$0x1] =	wrdreg $0xFFFFFFFF  }
0x25: {  	[dreg:$0x0] =	wrdreg $0x60  }
0x26: {  	[dreg:$0x2] =	wrdreg s25  }
0x27: {  	[dreg:$0x3] =	wrdreg s2  }
0x28: {  	[dreg:$0x4] =	wrdreg $0x9  }
0x29: {  	_ =	task.clear_ibuf [dreg:s7], $0x5FFFF;
	_ =	strace $0x90000049  }
0x2a: {  	s29 =	simm.s32 $0x9;
	_ =	strace $0x8000004B  }
0x2b: {  	_ =	swait.ge [sflag:s29], $0x1  }
0x2c: {  	[sflag:s29] =	ssyncadd.s32 $0xFFFFFFFF  }
0x2d: {  	_ =	strace $0x9000004B  }
0x2e: {  	_ =	sfence  }
0x2f: {  	s30 =	sld [smem:$0x0];
	_ =	sdelay $0x2  }
0x30: {  	s31 =	sshll.u32 s1, $0xD;
	s1 =	sshrl.u32 s1, $0x2  }
0x31: {  	s3 =	sand.u32 $0x4000, s31;
	s1 =	sadd.s32 s1, s30  }
0x32: {  	s0 =	sor.u32 s3, s0;
	s1 =	sshll.u32 s1, $0x11  }
0x33: {  	s0 =	sor.u32 s1, s0  }
0x34: {  	s0 =	sadd.s32 $0x8F2B, s0  }
0x35: {  	[sflag:s0] =	ssyncadd.remote.s32 $0x1  }
0x36: {  	_ =	sfence.sel $0xFFFF  }
0x37: {  	[dreg:$0x0] =	wrdreg $0xFFFFFFFF;
	(pc) =	sbr.abs _section_cstart, $3  }
0x38: {  	[dreg:$0x1] =	wrdreg $0xFFFFFFFF  }
0x39: {  	_ =	task.clear_ibuf [dreg:s7], $0x2FFFF;
	_ =	strace $0x9FFFFFFF  }
0x3a: {  	(tm) =	ssettm $0x7FFFFFFF  }
0x3b: {  	_ =	shalt  }
tec
execute0_lowered:
.L_overlay_start_1:
0x0: {  	(tag) =	ssettag $0x1  }
0x1: {  	s0 =	srdreg.scid  }
0x2: {  	s1 =	sshll.u32 s0, $0x4  }
0x3: {  	s0 =	stileid.u32;
	s1 =	sand.u32 $0x10, s1  }
0x4: {  	s1 =	sor.u32 s0, s1  }
0x5: {  	s6 =	rddreg [dreg:$0x0];
	s4 =	simm.s32 $0x1;
	s2 =	sshll.u32 s1, $0x7  }
0x6: {  	s7 =	simm.s32 $0x2;
	s12 =	simm.s32 $0x0;
	s1 =	ssub.s32 $0x1000, s2  }
0x7: {  	s8 =	simm.s32 $0x8000;
	s13 =	simm.s32 $0x0;
	s3 =	sand.u32 $0xF80, s1  }
0x8: {  	s9 =	simm.s32 $0x0;
	s5 =	sshrl.u32 s1, $0xC;
	p0 =	sne.s32 s3, $0x0  }
.Ltmp0:
0x9: {  	s1 =	rddreg [dreg:$0x2];
	s4 =	simm.s32 @!p0 $0x0;
	(pc) =	sbr.rel .LBB1_1-.Ltmp0, $4  }
0xa: {  	s11 =	simm.s32 $0x0;
	s3 =	rddreg [dreg:$0x1];
	s5 =	sadd.s32 s4, s5  }
0xb: {  	_ =	strace $0x8000004A;
	s4 =	simm.s32 $0x1;
	s5 =	smul.u32 $0xC8, s5  }
0xc: {  	s6 =	sadd.s32 $0xA00, s6;
	s10 =	smov.u32 s2;
	[sflag:s4] =	ssyncpa.u1 $0x0  }
0xd: {  	p0 =	por $0x0, $0x0;
	[sflag:s7] =	ssyncpa.u1 $0x0;
	s7 =	sor.u32 $0x1, s5  }
.LBB1_4:
0xe: {  	s16 =	sshll.u32 s13, $0x3;
	s17 =	sand.u32 $0x78, s13  }
0xf: {  	s30 =	sand.u32 $0x7E00, s13;
	s12 =	sshll.u32 s12, $0xF;
	s16 =	sand.u32 $0xC00, s16  }
0x10: {  	[tilespmem:s15+$0x810 ss:$0x81] =	vst.msk $0xffff, v2;
	s31 =	sand.u32 $0x7, s13;
	s16 =	sor.u32 s17, s16;
	s17 =	sadd.s32 s3, s30  }
0x11: {  	[tilespmem:s15+$0x1020 ss:$0x81] =	vst.msk $0xffff, v0;
	s13 =	sshll.u32 s31, $0x12;
	s12 =	sadd.s32 s12, s17;
	s16 =	sshrl.u32 s16, $0x3  }
0x12: {  	[tilespmem:s15+$0x0 ss:$0x81] =	vst.msk $0xffff, v1;
	s13 =	sor.u32 $0x400, s13;
	s12 =	sadd.s32 s16, s12  }
0x13: {  	[hbm4b:s12+s13] =	stream.strided.scatter [tilespmem:s14], [sflag:$0x2], $0x2000, s8, s13, $0x20;
	[tilespmem:$0x8080] =	vst v63  }
.LBB1_5:
0x14: {  	s14 =	sadd.s32 $0x1, s9  }
0x15: {  	s12 =	sadd.s32 $0x1000, s10;
	s16 =	smov.u32 s10;
	p2 =	sgt.s32 s14, $0xC7  }
0x16: {  	s16 =	smov.u32 @p2 s12  }
0x17: {  	s14 =	simm.s32 @p2 $0x0;
	p2 =	sgt.s32 s16, $0xFFF  }
0x18: {  	s16 =	smov.u32 @p2 s2;
	p2 =	sne.s32 s11, s7  }
.Ltmp1:
0x19: {  	p1 =	slt.u32 s11, $0x2;
	(pc) =	sbr.rel @!p2 .LBB1_6-.Ltmp1, $4  }
0x1a: {  	s15 =	simm.s32 @!p1 $0x2  }
0x1b: {  	s13 =	smov.u32 s10;
	p0 =	por !p0, !p0;
	_ =	swait.ge @!p1 [sflag:s15], $0x2000  }
0x1c: {  	s12 =	smov.u32 s9;
	[sflag:s15] =	ssyncset.done @!p1 $0x0;
	s9 =	smov.u32 s14  }
0x1d: {  	s11 =	sadd.s32 $0x1, s11;
	[sflag:s15] =	ssyncadd.s32 @!p1 $0xFFFFE000;
	s10 =	smov.u32 s16  }
.LBB1_1:
0x1e: {  	p1 =	sge.u32 s11, s5  }
0x1f: {  	s14 =	sand.u32 @!p1 $0x1FFFFFF, s9  }
0x20: {  	s15 =	smulhi.u32 @!p1 $0x147AE15, s14;
	_ =	sdelay $0x1  }
0x21: {  	s15 =	smul.u32 @!p1 $0xC8, s15  }
0x22: {  	s16 =	sxor.u32 @!p1 $0xFFFFFFFF, s11;
	s17 =	smul.u32 @!p1 $0xC80, s10  }
0x23: {  	s31 =	sadd.s32 $0xFFFFFFFF, s11;
	s16 =	sshll.u32 @!p1 s16, $0xD;
	s14 =	ssub.s32 @!p1 s14, s15  }
0x24: {  	s15 =	sand.u32 @!p1 $0x2000, s16;
	s16 =	sadd.s32 @!p1 s6, s17;
	s14 =	sshll.u32 @!p1 s14, $0x4  }
0x25: {  	s17 =	simm.s32 @!p1 $0x6400;
	s14 =	sadd.s32 @!p1 s14, s16;
	s16 =	simm.s32 @!p1 $0x40  }
0x26: {  	[tilespmem:s15], [sflag:$0x1] =	stream.strided.gather @!p1 [hbm4b:s14+s16], $0x2000, s17, s16, $0x38;
	[tilespmem:$0x8080] =	vst v63  }
0x27: {  	p1 =	sge.u32 s31, s5  }
.Ltmp2:
0x28: {  	_ = 	snop;
	(pc) =	sbr.rel @p1 .LBB1_5-.Ltmp2, $1  }
0x29: {  	_ =	sdelay $0x3  }
0x2a: {  	s14 =	simm.s32 $0x1  }
0x2b: {  	_ =	swait.ge [sflag:s4], $0x2000;
	s14 =	simm.s32 @!p0 $0x0  }
0x2c: {  	[sflag:s4] =	ssyncset.done $0x0;
	s15 =	sshll.u32 s14, $0xD  }
0x2d: {  	[sflag:s4] =	ssyncadd.s32 $0xFFFFE000;
	s18 =	sor.u32 $0x20, s15  }
0x2e: {  	s14 =	smul.u32 $0x8100, s14;
	v3 =	vld [tilespmem:s18+$0x10]  }
0x2f: {  	s30 =	sand.u32 $0x1, s11;
	v2 =	vld [tilespmem:s18+$0xFFFFFFF0]  }
0x30: {  	s15 =	smul.u32 $0x8100, s30;
	s14 =	sshrl.u32 s14, $0x2;
	v0 =	vld [tilespmem:s18+$0x0]  }
0x31: {  	v1 =	vld [tilespmem:s18+$0xFFFFFFE0];
	s16 =	sor.u32 $0x4000, s14  }
0x32: {  	s31 =	sshrl.u32 s15, $0x2;
	s15 =	sadd.s32 $0x0, s16  }
0x33: {  	s17 =	simm.s32 $0x4;
	s18 =	sadd.s32 $0x40, s18;
	s14 =	sor.u32 $0x4000, s31;
	[tilespmem:s15+$0x1830 ss:$0x81] =	vst.msk $0xffff, v3  }
.LBB1_3:
0x34: {  	v3 =	vld [tilespmem:s18+$0x10];
	p1 =	sne.s32 s17, $0x1FC;
	[tilespmem:s15+$0x810 ss:$0x81] =	vst.msk $0xffff, v2;
	s19 =	smov.u32 s17;
	s17 =	sadd.s32 $0x4, s17  }
.Ltmp3:
0x35: {  	v2 =	vld [tilespmem:s18+$0xFFFFFFF0];
	[tilespmem:s15+$0x1020 ss:$0x81] =	vst.msk $0xffff, v0;
	(pc) =	sbr.rel @p1 .LBB1_3-.Ltmp3, $4  }
0x36: {  	v0 =	vld [tilespmem:s18+$0x0];
	[tilespmem:s15+$0x0 ss:$0x81] =	vst.msk $0xffff, v1  }
0x37: {  	s15 =	sshra.s32 s19, $0x2;
	v1 =	vld [tilespmem:s18+$0xFFFFFFE0]  }
0x38: {  	s15 =	sadd.s32 s15, s16  }
0x39: {  	s18 =	sadd.s32 $0x40, s18;
	[tilespmem:s15+$0x1830 ss:$0x81] =	vst.msk $0xffff, v3  }
.Ltmp4:
0x3a: {  	_ = 	snop;
	(pc) =	sbr.rel .LBB1_4-.Ltmp4, $1  }
0x3b: {  	_ =	sdelay $0x3  }
.LBB1_6:
0x3c: {  	_ =	sfence.sel $0x180000  }
0x3d: {  	s2 =	simm.s32 $0x1;
	[bflag:$0x0] =	sbarrier.arrive $0xFFFF  }
0x3e: {  	s31 =	simm.s32 $0x2;
	[sflag:s2] =	ssyncpa.u1 $0x1  }
0x3f: {  	[sflag:s31] =	ssyncpa.u1 $0x1  }
0x40: {  	p0 =	sne.s32 s0, $0x0;
	_ =	strace $0x9000004A  }
0x41: {  	s0 =	sadd.s32 @!p0 $0x100000, s1;
	[bflag:$0x2] =	sbarrier.arrive $0xFFFF  }
0x42: {  	[sflag:s0] =	ssyncadd.tile.s32 @!p0 $0x1;
	_ =	shalt  }
.Lfunc_end1:
_tile_overlayer_lowered:
.L_overlay_start_2:
0x43: {  	(tag) =	ssettag $0x2  }
0x44: {  	s0 =	rddreg [dreg:$0x0];
	s2 =	stileid.u32  }
0x45: {  	s1 =	rddreg [dreg:$0x1];
	p0 =	sne.s32 s2, $0x0  }
0x46: {  	s3 =	rddreg [dreg:$0x2];
	[bflag:$0x3] =	sbarrier.arrive $0xFFFF;
	s2 =	simm.s32 @!p0 $0x1C01  }
0x47: {  	[timem:s3], [sflag:s2] =	dma.local @!p0 [hbm:s0], s1  }
0x48: {  	s0 =	simm.s32 @!p0 $0x1  }
0x49: {  	_ =	swait.ge @!p0 [sflag:s0], s1  }
0x4a: {  	s1 =	ssub.s32 @!p0 $0x0, s1;
	[sflag:s0] =	ssyncset.done @!p0 $0x0  }
0x4b: {  	[sflag:s0] =	ssyncadd.s32 @!p0 s1  }
0x4c: {  	[bflag:$0x3] =	sbarrier.arrive $0xFFFF  }
0x4d: {  	_ =	shalt  }

</sc_bundles>
